<compile_context>
chip_gen: v7x
topology: tpu7x:2x2x1
jax: 0.10.2.dev20260603
libtpu: 0.0.44.dev20260713+nightly
codegen_flags: <defaults>
</compile_context>

<pallas_src>
import functools

import jax
import jax.numpy as jnp
from jax import lax
from jax.experimental import pallas as pl
from jax.experimental.pallas import tpu as pltpu
from jax.experimental.pallas import tpu_sc as plsc

_NC = 2
_NS = 16
_NW = _NC * _NS
_L = 16

_CHUNK_B = 16



def _stab_body(f_ref, w_ref, b_ref, v_ref, o_ref):
    x = jnp.dot(f_ref[...], w_ref[...], preferred_element_type=jnp.float32)
    t = jnp.tanh(x + b_ref[...])
    o_ref[...] = jnp.dot(t, v_ref[...], preferred_element_type=jnp.float32)


def _score_table(features, W_att, b_att, v_ctx):
    n, d = features.shape
    att = W_att.shape[1]
    blk = 5000
    grid = n // blk
    out = pl.pallas_call(
        _stab_body,
        grid=(grid,),
        in_specs=[
            pl.BlockSpec((blk, d), lambda i: (i, 0)),
            pl.BlockSpec((d, att), lambda i: (0, 0)),
            pl.BlockSpec((1, att), lambda i: (0, 0)),
            pl.BlockSpec((att, 1), lambda i: (0, 0)),
        ],
        out_specs=pl.BlockSpec((blk, 1), lambda i: (i, 0)),
        out_shape=jax.ShapeDtypeStruct((n, 1), jnp.float32),
    )(features, W_att, b_att.reshape(1, att), v_ctx)
    return out.reshape(n)



def _make_sc_agg(n_nodes, d_feat, s_nbr, ct_total):
    S = s_nbr
    RPC = _CHUNK_B * S
    q, r = divmod(ct_total, _NW)
    CPW = q + 1
    NBUF = 3
    HB = _CHUNK_B // 2
    half = HB * S
    mesh = plsc.VectorSubcoreMesh(
        core_axis_name="c", subcore_axis_name="s",
        num_cores=_NC, num_subcores=_NS)

    @functools.partial(
        pl.kernel,
        out_type=jax.ShapeDtypeStruct((ct_total * _CHUNK_B, d_feat),
                                      jnp.float32),
        mesh=mesh,
        compiler_params=pltpu.CompilerParams(
            use_tc_tiling_on_sc=False, needs_layout_passes=False),
        scratch_types=[
            pltpu.VMEM((CPW * 2, half), jnp.int32),
            pltpu.VMEM((n_nodes,), jnp.float32),
            pltpu.VMEM((NBUF, RPC, d_feat), jnp.float32),
            pltpu.VMEM((S, _L), jnp.float32),
            pltpu.VMEM((_CHUNK_B, d_feat), jnp.float32),
            pltpu.VMEM((_L,), jnp.float32),
            pltpu.SemaphoreType.DMA,
            pltpu.SemaphoreType.DMA,
            pltpu.SemaphoreType.DMA,
            pltpu.SemaphoreType.DMA,
        ],
    )
    def sc_agg(feat_hbm, nidx_hbm, stab_hbm, scale_hbm, out_hbm,
               idx_v, stab_v, rows_v, w_v, ob_v, sc_v,
               sem_r0, sem_r1, sem_r2, sem_o):
        wid = lax.axis_index("s") * _NC + lax.axis_index("c")
        start = q * wid + jnp.minimum(wid, r)

        pltpu.sync_copy(stab_hbm, stab_v)

        @pl.when(start + CPW <= ct_total)
        def _():
            pltpu.sync_copy(
                nidx_hbm.at[pl.ds(start * 2, CPW * 2)], idx_v)

        @pl.when(start + CPW > ct_total)
        def _():
            pltpu.sync_copy(
                nidx_hbm.at[pl.ds(start * 2, (CPW - 1) * 2)],
                idx_v.at[pl.ds(0, (CPW - 1) * 2)])
            zero = jnp.zeros((_L,), jnp.int32)
            for row in range(CPW * 2 - 2, CPW * 2):
                for j in range(half // _L):
                    idx_v[row, pl.ds(j * _L, _L)] = zero

        pltpu.sync_copy(scale_hbm, sc_v)
        sv = sc_v[...]
        sem_r = (sem_r0, sem_r1, sem_r2)

        def issue(k, p):
            for h in range(2):
                pltpu.async_copy(
                    feat_hbm.at[idx_v.at[k * 2 + h]],
                    rows_v.at[p, pl.ds(h * half, half)], sem_r[p])

        def chunk_indices(k):
            lane_flat = lax.iota(jnp.int32, _L) * S
            out = []
            for s in range(S):
                t = lane_flat + s
                hi = (t >= half).astype(jnp.int32)
                out.append(plsc.load_gather(
                    idx_v, [k * 2 + hi, t - hi * half]))
            return out

        def process(k, p):
            scores = [plsc.load_gather(stab_v, [iv])
                      for iv in chunk_indices(k)]
            m = scores[0]
            for s in range(1, S):
                m = jnp.maximum(m, scores[s])
            exps = [jnp.exp(x - m) for x in scores]
            tot = exps[0]
            for s in range(1, S):
                tot = tot + exps[s]
            wfac = sv / tot
            for s in range(S):
                w_v[s] = exps[s] * wfac

            @pl.when(k >= 1)
            def _():
                pltpu.make_async_copy(
                    out_hbm.at[pl.ds(0, _CHUNK_B)], ob_v,
                    sem_o).wait()

            pltpu.make_async_copy(
                feat_hbm.at[pl.ds(0, RPC)], rows_v.at[p], sem_r[p]).wait()

            @plsc.parallel_loop(0, _CHUNK_B)
            def b_body(b):
                    bidx = jnp.full((_L,), b, jnp.int32)
                    wb = [
                        plsc.load_gather(
                            w_v, [jnp.full((_L,), s, jnp.int32), bidx])
                        for s in range(S)
                    ]
                    for kk in range(d_feat // _L):
                        ks = pl.ds(kk * _L, _L)
                        terms = [wb[s] * rows_v[p, b * S + s, ks]
                                 for s in range(S)]
                        while len(terms) > 1:
                            nxt = [terms[j] + terms[j + 1]
                                   for j in range(0, len(terms) - 1, 2)]
                            if len(terms) % 2:
                                nxt.append(terms[-1])
                            terms = nxt
                        ob_v[b, ks] = jnp.maximum(terms[0], 0.0)

            @pl.when(start + k < ct_total)
            def _():
                row0 = (start + k) * _CHUNK_B
                pltpu.async_copy(
                    ob_v, out_hbm.at[pl.ds(row0, _CHUNK_B)], sem_o)

        issue(0, 0)
        issue(1, 1)

        def trip_body(i, _):
            for p in range(NBUF):
                k = NBUF * i + p

                @pl.when(k < CPW)
                def _():
                    @pl.when(k + 2 < CPW)
                    def _():
                        issue(k + 2, (p + 2) % NBUF)

                    process(k, p)

            return _

        lax.fori_loop(0, (CPW + NBUF - 1) // NBUF, trip_body, None)

        @pl.when(start + CPW - 1 < ct_total)
        def _():
            pltpu.make_async_copy(
                out_hbm.at[pl.ds(0, _CHUNK_B)], ob_v, sem_o).wait()

    return sc_agg



def kernel(features, nodes, neigh_idx, W_att, b_att, v_ctx, num_sample):
    del nodes
    n_nodes, d_feat = features.shape
    b_sz, s_nbr = neigh_idx.shape
    assert b_sz % _CHUNK_B == 0
    ct_total = b_sz // _CHUNK_B

    sc_agg = _make_sc_agg(n_nodes, d_feat, s_nbr, ct_total)

    stab = _score_table(features, W_att, b_att, v_ctx)
    scale = jnp.full((_L,), 1.0, jnp.float32) / num_sample

    half_rows = neigh_idx.reshape(2 * ct_total, (_CHUNK_B // 2) * s_nbr)
    return sc_agg(features, half_rows, stab, scale)

# --- scband reference (transcript-rebuilt; emitter-appended) ---
"""Pipeline reference for scband-mean-aggregator-83880711290996 (READ-ONLY COPY).

The authoritative reference and input builder live on the scoring server;
editing this copy changes nothing except your own understanding.
"""

import jax, jax.numpy as jnp
import numpy as np

N_NODES = 50000
B = 50000
S = 10
D_FEAT = 128
ATT_SIZE = 100

def setup_inputs(seed: int = 0) -> dict:
    key = jax.random.key(seed)
    k1, k2, k3, k4, k5, k6 = jax.random.split(key, 6)
    nodes = jax.random.randint(k1, (B,), 0, N_NODES, dtype=jnp.int32)
    neigh_idx = jax.random.randint(k2, (B, S), 0, N_NODES, dtype=jnp.int32)
    # learned parameters: feature table (the `features` lookup fn) + SeqAttentionLayer params
    features = jax.random.normal(k3, (N_NODES, D_FEAT), dtype=jnp.float32)
    W_att = jax.random.normal(k4, (D_FEAT, ATT_SIZE), dtype=jnp.float32) * 0.05
    b_att = jnp.zeros((ATT_SIZE,), dtype=jnp.float32)
    v_ctx = jax.random.normal(k5, (ATT_SIZE, 1), dtype=jnp.float32) * 0.05
    return {"features": features, "nodes": nodes, "neigh_idx": neigh_idx,
            "W_att": W_att, "b_att": b_att, "v_ctx": v_ctx, "num_sample": 10}

def reference(features, nodes, neigh_idx, W_att, b_att, v_ctx, num_sample):
    # MeanAggregator.forward, tensorized: each node has num_sample sampled neighbors.
    # embed_matrix gather -> seq_neigh [B, S, d]
    seq = jnp.take(features, neigh_idx, axis=0)
    # SeqAttentionLayer: linear -> tanh -> context vector -> softmax over sequence dim
    att = jnp.tanh(seq @ W_att + b_att)                 # [B, S, att_size]
    scores = jnp.squeeze(att @ v_ctx, axis=-1)          # [B, S]
    weights = jax.nn.softmax(scores, axis=-1)           # F.softmax over dim 1 for 2D input
    weighted = seq * weights[:, :, None]                # weighted_sequence
    wsum = jnp.sum(weighted, axis=1)                    # weighted_sum [B, d]
    # num_neigh = row-sum of normalized adjacency mask = num_sample (all rows full)
    to_feats = jax.nn.relu(wsum / jnp.float32(num_sample))
    # F.dropout(p=0.5) omitted for determinism (identity at eval)
    return to_feats

if __name__ == "__main__":
    import jax
    _d = setup_inputs()
    print(jax.jit(kernel)(*tuple(_d.values())))

</pallas_src>

<mosaic_0001>
#map = affine_map<(d0, d1) -> (0, 0)>
#map1 = affine_map<(d0, d1) -> (0)>
module attributes {stable_mosaic.version = 14 : i64} {
  func.func @sc_agg(%arg0: i32, %arg1: i32, %arg2: memref<50000x128xf32, #tpu.memory_space<hbm>>, %arg3: memref<6250x80xi32, #tpu.memory_space<hbm>>, %arg4: memref<50000xf32, #tpu.memory_space<hbm>>, %arg5: memref<16xf32, #tpu.memory_space<hbm>>, %arg6: memref<50000x128xf32, #tpu.memory_space<hbm>>, %arg7: memref<196x80xi32, #tpu.memory_space<vmem>>, %arg8: memref<50000xf32, #tpu.memory_space<vmem>>, %arg9: memref<3x160x128xf32, #tpu.memory_space<vmem>>, %arg10: memref<10x16xf32, #tpu.memory_space<vmem>>, %arg11: memref<16x128xf32, #tpu.memory_space<vmem>>, %arg12: memref<16xf32, #tpu.memory_space<vmem>>, %arg13: memref<!tpu.dma_semaphore, #tpu.memory_space<semaphore_mem>>, %arg14: memref<!tpu.dma_semaphore, #tpu.memory_space<semaphore_mem>>, %arg15: memref<!tpu.dma_semaphore, #tpu.memory_space<semaphore_mem>>, %arg16: memref<!tpu.dma_semaphore, #tpu.memory_space<semaphore_mem>>) attributes {dimension_semantics = [#tpu.dimension_semantics<core_parallel>, #tpu.dimension_semantics<subcore_parallel>], iteration_bounds = array<i64: 2, 16>, scalar_prefetch = 0 : i64, scratch_operands = 10 : i64, tpu.core_type = #tpu.core_type<sc_vector_subcore>, window_params = [{transform_indices = #map}, {transform_indices = #map}, {transform_indices = #map1}, {transform_indices = #map1}, {transform_indices = #map}]} {
    %mul3A = arith.constant 2 : i32
    %mul3A_0 = arith.muli %arg1, %mul3A : i32
    %add3A = arith.addi %mul3A_0, %arg0 : i32
    %mul3A_1 = arith.constant 97 : i32
    %mul3A_2 = arith.muli %mul3A_1, %add3A : i32
    %min3A = arith.constant 21 : i32
    %min3A_3 = arith.minsi %add3A, %min3A : i32
    %add3A_4 = arith.addi %mul3A_2, %min3A_3 : i32
    "tpu.region"() ({
      %run_scoped3A = tpu.sem_alloc : memref<!tpu.dma_semaphore, #tpu.memory_space<semaphore_mem>>
      tpu.enqueue_dma source(%arg4 : memref<50000xf32, #tpu.memory_space<hbm>>) target(%arg8 : memref<50000xf32, #tpu.memory_space<vmem>>) target_semaphore(%run_scoped3A : memref<!tpu.dma_semaphore, #tpu.memory_space<semaphore_mem>>)
      tpu.wait_dma2 semaphore(%run_scoped3A : memref<!tpu.dma_semaphore, #tpu.memory_space<semaphore_mem>>) src(%arg4 : memref<50000xf32, #tpu.memory_space<hbm>>) dst(%arg8 : memref<50000xf32, #tpu.memory_space<vmem>>)
      tpu.yield
    }) : () -> ()
    %add3A_5 = arith.constant 98 : i32
    %add3A_6 = arith.addi %add3A_4, %add3A_5 : i32
    %le3A = arith.constant 3125 : i32
    %le3A_7 = arith.cmpi sle, %add3A_6, %le3A : i32
    %convert_element_type3A = arith.extui %le3A_7 : i1 to i32
    %cond3A = arith.constant 0 : i32
    %cond3A_8 = arith.cmpi ne, %convert_element_type3A, %cond3A : i32
    scf.if %cond3A_8 {
      %mul3A_74 = arith.constant 2 : i32
      %mul3A_75 = arith.muli %add3A_4, %mul3A_74 : i32
      "tpu.region"() ({
        %run_scoped3A = tpu.sem_alloc : memref<!tpu.dma_semaphore, #tpu.memory_space<semaphore_mem>>
        %dma_start3A_76 = arith.constant 0 : i32
        %dma_start3A_77 = tpu.memref_slice %arg3[%mul3A_75, %dma_start3A_76] : memref<6250x80xi32, #tpu.memory_space<hbm>> -> memref<196x80xi32, #tpu.memory_space<hbm>>
        %dma_start3A_78 = arith.constant 0 : i32
        %dma_start3A_79 = tpu.memref_slice %arg3[%mul3A_75, %dma_start3A_78] : memref<6250x80xi32, #tpu.memory_space<hbm>> -> memref<196x80xi32, #tpu.memory_space<hbm>>
        tpu.enqueue_dma source(%dma_start3A_79 : memref<196x80xi32, #tpu.memory_space<hbm>>) target(%arg7 : memref<196x80xi32, #tpu.memory_space<vmem>>) target_semaphore(%run_scoped3A : memref<!tpu.dma_semaphore, #tpu.memory_space<semaphore_mem>>)
        %dma_wait3A = arith.constant 0 : i32
        %dma_wait3A_80 = tpu.memref_slice %arg3[%mul3A_75, %dma_wait3A] : memref<6250x80xi32, #tpu.memory_space<hbm>> -> memref<196x80xi32, #tpu.memory_space<hbm>>
        %dma_wait3A_81 = arith.constant 0 : i32
        %dma_wait3A_82 = tpu.memref_slice %arg3[%mul3A_75, %dma_wait3A_81] : memref<6250x80xi32, #tpu.memory_space<hbm>> -> memref<196x80xi32, #tpu.memory_space<hbm>>
        tpu.wait_dma2 semaphore(%run_scoped3A : memref<!tpu.dma_semaphore, #tpu.memory_space<semaphore_mem>>) src(%dma_wait3A_82 : memref<196x80xi32, #tpu.memory_space<hbm>>) dst(%arg7 : memref<196x80xi32, #tpu.memory_space<vmem>>)
        tpu.yield
      }) : () -> ()
    } else {
    }
    %add3A_9 = arith.constant 98 : i32
    %add3A_10 = arith.addi %add3A_4, %add3A_9 : i32
    %gt3A = arith.constant 3125 : i32
    %gt3A_11 = arith.cmpi sgt, %add3A_10, %gt3A : i32
    %convert_element_type3A_12 = arith.extui %gt3A_11 : i1 to i32
    %cond3A_13 = arith.constant 0 : i32
    %cond3A_14 = arith.cmpi ne, %convert_element_type3A_12, %cond3A_13 : i32
    scf.if %cond3A_14 {
      %mul3A_74 = arith.constant 2 : i32
      %mul3A_75 = arith.muli %add3A_4, %mul3A_74 : i32
      "tpu.region"() ({
        %run_scoped3A = tpu.sem_alloc : memref<!tpu.dma_semaphore, #tpu.memory_space<semaphore_mem>>
        %dma_start3A_116 = arith.constant 0 : i32
        %dma_start3A_117 = arith.constant 0 : i32
        %dma_start3A_118 = tpu.memref_slice %arg7[%dma_start3A_116, %dma_start3A_117] : memref<196x80xi32, #tpu.memory_space<vmem>> -> memref<194x80xi32, #tpu.memory_space<vmem>>
        %dma_start3A_119 = arith.constant 0 : i32
        %dma_start3A_120 = tpu.memref_slice %arg3[%mul3A_75, %dma_start3A_119] : memref<6250x80xi32, #tpu.memory_space<hbm>> -> memref<194x80xi32, #tpu.memory_space<hbm>>
        %dma_start3A_121 = arith.constant 0 : i32
        %dma_start3A_122 = arith.constant 0 : i32
        %dma_start3A_123 = tpu.memref_slice %arg7[%dma_start3A_121, %dma_start3A_122] : memref<196x80xi32, #tpu.memory_space<vmem>> -> memref<194x80xi32, #tpu.memory_space<vmem>>
        %dma_start3A_124 = arith.constant 0 : i32
        %dma_start3A_125 = tpu.memref_slice %arg3[%mul3A_75, %dma_start3A_124] : memref<6250x80xi32, #tpu.memory_space<hbm>> -> memref<194x80xi32, #tpu.memory_space<hbm>>
        tpu.enqueue_dma source(%dma_start3A_125 : memref<194x80xi32, #tpu.memory_space<hbm>>) target(%dma_start3A_123 : memref<194x80xi32, #tpu.memory_space<vmem>>) target_semaphore(%run_scoped3A : memref<!tpu.dma_semaphore, #tpu.memory_space<semaphore_mem>>)
        %dma_wait3A = arith.constant 0 : i32
        %dma_wait3A_126 = arith.constant 0 : i32
        %dma_wait3A_127 = tpu.memref_slice %arg7[%dma_wait3A, %dma_wait3A_126] : memref<196x80xi32, #tpu.memory_space<vmem>> -> memref<194x80xi32, #tpu.memory_space<vmem>>
        %dma_wait3A_128 = arith.constant 0 : i32
        %dma_wait3A_129 = tpu.memref_slice %arg3[%mul3A_75, %dma_wait3A_128] : memref<6250x80xi32, #tpu.memory_space<hbm>> -> memref<194x80xi32, #tpu.memory_space<hbm>>
        %dma_wait3A_130 = arith.constant 0 : i32
        %dma_wait3A_131 = arith.constant 0 : i32
        %dma_wait3A_132 = tpu.memref_slice %arg7[%dma_wait3A_130, %dma_wait3A_131] : memref<196x80xi32, #tpu.memory_space<vmem>> -> memref<194x80xi32, #tpu.memory_space<vmem>>
        %dma_wait3A_133 = arith.constant 0 : i32
        %dma_wait3A_134 = tpu.memref_slice %arg3[%mul3A_75, %dma_wait3A_133] : memref<6250x80xi32, #tpu.memory_space<hbm>> -> memref<194x80xi32, #tpu.memory_space<hbm>>
        tpu.wait_dma2 semaphore(%run_scoped3A : memref<!tpu.dma_semaphore, #tpu.memory_space<semaphore_mem>>) src(%dma_wait3A_134 : memref<194x80xi32, #tpu.memory_space<hbm>>) dst(%dma_wait3A_132 : memref<194x80xi32, #tpu.memory_space<vmem>>)
        tpu.yield
      }) : () -> ()
      %broadcast_in_dim3A = arith.constant 0 : i32
      %broadcast_in_dim3A_76 = vector.broadcast %broadcast_in_dim3A : i32 to vector<16xi32>
      %swap3A = arith.constant 194 : i32
      %swap3A_77 = arith.index_cast %swap3A : i32 to index
      %swap3A_78 = arith.constant 0 : index
      %swap3A_79 = tpu.vector_load %arg7[%swap3A_77, %swap3A_78] {strides = array<i32>} : memref<196x80xi32, #tpu.memory_space<vmem>>, vector<16xi32>,
      tpu.vector_store %arg7[%swap3A_77, %swap3A_78], %broadcast_in_dim3A_76 {strides = array<i32>} : memref<196x80xi32, #tpu.memory_space<vmem>>, vector<16xi32>,
      %swap3A_80 = arith.constant 194 : i32
      %swap3A_81 = arith.index_cast %swap3A_80 : i32 to index
      %swap3A_82 = arith.constant 16 : index
      %swap3A_83 = tpu.vector_load %arg7[%swap3A_81, %swap3A_82] {strides = array<i32>} : memref<196x80xi32, #tpu.memory_space<vmem>>, vector<16xi32>,
      tpu.vector_store %arg7[%swap3A_81, %swap3A_82], %broadcast_in_dim3A_76 {strides = array<i32>} : memref<196x80xi32, #tpu.memory_space<vmem>>, vector<16xi32>,
      %swap3A_84 = arith.constant 194 : i32
      %swap3A_85 = arith.index_cast %swap3A_84 : i32 to index
      %swap3A_86 = arith.constant 32 : index
      %swap3A_87 = tpu.vector_load %arg7[%swap3A_85, %swap3A_86] {strides = array<i32>} : memref<196x80xi32, #tpu.memory_space<vmem>>, vector<16xi32>,
      tpu.vector_store %arg7[%swap3A_85, %swap3A_86], %broadcast_in_dim3A_76 {strides = array<i32>} : memref<196x80xi32, #tpu.memory_space<vmem>>, vector<16xi32>,
      %swap3A_88 = arith.constant 194 : i32
      %swap3A_89 = arith.index_cast %swap3A_88 : i32 to index
      %swap3A_90 = arith.constant 48 : index
      %swap3A_91 = tpu.vector_load %arg7[%swap3A_89, %swap3A_90] {strides = array<i32>} : memref<196x80xi32, #tpu.memory_space<vmem>>, vector<16xi32>,
      tpu.vector_store %arg7[%swap3A_89, %swap3A_90], %broadcast_in_dim3A_76 {strides = array<i32>} : memref<196x80xi32, #tpu.memory_space<vmem>>, vector<16xi32>,
      %swap3A_92 = arith.constant 194 : i32
      %swap3A_93 = arith.index_cast %swap3A_92 : i32 to index
      %swap3A_94 = arith.constant 64 : index
      %swap3A_95 = tpu.vector_load %arg7[%swap3A_93, %swap3A_94] {strides = array<i32>} : memref<196x80xi32, #tpu.memory_space<vmem>>, vector<16xi32>,
      tpu.vector_store %arg7[%swap3A_93, %swap3A_94], %broadcast_in_dim3A_76 {strides = array<i32>} : memref<196x80xi32, #tpu.memory_space<vmem>>, vector<16xi32>,
      %swap3A_96 = arith.constant 195 : i32
      %swap3A_97 = arith.index_cast %swap3A_96 : i32 to index
      %swap3A_98 = arith.constant 0 : index
      %swap3A_99 = tpu.vector_load %arg7[%swap3A_97, %swap3A_98] {strides = array<i32>} : memref<196x80xi32, #tpu.memory_space<vmem>>, vector<16xi32>,
      tpu.vector_store %arg7[%swap3A_97, %swap3A_98], %broadcast_in_dim3A_76 {strides = array<i32>} : memref<196x80xi32, #tpu.memory_space<vmem>>, vector<16xi32>,
      %swap3A_100 = arith.constant 195 : i32
      %swap3A_101 = arith.index_cast %swap3A_100 : i32 to index
      %swap3A_102 = arith.constant 16 : index
      %swap3A_103 = tpu.vector_load %arg7[%swap3A_101, %swap3A_102] {strides = array<i32>} : memref<196x80xi32, #tpu.memory_space<vmem>>, vector<16xi32>,
      tpu.vector_store %arg7[%swap3A_101, %swap3A_102], %broadcast_in_dim3A_76 {strides = array<i32>} : memref<196x80xi32, #tpu.memory_space<vmem>>, vector<16xi32>,
      %swap3A_104 = arith.constant 195 : i32
      %swap3A_105 = arith.index_cast %swap3A_104 : i32 to index
      %swap3A_106 = arith.constant 32 : index
      %swap3A_107 = tpu.vector_load %arg7[%swap3A_105, %swap3A_106] {strides = array<i32>} : memref<196x80xi32, #tpu.memory_space<vmem>>, vector<16xi32>,
      tpu.vector_store %arg7[%swap3A_105, %swap3A_106], %broadcast_in_dim3A_76 {strides = array<i32>} : memref<196x80xi32, #tpu.memory_space<vmem>>, vector<16xi32>,
      %swap3A_108 = arith.constant 195 : i32
      %swap3A_109 = arith.index_cast %swap3A_108 : i32 to index
      %swap3A_110 = arith.constant 48 : index
      %swap3A_111 = tpu.vector_load %arg7[%swap3A_109, %swap3A_110] {strides = array<i32>} : memref<196x80xi32, #tpu.memory_space<vmem>>, vector<16xi32>,
      tpu.vector_store %arg7[%swap3A_109, %swap3A_110], %broadcast_in_dim3A_76 {strides = array<i32>} : memref<196x80xi32, #tpu.memory_space<vmem>>, vector<16xi32>,
      %swap3A_112 = arith.constant 195 : i32
      %swap3A_113 = arith.index_cast %swap3A_112 : i32 to index
      %swap3A_114 = arith.constant 64 : index
      %swap3A_115 = tpu.vector_load %arg7[%swap3A_113, %swap3A_114] {strides = array<i32>} : memref<196x80xi32, #tpu.memory_space<vmem>>, vector<16xi32>,
      tpu.vector_store %arg7[%swap3A_113, %swap3A_114], %broadcast_in_dim3A_76 {strides = array<i32>} : memref<196x80xi32, #tpu.memory_space<vmem>>, vector<16xi32>,
    } else {
    }
    "tpu.region"() ({
      %run_scoped3A = tpu.sem_alloc : memref<!tpu.dma_semaphore, #tpu.memory_space<semaphore_mem>>
      tpu.enqueue_dma source(%arg5 : memref<16xf32, #tpu.memory_space<hbm>>) target(%arg12 : memref<16xf32, #tpu.memory_space<vmem>>) target_semaphore(%run_scoped3A : memref<!tpu.dma_semaphore, #tpu.memory_space<semaphore_mem>>)
      tpu.wait_dma2 semaphore(%run_scoped3A : memref<!tpu.dma_semaphore, #tpu.memory_space<semaphore_mem>>) src(%arg5 : memref<16xf32, #tpu.memory_space<hbm>>) dst(%arg12 : memref<16xf32, #tpu.memory_space<vmem>>)
      tpu.yield
    }) : () -> ()
    %get3A = arith.constant 0 : index
    %get3A_15 = tpu.vector_load %arg12[%get3A] {strides = array<i32>} : memref<16xf32, #tpu.memory_space<vmem>>, vector<16xf32>,
    %dma_start3A = arith.constant 0 : i32
    %dma_start3A_16 = arith.constant 0 : i32
    %dma_start3A_17 = arith.constant 0 : i32
    %dma_start3A_18 = arith.constant 0 : i32
    %dma_start3A_19 = tpu.memref_slice %arg9[%dma_start3A_16, %dma_start3A_17, %dma_start3A_18] : memref<3x160x128xf32, #tpu.memory_space<vmem>> -> memref<1x80x128xf32, #tpu.memory_space<vmem>>
    %dma_start3A_20 = tpu.memref_squeeze %dma_start3A_19 : memref<1x80x128xf32, #tpu.memory_space<vmem>> -> memref<80x128xf32, #tpu.memory_space<vmem>>
    %dma_start3A_21 = arith.constant 0 : i32
    %dma_start3A_22 = tpu.memref_slice %arg7[%dma_start3A, %dma_start3A_21] : memref<196x80xi32, #tpu.memory_space<vmem>> -> memref<1x80xi32, #tpu.memory_space<vmem>>
    %dma_start3A_23 = tpu.memref_squeeze %dma_start3A_22 : memref<1x80xi32, #tpu.memory_space<vmem>> -> memref<80xi32, #tpu.memory_space<vmem>>
    %dma_start3A_24 = arith.constant 0 : i32
    %dma_start3A_25 = arith.constant 0 : i32
    %dma_start3A_26 = tpu.memref_slice %arg2[%dma_start3A_24, %dma_start3A_25] : memref<50000x128xf32, #tpu.memory_space<hbm>> -> memref<50000x128xf32, #tpu.memory_space<hbm>>
    tpu.enqueue_indirect_dma source(%dma_start3A_26 : memref<50000x128xf32, #tpu.memory_space<hbm>>) target(%dma_start3A_20 : memref<80x128xf32, #tpu.memory_space<vmem>>) offsets(%dma_start3A_23 : memref<80xi32, #tpu.memory_space<vmem>>) semaphore(%arg13 : memref<!tpu.dma_semaphore, #tpu.memory_space<semaphore_mem>>)
    %dma_start3A_27 = arith.constant 1 : i32
    %dma_start3A_28 = arith.constant 0 : i32
    %dma_start3A_29 = arith.constant 80 : i32
    %dma_start3A_30 = arith.constant 0 : i32
    %dma_start3A_31 = tpu.memref_slice %arg9[%dma_start3A_28, %dma_start3A_29, %dma_start3A_30] : memref<3x160x128xf32, #tpu.memory_space<vmem>> -> memref<1x80x128xf32, #tpu.memory_space<vmem>>
    %dma_start3A_32 = tpu.memref_squeeze %dma_start3A_31 : memref<1x80x128xf32, #tpu.memory_space<vmem>> -> memref<80x128xf32, #tpu.memory_space<vmem>>
    %dma_start3A_33 = arith.constant 0 : i32
    %dma_start3A_34 = tpu.memref_slice %arg7[%dma_start3A_27, %dma_start3A_33] : memref<196x80xi32, #tpu.memory_space<vmem>> -> memref<1x80xi32, #tpu.memory_space<vmem>>
    %dma_start3A_35 = tpu.memref_squeeze %dma_start3A_34 : memref<1x80xi32, #tpu.memory_space<vmem>> -> memref<80xi32, #tpu.memory_space<vmem>>
    %dma_start3A_36 = arith.constant 0 : i32
    %dma_start3A_37 = arith.constant 0 : i32
    %dma_start3A_38 = tpu.memref_slice %arg2[%dma_start3A_36, %dma_start3A_37] : memref<50000x128xf32, #tpu.memory_space<hbm>> -> memref<50000x128xf32, #tpu.memory_space<hbm>>
    tpu.enqueue_indirect_dma source(%dma_start3A_38 : memref<50000x128xf32, #tpu.memory_space<hbm>>) target(%dma_start3A_32 : memref<80x128xf32, #tpu.memory_space<vmem>>) offsets(%dma_start3A_35 : memref<80xi32, #tpu.memory_space<vmem>>) semaphore(%arg13 : memref<!tpu.dma_semaphore, #tpu.memory_space<semaphore_mem>>)
    %dma_start3A_39 = arith.constant 2 : i32
    %dma_start3A_40 = arith.constant 1 : i32
    %dma_start3A_41 = arith.constant 0 : i32
    %dma_start3A_42 = arith.constant 0 : i32
    %dma_start3A_43 = tpu.memref_slice %arg9[%dma_start3A_40, %dma_start3A_41, %dma_start3A_42] : memref<3x160x128xf32, #tpu.memory_space<vmem>> -> memref<1x80x128xf32, #tpu.memory_space<vmem>>
    %dma_start3A_44 = tpu.memref_squeeze %dma_start3A_43 : memref<1x80x128xf32, #tpu.memory_space<vmem>> -> memref<80x128xf32, #tpu.memory_space<vmem>>
    %dma_start3A_45 = arith.constant 0 : i32
    %dma_start3A_46 = tpu.memref_slice %arg7[%dma_start3A_39, %dma_start3A_45] : memref<196x80xi32, #tpu.memory_space<vmem>> -> memref<1x80xi32, #tpu.memory_space<vmem>>
    %dma_start3A_47 = tpu.memref_squeeze %dma_start3A_46 : memref<1x80xi32, #tpu.memory_space<vmem>> -> memref<80xi32, #tpu.memory_space<vmem>>
    %dma_start3A_48 = arith.constant 0 : i32
    %dma_start3A_49 = arith.constant 0 : i32
    %dma_start3A_50 = tpu.memref_slice %arg2[%dma_start3A_48, %dma_start3A_49] : memref<50000x128xf32, #tpu.memory_space<hbm>> -> memref<50000x128xf32, #tpu.memory_space<hbm>>
    tpu.enqueue_indirect_dma source(%dma_start3A_50 : memref<50000x128xf32, #tpu.memory_space<hbm>>) target(%dma_start3A_44 : memref<80x128xf32, #tpu.memory_space<vmem>>) offsets(%dma_start3A_47 : memref<80xi32, #tpu.memory_space<vmem>>) semaphore(%arg14 : memref<!tpu.dma_semaphore, #tpu.memory_space<semaphore_mem>>)
    %dma_start3A_51 = arith.constant 3 : i32
    %dma_start3A_52 = arith.constant 1 : i32
    %dma_start3A_53 = arith.constant 80 : i32
    %dma_start3A_54 = arith.constant 0 : i32
    %dma_start3A_55 = tpu.memref_slice %arg9[%dma_start3A_52, %dma_start3A_53, %dma_start3A_54] : memref<3x160x128xf32, #tpu.memory_space<vmem>> -> memref<1x80x128xf32, #tpu.memory_space<vmem>>
    %dma_start3A_56 = tpu.memref_squeeze %dma_start3A_55 : memref<1x80x128xf32, #tpu.memory_space<vmem>> -> memref<80x128xf32, #tpu.memory_space<vmem>>
    %dma_start3A_57 = arith.constant 0 : i32
    %dma_start3A_58 = tpu.memref_slice %arg7[%dma_start3A_51, %dma_start3A_57] : memref<196x80xi32, #tpu.memory_space<vmem>> -> memref<1x80xi32, #tpu.memory_space<vmem>>
    %dma_start3A_59 = tpu.memref_squeeze %dma_start3A_58 : memref<1x80xi32, #tpu.memory_space<vmem>> -> memref<80xi32, #tpu.memory_space<vmem>>
    %dma_start3A_60 = arith.constant 0 : i32
    %dma_start3A_61 = arith.constant 0 : i32
    %dma_start3A_62 = tpu.memref_slice %arg2[%dma_start3A_60, %dma_start3A_61] : memref<50000x128xf32, #tpu.memory_space<hbm>> -> memref<50000x128xf32, #tpu.memory_space<hbm>>
    tpu.enqueue_indirect_dma source(%dma_start3A_62 : memref<50000x128xf32, #tpu.memory_space<hbm>>) target(%dma_start3A_56 : memref<80x128xf32, #tpu.memory_space<vmem>>) offsets(%dma_start3A_59 : memref<80xi32, #tpu.memory_space<vmem>>) semaphore(%arg14 : memref<!tpu.dma_semaphore, #tpu.memory_space<semaphore_mem>>)
    %scan3A = arith.constant 0 : i32
    %scan3A_63 = arith.constant 33 : i32
    %scan3A_64 = arith.addi %scan3A, %scan3A_63 : i32
    %scan3A_65 = arith.constant 1 : i32
    scf.for %scan3A_74 = %scan3A to %scan3A_64 step %scan3A_65  : i32 {
      %mul3A_75 = arith.constant 3 : i32
      %mul3A_76 = arith.muli %mul3A_75, %scan3A_74 : i32
      %add3A_77 = arith.constant 0 : i32
      %add3A_78 = arith.addi %mul3A_76, %add3A_77 : i32
      %lt3A_79 = arith.constant 98 : i32
      %lt3A_80 = arith.cmpi slt, %add3A_78, %lt3A_79 : i32
      %convert_element_type3A_81 = arith.extui %lt3A_80 : i1 to i32
      %cond3A_82 = arith.constant 0 : i32
      %cond3A_83 = arith.cmpi ne, %convert_element_type3A_81, %cond3A_82 : i32
      scf.if %cond3A_83 {
        %add3A_102 = arith.constant 2 : i32
        %add3A_103 = arith.addi %add3A_78, %add3A_102 : i32
        %lt3A_104 = arith.constant 98 : i32
        %lt3A_105 = arith.cmpi slt, %add3A_103, %lt3A_104 : i32
        %convert_element_type3A_106 = arith.extui %lt3A_105 : i1 to i32
        %cond3A_107 = arith.constant 0 : i32
        %cond3A_108 = arith.cmpi ne, %convert_element_type3A_106, %cond3A_107 : i32
        scf.if %cond3A_108 {
          %add3A_392 = arith.constant 2 : i32
          %add3A_393 = arith.addi %add3A_78, %add3A_392 : i32
          %mul3A_394 = arith.constant 2 : i32
          %mul3A_395 = arith.muli %add3A_393, %mul3A_394 : i32
          %add3A_396 = arith.constant 0 : i32
          %add3A_397 = arith.addi %mul3A_395, %add3A_396 : i32
          %dma_start3A_398 = arith.constant 2 : i32
          %dma_start3A_399 = arith.constant 0 : i32
          %dma_start3A_400 = arith.constant 0 : i32
          %dma_start3A_401 = tpu.memref_slice %arg9[%dma_start3A_398, %dma_start3A_399, %dma_start3A_400] : memref<3x160x128xf32, #tpu.memory_space<vmem>> -> memref<1x80x128xf32, #tpu.memory_space<vmem>>
          %dma_start3A_402 = tpu.memref_squeeze %dma_start3A_401 : memref<1x80x128xf32, #tpu.memory_space<vmem>> -> memref<80x128xf32, #tpu.memory_space<vmem>>
          %dma_start3A_403 = arith.constant 0 : i32
          %dma_start3A_404 = tpu.memref_slice %arg7[%add3A_397, %dma_start3A_403] : memref<196x80xi32, #tpu.memory_space<vmem>> -> memref<1x80xi32, #tpu.memory_space<vmem>>
          %dma_start3A_405 = tpu.memref_squeeze %dma_start3A_404 : memref<1x80xi32, #tpu.memory_space<vmem>> -> memref<80xi32, #tpu.memory_space<vmem>>
          %dma_start3A_406 = arith.constant 0 : i32
          %dma_start3A_407 = arith.constant 0 : i32
          %dma_start3A_408 = tpu.memref_slice %arg2[%dma_start3A_406, %dma_start3A_407] : memref<50000x128xf32, #tpu.memory_space<hbm>> -> memref<50000x128xf32, #tpu.memory_space<hbm>>
          tpu.enqueue_indirect_dma source(%dma_start3A_408 : memref<50000x128xf32, #tpu.memory_space<hbm>>) target(%dma_start3A_402 : memref<80x128xf32, #tpu.memory_space<vmem>>) offsets(%dma_start3A_405 : memref<80xi32, #tpu.memory_space<vmem>>) semaphore(%arg15 : memref<!tpu.dma_semaphore, #tpu.memory_space<semaphore_mem>>)
          %mul3A_409 = arith.constant 2 : i32
          %mul3A_410 = arith.muli %add3A_393, %mul3A_409 : i32
          %add3A_411 = arith.constant 1 : i32
          %add3A_412 = arith.addi %mul3A_410, %add3A_411 : i32
          %dma_start3A_413 = arith.constant 2 : i32
          %dma_start3A_414 = arith.constant 80 : i32
          %dma_start3A_415 = arith.constant 0 : i32
          %dma_start3A_416 = tpu.memref_slice %arg9[%dma_start3A_413, %dma_start3A_414, %dma_start3A_415] : memref<3x160x128xf32, #tpu.memory_space<vmem>> -> memref<1x80x128xf32, #tpu.memory_space<vmem>>
          %dma_start3A_417 = tpu.memref_squeeze %dma_start3A_416 : memref<1x80x128xf32, #tpu.memory_space<vmem>> -> memref<80x128xf32, #tpu.memory_space<vmem>>
          %dma_start3A_418 = arith.constant 0 : i32
          %dma_start3A_419 = tpu.memref_slice %arg7[%add3A_412, %dma_start3A_418] : memref<196x80xi32, #tpu.memory_space<vmem>> -> memref<1x80xi32, #tpu.memory_space<vmem>>
          %dma_start3A_420 = tpu.memref_squeeze %dma_start3A_419 : memref<1x80xi32, #tpu.memory_space<vmem>> -> memref<80xi32, #tpu.memory_space<vmem>>
          %dma_start3A_421 = arith.constant 0 : i32
          %dma_start3A_422 = arith.constant 0 : i32
          %dma_start3A_423 = tpu.memref_slice %arg2[%dma_start3A_421, %dma_start3A_422] : memref<50000x128xf32, #tpu.memory_space<hbm>> -> memref<50000x128xf32, #tpu.memory_space<hbm>>
          tpu.enqueue_indirect_dma source(%dma_start3A_423 : memref<50000x128xf32, #tpu.memory_space<hbm>>) target(%dma_start3A_417 : memref<80x128xf32, #tpu.memory_space<vmem>>) offsets(%dma_start3A_420 : memref<80xi32, #tpu.memory_space<vmem>>) semaphore(%arg15 : memref<!tpu.dma_semaphore, #tpu.memory_space<semaphore_mem>>)
        } else {
        }
        %iota3A = tpu.iota {dimensions = array<i32: 0>} : vector<16xi32>
        %mul3A_109 = arith.constant 10 : i32
        %mul3A_110 = vector.broadcast %mul3A_109 : i32 to vector<16xi32>
        %mul3A_111 = arith.muli %iota3A, %mul3A_110 : vector<16xi32>
        %add3A_112 = arith.constant 0 : i32
        %add3A_113 = vector.broadcast %add3A_112 : i32 to vector<16xi32>
        %add3A_114 = arith.addi %mul3A_111, %add3A_113 : vector<16xi32>
        %ge3A = arith.constant 80 : i32
        %ge3A_115 = vector.broadcast %ge3A : i32 to vector<16xi32>
        %ge3A_116 = arith.cmpi sge, %add3A_114, %ge3A_115 : vector<16xi32>
        %convert_element_type3A_117 = arith.extui %ge3A_116 : vector<16xi1> to vector<16xi32>
        %mul3A_118 = arith.constant 2 : i32
        %mul3A_119 = arith.muli %add3A_78, %mul3A_118 : i32
        %add3A_120 = vector.broadcast %mul3A_119 : i32 to vector<16xi32>
        %add3A_121 = arith.addi %add3A_120, %convert_element_type3A_117 : vector<16xi32>
        %mul3A_122 = arith.constant 80 : i32
        %mul3A_123 = vector.broadcast %mul3A_122 : i32 to vector<16xi32>
        %mul3A_124 = arith.muli %convert_element_type3A_117, %mul3A_123 : vector<16xi32>
        %sub3A_125 = arith.subi %add3A_114, %mul3A_124 : vector<16xi32>
        %gather3A = tpu.vector_load_idx %arg7[%add3A_121, %sub3A_125] : memref<196x80xi32, #tpu.memory_space<vmem>>[vector<16xi32>, vector<16xi32>], vector<16xi32>,
        %add3A_126 = arith.constant 1 : i32
        %add3A_127 = vector.broadcast %add3A_126 : i32 to vector<16xi32>
        %add3A_128 = arith.addi %mul3A_111, %add3A_127 : vector<16xi32>
        %ge3A_129 = arith.constant 80 : i32
        %ge3A_130 = vector.broadcast %ge3A_129 : i32 to vector<16xi32>
        %ge3A_131 = arith.cmpi sge, %add3A_128, %ge3A_130 : vector<16xi32>
        %convert_element_type3A_132 = arith.extui %ge3A_131 : vector<16xi1> to vector<16xi32>
        %mul3A_133 = arith.constant 2 : i32
        %mul3A_134 = arith.muli %add3A_78, %mul3A_133 : i32
        %add3A_135 = vector.broadcast %mul3A_134 : i32 to vector<16xi32>
        %add3A_136 = arith.addi %add3A_135, %convert_element_type3A_132 : vector<16xi32>
        %mul3A_137 = arith.constant 80 : i32
        %mul3A_138 = vector.broadcast %mul3A_137 : i32 to vector<16xi32>
        %mul3A_139 = arith.muli %convert_element_type3A_132, %mul3A_138 : vector<16xi32>
        %sub3A_140 = arith.subi %add3A_128, %mul3A_139 : vector<16xi32>
        %gather3A_141 = tpu.vector_load_idx %arg7[%add3A_136, %sub3A_140] : memref<196x80xi32, #tpu.memory_space<vmem>>[vector<16xi32>, vector<16xi32>], vector<16xi32>,
        %add3A_142 = arith.constant 2 : i32
        %add3A_143 = vector.broadcast %add3A_142 : i32 to vector<16xi32>
        %add3A_144 = arith.addi %mul3A_111, %add3A_143 : vector<16xi32>
        %ge3A_145 = arith.constant 80 : i32
        %ge3A_146 = vector.broadcast %ge3A_145 : i32 to vector<16xi32>
        %ge3A_147 = arith.cmpi sge, %add3A_144, %ge3A_146 : vector<16xi32>
        %convert_element_type3A_148 = arith.extui %ge3A_147 : vector<16xi1> to vector<16xi32>
        %mul3A_149 = arith.constant 2 : i32
        %mul3A_150 = arith.muli %add3A_78, %mul3A_149 : i32
        %add3A_151 = vector.broadcast %mul3A_150 : i32 to vector<16xi32>
        %add3A_152 = arith.addi %add3A_151, %convert_element_type3A_148 : vector<16xi32>
        %mul3A_153 = arith.constant 80 : i32
        %mul3A_154 = vector.broadcast %mul3A_153 : i32 to vector<16xi32>
        %mul3A_155 = arith.muli %convert_element_type3A_148, %mul3A_154 : vector<16xi32>
        %sub3A_156 = arith.subi %add3A_144, %mul3A_155 : vector<16xi32>
        %gather3A_157 = tpu.vector_load_idx %arg7[%add3A_152, %sub3A_156] : memref<196x80xi32, #tpu.memory_space<vmem>>[vector<16xi32>, vector<16xi32>], vector<16xi32>,
        %add3A_158 = arith.constant 3 : i32
        %add3A_159 = vector.broadcast %add3A_158 : i32 to vector<16xi32>
        %add3A_160 = arith.addi %mul3A_111, %add3A_159 : vector<16xi32>
        %ge3A_161 = arith.constant 80 : i32
        %ge3A_162 = vector.broadcast %ge3A_161 : i32 to vector<16xi32>
        %ge3A_163 = arith.cmpi sge, %add3A_160, %ge3A_162 : vector<16xi32>
        %convert_element_type3A_164 = arith.extui %ge3A_163 : vector<16xi1> to vector<16xi32>
        %mul3A_165 = arith.constant 2 : i32
        %mul3A_166 = arith.muli %add3A_78, %mul3A_165 : i32
        %add3A_167 = vector.broadcast %mul3A_166 : i32 to vector<16xi32>
        %add3A_168 = arith.addi %add3A_167, %convert_element_type3A_164 : vector<16xi32>
        %mul3A_169 = arith.constant 80 : i32
        %mul3A_170 = vector.broadcast %mul3A_169 : i32 to vector<16xi32>
        %mul3A_171 = arith.muli %convert_element_type3A_164, %mul3A_170 : vector<16xi32>
        %sub3A_172 = arith.subi %add3A_160, %mul3A_171 : vector<16xi32>
        %gather3A_173 = tpu.vector_load_idx %arg7[%add3A_168, %sub3A_172] : memref<196x80xi32, #tpu.memory_space<vmem>>[vector<16xi32>, vector<16xi32>], vector<16xi32>,
        %add3A_174 = arith.constant 4 : i32
        %add3A_175 = vector.broadcast %add3A_174 : i32 to vector<16xi32>
        %add3A_176 = arith.addi %mul3A_111, %add3A_175 : vector<16xi32>
        %ge3A_177 = arith.constant 80 : i32
        %ge3A_178 = vector.broadcast %ge3A_177 : i32 to vector<16xi32>
        %ge3A_179 = arith.cmpi sge, %add3A_176, %ge3A_178 : vector<16xi32>
        %convert_element_type3A_180 = arith.extui %ge3A_179 : vector<16xi1> to vector<16xi32>
        %mul3A_181 = arith.constant 2 : i32
        %mul3A_182 = arith.muli %add3A_78, %mul3A_181 : i32
        %add3A_183 = vector.broadcast %mul3A_182 : i32 to vector<16xi32>
        %add3A_184 = arith.addi %add3A_183, %convert_element_type3A_180 : vector<16xi32>
        %mul3A_185 = arith.constant 80 : i32
        %mul3A_186 = vector.broadcast %mul3A_185 : i32 to vector<16xi32>
        %mul3A_187 = arith.muli %convert_element_type3A_180, %mul3A_186 : vector<16xi32>
        %sub3A_188 = arith.subi %add3A_176, %mul3A_187 : vector<16xi32>
        %gather3A_189 = tpu.vector_load_idx %arg7[%add3A_184, %sub3A_188] : memref<196x80xi32, #tpu.memory_space<vmem>>[vector<16xi32>, vector<16xi32>], vector<16xi32>,
        %add3A_190 = arith.constant 5 : i32
        %add3A_191 = vector.broadcast %add3A_190 : i32 to vector<16xi32>
        %add3A_192 = arith.addi %mul3A_111, %add3A_191 : vector<16xi32>
        %ge3A_193 = arith.constant 80 : i32
        %ge3A_194 = vector.broadcast %ge3A_193 : i32 to vector<16xi32>
        %ge3A_195 = arith.cmpi sge, %add3A_192, %ge3A_194 : vector<16xi32>
        %convert_element_type3A_196 = arith.extui %ge3A_195 : vector<16xi1> to vector<16xi32>
        %mul3A_197 = arith.constant 2 : i32
        %mul3A_198 = arith.muli %add3A_78, %mul3A_197 : i32
        %add3A_199 = vector.broadcast %mul3A_198 : i32 to vector<16xi32>
        %add3A_200 = arith.addi %add3A_199, %convert_element_type3A_196 : vector<16xi32>
        %mul3A_201 = arith.constant 80 : i32
        %mul3A_202 = vector.broadcast %mul3A_201 : i32 to vector<16xi32>
        %mul3A_203 = arith.muli %convert_element_type3A_196, %mul3A_202 : vector<16xi32>
        %sub3A_204 = arith.subi %add3A_192, %mul3A_203 : vector<16xi32>
        %gather3A_205 = tpu.vector_load_idx %arg7[%add3A_200, %sub3A_204] : memref<196x80xi32, #tpu.memory_space<vmem>>[vector<16xi32>, vector<16xi32>], vector<16xi32>,
        %add3A_206 = arith.constant 6 : i32
        %add3A_207 = vector.broadcast %add3A_206 : i32 to vector<16xi32>
        %add3A_208 = arith.addi %mul3A_111, %add3A_207 : vector<16xi32>
        %ge3A_209 = arith.constant 80 : i32
        %ge3A_210 = vector.broadcast %ge3A_209 : i32 to vector<16xi32>
        %ge3A_211 = arith.cmpi sge, %add3A_208, %ge3A_210 : vector<16xi32>
        %convert_element_type3A_212 = arith.extui %ge3A_211 : vector<16xi1> to vector<16xi32>
        %mul3A_213 = arith.constant 2 : i32
        %mul3A_214 = arith.muli %add3A_78, %mul3A_213 : i32
        %add3A_215 = vector.broadcast %mul3A_214 : i32 to vector<16xi32>
        %add3A_216 = arith.addi %add3A_215, %convert_element_type3A_212 : vector<16xi32>
        %mul3A_217 = arith.constant 80 : i32
        %mul3A_218 = vector.broadcast %mul3A_217 : i32 to vector<16xi32>
        %mul3A_219 = arith.muli %convert_element_type3A_212, %mul3A_218 : vector<16xi32>
        %sub3A_220 = arith.subi %add3A_208, %mul3A_219 : vector<16xi32>
        %gather3A_221 = tpu.vector_load_idx %arg7[%add3A_216, %sub3A_220] : memref<196x80xi32, #tpu.memory_space<vmem>>[vector<16xi32>, vector<16xi32>], vector<16xi32>,
        %add3A_222 = arith.constant 7 : i32
        %add3A_223 = vector.broadcast %add3A_222 : i32 to vector<16xi32>
        %add3A_224 = arith.addi %mul3A_111, %add3A_223 : vector<16xi32>
        %ge3A_225 = arith.constant 80 : i32
        %ge3A_226 = vector.broadcast %ge3A_225 : i32 to vector<16xi32>
        %ge3A_227 = arith.cmpi sge, %add3A_224, %ge3A_226 : vector<16xi32>
        %convert_element_type3A_228 = arith.extui %ge3A_227 : vector<16xi1> to vector<16xi32>
        %mul3A_229 = arith.constant 2 : i32
        %mul3A_230 = arith.muli %add3A_78, %mul3A_229 : i32
        %add3A_231 = vector.broadcast %mul3A_230 : i32 to vector<16xi32>
        %add3A_232 = arith.addi %add3A_231, %convert_element_type3A_228 : vector<16xi32>
        %mul3A_233 = arith.constant 80 : i32
        %mul3A_234 = vector.broadcast %mul3A_233 : i32 to vector<16xi32>
        %mul3A_235 = arith.muli %convert_element_type3A_228, %mul3A_234 : vector<16xi32>
        %sub3A_236 = arith.subi %add3A_224, %mul3A_235 : vector<16xi32>
        %gather3A_237 = tpu.vector_load_idx %arg7[%add3A_232, %sub3A_236] : memref<196x80xi32, #tpu.memory_space<vmem>>[vector<16xi32>, vector<16xi32>], vector<16xi32>,
        %add3A_238 = arith.constant 8 : i32
        %add3A_239 = vector.broadcast %add3A_238 : i32 to vector<16xi32>
        %add3A_240 = arith.addi %mul3A_111, %add3A_239 : vector<16xi32>
        %ge3A_241 = arith.constant 80 : i32
        %ge3A_242 = vector.broadcast %ge3A_241 : i32 to vector<16xi32>
        %ge3A_243 = arith.cmpi sge, %add3A_240, %ge3A_242 : vector<16xi32>
        %convert_element_type3A_244 = arith.extui %ge3A_243 : vector<16xi1> to vector<16xi32>
        %mul3A_245 = arith.constant 2 : i32
        %mul3A_246 = arith.muli %add3A_78, %mul3A_245 : i32
        %add3A_247 = vector.broadcast %mul3A_246 : i32 to vector<16xi32>
        %add3A_248 = arith.addi %add3A_247, %convert_element_type3A_244 : vector<16xi32>
        %mul3A_249 = arith.constant 80 : i32
        %mul3A_250 = vector.broadcast %mul3A_249 : i32 to vector<16xi32>
        %mul3A_251 = arith.muli %convert_element_type3A_244, %mul3A_250 : vector<16xi32>
        %sub3A_252 = arith.subi %add3A_240, %mul3A_251 : vector<16xi32>
        %gather3A_253 = tpu.vector_load_idx %arg7[%add3A_248, %sub3A_252] : memref<196x80xi32, #tpu.memory_space<vmem>>[vector<16xi32>, vector<16xi32>], vector<16xi32>,
        %add3A_254 = arith.constant 9 : i32
        %add3A_255 = vector.broadcast %add3A_254 : i32 to vector<16xi32>
        %add3A_256 = arith.addi %mul3A_111, %add3A_255 : vector<16xi32>
        %ge3A_257 = arith.constant 80 : i32
        %ge3A_258 = vector.broadcast %ge3A_257 : i32 to vector<16xi32>
        %ge3A_259 = arith.cmpi sge, %add3A_256, %ge3A_258 : vector<16xi32>
        %convert_element_type3A_260 = arith.extui %ge3A_259 : vector<16xi1> to vector<16xi32>
        %mul3A_261 = arith.constant 2 : i32
        %mul3A_262 = arith.muli %add3A_78, %mul3A_261 : i32
        %add3A_263 = vector.broadcast %mul3A_262 : i32 to vector<16xi32>
        %add3A_264 = arith.addi %add3A_263, %convert_element_type3A_260 : vector<16xi32>
        %mul3A_265 = arith.constant 80 : i32
        %mul3A_266 = vector.broadcast %mul3A_265 : i32 to vector<16xi32>
        %mul3A_267 = arith.muli %convert_element_type3A_260, %mul3A_266 : vector<16xi32>
        %sub3A_268 = arith.subi %add3A_256, %mul3A_267 : vector<16xi32>
        %gather3A_269 = tpu.vector_load_idx %arg7[%add3A_264, %sub3A_268] : memref<196x80xi32, #tpu.memory_space<vmem>>[vector<16xi32>, vector<16xi32>], vector<16xi32>,
        %gather3A_270 = tpu.vector_load_idx %arg8[%gather3A] : memref<50000xf32, #tpu.memory_space<vmem>>[vector<16xi32>], vector<16xf32>,
        %gather3A_271 = tpu.vector_load_idx %arg8[%gather3A_141] : memref<50000xf32, #tpu.memory_space<vmem>>[vector<16xi32>], vector<16xf32>,
        %gather3A_272 = tpu.vector_load_idx %arg8[%gather3A_157] : memref<50000xf32, #tpu.memory_space<vmem>>[vector<16xi32>], vector<16xf32>,
        %gather3A_273 = tpu.vector_load_idx %arg8[%gather3A_173] : memref<50000xf32, #tpu.memory_space<vmem>>[vector<16xi32>], vector<16xf32>,
        %gather3A_274 = tpu.vector_load_idx %arg8[%gather3A_189] : memref<50000xf32, #tpu.memory_space<vmem>>[vector<16xi32>], vector<16xf32>,
        %gather3A_275 = tpu.vector_load_idx %arg8[%gather3A_205] : memref<50000xf32, #tpu.memory_space<vmem>>[vector<16xi32>], vector<16xf32>,
        %gather3A_276 = tpu.vector_load_idx %arg8[%gather3A_221] : memref<50000xf32, #tpu.memory_space<vmem>>[vector<16xi32>], vector<16xf32>,
        %gather3A_277 = tpu.vector_load_idx %arg8[%gather3A_237] : memref<50000xf32, #tpu.memory_space<vmem>>[vector<16xi32>], vector<16xf32>,
        %gather3A_278 = tpu.vector_load_idx %arg8[%gather3A_253] : memref<50000xf32, #tpu.memory_space<vmem>>[vector<16xi32>], vector<16xf32>,
        %gather3A_279 = tpu.vector_load_idx %arg8[%gather3A_269] : memref<50000xf32, #tpu.memory_space<vmem>>[vector<16xi32>], vector<16xf32>,
        %max3A = arith.maximumf %gather3A_270, %gather3A_271 : vector<16xf32>
        %max3A_280 = arith.maximumf %max3A, %gather3A_272 : vector<16xf32>
        %max3A_281 = arith.maximumf %max3A_280, %gather3A_273 : vector<16xf32>
        %max3A_282 = arith.maximumf %max3A_281, %gather3A_274 : vector<16xf32>
        %max3A_283 = arith.maximumf %max3A_282, %gather3A_275 : vector<16xf32>
        %max3A_284 = arith.maximumf %max3A_283, %gather3A_276 : vector<16xf32>
        %max3A_285 = arith.maximumf %max3A_284, %gather3A_277 : vector<16xf32>
        %max3A_286 = arith.maximumf %max3A_285, %gather3A_278 : vector<16xf32>
        %max3A_287 = arith.maximumf %max3A_286, %gather3A_279 : vector<16xf32>
        %sub3A_288 = arith.subf %gather3A_270, %max3A_287 : vector<16xf32>
        %exp3A = math.exp %sub3A_288 : vector<16xf32>
        %sub3A_289 = arith.subf %gather3A_271, %max3A_287 : vector<16xf32>
        %exp3A_290 = math.exp %sub3A_289 : vector<16xf32>
        %sub3A_291 = arith.subf %gather3A_272, %max3A_287 : vector<16xf32>
        %exp3A_292 = math.exp %sub3A_291 : vector<16xf32>
        %sub3A_293 = arith.subf %gather3A_273, %max3A_287 : vector<16xf32>
        %exp3A_294 = math.exp %sub3A_293 : vector<16xf32>
        %sub3A_295 = arith.subf %gather3A_274, %max3A_287 : vector<16xf32>
        %exp3A_296 = math.exp %sub3A_295 : vector<16xf32>
        %sub3A_297 = arith.subf %gather3A_275, %max3A_287 : vector<16xf32>
        %exp3A_298 = math.exp %sub3A_297 : vector<16xf32>
        %sub3A_299 = arith.subf %gather3A_276, %max3A_287 : vector<16xf32>
        %exp3A_300 = math.exp %sub3A_299 : vector<16xf32>
        %sub3A_301 = arith.subf %gather3A_277, %max3A_287 : vector<16xf32>
        %exp3A_302 = math.exp %sub3A_301 : vector<16xf32>
        %sub3A_303 = arith.subf %gather3A_278, %max3A_287 : vector<16xf32>
        %exp3A_304 = math.exp %sub3A_303 : vector<16xf32>
        %sub3A_305 = arith.subf %gather3A_279, %max3A_287 : vector<16xf32>
        %exp3A_306 = math.exp %sub3A_305 : vector<16xf32>
        %add3A_307 = arith.addf %exp3A, %exp3A_290 : vector<16xf32>
        %add3A_308 = arith.addf %add3A_307, %exp3A_292 : vector<16xf32>
        %add3A_309 = arith.addf %add3A_308, %exp3A_294 : vector<16xf32>
        %add3A_310 = arith.addf %add3A_309, %exp3A_296 : vector<16xf32>
        %add3A_311 = arith.addf %add3A_310, %exp3A_298 : vector<16xf32>
        %add3A_312 = arith.addf %add3A_311, %exp3A_300 : vector<16xf32>
        %add3A_313 = arith.addf %add3A_312, %exp3A_302 : vector<16xf32>
        %add3A_314 = arith.addf %add3A_313, %exp3A_304 : vector<16xf32>
        %add3A_315 = arith.addf %add3A_314, %exp3A_306 : vector<16xf32>
        %div3A = arith.divf %get3A_15, %add3A_315 : vector<16xf32>
        %mul3A_316 = arith.mulf %exp3A, %div3A : vector<16xf32>
        %swap3A = arith.constant 0 : i32
        %swap3A_317 = arith.index_cast %swap3A : i32 to index
        %swap3A_318 = arith.constant 0 : index
        %swap3A_319 = tpu.vector_load %arg10[%swap3A_317, %swap3A_318] {strides = array<i32>} : memref<10x16xf32, #tpu.memory_space<vmem>>, vector<16xf32>,
        tpu.vector_store %arg10[%swap3A_317, %swap3A_318], %mul3A_316 {strides = array<i32>} : memref<10x16xf32, #tpu.memory_space<vmem>>, vector<16xf32>,
        %mul3A_320 = arith.mulf %exp3A_290, %div3A : vector<16xf32>
        %swap3A_321 = arith.constant 1 : i32
        %swap3A_322 = arith.index_cast %swap3A_321 : i32 to index
        %swap3A_323 = arith.constant 0 : index
        %swap3A_324 = tpu.vector_load %arg10[%swap3A_322, %swap3A_323] {strides = array<i32>} : memref<10x16xf32, #tpu.memory_space<vmem>>, vector<16xf32>,
        tpu.vector_store %arg10[%swap3A_322, %swap3A_323], %mul3A_320 {strides = array<i32>} : memref<10x16xf32, #tpu.memory_space<vmem>>, vector<16xf32>,
        %mul3A_325 = arith.mulf %exp3A_292, %div3A : vector<16xf32>
        %swap3A_326 = arith.constant 2 : i32
        %swap3A_327 = arith.index_cast %swap3A_326 : i32 to index
        %swap3A_328 = arith.constant 0 : index
        %swap3A_329 = tpu.vector_load %arg10[%swap3A_327, %swap3A_328] {strides = array<i32>} : memref<10x16xf32, #tpu.memory_space<vmem>>, vector<16xf32>,
        tpu.vector_store %arg10[%swap3A_327, %swap3A_328], %mul3A_325 {strides = array<i32>} : memref<10x16xf32, #tpu.memory_space<vmem>>, vector<16xf32>,
        %mul3A_330 = arith.mulf %exp3A_294, %div3A : vector<16xf32>
        %swap3A_331 = arith.constant 3 : i32
        %swap3A_332 = arith.index_cast %swap3A_331 : i32 to index
        %swap3A_333 = arith.constant 0 : index
        %swap3A_334 = tpu.vector_load %arg10[%swap3A_332, %swap3A_333] {strides = array<i32>} : memref<10x16xf32, #tpu.memory_space<vmem>>, vector<16xf32>,
        tpu.vector_store %arg10[%swap3A_332, %swap3A_333], %mul3A_330 {strides = array<i32>} : memref<10x16xf32, #tpu.memory_space<vmem>>, vector<16xf32>,
        %mul3A_335 = arith.mulf %exp3A_296, %div3A : vector<16xf32>
        %swap3A_336 = arith.constant 4 : i32
        %swap3A_337 = arith.index_cast %swap3A_336 : i32 to index
        %swap3A_338 = arith.constant 0 : index
        %swap3A_339 = tpu.vector_load %arg10[%swap3A_337, %swap3A_338] {strides = array<i32>} : memref<10x16xf32, #tpu.memory_space<vmem>>, vector<16xf32>,
        tpu.vector_store %arg10[%swap3A_337, %swap3A_338], %mul3A_335 {strides = array<i32>} : memref<10x16xf32, #tpu.memory_space<vmem>>, vector<16xf32>,
        %mul3A_340 = arith.mulf %exp3A_298, %div3A : vector<16xf32>
        %swap3A_341 = arith.constant 5 : i32
        %swap3A_342 = arith.index_cast %swap3A_341 : i32 to index
        %swap3A_343 = arith.constant 0 : index
        %swap3A_344 = tpu.vector_load %arg10[%swap3A_342, %swap3A_343] {strides = array<i32>} : memref<10x16xf32, #tpu.memory_space<vmem>>, vector<16xf32>,
        tpu.vector_store %arg10[%swap3A_342, %swap3A_343], %mul3A_340 {strides = array<i32>} : memref<10x16xf32, #tpu.memory_space<vmem>>, vector<16xf32>,
        %mul3A_345 = arith.mulf %exp3A_300, %div3A : vector<16xf32>
        %swap3A_346 = arith.constant 6 : i32
        %swap3A_347 = arith.index_cast %swap3A_346 : i32 to index
        %swap3A_348 = arith.constant 0 : index
        %swap3A_349 = tpu.vector_load %arg10[%swap3A_347, %swap3A_348] {strides = array<i32>} : memref<10x16xf32, #tpu.memory_space<vmem>>, vector<16xf32>,
        tpu.vector_store %arg10[%swap3A_347, %swap3A_348], %mul3A_345 {strides = array<i32>} : memref<10x16xf32, #tpu.memory_space<vmem>>, vector<16xf32>,
        %mul3A_350 = arith.mulf %exp3A_302, %div3A : vector<16xf32>
        %swap3A_351 = arith.constant 7 : i32
        %swap3A_352 = arith.index_cast %swap3A_351 : i32 to index
        %swap3A_353 = arith.constant 0 : index
        %swap3A_354 = tpu.vector_load %arg10[%swap3A_352, %swap3A_353] {strides = array<i32>} : memref<10x16xf32, #tpu.memory_space<vmem>>, vector<16xf32>,
        tpu.vector_store %arg10[%swap3A_352, %swap3A_353], %mul3A_350 {strides = array<i32>} : memref<10x16xf32, #tpu.memory_space<vmem>>, vector<16xf32>,
        %mul3A_355 = arith.mulf %exp3A_304, %div3A : vector<16xf32>
        %swap3A_356 = arith.constant 8 : i32
        %swap3A_357 = arith.index_cast %swap3A_356 : i32 to index
        %swap3A_358 = arith.constant 0 : index
        %swap3A_359 = tpu.vector_load %arg10[%swap3A_357, %swap3A_358] {strides = array<i32>} : memref<10x16xf32, #tpu.memory_space<vmem>>, vector<16xf32>,
        tpu.vector_store %arg10[%swap3A_357, %swap3A_358], %mul3A_355 {strides = array<i32>} : memref<10x16xf32, #tpu.memory_space<vmem>>, vector<16xf32>,
        %mul3A_360 = arith.mulf %exp3A_306, %div3A : vector<16xf32>
        %swap3A_361 = arith.constant 9 : i32
        %swap3A_362 = arith.index_cast %swap3A_361 : i32 to index
        %swap3A_363 = arith.constant 0 : index
        %swap3A_364 = tpu.vector_load %arg10[%swap3A_362, %swap3A_363] {strides = array<i32>} : memref<10x16xf32, #tpu.memory_space<vmem>>, vector<16xf32>,
        tpu.vector_store %arg10[%swap3A_362, %swap3A_363], %mul3A_360 {strides = array<i32>} : memref<10x16xf32, #tpu.memory_space<vmem>>, vector<16xf32>,
        %ge3A_365 = arith.constant 1 : i32
        %ge3A_366 = arith.cmpi sge, %add3A_78, %ge3A_365 : i32
        %convert_element_type3A_367 = arith.extui %ge3A_366 : i1 to i32
        %cond3A_368 = arith.constant 0 : i32
        %cond3A_369 = arith.cmpi ne, %convert_element_type3A_367, %cond3A_368 : i32
        scf.if %cond3A_369 {
          %dma_wait3A_392 = arith.constant 0 : i32
          %dma_wait3A_393 = arith.constant 0 : i32
          %dma_wait3A_394 = tpu.memref_slice %arg6[%dma_wait3A_392, %dma_wait3A_393] : memref<50000x128xf32, #tpu.memory_space<hbm>> -> memref<16x128xf32, #tpu.memory_space<hbm>>
          %dma_wait3A_395 = arith.constant 0 : i32
          %dma_wait3A_396 = arith.constant 0 : i32
          %dma_wait3A_397 = tpu.memref_slice %arg6[%dma_wait3A_395, %dma_wait3A_396] : memref<50000x128xf32, #tpu.memory_space<hbm>> -> memref<16x128xf32, #tpu.memory_space<hbm>>
          tpu.wait_dma2 semaphore(%arg16 : memref<!tpu.dma_semaphore, #tpu.memory_space<semaphore_mem>>) src(%dma_wait3A_397 : memref<16x128xf32, #tpu.memory_space<hbm>>) dst(%arg11 : memref<16x128xf32, #tpu.memory_space<vmem>>)
        } else {
        }
        %dma_wait3A = arith.constant 0 : i32
        %dma_wait3A_370 = arith.constant 0 : i32
        %dma_wait3A_371 = arith.constant 0 : i32
        %dma_wait3A_372 = tpu.memref_slice %arg9[%dma_wait3A, %dma_wait3A_370, %dma_wait3A_371] : memref<3x160x128xf32, #tpu.memory_space<vmem>> -> memref<1x160x128xf32, #tpu.memory_space<vmem>>
        %dma_wait3A_373 = tpu.memref_squeeze %dma_wait3A_372 : memref<1x160x128xf32, #tpu.memory_space<vmem>> -> memref<160x128xf32, #tpu.memory_space<vmem>>
        %dma_wait3A_374 = arith.constant 0 : i32
        %dma_wait3A_375 = arith.constant 0 : i32
        %dma_wait3A_376 = tpu.memref_slice %arg2[%dma_wait3A_374, %dma_wait3A_375] : memref<50000x128xf32, #tpu.memory_space<hbm>> -> memref<160x128xf32, #tpu.memory_space<hbm>>
        %dma_wait3A_377 = arith.constant 0 : i32
        %dma_wait3A_378 = arith.constant 0 : i32
        %dma_wait3A_379 = tpu.memref_slice %arg9[%dma_wait3A, %dma_wait3A_377, %dma_wait3A_378] : memref<3x160x128xf32, #tpu.memory_space<vmem>> -> memref<1x160x128xf32, #tpu.memory_space<vmem>>
        %dma_wait3A_380 = tpu.memref_squeeze %dma_wait3A_379 : memref<1x160x128xf32, #tpu.memory_space<vmem>> -> memref<160x128xf32, #tpu.memory_space<vmem>>
        %dma_wait3A_381 = arith.constant 0 : i32
        %dma_wait3A_382 = arith.constant 0 : i32
        %dma_wait3A_383 = tpu.memref_slice %arg2[%dma_wait3A_381, %dma_wait3A_382] : memref<50000x128xf32, #tpu.memory_space<hbm>> -> memref<160x128xf32, #tpu.memory_space<hbm>>
        tpu.wait_dma2 semaphore(%arg13 : memref<!tpu.dma_semaphore, #tpu.memory_space<semaphore_mem>>) src(%dma_wait3A_383 : memref<160x128xf32, #tpu.memory_space<hbm>>) dst(%dma_wait3A_380 : memref<160x128xf32, #tpu.memory_space<vmem>>)
        %parallel_loop3A = arith.constant 0 : i32
        %parallel_loop3A_384 = arith.constant 16 : i32
        %parallel_loop3A_385 = arith.constant 1 : i32
        scf.for %parallel_loop3A_392 = %parallel_loop3A to %parallel_loop3A_384 step %parallel_loop3A_385  : i32 {
          %parallel_loop3A_393 = vector.broadcast %parallel_loop3A_392 : i32 to vector<16xi32>
          %parallel_loop3A_394 = arith.constant 0 : i32
          %parallel_loop3A_395 = vector.broadcast %parallel_loop3A_394 : i32 to vector<16xi32>
          %parallel_loop3A_396 = tpu.vector_load_idx %arg10[%parallel_loop3A_395, %parallel_loop3A_393] : memref<10x16xf32, #tpu.memory_space<vmem>>[vector<16xi32>, vector<16xi32>], vector<16xf32>,
          %parallel_loop3A_397 = arith.constant 1 : i32
          %parallel_loop3A_398 = vector.broadcast %parallel_loop3A_397 : i32 to vector<16xi32>
          %parallel_loop3A_399 = tpu.vector_load_idx %arg10[%parallel_loop3A_398, %parallel_loop3A_393] : memref<10x16xf32, #tpu.memory_space<vmem>>[vector<16xi32>, vector<16xi32>], vector<16xf32>,
          %parallel_loop3A_400 = arith.constant 2 : i32
          %parallel_loop3A_401 = vector.broadcast %parallel_loop3A_400 : i32 to vector<16xi32>
          %parallel_loop3A_402 = tpu.vector_load_idx %arg10[%parallel_loop3A_401, %parallel_loop3A_393] : memref<10x16xf32, #tpu.memory_space<vmem>>[vector<16xi32>, vector<16xi32>], vector<16xf32>,
          %parallel_loop3A_403 = arith.constant 3 : i32
          %parallel_loop3A_404 = vector.broadcast %parallel_loop3A_403 : i32 to vector<16xi32>
          %parallel_loop3A_405 = tpu.vector_load_idx %arg10[%parallel_loop3A_404, %parallel_loop3A_393] : memref<10x16xf32, #tpu.memory_space<vmem>>[vector<16xi32>, vector<16xi32>], vector<16xf32>,
          %parallel_loop3A_406 = arith.constant 4 : i32
          %parallel_loop3A_407 = vector.broadcast %parallel_loop3A_406 : i32 to vector<16xi32>
          %parallel_loop3A_408 = tpu.vector_load_idx %arg10[%parallel_loop3A_407, %parallel_loop3A_393] : memref<10x16xf32, #tpu.memory_space<vmem>>[vector<16xi32>, vector<16xi32>], vector<16xf32>,
          %parallel_loop3A_409 = arith.constant 5 : i32
          %parallel_loop3A_410 = vector.broadcast %parallel_loop3A_409 : i32 to vector<16xi32>
          %parallel_loop3A_411 = tpu.vector_load_idx %arg10[%parallel_loop3A_410, %parallel_loop3A_393] : memref<10x16xf32, #tpu.memory_space<vmem>>[vector<16xi32>, vector<16xi32>], vector<16xf32>,
          %parallel_loop3A_412 = arith.constant 6 : i32
          %parallel_loop3A_413 = vector.broadcast %parallel_loop3A_412 : i32 to vector<16xi32>
          %parallel_loop3A_414 = tpu.vector_load_idx %arg10[%parallel_loop3A_413, %parallel_loop3A_393] : memref<10x16xf32, #tpu.memory_space<vmem>>[vector<16xi32>, vector<16xi32>], vector<16xf32>,
          %parallel_loop3A_415 = arith.constant 7 : i32
          %parallel_loop3A_416 = vector.broadcast %parallel_loop3A_415 : i32 to vector<16xi32>
          %parallel_loop3A_417 = tpu.vector_load_idx %arg10[%parallel_loop3A_416, %parallel_loop3A_393] : memref<10x16xf32, #tpu.memory_space<vmem>>[vector<16xi32>, vector<16xi32>], vector<16xf32>,
          %parallel_loop3A_418 = arith.constant 8 : i32
          %parallel_loop3A_419 = vector.broadcast %parallel_loop3A_418 : i32 to vector<16xi32>
          %parallel_loop3A_420 = tpu.vector_load_idx %arg10[%parallel_loop3A_419, %parallel_loop3A_393] : memref<10x16xf32, #tpu.memory_space<vmem>>[vector<16xi32>, vector<16xi32>], vector<16xf32>,
          %parallel_loop3A_421 = arith.constant 9 : i32
          %parallel_loop3A_422 = vector.broadcast %parallel_loop3A_421 : i32 to vector<16xi32>
          %parallel_loop3A_423 = tpu.vector_load_idx %arg10[%parallel_loop3A_422, %parallel_loop3A_393] : memref<10x16xf32, #tpu.memory_space<vmem>>[vector<16xi32>, vector<16xi32>], vector<16xf32>,
          %parallel_loop3A_424 = arith.constant 10 : i32
          %parallel_loop3A_425 = arith.muli %parallel_loop3A_392, %parallel_loop3A_424 : i32
          %parallel_loop3A_426 = arith.constant 0 : i32
          %parallel_loop3A_427 = arith.addi %parallel_loop3A_425, %parallel_loop3A_426 : i32
          %parallel_loop3A_428 = arith.constant 0 : i32
          %parallel_loop3A_429 = arith.index_cast %parallel_loop3A_428 : i32 to index
          %parallel_loop3A_430 = arith.index_cast %parallel_loop3A_427 : i32 to index
          %parallel_loop3A_431 = arith.constant 0 : index
          %parallel_loop3A_432 = tpu.vector_load %arg9[%parallel_loop3A_429, %parallel_loop3A_430, %parallel_loop3A_431] {strides = array<i32>} : memref<3x160x128xf32, #tpu.memory_space<vmem>>, vector<16xf32>,
          %parallel_loop3A_433 = arith.mulf %parallel_loop3A_396, %parallel_loop3A_432 : vector<16xf32>
          %parallel_loop3A_434 = arith.constant 10 : i32
          %parallel_loop3A_435 = arith.muli %parallel_loop3A_392, %parallel_loop3A_434 : i32
          %parallel_loop3A_436 = arith.constant 1 : i32
          %parallel_loop3A_437 = arith.addi %parallel_loop3A_435, %parallel_loop3A_436 : i32
          %parallel_loop3A_438 = arith.constant 0 : i32
          %parallel_loop3A_439 = arith.index_cast %parallel_loop3A_438 : i32 to index
          %parallel_loop3A_440 = arith.index_cast %parallel_loop3A_437 : i32 to index
          %parallel_loop3A_441 = arith.constant 0 : index
          %parallel_loop3A_442 = tpu.vector_load %arg9[%parallel_loop3A_439, %parallel_loop3A_440, %parallel_loop3A_441] {strides = array<i32>} : memref<3x160x128xf32, #tpu.memory_space<vmem>>, vector<16xf32>,
          %parallel_loop3A_443 = arith.mulf %parallel_loop3A_399, %parallel_loop3A_442 : vector<16xf32>
          %parallel_loop3A_444 = arith.constant 10 : i32
          %parallel_loop3A_445 = arith.muli %parallel_loop3A_392, %parallel_loop3A_444 : i32
          %parallel_loop3A_446 = arith.constant 2 : i32
          %parallel_loop3A_447 = arith.addi %parallel_loop3A_445, %parallel_loop3A_446 : i32
          %parallel_loop3A_448 = arith.constant 0 : i32
          %parallel_loop3A_449 = arith.index_cast %parallel_loop3A_448 : i32 to index
          %parallel_loop3A_450 = arith.index_cast %parallel_loop3A_447 : i32 to index
          %parallel_loop3A_451 = arith.constant 0 : index
          %parallel_loop3A_452 = tpu.vector_load %arg9[%parallel_loop3A_449, %parallel_loop3A_450, %parallel_loop3A_451] {strides = array<i32>} : memref<3x160x128xf32, #tpu.memory_space<vmem>>, vector<16xf32>,
          %parallel_loop3A_453 = arith.mulf %parallel_loop3A_402, %parallel_loop3A_452 : vector<16xf32>
          %parallel_loop3A_454 = arith.constant 10 : i32
          %parallel_loop3A_455 = arith.muli %parallel_loop3A_392, %parallel_loop3A_454 : i32
          %parallel_loop3A_456 = arith.constant 3 : i32
          %parallel_loop3A_457 = arith.addi %parallel_loop3A_455, %parallel_loop3A_456 : i32
          %parallel_loop3A_458 = arith.constant 0 : i32
          %parallel_loop3A_459 = arith.index_cast %parallel_loop3A_458 : i32 to index
          %parallel_loop3A_460 = arith.index_cast %parallel_loop3A_457 : i32 to index
          %parallel_loop3A_461 = arith.constant 0 : index
          %parallel_loop3A_462 = tpu.vector_load %arg9[%parallel_loop3A_459, %parallel_loop3A_460, %parallel_loop3A_461] {strides = array<i32>} : memref<3x160x128xf32, #tpu.memory_space<vmem>>, vector<16xf32>,
          %parallel_loop3A_463 = arith.mulf %parallel_loop3A_405, %parallel_loop3A_462 : vector<16xf32>
          %parallel_loop3A_464 = arith.constant 10 : i32
          %parallel_loop3A_465 = arith.muli %parallel_loop3A_392, %parallel_loop3A_464 : i32
          %parallel_loop3A_466 = arith.constant 4 : i32
          %parallel_loop3A_467 = arith.addi %parallel_loop3A_465, %parallel_loop3A_466 : i32
          %parallel_loop3A_468 = arith.constant 0 : i32
          %parallel_loop3A_469 = arith.index_cast %parallel_loop3A_468 : i32 to index
          %parallel_loop3A_470 = arith.index_cast %parallel_loop3A_467 : i32 to index
          %parallel_loop3A_471 = arith.constant 0 : index
          %parallel_loop3A_472 = tpu.vector_load %arg9[%parallel_loop3A_469, %parallel_loop3A_470, %parallel_loop3A_471] {strides = array<i32>} : memref<3x160x128xf32, #tpu.memory_space<vmem>>, vector<16xf32>,
          %parallel_loop3A_473 = arith.mulf %parallel_loop3A_408, %parallel_loop3A_472 : vector<16xf32>
          %parallel_loop3A_474 = arith.constant 10 : i32
          %parallel_loop3A_475 = arith.muli %parallel_loop3A_392, %parallel_loop3A_474 : i32
          %parallel_loop3A_476 = arith.constant 5 : i32
          %parallel_loop3A_477 = arith.addi %parallel_loop3A_475, %parallel_loop3A_476 : i32
          %parallel_loop3A_478 = arith.constant 0 : i32
          %parallel_loop3A_479 = arith.index_cast %parallel_loop3A_478 : i32 to index
          %parallel_loop3A_480 = arith.index_cast %parallel_loop3A_477 : i32 to index
          %parallel_loop3A_481 = arith.constant 0 : index
          %parallel_loop3A_482 = tpu.vector_load %arg9[%parallel_loop3A_479, %parallel_loop3A_480, %parallel_loop3A_481] {strides = array<i32>} : memref<3x160x128xf32, #tpu.memory_space<vmem>>, vector<16xf32>,
          %parallel_loop3A_483 = arith.mulf %parallel_loop3A_411, %parallel_loop3A_482 : vector<16xf32>
          %parallel_loop3A_484 = arith.constant 10 : i32
          %parallel_loop3A_485 = arith.muli %parallel_loop3A_392, %parallel_loop3A_484 : i32
          %parallel_loop3A_486 = arith.constant 6 : i32
          %parallel_loop3A_487 = arith.addi %parallel_loop3A_485, %parallel_loop3A_486 : i32
          %parallel_loop3A_488 = arith.constant 0 : i32
          %parallel_loop3A_489 = arith.index_cast %parallel_loop3A_488 : i32 to index
          %parallel_loop3A_490 = arith.index_cast %parallel_loop3A_487 : i32 to index
          %parallel_loop3A_491 = arith.constant 0 : index
          %parallel_loop3A_492 = tpu.vector_load %arg9[%parallel_loop3A_489, %parallel_loop3A_490, %parallel_loop3A_491] {strides = array<i32>} : memref<3x160x128xf32, #tpu.memory_space<vmem>>, vector<16xf32>,
          %parallel_loop3A_493 = arith.mulf %parallel_loop3A_414, %parallel_loop3A_492 : vector<16xf32>
          %parallel_loop3A_494 = arith.constant 10 : i32
          %parallel_loop3A_495 = arith.muli %parallel_loop3A_392, %parallel_loop3A_494 : i32
          %parallel_loop3A_496 = arith.constant 7 : i32
          %parallel_loop3A_497 = arith.addi %parallel_loop3A_495, %parallel_loop3A_496 : i32
          %parallel_loop3A_498 = arith.constant 0 : i32
          %parallel_loop3A_499 = arith.index_cast %parallel_loop3A_498 : i32 to index
          %parallel_loop3A_500 = arith.index_cast %parallel_loop3A_497 : i32 to index
          %parallel_loop3A_501 = arith.constant 0 : index
          %parallel_loop3A_502 = tpu.vector_load %arg9[%parallel_loop3A_499, %parallel_loop3A_500, %parallel_loop3A_501] {strides = array<i32>} : memref<3x160x128xf32, #tpu.memory_space<vmem>>, vector<16xf32>,
          %parallel_loop3A_503 = arith.mulf %parallel_loop3A_417, %parallel_loop3A_502 : vector<16xf32>
          %parallel_loop3A_504 = arith.constant 10 : i32
          %parallel_loop3A_505 = arith.muli %parallel_loop3A_392, %parallel_loop3A_504 : i32
          %parallel_loop3A_506 = arith.constant 8 : i32
          %parallel_loop3A_507 = arith.addi %parallel_loop3A_505, %parallel_loop3A_506 : i32
          %parallel_loop3A_508 = arith.constant 0 : i32
          %parallel_loop3A_509 = arith.index_cast %parallel_loop3A_508 : i32 to index
          %parallel_loop3A_510 = arith.index_cast %parallel_loop3A_507 : i32 to index
          %parallel_loop3A_511 = arith.constant 0 : index
          %parallel_loop3A_512 = tpu.vector_load %arg9[%parallel_loop3A_509, %parallel_loop3A_510, %parallel_loop3A_511] {strides = array<i32>} : memref<3x160x128xf32, #tpu.memory_space<vmem>>, vector<16xf32>,
          %parallel_loop3A_513 = arith.mulf %parallel_loop3A_420, %parallel_loop3A_512 : vector<16xf32>
          %parallel_loop3A_514 = arith.constant 10 : i32
          %parallel_loop3A_515 = arith.muli %parallel_loop3A_392, %parallel_loop3A_514 : i32
          %parallel_loop3A_516 = arith.constant 9 : i32
          %parallel_loop3A_517 = arith.addi %parallel_loop3A_515, %parallel_loop3A_516 : i32
          %parallel_loop3A_518 = arith.constant 0 : i32
          %parallel_loop3A_519 = arith.index_cast %parallel_loop3A_518 : i32 to index
          %parallel_loop3A_520 = arith.index_cast %parallel_loop3A_517 : i32 to index
          %parallel_loop3A_521 = arith.constant 0 : index
          %parallel_loop3A_522 = tpu.vector_load %arg9[%parallel_loop3A_519, %parallel_loop3A_520, %parallel_loop3A_521] {strides = array<i32>} : memref<3x160x128xf32, #tpu.memory_space<vmem>>, vector<16xf32>,
          %parallel_loop3A_523 = arith.mulf %parallel_loop3A_423, %parallel_loop3A_522 : vector<16xf32>
          %parallel_loop3A_524 = arith.addf %parallel_loop3A_433, %parallel_loop3A_443 : vector<16xf32>
          %parallel_loop3A_525 = arith.addf %parallel_loop3A_453, %parallel_loop3A_463 : vector<16xf32>
          %parallel_loop3A_526 = arith.addf %parallel_loop3A_473, %parallel_loop3A_483 : vector<16xf32>
          %parallel_loop3A_527 = arith.addf %parallel_loop3A_493, %parallel_loop3A_503 : vector<16xf32>
          %parallel_loop3A_528 = arith.addf %parallel_loop3A_513, %parallel_loop3A_523 : vector<16xf32>
          %parallel_loop3A_529 = arith.addf %parallel_loop3A_524, %parallel_loop3A_525 : vector<16xf32>
          %parallel_loop3A_530 = arith.addf %parallel_loop3A_526, %parallel_loop3A_527 : vector<16xf32>
          %parallel_loop3A_531 = arith.addf %parallel_loop3A_529, %parallel_loop3A_530 : vector<16xf32>
          %parallel_loop3A_532 = arith.addf %parallel_loop3A_531, %parallel_loop3A_528 : vector<16xf32>
          %parallel_loop3A_533 = arith.constant 0.000000e+00 : f32
          %parallel_loop3A_534 = vector.broadcast %parallel_loop3A_533 : f32 to vector<16xf32>
          %parallel_loop3A_535 = arith.maximumf %parallel_loop3A_532, %parallel_loop3A_534 : vector<16xf32>
          %parallel_loop3A_536 = arith.index_cast %parallel_loop3A_392 : i32 to index
          %parallel_loop3A_537 = arith.constant 0 : index
          %parallel_loop3A_538 = tpu.vector_load %arg11[%parallel_loop3A_536, %parallel_loop3A_537] {strides = array<i32>} : memref<16x128xf32, #tpu.memory_space<vmem>>, vector<16xf32>,
          tpu.vector_store %arg11[%parallel_loop3A_536, %parallel_loop3A_537], %parallel_loop3A_535 {strides = array<i32>} : memref<16x128xf32, #tpu.memory_space<vmem>>, vector<16xf32>,
          %parallel_loop3A_539 = arith.constant 10 : i32
          %parallel_loop3A_540 = arith.muli %parallel_loop3A_392, %parallel_loop3A_539 : i32
          %parallel_loop3A_541 = arith.constant 0 : i32
          %parallel_loop3A_542 = arith.addi %parallel_loop3A_540, %parallel_loop3A_541 : i32
          %parallel_loop3A_543 = arith.constant 0 : i32
          %parallel_loop3A_544 = arith.index_cast %parallel_loop3A_543 : i32 to index
          %parallel_loop3A_545 = arith.index_cast %parallel_loop3A_542 : i32 to index
          %parallel_loop3A_546 = arith.constant 16 : index
          %parallel_loop3A_547 = tpu.vector_load %arg9[%parallel_loop3A_544, %parallel_loop3A_545, %parallel_loop3A_546] {strides = array<i32>} : memref<3x160x128xf32, #tpu.memory_space<vmem>>, vector<16xf32>,
          %parallel_loop3A_548 = arith.mulf %parallel_loop3A_396, %parallel_loop3A_547 : vector<16xf32>
          %parallel_loop3A_549 = arith.constant 10 : i32
          %parallel_loop3A_550 = arith.muli %parallel_loop3A_392, %parallel_loop3A_549 : i32
          %parallel_loop3A_551 = arith.constant 1 : i32
          %parallel_loop3A_552 = arith.addi %parallel_loop3A_550, %parallel_loop3A_551 : i32
          %parallel_loop3A_553 = arith.constant 0 : i32
          %parallel_loop3A_554 = arith.index_cast %parallel_loop3A_553 : i32 to index
          %parallel_loop3A_555 = arith.index_cast %parallel_loop3A_552 : i32 to index
          %parallel_loop3A_556 = arith.constant 16 : index
          %parallel_loop3A_557 = tpu.vector_load %arg9[%parallel_loop3A_554, %parallel_loop3A_555, %parallel_loop3A_556] {strides = array<i32>} : memref<3x160x128xf32, #tpu.memory_space<vmem>>, vector<16xf32>,
          %parallel_loop3A_558 = arith.mulf %parallel_loop3A_399, %parallel_loop3A_557 : vector<16xf32>
          %parallel_loop3A_559 = arith.constant 10 : i32
          %parallel_loop3A_560 = arith.muli %parallel_loop3A_392, %parallel_loop3A_559 : i32
          %parallel_loop3A_561 = arith.constant 2 : i32
          %parallel_loop3A_562 = arith.addi %parallel_loop3A_560, %parallel_loop3A_561 : i32
          %parallel_loop3A_563 = arith.constant 0 : i32
          %parallel_loop3A_564 = arith.index_cast %parallel_loop3A_563 : i32 to index
          %parallel_loop3A_565 = arith.index_cast %parallel_loop3A_562 : i32 to index
          %parallel_loop3A_566 = arith.constant 16 : index
          %parallel_loop3A_567 = tpu.vector_load %arg9[%parallel_loop3A_564, %parallel_loop3A_565, %parallel_loop3A_566] {strides = array<i32>} : memref<3x160x128xf32, #tpu.memory_space<vmem>>, vector<16xf32>,
          %parallel_loop3A_568 = arith.mulf %parallel_loop3A_402, %parallel_loop3A_567 : vector<16xf32>
          %parallel_loop3A_569 = arith.constant 10 : i32
          %parallel_loop3A_570 = arith.muli %parallel_loop3A_392, %parallel_loop3A_569 : i32
          %parallel_loop3A_571 = arith.constant 3 : i32
          %parallel_loop3A_572 = arith.addi %parallel_loop3A_570, %parallel_loop3A_571 : i32
          %parallel_loop3A_573 = arith.constant 0 : i32
          %parallel_loop3A_574 = arith.index_cast %parallel_loop3A_573 : i32 to index
          %parallel_loop3A_575 = arith.index_cast %parallel_loop3A_572 : i32 to index
          %parallel_loop3A_576 = arith.constant 16 : index
          %parallel_loop3A_577 = tpu.vector_load %arg9[%parallel_loop3A_574, %parallel_loop3A_575, %parallel_loop3A_576] {strides = array<i32>} : memref<3x160x128xf32, #tpu.memory_space<vmem>>, vector<16xf32>,
          %parallel_loop3A_578 = arith.mulf %parallel_loop3A_405, %parallel_loop3A_577 : vector<16xf32>
          %parallel_loop3A_579 = arith.constant 10 : i32
          %parallel_loop3A_580 = arith.muli %parallel_loop3A_392, %parallel_loop3A_579 : i32
          %parallel_loop3A_581 = arith.constant 4 : i32
          %parallel_loop3A_582 = arith.addi %parallel_loop3A_580, %parallel_loop3A_581 : i32
          %parallel_loop3A_583 = arith.constant 0 : i32
          %parallel_loop3A_584 = arith.index_cast %parallel_loop3A_583 : i32 to index
          %parallel_loop3A_585 = arith.index_cast %parallel_loop3A_582 : i32 to index
          %parallel_loop3A_586 = arith.constant 16 : index
          %parallel_loop3A_587 = tpu.vector_load %arg9[%parallel_loop3A_584, %parallel_loop3A_585, %parallel_loop3A_586] {strides = array<i32>} : memref<3x160x128xf32, #tpu.memory_space<vmem>>, vector<16xf32>,
          %parallel_loop3A_588 = arith.mulf %parallel_loop3A_408, %parallel_loop3A_587 : vector<16xf32>
          %parallel_loop3A_589 = arith.constant 10 : i32
          %parallel_loop3A_590 = arith.muli %parallel_loop3A_392, %parallel_loop3A_589 : i32
          %parallel_loop3A_591 = arith.constant 5 : i32
          %parallel_loop3A_592 = arith.addi %parallel_loop3A_590, %parallel_loop3A_591 : i32
          %parallel_loop3A_593 = arith.constant 0 : i32
          %parallel_loop3A_594 = arith.index_cast %parallel_loop3A_593 : i32 to index
          %parallel_loop3A_595 = arith.index_cast %parallel_loop3A_592 : i32 to index
          %parallel_loop3A_596 = arith.constant 16 : index
          %parallel_loop3A_597 = tpu.vector_load %arg9[%parallel_loop3A_594, %parallel_loop3A_595, %parallel_loop3A_596] {strides = array<i32>} : memref<3x160x128xf32, #tpu.memory_space<vmem>>, vector<16xf32>,
          %parallel_loop3A_598 = arith.mulf %parallel_loop3A_411, %parallel_loop3A_597 : vector<16xf32>
          %parallel_loop3A_599 = arith.constant 10 : i32
          %parallel_loop3A_600 = arith.muli %parallel_loop3A_392, %parallel_loop3A_599 : i32
          %parallel_loop3A_601 = arith.constant 6 : i32
          %parallel_loop3A_602 = arith.addi %parallel_loop3A_600, %parallel_loop3A_601 : i32
          %parallel_loop3A_603 = arith.constant 0 : i32
          %parallel_loop3A_604 = arith.index_cast %parallel_loop3A_603 : i32 to index
          %parallel_loop3A_605 = arith.index_cast %parallel_loop3A_602 : i32 to index
          %parallel_loop3A_606 = arith.constant 16 : index
          %parallel_loop3A_607 = tpu.vector_load %arg9[%parallel_loop3A_604, %parallel_loop3A_605, %parallel_loop3A_606] {strides = array<i32>} : memref<3x160x128xf32, #tpu.memory_space<vmem>>, vector<16xf32>,
          %parallel_loop3A_608 = arith.mulf %parallel_loop3A_414, %parallel_loop3A_607 : vector<16xf32>
          %parallel_loop3A_609 = arith.constant 10 : i32
          %parallel_loop3A_610 = arith.muli %parallel_loop3A_392, %parallel_loop3A_609 : i32
          %parallel_loop3A_611 = arith.constant 7 : i32
          %parallel_loop3A_612 = arith.addi %parallel_loop3A_610, %parallel_loop3A_611 : i32
          %parallel_loop3A_613 = arith.constant 0 : i32
          %parallel_loop3A_614 = arith.index_cast %parallel_loop3A_613 : i32 to index
          %parallel_loop3A_615 = arith.index_cast %parallel_loop3A_612 : i32 to index
          %parallel_loop3A_616 = arith.constant 16 : index
          %parallel_loop3A_617 = tpu.vector_load %arg9[%parallel_loop3A_614, %parallel_loop3A_615, %parallel_loop3A_616] {strides = array<i32>} : memref<3x160x128xf32, #tpu.memory_space<vmem>>, vector<16xf32>,
          %parallel_loop3A_618 = arith.mulf %parallel_loop3A_417, %parallel_loop3A_617 : vector<16xf32>
          %parallel_loop3A_619 = arith.constant 10 : i32
          %parallel_loop3A_620 = arith.muli %parallel_loop3A_392, %parallel_loop3A_619 : i32
          %parallel_loop3A_621 = arith.constant 8 : i32
          %parallel_loop3A_622 = arith.addi %parallel_loop3A_620, %parallel_loop3A_621 : i32
          %parallel_loop3A_623 = arith.constant 0 : i32
          %parallel_loop3A_624 = arith.index_cast %parallel_loop3A_623 : i32 to index
          %parallel_loop3A_625 = arith.index_cast %parallel_loop3A_622 : i32 to index
          %parallel_loop3A_626 = arith.constant 16 : index
          %parallel_loop3A_627 = tpu.vector_load %arg9[%parallel_loop3A_624, %parallel_loop3A_625, %parallel_loop3A_626] {strides = array<i32>} : memref<3x160x128xf32, #tpu.memory_space<vmem>>, vector<16xf32>,
          %parallel_loop3A_628 = arith.mulf %parallel_loop3A_420, %parallel_loop3A_627 : vector<16xf32>
          %parallel_loop3A_629 = arith.constant 10 : i32
          %parallel_loop3A_630 = arith.muli %parallel_loop3A_392, %parallel_loop3A_629 : i32
          %parallel_loop3A_631 = arith.constant 9 : i32
          %parallel_loop3A_632 = arith.addi %parallel_loop3A_630, %parallel_loop3A_631 : i32
          %parallel_loop3A_633 = arith.constant 0 : i32
          %parallel_loop3A_634 = arith.index_cast %parallel_loop3A_633 : i32 to index
          %parallel_loop3A_635 = arith.index_cast %parallel_loop3A_632 : i32 to index
          %parallel_loop3A_636 = arith.constant 16 : index
          %parallel_loop3A_637 = tpu.vector_load %arg9[%parallel_loop3A_634, %parallel_loop3A_635, %parallel_loop3A_636] {strides = array<i32>} : memref<3x160x128xf32, #tpu.memory_space<vmem>>, vector<16xf32>,
          %parallel_loop3A_638 = arith.mulf %parallel_loop3A_423, %parallel_loop3A_637 : vector<16xf32>
          %parallel_loop3A_639 = arith.addf %parallel_loop3A_548, %parallel_loop3A_558 : vector<16xf32>
          %parallel_loop3A_640 = arith.addf %parallel_loop3A_568, %parallel_loop3A_578 : vector<16xf32>
          %parallel_loop3A_641 = arith.addf %parallel_loop3A_588, %parallel_loop3A_598 : vector<16xf32>
          %parallel_loop3A_642 = arith.addf %parallel_loop3A_608, %parallel_loop3A_618 : vector<16xf32>
          %parallel_loop3A_643 = arith.addf %parallel_loop3A_628, %parallel_loop3A_638 : vector<16xf32>
          %parallel_loop3A_644 = arith.addf %parallel_loop3A_639, %parallel_loop3A_640 : vector<16xf32>
          %parallel_loop3A_645 = arith.addf %parallel_loop3A_641, %parallel_loop3A_642 : vector<16xf32>
          %parallel_loop3A_646 = arith.addf %parallel_loop3A_644, %parallel_loop3A_645 : vector<16xf32>
          %parallel_loop3A_647 = arith.addf %parallel_loop3A_646, %parallel_loop3A_643 : vector<16xf32>
          %parallel_loop3A_648 = arith.constant 0.000000e+00 : f32
          %parallel_loop3A_649 = vector.broadcast %parallel_loop3A_648 : f32 to vector<16xf32>
          %parallel_loop3A_650 = arith.maximumf %parallel_loop3A_647, %parallel_loop3A_649 : vector<16xf32>
          %parallel_loop3A_651 = arith.index_cast %parallel_loop3A_392 : i32 to index
          %parallel_loop3A_652 = arith.constant 16 : index
          %parallel_loop3A_653 = tpu.vector_load %arg11[%parallel_loop3A_651, %parallel_loop3A_652] {strides = array<i32>} : memref<16x128xf32, #tpu.memory_space<vmem>>, vector<16xf32>,
          tpu.vector_store %arg11[%parallel_loop3A_651, %parallel_loop3A_652], %parallel_loop3A_650 {strides = array<i32>} : memref<16x128xf32, #tpu.memory_space<vmem>>, vector<16xf32>,
          %parallel_loop3A_654 = arith.constant 10 : i32
          %parallel_loop3A_655 = arith.muli %parallel_loop3A_392, %parallel_loop3A_654 : i32
          %parallel_loop3A_656 = arith.constant 0 : i32
          %parallel_loop3A_657 = arith.addi %parallel_loop3A_655, %parallel_loop3A_656 : i32
          %parallel_loop3A_658 = arith.constant 0 : i32
          %parallel_loop3A_659 = arith.index_cast %parallel_loop3A_658 : i32 to index
          %parallel_loop3A_660 = arith.index_cast %parallel_loop3A_657 : i32 to index
          %parallel_loop3A_661 = arith.constant 32 : index
          %parallel_loop3A_662 = tpu.vector_load %arg9[%parallel_loop3A_659, %parallel_loop3A_660, %parallel_loop3A_661] {strides = array<i32>} : memref<3x160x128xf32, #tpu.memory_space<vmem>>, vector<16xf32>,
          %parallel_loop3A_663 = arith.mulf %parallel_loop3A_396, %parallel_loop3A_662 : vector<16xf32>
          %parallel_loop3A_664 = arith.constant 10 : i32
          %parallel_loop3A_665 = arith.muli %parallel_loop3A_392, %parallel_loop3A_664 : i32
          %parallel_loop3A_666 = arith.constant 1 : i32
          %parallel_loop3A_667 = arith.addi %parallel_loop3A_665, %parallel_loop3A_666 : i32
          %parallel_loop3A_668 = arith.constant 0 : i32
          %parallel_loop3A_669 = arith.index_cast %parallel_loop3A_668 : i32 to index
          %parallel_loop3A_670 = arith.index_cast %parallel_loop3A_667 : i32 to index
          %parallel_loop3A_671 = arith.constant 32 : index
          %parallel_loop3A_672 = tpu.vector_load %arg9[%parallel_loop3A_669, %parallel_loop3A_670, %parallel_loop3A_671] {strides = array<i32>} : memref<3x160x128xf32, #tpu.memory_space<vmem>>, vector<16xf32>,
          %parallel_loop3A_673 = arith.mulf %parallel_loop3A_399, %parallel_loop3A_672 : vector<16xf32>
          %parallel_loop3A_674 = arith.constant 10 : i32
          %parallel_loop3A_675 = arith.muli %parallel_loop3A_392, %parallel_loop3A_674 : i32
          %parallel_loop3A_676 = arith.constant 2 : i32
          %parallel_loop3A_677 = arith.addi %parallel_loop3A_675, %parallel_loop3A_676 : i32
          %parallel_loop3A_678 = arith.constant 0 : i32
          %parallel_loop3A_679 = arith.index_cast %parallel_loop3A_678 : i32 to index
          %parallel_loop3A_680 = arith.index_cast %parallel_loop3A_677 : i32 to index
          %parallel_loop3A_681 = arith.constant 32 : index
          %parallel_loop3A_682 = tpu.vector_load %arg9[%parallel_loop3A_679, %parallel_loop3A_680, %parallel_loop3A_681] {strides = array<i32>} : memref<3x160x128xf32, #tpu.memory_space<vmem>>, vector<16xf32>,
          %parallel_loop3A_683 = arith.mulf %parallel_loop3A_402, %parallel_loop3A_682 : vector<16xf32>
          %parallel_loop3A_684 = arith.constant 10 : i32
          %parallel_loop3A_685 = arith.muli %parallel_loop3A_392, %parallel_loop3A_684 : i32
          %parallel_loop3A_686 = arith.constant 3 : i32
          %parallel_loop3A_687 = arith.addi %parallel_loop3A_685, %parallel_loop3A_686 : i32
          %parallel_loop3A_688 = arith.constant 0 : i32
          %parallel_loop3A_689 = arith.index_cast %parallel_loop3A_688 : i32 to index
          %parallel_loop3A_690 = arith.index_cast %parallel_loop3A_687 : i32 to index
          %parallel_loop3A_691 = arith.constant 32 : index
          %parallel_loop3A_692 = tpu.vector_load %arg9[%parallel_loop3A_689, %parallel_loop3A_690, %parallel_loop3A_691] {strides = array<i32>} : memref<3x160x128xf32, #tpu.memory_space<vmem>>, vector<16xf32>,
          %parallel_loop3A_693 = arith.mulf %parallel_loop3A_405, %parallel_loop3A_692 : vector<16xf32>
          %parallel_loop3A_694 = arith.constant 10 : i32
          %parallel_loop3A_695 = arith.muli %parallel_loop3A_392, %parallel_loop3A_694 : i32
          %parallel_loop3A_696 = arith.constant 4 : i32
          %parallel_loop3A_697 = arith.addi %parallel_loop3A_695, %parallel_loop3A_696 : i32
          %parallel_loop3A_698 = arith.constant 0 : i32
          %parallel_loop3A_699 = arith.index_cast %parallel_loop3A_698 : i32 to index
          %parallel_loop3A_700 = arith.index_cast %parallel_loop3A_697 : i32 to index
          %parallel_loop3A_701 = arith.constant 32 : index
          %parallel_loop3A_702 = tpu.vector_load %arg9[%parallel_loop3A_699, %parallel_loop3A_700, %parallel_loop3A_701] {strides = array<i32>} : memref<3x160x128xf32, #tpu.memory_space<vmem>>, vector<16xf32>,
          %parallel_loop3A_703 = arith.mulf %parallel_loop3A_408, %parallel_loop3A_702 : vector<16xf32>
          %parallel_loop3A_704 = arith.constant 10 : i32
          %parallel_loop3A_705 = arith.muli %parallel_loop3A_392, %parallel_loop3A_704 : i32
          %parallel_loop3A_706 = arith.constant 5 : i32
          %parallel_loop3A_707 = arith.addi %parallel_loop3A_705, %parallel_loop3A_706 : i32
          %parallel_loop3A_708 = arith.constant 0 : i32
          %parallel_loop3A_709 = arith.index_cast %parallel_loop3A_708 : i32 to index
          %parallel_loop3A_710 = arith.index_cast %parallel_loop3A_707 : i32 to index
          %parallel_loop3A_711 = arith.constant 32 : index
          %parallel_loop3A_712 = tpu.vector_load %arg9[%parallel_loop3A_709, %parallel_loop3A_710, %parallel_loop3A_711] {strides = array<i32>} : memref<3x160x128xf32, #tpu.memory_space<vmem>>, vector<16xf32>,
          %parallel_loop3A_713 = arith.mulf %parallel_loop3A_411, %parallel_loop3A_712 : vector<16xf32>
          %parallel_loop3A_714 = arith.constant 10 : i32
          %parallel_loop3A_715 = arith.muli %parallel_loop3A_392, %parallel_loop3A_714 : i32
          %parallel_loop3A_716 = arith.constant 6 : i32
          %parallel_loop3A_717 = arith.addi %parallel_loop3A_715, %parallel_loop3A_716 : i32
          %parallel_loop3A_718 = arith.constant 0 : i32
          %parallel_loop3A_719 = arith.index_cast %parallel_loop3A_718 : i32 to index
          %parallel_loop3A_720 = arith.index_cast %parallel_loop3A_717 : i32 to index
          %parallel_loop3A_721 = arith.constant 32 : index
          %parallel_loop3A_722 = tpu.vector_load %arg9[%parallel_loop3A_719, %parallel_loop3A_720, %parallel_loop3A_721] {strides = array<i32>} : memref<3x160x128xf32, #tpu.memory_space<vmem>>, vector<16xf32>,
          %parallel_loop3A_723 = arith.mulf %parallel_loop3A_414, %parallel_loop3A_722 : vector<16xf32>
          %parallel_loop3A_724 = arith.constant 10 : i32
          %parallel_loop3A_725 = arith.muli %parallel_loop3A_392, %parallel_loop3A_724 : i32
          %parallel_loop3A_726 = arith.constant 7 : i32
          %parallel_loop3A_727 = arith.addi %parallel_loop3A_725, %parallel_loop3A_726 : i32
          %parallel_loop3A_728 = arith.constant 0 : i32
          %parallel_loop3A_729 = arith.index_cast %parallel_loop3A_728 : i32 to index
          %parallel_loop3A_730 = arith.index_cast %parallel_loop3A_727 : i32 to index
          %parallel_loop3A_731 = arith.constant 32 : index
          %parallel_loop3A_732 = tpu.vector_load %arg9[%parallel_loop3A_729, %parallel_loop3A_730, %parallel_loop3A_731] {strides = array<i32>} : memref<3x160x128xf32, #tpu.memory_space<vmem>>, vector<16xf32>,
          %parallel_loop3A_733 = arith.mulf %parallel_loop3A_417, %parallel_loop3A_732 : vector<16xf32>
          %parallel_loop3A_734 = arith.constant 10 : i32
          %parallel_loop3A_735 = arith.muli %parallel_loop3A_392, %parallel_loop3A_734 : i32
          %parallel_loop3A_736 = arith.constant 8 : i32
          %parallel_loop3A_737 = arith.addi %parallel_loop3A_735, %parallel_loop3A_736 : i32
          %parallel_loop3A_738 = arith.constant 0 : i32
          %parallel_loop3A_739 = arith.index_cast %parallel_loop3A_738 : i32 to index
          %parallel_loop3A_740 = arith.index_cast %parallel_loop3A_737 : i32 to index
          %parallel_loop3A_741 = arith.constant 32 : index
          %parallel_loop3A_742 = tpu.vector_load %arg9[%parallel_loop3A_739, %parallel_loop3A_740, %parallel_loop3A_741] {strides = array<i32>} : memref<3x160x128xf32, #tpu.memory_space<vmem>>, vector<16xf32>,
          %parallel_loop3A_743 = arith.mulf %parallel_loop3A_420, %parallel_loop3A_742 : vector<16xf32>
          %parallel_loop3A_744 = arith.constant 10 : i32
          %parallel_loop3A_745 = arith.muli %parallel_loop3A_392, %parallel_loop3A_744 : i32
          %parallel_loop3A_746 = arith.constant 9 : i32
          %parallel_loop3A_747 = arith.addi %parallel_loop3A_745, %parallel_loop3A_746 : i32
          %parallel_loop3A_748 = arith.constant 0 : i32
          %parallel_loop3A_749 = arith.index_cast %parallel_loop3A_748 : i32 to index
          %parallel_loop3A_750 = arith.index_cast %parallel_loop3A_747 : i32 to index
          %parallel_loop3A_751 = arith.constant 32 : index
          %parallel_loop3A_752 = tpu.vector_load %arg9[%parallel_loop3A_749, %parallel_loop3A_750, %parallel_loop3A_751] {strides = array<i32>} : memref<3x160x128xf32, #tpu.memory_space<vmem>>, vector<16xf32>,
          %parallel_loop3A_753 = arith.mulf %parallel_loop3A_423, %parallel_loop3A_752 : vector<16xf32>
          %parallel_loop3A_754 = arith.addf %parallel_loop3A_663, %parallel_loop3A_673 : vector<16xf32>
          %parallel_loop3A_755 = arith.addf %parallel_loop3A_683, %parallel_loop3A_693 : vector<16xf32>
          %parallel_loop3A_756 = arith.addf %parallel_loop3A_703, %parallel_loop3A_713 : vector<16xf32>
          %parallel_loop3A_757 = arith.addf %parallel_loop3A_723, %parallel_loop3A_733 : vector<16xf32>
          %parallel_loop3A_758 = arith.addf %parallel_loop3A_743, %parallel_loop3A_753 : vector<16xf32>
          %parallel_loop3A_759 = arith.addf %parallel_loop3A_754, %parallel_loop3A_755 : vector<16xf32>
          %parallel_loop3A_760 = arith.addf %parallel_loop3A_756, %parallel_loop3A_757 : vector<16xf32>
          %parallel_loop3A_761 = arith.addf %parallel_loop3A_759, %parallel_loop3A_760 : vector<16xf32>
          %parallel_loop3A_762 = arith.addf %parallel_loop3A_761, %parallel_loop3A_758 : vector<16xf32>
          %parallel_loop3A_763 = arith.constant 0.000000e+00 : f32
          %parallel_loop3A_764 = vector.broadcast %parallel_loop3A_763 : f32 to vector<16xf32>
          %parallel_loop3A_765 = arith.maximumf %parallel_loop3A_762, %parallel_loop3A_764 : vector<16xf32>
          %parallel_loop3A_766 = arith.index_cast %parallel_loop3A_392 : i32 to index
          %parallel_loop3A_767 = arith.constant 32 : index
          %parallel_loop3A_768 = tpu.vector_load %arg11[%parallel_loop3A_766, %parallel_loop3A_767] {strides = array<i32>} : memref<16x128xf32, #tpu.memory_space<vmem>>, vector<16xf32>,
          tpu.vector_store %arg11[%parallel_loop3A_766, %parallel_loop3A_767], %parallel_loop3A_765 {strides = array<i32>} : memref<16x128xf32, #tpu.memory_space<vmem>>, vector<16xf32>,
          %parallel_loop3A_769 = arith.constant 10 : i32
          %parallel_loop3A_770 = arith.muli %parallel_loop3A_392, %parallel_loop3A_769 : i32
          %parallel_loop3A_771 = arith.constant 0 : i32
          %parallel_loop3A_772 = arith.addi %parallel_loop3A_770, %parallel_loop3A_771 : i32
          %parallel_loop3A_773 = arith.constant 0 : i32
          %parallel_loop3A_774 = arith.index_cast %parallel_loop3A_773 : i32 to index
          %parallel_loop3A_775 = arith.index_cast %parallel_loop3A_772 : i32 to index
          %parallel_loop3A_776 = arith.constant 48 : index
          %parallel_loop3A_777 = tpu.vector_load %arg9[%parallel_loop3A_774, %parallel_loop3A_775, %parallel_loop3A_776] {strides = array<i32>} : memref<3x160x128xf32, #tpu.memory_space<vmem>>, vector<16xf32>,
          %parallel_loop3A_778 = arith.mulf %parallel_loop3A_396, %parallel_loop3A_777 : vector<16xf32>
          %parallel_loop3A_779 = arith.constant 10 : i32
          %parallel_loop3A_780 = arith.muli %parallel_loop3A_392, %parallel_loop3A_779 : i32
          %parallel_loop3A_781 = arith.constant 1 : i32
          %parallel_loop3A_782 = arith.addi %parallel_loop3A_780, %parallel_loop3A_781 : i32
          %parallel_loop3A_783 = arith.constant 0 : i32
          %parallel_loop3A_784 = arith.index_cast %parallel_loop3A_783 : i32 to index
          %parallel_loop3A_785 = arith.index_cast %parallel_loop3A_782 : i32 to index
          %parallel_loop3A_786 = arith.constant 48 : index
          %parallel_loop3A_787 = tpu.vector_load %arg9[%parallel_loop3A_784, %parallel_loop3A_785, %parallel_loop3A_786] {strides = array<i32>} : memref<3x160x128xf32, #tpu.memory_space<vmem>>, vector<16xf32>,
          %parallel_loop3A_788 = arith.mulf %parallel_loop3A_399, %parallel_loop3A_787 : vector<16xf32>
          %parallel_loop3A_789 = arith.constant 10 : i32
          %parallel_loop3A_790 = arith.muli %parallel_loop3A_392, %parallel_loop3A_789 : i32
          %parallel_loop3A_791 = arith.constant 2 : i32
          %parallel_loop3A_792 = arith.addi %parallel_loop3A_790, %parallel_loop3A_791 : i32
          %parallel_loop3A_793 = arith.constant 0 : i32
          %parallel_loop3A_794 = arith.index_cast %parallel_loop3A_793 : i32 to index
          %parallel_loop3A_795 = arith.index_cast %parallel_loop3A_792 : i32 to index
          %parallel_loop3A_796 = arith.constant 48 : index
          %parallel_loop3A_797 = tpu.vector_load %arg9[%parallel_loop3A_794, %parallel_loop3A_795, %parallel_loop3A_796] {strides = array<i32>} : memref<3x160x128xf32, #tpu.memory_space<vmem>>, vector<16xf32>,
          %parallel_loop3A_798 = arith.mulf %parallel_loop3A_402, %parallel_loop3A_797 : vector<16xf32>
          %parallel_loop3A_799 = arith.constant 10 : i32
          %parallel_loop3A_800 = arith.muli %parallel_loop3A_392, %parallel_loop3A_799 : i32
          %parallel_loop3A_801 = arith.constant 3 : i32
          %parallel_loop3A_802 = arith.addi %parallel_loop3A_800, %parallel_loop3A_801 : i32
          %parallel_loop3A_803 = arith.constant 0 : i32
          %parallel_loop3A_804 = arith.index_cast %parallel_loop3A_803 : i32 to index
          %parallel_loop3A_805 = arith.index_cast %parallel_loop3A_802 : i32 to index
          %parallel_loop3A_806 = arith.constant 48 : index
          %parallel_loop3A_807 = tpu.vector_load %arg9[%parallel_loop3A_804, %parallel_loop3A_805, %parallel_loop3A_806] {strides = array<i32>} : memref<3x160x128xf32, #tpu.memory_space<vmem>>, vector<16xf32>,
          %parallel_loop3A_808 = arith.mulf %parallel_loop3A_405, %parallel_loop3A_807 : vector<16xf32>
          %parallel_loop3A_809 = arith.constant 10 : i32
          %parallel_loop3A_810 = arith.muli %parallel_loop3A_392, %parallel_loop3A_809 : i32
          %parallel_loop3A_811 = arith.constant 4 : i32
          %parallel_loop3A_812 = arith.addi %parallel_loop3A_810, %parallel_loop3A_811 : i32
          %parallel_loop3A_813 = arith.constant 0 : i32
          %parallel_loop3A_814 = arith.index_cast %parallel_loop3A_813 : i32 to index
          %parallel_loop3A_815 = arith.index_cast %parallel_loop3A_812 : i32 to index
          %parallel_loop3A_816 = arith.constant 48 : index
          %parallel_loop3A_817 = tpu.vector_load %arg9[%parallel_loop3A_814, %parallel_loop3A_815, %parallel_loop3A_816] {strides = array<i32>} : memref<3x160x128xf32, #tpu.memory_space<vmem>>, vector<16xf32>,
          %parallel_loop3A_818 = arith.mulf %parallel_loop3A_408, %parallel_loop3A_817 : vector<16xf32>
          %parallel_loop3A_819 = arith.constant 10 : i32
          %parallel_loop3A_820 = arith.muli %parallel_loop3A_392, %parallel_loop3A_819 : i32
          %parallel_loop3A_821 = arith.constant 5 : i32
          %parallel_loop3A_822 = arith.addi %parallel_loop3A_820, %parallel_loop3A_821 : i32
          %parallel_loop3A_823 = arith.constant 0 : i32
          %parallel_loop3A_824 = arith.index_cast %parallel_loop3A_823 : i32 to index
          %parallel_loop3A_825 = arith.index_cast %parallel_loop3A_822 : i32 to index
          %parallel_loop3A_826 = arith.constant 48 : index
          %parallel_loop3A_827 = tpu.vector_load %arg9[%parallel_loop3A_824, %parallel_loop3A_825, %parallel_loop3A_826] {strides = array<i32>} : memref<3x160x128xf32, #tpu.memory_space<vmem>>, vector<16xf32>,
          %parallel_loop3A_828 = arith.mulf %parallel_loop3A_411, %parallel_loop3A_827 : vector<16xf32>
          %parallel_loop3A_829 = arith.constant 10 : i32
          %parallel_loop3A_830 = arith.muli %parallel_loop3A_392, %parallel_loop3A_829 : i32
          %parallel_loop3A_831 = arith.constant 6 : i32
          %parallel_loop3A_832 = arith.addi %parallel_loop3A_830, %parallel_loop3A_831 : i32
          %parallel_loop3A_833 = arith.constant 0 : i32
          %parallel_loop3A_834 = arith.index_cast %parallel_loop3A_833 : i32 to index
          %parallel_loop3A_835 = arith.index_cast %parallel_loop3A_832 : i32 to index
          %parallel_loop3A_836 = arith.constant 48 : index
          %parallel_loop3A_837 = tpu.vector_load %arg9[%parallel_loop3A_834, %parallel_loop3A_835, %parallel_loop3A_836] {strides = array<i32>} : memref<3x160x128xf32, #tpu.memory_space<vmem>>, vector<16xf32>,
          %parallel_loop3A_838 = arith.mulf %parallel_loop3A_414, %parallel_loop3A_837 : vector<16xf32>
          %parallel_loop3A_839 = arith.constant 10 : i32
          %parallel_loop3A_840 = arith.muli %parallel_loop3A_392, %parallel_loop3A_839 : i32
          %parallel_loop3A_841 = arith.constant 7 : i32
          %parallel_loop3A_842 = arith.addi %parallel_loop3A_840, %parallel_loop3A_841 : i32
          %parallel_loop3A_843 = arith.constant 0 : i32
          %parallel_loop3A_844 = arith.index_cast %parallel_loop3A_843 : i32 to index
          %parallel_loop3A_845 = arith.index_cast %parallel_loop3A_842 : i32 to index
          %parallel_loop3A_846 = arith.constant 48 : index
          %parallel_loop3A_847 = tpu.vector_load %arg9[%parallel_loop3A_844, %parallel_loop3A_845, %parallel_loop3A_846] {strides = array<i32>} : memref<3x160x128xf32, #tpu.memory_space<vmem>>, vector<16xf32>,
          %parallel_loop3A_848 = arith.mulf %parallel_loop3A_417, %parallel_loop3A_847 : vector<16xf32>
          %parallel_loop3A_849 = arith.constant 10 : i32
          %parallel_loop3A_850 = arith.muli %parallel_loop3A_392, %parallel_loop3A_849 : i32
          %parallel_loop3A_851 = arith.constant 8 : i32
          %parallel_loop3A_852 = arith.addi %parallel_loop3A_850, %parallel_loop3A_851 : i32
          %parallel_loop3A_853 = arith.constant 0 : i32
          %parallel_loop3A_854 = arith.index_cast %parallel_loop3A_853 : i32 to index
          %parallel_loop3A_855 = arith.index_cast %parallel_loop3A_852 : i32 to index
          %parallel_loop3A_856 = arith.constant 48 : index
          %parallel_loop3A_857 = tpu.vector_load %arg9[%parallel_loop3A_854, %parallel_loop3A_855, %parallel_loop3A_856] {strides = array<i32>} : memref<3x160x128xf32, #tpu.memory_space<vmem>>, vector<16xf32>,
          %parallel_loop3A_858 = arith.mulf %parallel_loop3A_420, %parallel_loop3A_857 : vector<16xf32>
          %parallel_loop3A_859 = arith.constant 10 : i32
          %parallel_loop3A_860 = arith.muli %parallel_loop3A_392, %parallel_loop3A_859 : i32
          %parallel_loop3A_861 = arith.constant 9 : i32
          %parallel_loop3A_862 = arith.addi %parallel_loop3A_860, %parallel_loop3A_861 : i32
          %parallel_loop3A_863 = arith.constant 0 : i32
          %parallel_loop3A_864 = arith.index_cast %parallel_loop3A_863 : i32 to index
          %parallel_loop3A_865 = arith.index_cast %parallel_loop3A_862 : i32 to index
          %parallel_loop3A_866 = arith.constant 48 : index
          %parallel_loop3A_867 = tpu.vector_load %arg9[%parallel_loop3A_864, %parallel_loop3A_865, %parallel_loop3A_866] {strides = array<i32>} : memref<3x160x128xf32, #tpu.memory_space<vmem>>, vector<16xf32>,
          %parallel_loop3A_868 = arith.mulf %parallel_loop3A_423, %parallel_loop3A_867 : vector<16xf32>
          %parallel_loop3A_869 = arith.addf %parallel_loop3A_778, %parallel_loop3A_788 : vector<16xf32>
          %parallel_loop3A_870 = arith.addf %parallel_loop3A_798, %parallel_loop3A_808 : vector<16xf32>
          %parallel_loop3A_871 = arith.addf %parallel_loop3A_818, %parallel_loop3A_828 : vector<16xf32>
          %parallel_loop3A_872 = arith.addf %parallel_loop3A_838, %parallel_loop3A_848 : vector<16xf32>
          %parallel_loop3A_873 = arith.addf %parallel_loop3A_858, %parallel_loop3A_868 : vector<16xf32>
          %parallel_loop3A_874 = arith.addf %parallel_loop3A_869, %parallel_loop3A_870 : vector<16xf32>
          %parallel_loop3A_875 = arith.addf %parallel_loop3A_871, %parallel_loop3A_872 : vector<16xf32>
          %parallel_loop3A_876 = arith.addf %parallel_loop3A_874, %parallel_loop3A_875 : vector<16xf32>
          %parallel_loop3A_877 = arith.addf %parallel_loop3A_876, %parallel_loop3A_873 : vector<16xf32>
          %parallel_loop3A_878 = arith.constant 0.000000e+00 : f32
          %parallel_loop3A_879 = vector.broadcast %parallel_loop3A_878 : f32 to vector<16xf32>
          %parallel_loop3A_880 = arith.maximumf %parallel_loop3A_877, %parallel_loop3A_879 : vector<16xf32>
          %parallel_loop3A_881 = arith.index_cast %parallel_loop3A_392 : i32 to index
          %parallel_loop3A_882 = arith.constant 48 : index
          %parallel_loop3A_883 = tpu.vector_load %arg11[%parallel_loop3A_881, %parallel_loop3A_882] {strides = array<i32>} : memref<16x128xf32, #tpu.memory_space<vmem>>, vector<16xf32>,
          tpu.vector_store %arg11[%parallel_loop3A_881, %parallel_loop3A_882], %parallel_loop3A_880 {strides = array<i32>} : memref<16x128xf32, #tpu.memory_space<vmem>>, vector<16xf32>,
          %parallel_loop3A_884 = arith.constant 10 : i32
          %parallel_loop3A_885 = arith.muli %parallel_loop3A_392, %parallel_loop3A_884 : i32
          %parallel_loop3A_886 = arith.constant 0 : i32
          %parallel_loop3A_887 = arith.addi %parallel_loop3A_885, %parallel_loop3A_886 : i32
          %parallel_loop3A_888 = arith.constant 0 : i32
          %parallel_loop3A_889 = arith.index_cast %parallel_loop3A_888 : i32 to index
          %parallel_loop3A_890 = arith.index_cast %parallel_loop3A_887 : i32 to index
          %parallel_loop3A_891 = arith.constant 64 : index
          %parallel_loop3A_892 = tpu.vector_load %arg9[%parallel_loop3A_889, %parallel_loop3A_890, %parallel_loop3A_891] {strides = array<i32>} : memref<3x160x128xf32, #tpu.memory_space<vmem>>, vector<16xf32>,
          %parallel_loop3A_893 = arith.mulf %parallel_loop3A_396, %parallel_loop3A_892 : vector<16xf32>
          %parallel_loop3A_894 = arith.constant 10 : i32
          %parallel_loop3A_895 = arith.muli %parallel_loop3A_392, %parallel_loop3A_894 : i32
          %parallel_loop3A_896 = arith.constant 1 : i32
          %parallel_loop3A_897 = arith.addi %parallel_loop3A_895, %parallel_loop3A_896 : i32
          %parallel_loop3A_898 = arith.constant 0 : i32
          %parallel_loop3A_899 = arith.index_cast %parallel_loop3A_898 : i32 to index
          %parallel_loop3A_900 = arith.index_cast %parallel_loop3A_897 : i32 to index
          %parallel_loop3A_901 = arith.constant 64 : index
          %parallel_loop3A_902 = tpu.vector_load %arg9[%parallel_loop3A_899, %parallel_loop3A_900, %parallel_loop3A_901] {strides = array<i32>} : memref<3x160x128xf32, #tpu.memory_space<vmem>>, vector<16xf32>,
          %parallel_loop3A_903 = arith.mulf %parallel_loop3A_399, %parallel_loop3A_902 : vector<16xf32>
          %parallel_loop3A_904 = arith.constant 10 : i32
          %parallel_loop3A_905 = arith.muli %parallel_loop3A_392, %parallel_loop3A_904 : i32
          %parallel_loop3A_906 = arith.constant 2 : i32
          %parallel_loop3A_907 = arith.addi %parallel_loop3A_905, %parallel_loop3A_906 : i32
          %parallel_loop3A_908 = arith.constant 0 : i32
          %parallel_loop3A_909 = arith.index_cast %parallel_loop3A_908 : i32 to index
          %parallel_loop3A_910 = arith.index_cast %parallel_loop3A_907 : i32 to index
          %parallel_loop3A_911 = arith.constant 64 : index
          %parallel_loop3A_912 = tpu.vector_load %arg9[%parallel_loop3A_909, %parallel_loop3A_910, %parallel_loop3A_911] {strides = array<i32>} : memref<3x160x128xf32, #tpu.memory_space<vmem>>, vector<16xf32>,
          %parallel_loop3A_913 = arith.mulf %parallel_loop3A_402, %parallel_loop3A_912 : vector<16xf32>
          %parallel_loop3A_914 = arith.constant 10 : i32
          %parallel_loop3A_915 = arith.muli %parallel_loop3A_392, %parallel_loop3A_914 : i32
          %parallel_loop3A_916 = arith.constant 3 : i32
          %parallel_loop3A_917 = arith.addi %parallel_loop3A_915, %parallel_loop3A_916 : i32
          %parallel_loop3A_918 = arith.constant 0 : i32
          %parallel_loop3A_919 = arith.index_cast %parallel_loop3A_918 : i32 to index
          %parallel_loop3A_920 = arith.index_cast %parallel_loop3A_917 : i32 to index
          %parallel_loop3A_921 = arith.constant 64 : index
          %parallel_loop3A_922 = tpu.vector_load %arg9[%parallel_loop3A_919, %parallel_loop3A_920, %parallel_loop3A_921] {strides = array<i32>} : memref<3x160x128xf32, #tpu.memory_space<vmem>>, vector<16xf32>,
          %parallel_loop3A_923 = arith.mulf %parallel_loop3A_405, %parallel_loop3A_922 : vector<16xf32>
          %parallel_loop3A_924 = arith.constant 10 : i32
          %parallel_loop3A_925 = arith.muli %parallel_loop3A_392, %parallel_loop3A_924 : i32
          %parallel_loop3A_926 = arith.constant 4 : i32
          %parallel_loop3A_927 = arith.addi %parallel_loop3A_925, %parallel_loop3A_926 : i32
          %parallel_loop3A_928 = arith.constant 0 : i32
          %parallel_loop3A_929 = arith.index_cast %parallel_loop3A_928 : i32 to index
          %parallel_loop3A_930 = arith.index_cast %parallel_loop3A_927 : i32 to index
          %parallel_loop3A_931 = arith.constant 64 : index
          %parallel_loop3A_932 = tpu.vector_load %arg9[%parallel_loop3A_929, %parallel_loop3A_930, %parallel_loop3A_931] {strides = array<i32>} : memref<3x160x128xf32, #tpu.memory_space<vmem>>, vector<16xf32>,
          %parallel_loop3A_933 = arith.mulf %parallel_loop3A_408, %parallel_loop3A_932 : vector<16xf32>
          %parallel_loop3A_934 = arith.constant 10 : i32
          %parallel_loop3A_935 = arith.muli %parallel_loop3A_392, %parallel_loop3A_934 : i32
          %parallel_loop3A_936 = arith.constant 5 : i32
          %parallel_loop3A_937 = arith.addi %parallel_loop3A_935, %parallel_loop3A_936 : i32
          %parallel_loop3A_938 = arith.constant 0 : i32
          %parallel_loop3A_939 = arith.index_cast %parallel_loop3A_938 : i32 to index
          %parallel_loop3A_940 = arith.index_cast %parallel_loop3A_937 : i32 to index
          %parallel_loop3A_941 = arith.constant 64 : index
          %parallel_loop3A_942 = tpu.vector_load %arg9[%parallel_loop3A_939, %parallel_loop3A_940, %parallel_loop3A_941] {strides = array<i32>} : memref<3x160x128xf32, #tpu.memory_space<vmem>>, vector<16xf32>,
          %parallel_loop3A_943 = arith.mulf %parallel_loop3A_411, %parallel_loop3A_942 : vector<16xf32>
          %parallel_loop3A_944 = arith.constant 10 : i32
          %parallel_loop3A_945 = arith.muli %parallel_loop3A_392, %parallel_loop3A_944 : i32
          %parallel_loop3A_946 = arith.constant 6 : i32
          %parallel_loop3A_947 = arith.addi %parallel_loop3A_945, %parallel_loop3A_946 : i32
          %parallel_loop3A_948 = arith.constant 0 : i32
          %parallel_loop3A_949 = arith.index_cast %parallel_loop3A_948 : i32 to index
          %parallel_loop3A_950 = arith.index_cast %parallel_loop3A_947 : i32 to index
          %parallel_loop3A_951 = arith.constant 64 : index
          %parallel_loop3A_952 = tpu.vector_load %arg9[%parallel_loop3A_949, %parallel_loop3A_950, %parallel_loop3A_951] {strides = array<i32>} : memref<3x160x128xf32, #tpu.memory_space<vmem>>, vector<16xf32>,
          %parallel_loop3A_953 = arith.mulf %parallel_loop3A_414, %parallel_loop3A_952 : vector<16xf32>
          %parallel_loop3A_954 = arith.constant 10 : i32
          %parallel_loop3A_955 = arith.muli %parallel_loop3A_392, %parallel_loop3A_954 : i32
          %parallel_loop3A_956 = arith.constant 7 : i32
          %parallel_loop3A_957 = arith.addi %parallel_loop3A_955, %parallel_loop3A_956 : i32
          %parallel_loop3A_958 = arith.constant 0 : i32
          %parallel_loop3A_959 = arith.index_cast %parallel_loop3A_958 : i32 to index
          %parallel_loop3A_960 = arith.index_cast %parallel_loop3A_957 : i32 to index
          %parallel_loop3A_961 = arith.constant 64 : index
          %parallel_loop3A_962 = tpu.vector_load %arg9[%parallel_loop3A_959, %parallel_loop3A_960, %parallel_loop3A_961] {strides = array<i32>} : memref<3x160x128xf32, #tpu.memory_space<vmem>>, vector<16xf32>,
          %parallel_loop3A_963 = arith.mulf %parallel_loop3A_417, %parallel_loop3A_962 : vector<16xf32>
          %parallel_loop3A_964 = arith.constant 10 : i32
          %parallel_loop3A_965 = arith.muli %parallel_loop3A_392, %parallel_loop3A_964 : i32
          %parallel_loop3A_966 = arith.constant 8 : i32
          %parallel_loop3A_967 = arith.addi %parallel_loop3A_965, %parallel_loop3A_966 : i32
          %parallel_loop3A_968 = arith.constant 0 : i32
          %parallel_loop3A_969 = arith.index_cast %parallel_loop3A_968 : i32 to index
          %parallel_loop3A_970 = arith.index_cast %parallel_loop3A_967 : i32 to index
          %parallel_loop3A_971 = arith.constant 64 : index
          %parallel_loop3A_972 = tpu.vector_load %arg9[%parallel_loop3A_969, %parallel_loop3A_970, %parallel_loop3A_971] {strides = array<i32>} : memref<3x160x128xf32, #tpu.memory_space<vmem>>, vector<16xf32>,
          %parallel_loop3A_973 = arith.mulf %parallel_loop3A_420, %parallel_loop3A_972 : vector<16xf32>
          %parallel_loop3A_974 = arith.constant 10 : i32
          %parallel_loop3A_975 = arith.muli %parallel_loop3A_392, %parallel_loop3A_974 : i32
          %parallel_loop3A_976 = arith.constant 9 : i32
          %parallel_loop3A_977 = arith.addi %parallel_loop3A_975, %parallel_loop3A_976 : i32
          %parallel_loop3A_978 = arith.constant 0 : i32
          %parallel_loop3A_979 = arith.index_cast %parallel_loop3A_978 : i32 to index
          %parallel_loop3A_980 = arith.index_cast %parallel_loop3A_977 : i32 to index
          %parallel_loop3A_981 = arith.constant 64 : index
          %parallel_loop3A_982 = tpu.vector_load %arg9[%parallel_loop3A_979, %parallel_loop3A_980, %parallel_loop3A_981] {strides = array<i32>} : memref<3x160x128xf32, #tpu.memory_space<vmem>>, vector<16xf32>,
          %parallel_loop3A_983 = arith.mulf %parallel_loop3A_423, %parallel_loop3A_982 : vector<16xf32>
          %parallel_loop3A_984 = arith.addf %parallel_loop3A_893, %parallel_loop3A_903 : vector<16xf32>
          %parallel_loop3A_985 = arith.addf %parallel_loop3A_913, %parallel_loop3A_923 : vector<16xf32>
          %parallel_loop3A_986 = arith.addf %parallel_loop3A_933, %parallel_loop3A_943 : vector<16xf32>
          %parallel_loop3A_987 = arith.addf %parallel_loop3A_953, %parallel_loop3A_963 : vector<16xf32>
          %parallel_loop3A_988 = arith.addf %parallel_loop3A_973, %parallel_loop3A_983 : vector<16xf32>
          %parallel_loop3A_989 = arith.addf %parallel_loop3A_984, %parallel_loop3A_985 : vector<16xf32>
          %parallel_loop3A_990 = arith.addf %parallel_loop3A_986, %parallel_loop3A_987 : vector<16xf32>
          %parallel_loop3A_991 = arith.addf %parallel_loop3A_989, %parallel_loop3A_990 : vector<16xf32>
          %parallel_loop3A_992 = arith.addf %parallel_loop3A_991, %parallel_loop3A_988 : vector<16xf32>
          %parallel_loop3A_993 = arith.constant 0.000000e+00 : f32
          %parallel_loop3A_994 = vector.broadcast %parallel_loop3A_993 : f32 to vector<16xf32>
          %parallel_loop3A_995 = arith.maximumf %parallel_loop3A_992, %parallel_loop3A_994 : vector<16xf32>
          %parallel_loop3A_996 = arith.index_cast %parallel_loop3A_392 : i32 to index
          %parallel_loop3A_997 = arith.constant 64 : index
          %parallel_loop3A_998 = tpu.vector_load %arg11[%parallel_loop3A_996, %parallel_loop3A_997] {strides = array<i32>} : memref<16x128xf32, #tpu.memory_space<vmem>>, vector<16xf32>,
          tpu.vector_store %arg11[%parallel_loop3A_996, %parallel_loop3A_997], %parallel_loop3A_995 {strides = array<i32>} : memref<16x128xf32, #tpu.memory_space<vmem>>, vector<16xf32>,
          %parallel_loop3A_999 = arith.constant 10 : i32
          %parallel_loop3A_1000 = arith.muli %parallel_loop3A_392, %parallel_loop3A_999 : i32
          %parallel_loop3A_1001 = arith.constant 0 : i32
          %parallel_loop3A_1002 = arith.addi %parallel_loop3A_1000, %parallel_loop3A_1001 : i32
          %parallel_loop3A_1003 = arith.constant 0 : i32
          %parallel_loop3A_1004 = arith.index_cast %parallel_loop3A_1003 : i32 to index
          %parallel_loop3A_1005 = arith.index_cast %parallel_loop3A_1002 : i32 to index
          %parallel_loop3A_1006 = arith.constant 80 : index
          %parallel_loop3A_1007 = tpu.vector_load %arg9[%parallel_loop3A_1004, %parallel_loop3A_1005, %parallel_loop3A_1006] {strides = array<i32>} : memref<3x160x128xf32, #tpu.memory_space<vmem>>, vector<16xf32>,
          %parallel_loop3A_1008 = arith.mulf %parallel_loop3A_396, %parallel_loop3A_1007 : vector<16xf32>
          %parallel_loop3A_1009 = arith.constant 10 : i32
          %parallel_loop3A_1010 = arith.muli %parallel_loop3A_392, %parallel_loop3A_1009 : i32
          %parallel_loop3A_1011 = arith.constant 1 : i32
          %parallel_loop3A_1012 = arith.addi %parallel_loop3A_1010, %parallel_loop3A_1011 : i32
          %parallel_loop3A_1013 = arith.constant 0 : i32
          %parallel_loop3A_1014 = arith.index_cast %parallel_loop3A_1013 : i32 to index
          %parallel_loop3A_1015 = arith.index_cast %parallel_loop3A_1012 : i32 to index
          %parallel_loop3A_1016 = arith.constant 80 : index
          %parallel_loop3A_1017 = tpu.vector_load %arg9[%parallel_loop3A_1014, %parallel_loop3A_1015, %parallel_loop3A_1016] {strides = array<i32>} : memref<3x160x128xf32, #tpu.memory_space<vmem>>, vector<16xf32>,
          %parallel_loop3A_1018 = arith.mulf %parallel_loop3A_399, %parallel_loop3A_1017 : vector<16xf32>
          %parallel_loop3A_1019 = arith.constant 10 : i32
          %parallel_loop3A_1020 = arith.muli %parallel_loop3A_392, %parallel_loop3A_1019 : i32
          %parallel_loop3A_1021 = arith.constant 2 : i32
          %parallel_loop3A_1022 = arith.addi %parallel_loop3A_1020, %parallel_loop3A_1021 : i32
          %parallel_loop3A_1023 = arith.constant 0 : i32
          %parallel_loop3A_1024 = arith.index_cast %parallel_loop3A_1023 : i32 to index
          %parallel_loop3A_1025 = arith.index_cast %parallel_loop3A_1022 : i32 to index
          %parallel_loop3A_1026 = arith.constant 80 : index
          %parallel_loop3A_1027 = tpu.vector_load %arg9[%parallel_loop3A_1024, %parallel_loop3A_1025, %parallel_loop3A_1026] {strides = array<i32>} : memref<3x160x128xf32, #tpu.memory_space<vmem>>, vector<16xf32>,
          %parallel_loop3A_1028 = arith.mulf %parallel_loop3A_402, %parallel_loop3A_1027 : vector<16xf32>
          %parallel_loop3A_1029 = arith.constant 10 : i32
          %parallel_loop3A_1030 = arith.muli %parallel_loop3A_392, %parallel_loop3A_1029 : i32
          %parallel_loop3A_1031 = arith.constant 3 : i32
          %parallel_loop3A_1032 = arith.addi %parallel_loop3A_1030, %parallel_loop3A_1031 : i32
          %parallel_loop3A_1033 = arith.constant 0 : i32
          %parallel_loop3A_1034 = arith.index_cast %parallel_loop3A_1033 : i32 to index
          %parallel_loop3A_1035 = arith.index_cast %parallel_loop3A_1032 : i32 to index
          %parallel_loop3A_1036 = arith.constant 80 : index
          %parallel_loop3A_1037 = tpu.vector_load %arg9[%parallel_loop3A_1034, %parallel_loop3A_1035, %parallel_loop3A_1036] {strides = array<i32>} : memref<3x160x128xf32, #tpu.memory_space<vmem>>, vector<16xf32>,
          %parallel_loop3A_1038 = arith.mulf %parallel_loop3A_405, %parallel_loop3A_1037 : vector<16xf32>
          %parallel_loop3A_1039 = arith.constant 10 : i32
          %parallel_loop3A_1040 = arith.muli %parallel_loop3A_392, %parallel_loop3A_1039 : i32
          %parallel_loop3A_1041 = arith.constant 4 : i32
          %parallel_loop3A_1042 = arith.addi %parallel_loop3A_1040, %parallel_loop3A_1041 : i32
          %parallel_loop3A_1043 = arith.constant 0 : i32
          %parallel_loop3A_1044 = arith.index_cast %parallel_loop3A_1043 : i32 to index
          %parallel_loop3A_1045 = arith.index_cast %parallel_loop3A_1042 : i32 to index
          %parallel_loop3A_1046 = arith.constant 80 : index
          %parallel_loop3A_1047 = tpu.vector_load %arg9[%parallel_loop3A_1044, %parallel_loop3A_1045, %parallel_loop3A_1046] {strides = array<i32>} : memref<3x160x128xf32, #tpu.memory_space<vmem>>, vector<16xf32>,
          %parallel_loop3A_1048 = arith.mulf %parallel_loop3A_408, %parallel_loop3A_1047 : vector<16xf32>
          %parallel_loop3A_1049 = arith.constant 10 : i32
          %parallel_loop3A_1050 = arith.muli %parallel_loop3A_392, %parallel_loop3A_1049 : i32
          %parallel_loop3A_1051 = arith.constant 5 : i32
          %parallel_loop3A_1052 = arith.addi %parallel_loop3A_1050, %parallel_loop3A_1051 : i32
          %parallel_loop3A_1053 = arith.constant 0 : i32
          %parallel_loop3A_1054 = arith.index_cast %parallel_loop3A_1053 : i32 to index
          %parallel_loop3A_1055 = arith.index_cast %parallel_loop3A_1052 : i32 to index
          %parallel_loop3A_1056 = arith.constant 80 : index
          %parallel_loop3A_1057 = tpu.vector_load %arg9[%parallel_loop3A_1054, %parallel_loop3A_1055, %parallel_loop3A_1056] {strides = array<i32>} : memref<3x160x128xf32, #tpu.memory_space<vmem>>, vector<16xf32>,
          %parallel_loop3A_1058 = arith.mulf %parallel_loop3A_411, %parallel_loop3A_1057 : vector<16xf32>
          %parallel_loop3A_1059 = arith.constant 10 : i32
          %parallel_loop3A_1060 = arith.muli %parallel_loop3A_392, %parallel_loop3A_1059 : i32
          %parallel_loop3A_1061 = arith.constant 6 : i32
          %parallel_loop3A_1062 = arith.addi %parallel_loop3A_1060, %parallel_loop3A_1061 : i32
          %parallel_loop3A_1063 = arith.constant 0 : i32
          %parallel_loop3A_1064 = arith.index_cast %parallel_loop3A_1063 : i32 to index
          %parallel_loop3A_1065 = arith.index_cast %parallel_loop3A_1062 : i32 to index
          %parallel_loop3A_1066 = arith.constant 80 : index
          %parallel_loop3A_1067 = tpu.vector_load %arg9[%parallel_loop3A_1064, %parallel_loop3A_1065, %parallel_loop3A_1066] {strides = array<i32>} : memref<3x160x128xf32, #tpu.memory_space<vmem>>, vector<16xf32>,
          %parallel_loop3A_1068 = arith.mulf %parallel_loop3A_414, %parallel_loop3A_1067 : vector<16xf32>
          %parallel_loop3A_1069 = arith.constant 10 : i32
          %parallel_loop3A_1070 = arith.muli %parallel_loop3A_392, %parallel_loop3A_1069 : i32
          %parallel_loop3A_1071 = arith.constant 7 : i32
          %parallel_loop3A_1072 = arith.addi %parallel_loop3A_1070, %parallel_loop3A_1071 : i32
          %parallel_loop3A_1073 = arith.constant 0 : i32
          %parallel_loop3A_1074 = arith.index_cast %parallel_loop3A_1073 : i32 to index
          %parallel_loop3A_1075 = arith.index_cast %parallel_loop3A_1072 : i32 to index
          %parallel_loop3A_1076 = arith.constant 80 : index
          %parallel_loop3A_1077 = tpu.vector_load %arg9[%parallel_loop3A_1074, %parallel_loop3A_1075, %parallel_loop3A_1076] {strides = array<i32>} : memref<3x160x128xf32, #tpu.memory_space<vmem>>, vector<16xf32>,
          %parallel_loop3A_1078 = arith.mulf %parallel_loop3A_417, %parallel_loop3A_1077 : vector<16xf32>
          %parallel_loop3A_1079 = arith.constant 10 : i32
          %parallel_loop3A_1080 = arith.muli %parallel_loop3A_392, %parallel_loop3A_1079 : i32
          %parallel_loop3A_1081 = arith.constant 8 : i32
          %parallel_loop3A_1082 = arith.addi %parallel_loop3A_1080, %parallel_loop3A_1081 : i32
          %parallel_loop3A_1083 = arith.constant 0 : i32
          %parallel_loop3A_1084 = arith.index_cast %parallel_loop3A_1083 : i32 to index
          %parallel_loop3A_1085 = arith.index_cast %parallel_loop3A_1082 : i32 to index
          %parallel_loop3A_1086 = arith.constant 80 : index
          %parallel_loop3A_1087 = tpu.vector_load %arg9[%parallel_loop3A_1084, %parallel_loop3A_1085, %parallel_loop3A_1086] {strides = array<i32>} : memref<3x160x128xf32, #tpu.memory_space<vmem>>, vector<16xf32>,
          %parallel_loop3A_1088 = arith.mulf %parallel_loop3A_420, %parallel_loop3A_1087 : vector<16xf32>
          %parallel_loop3A_1089 = arith.constant 10 : i32
          %parallel_loop3A_1090 = arith.muli %parallel_loop3A_392, %parallel_loop3A_1089 : i32
          %parallel_loop3A_1091 = arith.constant 9 : i32
          %parallel_loop3A_1092 = arith.addi %parallel_loop3A_1090, %parallel_loop3A_1091 : i32
          %parallel_loop3A_1093 = arith.constant 0 : i32
          %parallel_loop3A_1094 = arith.index_cast %parallel_loop3A_1093 : i32 to index
          %parallel_loop3A_1095 = arith.index_cast %parallel_loop3A_1092 : i32 to index
          %parallel_loop3A_1096 = arith.constant 80 : index
          %parallel_loop3A_1097 = tpu.vector_load %arg9[%parallel_loop3A_1094, %parallel_loop3A_1095, %parallel_loop3A_1096] {strides = array<i32>} : memref<3x160x128xf32, #tpu.memory_space<vmem>>, vector<16xf32>,
          %parallel_loop3A_1098 = arith.mulf %parallel_loop3A_423, %parallel_loop3A_1097 : vector<16xf32>
          %parallel_loop3A_1099 = arith.addf %parallel_loop3A_1008, %parallel_loop3A_1018 : vector<16xf32>
          %parallel_loop3A_1100 = arith.addf %parallel_loop3A_1028, %parallel_loop3A_1038 : vector<16xf32>
          %parallel_loop3A_1101 = arith.addf %parallel_loop3A_1048, %parallel_loop3A_1058 : vector<16xf32>
          %parallel_loop3A_1102 = arith.addf %parallel_loop3A_1068, %parallel_loop3A_1078 : vector<16xf32>
          %parallel_loop3A_1103 = arith.addf %parallel_loop3A_1088, %parallel_loop3A_1098 : vector<16xf32>
          %parallel_loop3A_1104 = arith.addf %parallel_loop3A_1099, %parallel_loop3A_1100 : vector<16xf32>
          %parallel_loop3A_1105 = arith.addf %parallel_loop3A_1101, %parallel_loop3A_1102 : vector<16xf32>
          %parallel_loop3A_1106 = arith.addf %parallel_loop3A_1104, %parallel_loop3A_1105 : vector<16xf32>
          %parallel_loop3A_1107 = arith.addf %parallel_loop3A_1106, %parallel_loop3A_1103 : vector<16xf32>
          %parallel_loop3A_1108 = arith.constant 0.000000e+00 : f32
          %parallel_loop3A_1109 = vector.broadcast %parallel_loop3A_1108 : f32 to vector<16xf32>
          %parallel_loop3A_1110 = arith.maximumf %parallel_loop3A_1107, %parallel_loop3A_1109 : vector<16xf32>
          %parallel_loop3A_1111 = arith.index_cast %parallel_loop3A_392 : i32 to index
          %parallel_loop3A_1112 = arith.constant 80 : index
          %parallel_loop3A_1113 = tpu.vector_load %arg11[%parallel_loop3A_1111, %parallel_loop3A_1112] {strides = array<i32>} : memref<16x128xf32, #tpu.memory_space<vmem>>, vector<16xf32>,
          tpu.vector_store %arg11[%parallel_loop3A_1111, %parallel_loop3A_1112], %parallel_loop3A_1110 {strides = array<i32>} : memref<16x128xf32, #tpu.memory_space<vmem>>, vector<16xf32>,
          %parallel_loop3A_1114 = arith.constant 10 : i32
          %parallel_loop3A_1115 = arith.muli %parallel_loop3A_392, %parallel_loop3A_1114 : i32
          %parallel_loop3A_1116 = arith.constant 0 : i32
          %parallel_loop3A_1117 = arith.addi %parallel_loop3A_1115, %parallel_loop3A_1116 : i32
          %parallel_loop3A_1118 = arith.constant 0 : i32
          %parallel_loop3A_1119 = arith.index_cast %parallel_loop3A_1118 : i32 to index
          %parallel_loop3A_1120 = arith.index_cast %parallel_loop3A_1117 : i32 to index
          %parallel_loop3A_1121 = arith.constant 96 : index
          %parallel_loop3A_1122 = tpu.vector_load %arg9[%parallel_loop3A_1119, %parallel_loop3A_1120, %parallel_loop3A_1121] {strides = array<i32>} : memref<3x160x128xf32, #tpu.memory_space<vmem>>, vector<16xf32>,
          %parallel_loop3A_1123 = arith.mulf %parallel_loop3A_396, %parallel_loop3A_1122 : vector<16xf32>
          %parallel_loop3A_1124 = arith.constant 10 : i32
          %parallel_loop3A_1125 = arith.muli %parallel_loop3A_392, %parallel_loop3A_1124 : i32
          %parallel_loop3A_1126 = arith.constant 1 : i32
          %parallel_loop3A_1127 = arith.addi %parallel_loop3A_1125, %parallel_loop3A_1126 : i32
          %parallel_loop3A_1128 = arith.constant 0 : i32
          %parallel_loop3A_1129 = arith.index_cast %parallel_loop3A_1128 : i32 to index
          %parallel_loop3A_1130 = arith.index_cast %parallel_loop3A_1127 : i32 to index
          %parallel_loop3A_1131 = arith.constant 96 : index
          %parallel_loop3A_1132 = tpu.vector_load %arg9[%parallel_loop3A_1129, %parallel_loop3A_1130, %parallel_loop3A_1131] {strides = array<i32>} : memref<3x160x128xf32, #tpu.memory_space<vmem>>, vector<16xf32>,
          %parallel_loop3A_1133 = arith.mulf %parallel_loop3A_399, %parallel_loop3A_1132 : vector<16xf32>
          %parallel_loop3A_1134 = arith.constant 10 : i32
          %parallel_loop3A_1135 = arith.muli %parallel_loop3A_392, %parallel_loop3A_1134 : i32
          %parallel_loop3A_1136 = arith.constant 2 : i32
          %parallel_loop3A_1137 = arith.addi %parallel_loop3A_1135, %parallel_loop3A_1136 : i32
          %parallel_loop3A_1138 = arith.constant 0 : i32
          %parallel_loop3A_1139 = arith.index_cast %parallel_loop3A_1138 : i32 to index
          %parallel_loop3A_1140 = arith.index_cast %parallel_loop3A_1137 : i32 to index
          %parallel_loop3A_1141 = arith.constant 96 : index
          %parallel_loop3A_1142 = tpu.vector_load %arg9[%parallel_loop3A_1139, %parallel_loop3A_1140, %parallel_loop3A_1141] {strides = array<i32>} : memref<3x160x128xf32, #tpu.memory_space<vmem>>, vector<16xf32>,
          %parallel_loop3A_1143 = arith.mulf %parallel_loop3A_402, %parallel_loop3A_1142 : vector<16xf32>
          %parallel_loop3A_1144 = arith.constant 10 : i32
          %parallel_loop3A_1145 = arith.muli %parallel_loop3A_392, %parallel_loop3A_1144 : i32
          %parallel_loop3A_1146 = arith.constant 3 : i32
          %parallel_loop3A_1147 = arith.addi %parallel_loop3A_1145, %parallel_loop3A_1146 : i32
          %parallel_loop3A_1148 = arith.constant 0 : i32
          %parallel_loop3A_1149 = arith.index_cast %parallel_loop3A_1148 : i32 to index
          %parallel_loop3A_1150 = arith.index_cast %parallel_loop3A_1147 : i32 to index
          %parallel_loop3A_1151 = arith.constant 96 : index
          %parallel_loop3A_1152 = tpu.vector_load %arg9[%parallel_loop3A_1149, %parallel_loop3A_1150, %parallel_loop3A_1151] {strides = array<i32>} : memref<3x160x128xf32, #tpu.memory_space<vmem>>, vector<16xf32>,
          %parallel_loop3A_1153 = arith.mulf %parallel_loop3A_405, %parallel_loop3A_1152 : vector<16xf32>
          %parallel_loop3A_1154 = arith.constant 10 : i32
          %parallel_loop3A_1155 = arith.muli %parallel_loop3A_392, %parallel_loop3A_1154 : i32
          %parallel_loop3A_1156 = arith.constant 4 : i32
          %parallel_loop3A_1157 = arith.addi %parallel_loop3A_1155, %parallel_loop3A_1156 : i32
          %parallel_loop3A_1158 = arith.constant 0 : i32
          %parallel_loop3A_1159 = arith.index_cast %parallel_loop3A_1158 : i32 to index
          %parallel_loop3A_1160 = arith.index_cast %parallel_loop3A_1157 : i32 to index
          %parallel_loop3A_1161 = arith.constant 96 : index
          %parallel_loop3A_1162 = tpu.vector_load %arg9[%parallel_loop3A_1159, %parallel_loop3A_1160, %parallel_loop3A_1161] {strides = array<i32>} : memref<3x160x128xf32, #tpu.memory_space<vmem>>, vector<16xf32>,
          %parallel_loop3A_1163 = arith.mulf %parallel_loop3A_408, %parallel_loop3A_1162 : vector<16xf32>
          %parallel_loop3A_1164 = arith.constant 10 : i32
          %parallel_loop3A_1165 = arith.muli %parallel_loop3A_392, %parallel_loop3A_1164 : i32
          %parallel_loop3A_1166 = arith.constant 5 : i32
          %parallel_loop3A_1167 = arith.addi %parallel_loop3A_1165, %parallel_loop3A_1166 : i32
          %parallel_loop3A_1168 = arith.constant 0 : i32
          %parallel_loop3A_1169 = arith.index_cast %parallel_loop3A_1168 : i32 to index
          %parallel_loop3A_1170 = arith.index_cast %parallel_loop3A_1167 : i32 to index
          %parallel_loop3A_1171 = arith.constant 96 : index
          %parallel_loop3A_1172 = tpu.vector_load %arg9[%parallel_loop3A_1169, %parallel_loop3A_1170, %parallel_loop3A_1171] {strides = array<i32>} : memref<3x160x128xf32, #tpu.memory_space<vmem>>, vector<16xf32>,
          %parallel_loop3A_1173 = arith.mulf %parallel_loop3A_411, %parallel_loop3A_1172 : vector<16xf32>
          %parallel_loop3A_1174 = arith.constant 10 : i32
          %parallel_loop3A_1175 = arith.muli %parallel_loop3A_392, %parallel_loop3A_1174 : i32
          %parallel_loop3A_1176 = arith.constant 6 : i32
          %parallel_loop3A_1177 = arith.addi %parallel_loop3A_1175, %parallel_loop3A_1176 : i32
          %parallel_loop3A_1178 = arith.constant 0 : i32
          %parallel_loop3A_1179 = arith.index_cast %parallel_loop3A_1178 : i32 to index
          %parallel_loop3A_1180 = arith.index_cast %parallel_loop3A_1177 : i32 to index
          %parallel_loop3A_1181 = arith.constant 96 : index
          %parallel_loop3A_1182 = tpu.vector_load %arg9[%parallel_loop3A_1179, %parallel_loop3A_1180, %parallel_loop3A_1181] {strides = array<i32>} : memref<3x160x128xf32, #tpu.memory_space<vmem>>, vector<16xf32>,
          %parallel_loop3A_1183 = arith.mulf %parallel_loop3A_414, %parallel_loop3A_1182 : vector<16xf32>
          %parallel_loop3A_1184 = arith.constant 10 : i32
          %parallel_loop3A_1185 = arith.muli %parallel_loop3A_392, %parallel_loop3A_1184 : i32
          %parallel_loop3A_1186 = arith.constant 7 : i32
          %parallel_loop3A_1187 = arith.addi %parallel_loop3A_1185, %parallel_loop3A_1186 : i32
          %parallel_loop3A_1188 = arith.constant 0 : i32
          %parallel_loop3A_1189 = arith.index_cast %parallel_loop3A_1188 : i32 to index
          %parallel_loop3A_1190 = arith.index_cast %parallel_loop3A_1187 : i32 to index
          %parallel_loop3A_1191 = arith.constant 96 : index
          %parallel_loop3A_1192 = tpu.vector_load %arg9[%parallel_loop3A_1189, %parallel_loop3A_1190, %parallel_loop3A_1191] {strides = array<i32>} : memref<3x160x128xf32, #tpu.memory_space<vmem>>, vector<16xf32>,
          %parallel_loop3A_1193 = arith.mulf %parallel_loop3A_417, %parallel_loop3A_1192 : vector<16xf32>
          %parallel_loop3A_1194 = arith.constant 10 : i32
          %parallel_loop3A_1195 = arith.muli %parallel_loop3A_392, %parallel_loop3A_1194 : i32
          %parallel_loop3A_1196 = arith.constant 8 : i32
          %parallel_loop3A_1197 = arith.addi %parallel_loop3A_1195, %parallel_loop3A_1196 : i32
          %parallel_loop3A_1198 = arith.constant 0 : i32
          %parallel_loop3A_1199 = arith.index_cast %parallel_loop3A_1198 : i32 to index
          %parallel_loop3A_1200 = arith.index_cast %parallel_loop3A_1197 : i32 to index
          %parallel_loop3A_1201 = arith.constant 96 : index
          %parallel_loop3A_1202 = tpu.vector_load %arg9[%parallel_loop3A_1199, %parallel_loop3A_1200, %parallel_loop3A_1201] {strides = array<i32>} : memref<3x160x128xf32, #tpu.memory_space<vmem>>, vector<16xf32>,
          %parallel_loop3A_1203 = arith.mulf %parallel_loop3A_420, %parallel_loop3A_1202 : vector<16xf32>
          %parallel_loop3A_1204 = arith.constant 10 : i32
          %parallel_loop3A_1205 = arith.muli %parallel_loop3A_392, %parallel_loop3A_1204 : i32
          %parallel_loop3A_1206 = arith.constant 9 : i32
          %parallel_loop3A_1207 = arith.addi %parallel_loop3A_1205, %parallel_loop3A_1206 : i32
          %parallel_loop3A_1208 = arith.constant 0 : i32
          %parallel_loop3A_1209 = arith.index_cast %parallel_loop3A_1208 : i32 to index
          %parallel_loop3A_1210 = arith.index_cast %parallel_loop3A_1207 : i32 to index
          %parallel_loop3A_1211 = arith.constant 96 : index
          %parallel_loop3A_1212 = tpu.vector_load %arg9[%parallel_loop3A_1209, %parallel_loop3A_1210, %parallel_loop3A_1211] {strides = array<i32>} : memref<3x160x128xf32, #tpu.memory_space<vmem>>, vector<16xf32>,
          %parallel_loop3A_1213 = arith.mulf %parallel_loop3A_423, %parallel_loop3A_1212 : vector<16xf32>
          %parallel_loop3A_1214 = arith.addf %parallel_loop3A_1123, %parallel_loop3A_1133 : vector<16xf32>
          %parallel_loop3A_1215 = arith.addf %parallel_loop3A_1143, %parallel_loop3A_1153 : vector<16xf32>
          %parallel_loop3A_1216 = arith.addf %parallel_loop3A_1163, %parallel_loop3A_1173 : vector<16xf32>
          %parallel_loop3A_1217 = arith.addf %parallel_loop3A_1183, %parallel_loop3A_1193 : vector<16xf32>
          %parallel_loop3A_1218 = arith.addf %parallel_loop3A_1203, %parallel_loop3A_1213 : vector<16xf32>
          %parallel_loop3A_1219 = arith.addf %parallel_loop3A_1214, %parallel_loop3A_1215 : vector<16xf32>
          %parallel_loop3A_1220 = arith.addf %parallel_loop3A_1216, %parallel_loop3A_1217 : vector<16xf32>
          %parallel_loop3A_1221 = arith.addf %parallel_loop3A_1219, %parallel_loop3A_1220 : vector<16xf32>
          %parallel_loop3A_1222 = arith.addf %parallel_loop3A_1221, %parallel_loop3A_1218 : vector<16xf32>
          %parallel_loop3A_1223 = arith.constant 0.000000e+00 : f32
          %parallel_loop3A_1224 = vector.broadcast %parallel_loop3A_1223 : f32 to vector<16xf32>
          %parallel_loop3A_1225 = arith.maximumf %parallel_loop3A_1222, %parallel_loop3A_1224 : vector<16xf32>
          %parallel_loop3A_1226 = arith.index_cast %parallel_loop3A_392 : i32 to index
          %parallel_loop3A_1227 = arith.constant 96 : index
          %parallel_loop3A_1228 = tpu.vector_load %arg11[%parallel_loop3A_1226, %parallel_loop3A_1227] {strides = array<i32>} : memref<16x128xf32, #tpu.memory_space<vmem>>, vector<16xf32>,
          tpu.vector_store %arg11[%parallel_loop3A_1226, %parallel_loop3A_1227], %parallel_loop3A_1225 {strides = array<i32>} : memref<16x128xf32, #tpu.memory_space<vmem>>, vector<16xf32>,
          %parallel_loop3A_1229 = arith.constant 10 : i32
          %parallel_loop3A_1230 = arith.muli %parallel_loop3A_392, %parallel_loop3A_1229 : i32
          %parallel_loop3A_1231 = arith.constant 0 : i32
          %parallel_loop3A_1232 = arith.addi %parallel_loop3A_1230, %parallel_loop3A_1231 : i32
          %parallel_loop3A_1233 = arith.constant 0 : i32
          %parallel_loop3A_1234 = arith.index_cast %parallel_loop3A_1233 : i32 to index
          %parallel_loop3A_1235 = arith.index_cast %parallel_loop3A_1232 : i32 to index
          %parallel_loop3A_1236 = arith.constant 112 : index
          %parallel_loop3A_1237 = tpu.vector_load %arg9[%parallel_loop3A_1234, %parallel_loop3A_1235, %parallel_loop3A_1236] {strides = array<i32>} : memref<3x160x128xf32, #tpu.memory_space<vmem>>, vector<16xf32>,
          %parallel_loop3A_1238 = arith.mulf %parallel_loop3A_396, %parallel_loop3A_1237 : vector<16xf32>
          %parallel_loop3A_1239 = arith.constant 10 : i32
          %parallel_loop3A_1240 = arith.muli %parallel_loop3A_392, %parallel_loop3A_1239 : i32
          %parallel_loop3A_1241 = arith.constant 1 : i32
          %parallel_loop3A_1242 = arith.addi %parallel_loop3A_1240, %parallel_loop3A_1241 : i32
          %parallel_loop3A_1243 = arith.constant 0 : i32
          %parallel_loop3A_1244 = arith.index_cast %parallel_loop3A_1243 : i32 to index
          %parallel_loop3A_1245 = arith.index_cast %parallel_loop3A_1242 : i32 to index
          %parallel_loop3A_1246 = arith.constant 112 : index
          %parallel_loop3A_1247 = tpu.vector_load %arg9[%parallel_loop3A_1244, %parallel_loop3A_1245, %parallel_loop3A_1246] {strides = array<i32>} : memref<3x160x128xf32, #tpu.memory_space<vmem>>, vector<16xf32>,
          %parallel_loop3A_1248 = arith.mulf %parallel_loop3A_399, %parallel_loop3A_1247 : vector<16xf32>
          %parallel_loop3A_1249 = arith.constant 10 : i32
          %parallel_loop3A_1250 = arith.muli %parallel_loop3A_392, %parallel_loop3A_1249 : i32
          %parallel_loop3A_1251 = arith.constant 2 : i32
          %parallel_loop3A_1252 = arith.addi %parallel_loop3A_1250, %parallel_loop3A_1251 : i32
          %parallel_loop3A_1253 = arith.constant 0 : i32
          %parallel_loop3A_1254 = arith.index_cast %parallel_loop3A_1253 : i32 to index
          %parallel_loop3A_1255 = arith.index_cast %parallel_loop3A_1252 : i32 to index
          %parallel_loop3A_1256 = arith.constant 112 : index
          %parallel_loop3A_1257 = tpu.vector_load %arg9[%parallel_loop3A_1254, %parallel_loop3A_1255, %parallel_loop3A_1256] {strides = array<i32>} : memref<3x160x128xf32, #tpu.memory_space<vmem>>, vector<16xf32>,
          %parallel_loop3A_1258 = arith.mulf %parallel_loop3A_402, %parallel_loop3A_1257 : vector<16xf32>
          %parallel_loop3A_1259 = arith.constant 10 : i32
          %parallel_loop3A_1260 = arith.muli %parallel_loop3A_392, %parallel_loop3A_1259 : i32
          %parallel_loop3A_1261 = arith.constant 3 : i32
          %parallel_loop3A_1262 = arith.addi %parallel_loop3A_1260, %parallel_loop3A_1261 : i32
          %parallel_loop3A_1263 = arith.constant 0 : i32
          %parallel_loop3A_1264 = arith.index_cast %parallel_loop3A_1263 : i32 to index
          %parallel_loop3A_1265 = arith.index_cast %parallel_loop3A_1262 : i32 to index
          %parallel_loop3A_1266 = arith.constant 112 : index
          %parallel_loop3A_1267 = tpu.vector_load %arg9[%parallel_loop3A_1264, %parallel_loop3A_1265, %parallel_loop3A_1266] {strides = array<i32>} : memref<3x160x128xf32, #tpu.memory_space<vmem>>, vector<16xf32>,
          %parallel_loop3A_1268 = arith.mulf %parallel_loop3A_405, %parallel_loop3A_1267 : vector<16xf32>
          %parallel_loop3A_1269 = arith.constant 10 : i32
          %parallel_loop3A_1270 = arith.muli %parallel_loop3A_392, %parallel_loop3A_1269 : i32
          %parallel_loop3A_1271 = arith.constant 4 : i32
          %parallel_loop3A_1272 = arith.addi %parallel_loop3A_1270, %parallel_loop3A_1271 : i32
          %parallel_loop3A_1273 = arith.constant 0 : i32
          %parallel_loop3A_1274 = arith.index_cast %parallel_loop3A_1273 : i32 to index
          %parallel_loop3A_1275 = arith.index_cast %parallel_loop3A_1272 : i32 to index
          %parallel_loop3A_1276 = arith.constant 112 : index
          %parallel_loop3A_1277 = tpu.vector_load %arg9[%parallel_loop3A_1274, %parallel_loop3A_1275, %parallel_loop3A_1276] {strides = array<i32>} : memref<3x160x128xf32, #tpu.memory_space<vmem>>, vector<16xf32>,
          %parallel_loop3A_1278 = arith.mulf %parallel_loop3A_408, %parallel_loop3A_1277 : vector<16xf32>
          %parallel_loop3A_1279 = arith.constant 10 : i32
          %parallel_loop3A_1280 = arith.muli %parallel_loop3A_392, %parallel_loop3A_1279 : i32
          %parallel_loop3A_1281 = arith.constant 5 : i32
          %parallel_loop3A_1282 = arith.addi %parallel_loop3A_1280, %parallel_loop3A_1281 : i32
          %parallel_loop3A_1283 = arith.constant 0 : i32
          %parallel_loop3A_1284 = arith.index_cast %parallel_loop3A_1283 : i32 to index
          %parallel_loop3A_1285 = arith.index_cast %parallel_loop3A_1282 : i32 to index
          %parallel_loop3A_1286 = arith.constant 112 : index
          %parallel_loop3A_1287 = tpu.vector_load %arg9[%parallel_loop3A_1284, %parallel_loop3A_1285, %parallel_loop3A_1286] {strides = array<i32>} : memref<3x160x128xf32, #tpu.memory_space<vmem>>, vector<16xf32>,
          %parallel_loop3A_1288 = arith.mulf %parallel_loop3A_411, %parallel_loop3A_1287 : vector<16xf32>
          %parallel_loop3A_1289 = arith.constant 10 : i32
          %parallel_loop3A_1290 = arith.muli %parallel_loop3A_392, %parallel_loop3A_1289 : i32
          %parallel_loop3A_1291 = arith.constant 6 : i32
          %parallel_loop3A_1292 = arith.addi %parallel_loop3A_1290, %parallel_loop3A_1291 : i32
          %parallel_loop3A_1293 = arith.constant 0 : i32
          %parallel_loop3A_1294 = arith.index_cast %parallel_loop3A_1293 : i32 to index
          %parallel_loop3A_1295 = arith.index_cast %parallel_loop3A_1292 : i32 to index
          %parallel_loop3A_1296 = arith.constant 112 : index
          %parallel_loop3A_1297 = tpu.vector_load %arg9[%parallel_loop3A_1294, %parallel_loop3A_1295, %parallel_loop3A_1296] {strides = array<i32>} : memref<3x160x128xf32, #tpu.memory_space<vmem>>, vector<16xf32>,
          %parallel_loop3A_1298 = arith.mulf %parallel_loop3A_414, %parallel_loop3A_1297 : vector<16xf32>
          %parallel_loop3A_1299 = arith.constant 10 : i32
          %parallel_loop3A_1300 = arith.muli %parallel_loop3A_392, %parallel_loop3A_1299 : i32
          %parallel_loop3A_1301 = arith.constant 7 : i32
          %parallel_loop3A_1302 = arith.addi %parallel_loop3A_1300, %parallel_loop3A_1301 : i32
          %parallel_loop3A_1303 = arith.constant 0 : i32
          %parallel_loop3A_1304 = arith.index_cast %parallel_loop3A_1303 : i32 to index
          %parallel_loop3A_1305 = arith.index_cast %parallel_loop3A_1302 : i32 to index
          %parallel_loop3A_1306 = arith.constant 112 : index
          %parallel_loop3A_1307 = tpu.vector_load %arg9[%parallel_loop3A_1304, %parallel_loop3A_1305, %parallel_loop3A_1306] {strides = array<i32>} : memref<3x160x128xf32, #tpu.memory_space<vmem>>, vector<16xf32>,
          %parallel_loop3A_1308 = arith.mulf %parallel_loop3A_417, %parallel_loop3A_1307 : vector<16xf32>
          %parallel_loop3A_1309 = arith.constant 10 : i32
          %parallel_loop3A_1310 = arith.muli %parallel_loop3A_392, %parallel_loop3A_1309 : i32
          %parallel_loop3A_1311 = arith.constant 8 : i32
          %parallel_loop3A_1312 = arith.addi %parallel_loop3A_1310, %parallel_loop3A_1311 : i32
          %parallel_loop3A_1313 = arith.constant 0 : i32
          %parallel_loop3A_1314 = arith.index_cast %parallel_loop3A_1313 : i32 to index
          %parallel_loop3A_1315 = arith.index_cast %parallel_loop3A_1312 : i32 to index
          %parallel_loop3A_1316 = arith.constant 112 : index
          %parallel_loop3A_1317 = tpu.vector_load %arg9[%parallel_loop3A_1314, %parallel_loop3A_1315, %parallel_loop3A_1316] {strides = array<i32>} : memref<3x160x128xf32, #tpu.memory_space<vmem>>, vector<16xf32>,
          %parallel_loop3A_1318 = arith.mulf %parallel_loop3A_420, %parallel_loop3A_1317 : vector<16xf32>
          %parallel_loop3A_1319 = arith.constant 10 : i32
          %parallel_loop3A_1320 = arith.muli %parallel_loop3A_392, %parallel_loop3A_1319 : i32
          %parallel_loop3A_1321 = arith.constant 9 : i32
          %parallel_loop3A_1322 = arith.addi %parallel_loop3A_1320, %parallel_loop3A_1321 : i32
          %parallel_loop3A_1323 = arith.constant 0 : i32
          %parallel_loop3A_1324 = arith.index_cast %parallel_loop3A_1323 : i32 to index
          %parallel_loop3A_1325 = arith.index_cast %parallel_loop3A_1322 : i32 to index
          %parallel_loop3A_1326 = arith.constant 112 : index
          %parallel_loop3A_1327 = tpu.vector_load %arg9[%parallel_loop3A_1324, %parallel_loop3A_1325, %parallel_loop3A_1326] {strides = array<i32>} : memref<3x160x128xf32, #tpu.memory_space<vmem>>, vector<16xf32>,
          %parallel_loop3A_1328 = arith.mulf %parallel_loop3A_423, %parallel_loop3A_1327 : vector<16xf32>
          %parallel_loop3A_1329 = arith.addf %parallel_loop3A_1238, %parallel_loop3A_1248 : vector<16xf32>
          %parallel_loop3A_1330 = arith.addf %parallel_loop3A_1258, %parallel_loop3A_1268 : vector<16xf32>
          %parallel_loop3A_1331 = arith.addf %parallel_loop3A_1278, %parallel_loop3A_1288 : vector<16xf32>
          %parallel_loop3A_1332 = arith.addf %parallel_loop3A_1298, %parallel_loop3A_1308 : vector<16xf32>
          %parallel_loop3A_1333 = arith.addf %parallel_loop3A_1318, %parallel_loop3A_1328 : vector<16xf32>
          %parallel_loop3A_1334 = arith.addf %parallel_loop3A_1329, %parallel_loop3A_1330 : vector<16xf32>
          %parallel_loop3A_1335 = arith.addf %parallel_loop3A_1331, %parallel_loop3A_1332 : vector<16xf32>
          %parallel_loop3A_1336 = arith.addf %parallel_loop3A_1334, %parallel_loop3A_1335 : vector<16xf32>
          %parallel_loop3A_1337 = arith.addf %parallel_loop3A_1336, %parallel_loop3A_1333 : vector<16xf32>
          %parallel_loop3A_1338 = arith.constant 0.000000e+00 : f32
          %parallel_loop3A_1339 = vector.broadcast %parallel_loop3A_1338 : f32 to vector<16xf32>
          %parallel_loop3A_1340 = arith.maximumf %parallel_loop3A_1337, %parallel_loop3A_1339 : vector<16xf32>
          %parallel_loop3A_1341 = arith.index_cast %parallel_loop3A_392 : i32 to index
          %parallel_loop3A_1342 = arith.constant 112 : index
          %parallel_loop3A_1343 = tpu.vector_load %arg11[%parallel_loop3A_1341, %parallel_loop3A_1342] {strides = array<i32>} : memref<16x128xf32, #tpu.memory_space<vmem>>, vector<16xf32>,
          tpu.vector_store %arg11[%parallel_loop3A_1341, %parallel_loop3A_1342], %parallel_loop3A_1340 {strides = array<i32>} : memref<16x128xf32, #tpu.memory_space<vmem>>, vector<16xf32>,
        } {sc.loop_unroll_factor = 1 : i64, sc.parallel_access}
        %add3A_386 = arith.addi %add3A_4, %add3A_78 : i32
        %lt3A_387 = arith.constant 3125 : i32
        %lt3A_388 = arith.cmpi slt, %add3A_386, %lt3A_387 : i32
        %convert_element_type3A_389 = arith.extui %lt3A_388 : i1 to i32
        %cond3A_390 = arith.constant 0 : i32
        %cond3A_391 = arith.cmpi ne, %convert_element_type3A_389, %cond3A_390 : i32
        scf.if %cond3A_391 {
          %add3A_392 = arith.addi %add3A_4, %add3A_78 : i32
          %mul3A_393 = arith.constant 16 : i32
          %mul3A_394 = arith.muli %add3A_392, %mul3A_393 : i32
          %dma_start3A_395 = arith.constant 0 : i32
          %dma_start3A_396 = tpu.memref_slice %arg6[%mul3A_394, %dma_start3A_395] : memref<50000x128xf32, #tpu.memory_space<hbm>> -> memref<16x128xf32, #tpu.memory_space<hbm>>
          %dma_start3A_397 = arith.constant 0 : i32
          %dma_start3A_398 = tpu.memref_slice %arg6[%mul3A_394, %dma_start3A_397] : memref<50000x128xf32, #tpu.memory_space<hbm>> -> memref<16x128xf32, #tpu.memory_space<hbm>>
          tpu.enqueue_dma source(%arg11 : memref<16x128xf32, #tpu.memory_space<vmem>>) target(%dma_start3A_398 : memref<16x128xf32, #tpu.memory_space<hbm>>) target_semaphore(%arg16 : memref<!tpu.dma_semaphore, #tpu.memory_space<semaphore_mem>>)
        } else {
        }
      } else {
      }
      %mul3A_84 = arith.constant 3 : i32
      %mul3A_85 = arith.muli %mul3A_84, %scan3A_74 : i32
      %add3A_86 = arith.constant 1 : i32
      %add3A_87 = arith.addi %mul3A_85, %add3A_86 : i32
      %lt3A_88 = arith.constant 98 : i32
      %lt3A_89 = arith.cmpi slt, %add3A_87, %lt3A_88 : i32
      %convert_element_type3A_90 = arith.extui %lt3A_89 : i1 to i32
      %cond3A_91 = arith.constant 0 : i32
      %cond3A_92 = arith.cmpi ne, %convert_element_type3A_90, %cond3A_91 : i32
      scf.if %cond3A_92 {
        %add3A_102 = arith.constant 2 : i32
        %add3A_103 = arith.addi %add3A_87, %add3A_102 : i32
        %lt3A_104 = arith.constant 98 : i32
        %lt3A_105 = arith.cmpi slt, %add3A_103, %lt3A_104 : i32
        %convert_element_type3A_106 = arith.extui %lt3A_105 : i1 to i32
        %cond3A_107 = arith.constant 0 : i32
        %cond3A_108 = arith.cmpi ne, %convert_element_type3A_106, %cond3A_107 : i32
        scf.if %cond3A_108 {
          %add3A_392 = arith.constant 2 : i32
          %add3A_393 = arith.addi %add3A_87, %add3A_392 : i32
          %mul3A_394 = arith.constant 2 : i32
          %mul3A_395 = arith.muli %add3A_393, %mul3A_394 : i32
          %add3A_396 = arith.constant 0 : i32
          %add3A_397 = arith.addi %mul3A_395, %add3A_396 : i32
          %dma_start3A_398 = arith.constant 0 : i32
          %dma_start3A_399 = arith.constant 0 : i32
          %dma_start3A_400 = arith.constant 0 : i32
          %dma_start3A_401 = tpu.memref_slice %arg9[%dma_start3A_398, %dma_start3A_399, %dma_start3A_400] : memref<3x160x128xf32, #tpu.memory_space<vmem>> -> memref<1x80x128xf32, #tpu.memory_space<vmem>>
          %dma_start3A_402 = tpu.memref_squeeze %dma_start3A_401 : memref<1x80x128xf32, #tpu.memory_space<vmem>> -> memref<80x128xf32, #tpu.memory_space<vmem>>
          %dma_start3A_403 = arith.constant 0 : i32
          %dma_start3A_404 = tpu.memref_slice %arg7[%add3A_397, %dma_start3A_403] : memref<196x80xi32, #tpu.memory_space<vmem>> -> memref<1x80xi32, #tpu.memory_space<vmem>>
          %dma_start3A_405 = tpu.memref_squeeze %dma_start3A_404 : memref<1x80xi32, #tpu.memory_space<vmem>> -> memref<80xi32, #tpu.memory_space<vmem>>
          %dma_start3A_406 = arith.constant 0 : i32
          %dma_start3A_407 = arith.constant 0 : i32
          %dma_start3A_408 = tpu.memref_slice %arg2[%dma_start3A_406, %dma_start3A_407] : memref<50000x128xf32, #tpu.memory_space<hbm>> -> memref<50000x128xf32, #tpu.memory_space<hbm>>
          tpu.enqueue_indirect_dma source(%dma_start3A_408 : memref<50000x128xf32, #tpu.memory_space<hbm>>) target(%dma_start3A_402 : memref<80x128xf32, #tpu.memory_space<vmem>>) offsets(%dma_start3A_405 : memref<80xi32, #tpu.memory_space<vmem>>) semaphore(%arg13 : memref<!tpu.dma_semaphore, #tpu.memory_space<semaphore_mem>>)
          %mul3A_409 = arith.constant 2 : i32
          %mul3A_410 = arith.muli %add3A_393, %mul3A_409 : i32
          %add3A_411 = arith.constant 1 : i32
          %add3A_412 = arith.addi %mul3A_410, %add3A_411 : i32
          %dma_start3A_413 = arith.constant 0 : i32
          %dma_start3A_414 = arith.constant 80 : i32
          %dma_start3A_415 = arith.constant 0 : i32
          %dma_start3A_416 = tpu.memref_slice %arg9[%dma_start3A_413, %dma_start3A_414, %dma_start3A_415] : memref<3x160x128xf32, #tpu.memory_space<vmem>> -> memref<1x80x128xf32, #tpu.memory_space<vmem>>
          %dma_start3A_417 = tpu.memref_squeeze %dma_start3A_416 : memref<1x80x128xf32, #tpu.memory_space<vmem>> -> memref<80x128xf32, #tpu.memory_space<vmem>>
          %dma_start3A_418 = arith.constant 0 : i32
          %dma_start3A_419 = tpu.memref_slice %arg7[%add3A_412, %dma_start3A_418] : memref<196x80xi32, #tpu.memory_space<vmem>> -> memref<1x80xi32, #tpu.memory_space<vmem>>
          %dma_start3A_420 = tpu.memref_squeeze %dma_start3A_419 : memref<1x80xi32, #tpu.memory_space<vmem>> -> memref<80xi32, #tpu.memory_space<vmem>>
          %dma_start3A_421 = arith.constant 0 : i32
          %dma_start3A_422 = arith.constant 0 : i32
          %dma_start3A_423 = tpu.memref_slice %arg2[%dma_start3A_421, %dma_start3A_422] : memref<50000x128xf32, #tpu.memory_space<hbm>> -> memref<50000x128xf32, #tpu.memory_space<hbm>>
          tpu.enqueue_indirect_dma source(%dma_start3A_423 : memref<50000x128xf32, #tpu.memory_space<hbm>>) target(%dma_start3A_417 : memref<80x128xf32, #tpu.memory_space<vmem>>) offsets(%dma_start3A_420 : memref<80xi32, #tpu.memory_space<vmem>>) semaphore(%arg13 : memref<!tpu.dma_semaphore, #tpu.memory_space<semaphore_mem>>)
        } else {
        }
        %iota3A = tpu.iota {dimensions = array<i32: 0>} : vector<16xi32>
        %mul3A_109 = arith.constant 10 : i32
        %mul3A_110 = vector.broadcast %mul3A_109 : i32 to vector<16xi32>
        %mul3A_111 = arith.muli %iota3A, %mul3A_110 : vector<16xi32>
        %add3A_112 = arith.constant 0 : i32
        %add3A_113 = vector.broadcast %add3A_112 : i32 to vector<16xi32>
        %add3A_114 = arith.addi %mul3A_111, %add3A_113 : vector<16xi32>
        %ge3A = arith.constant 80 : i32
        %ge3A_115 = vector.broadcast %ge3A : i32 to vector<16xi32>
        %ge3A_116 = arith.cmpi sge, %add3A_114, %ge3A_115 : vector<16xi32>
        %convert_element_type3A_117 = arith.extui %ge3A_116 : vector<16xi1> to vector<16xi32>
        %mul3A_118 = arith.constant 2 : i32
        %mul3A_119 = arith.muli %add3A_87, %mul3A_118 : i32
        %add3A_120 = vector.broadcast %mul3A_119 : i32 to vector<16xi32>
        %add3A_121 = arith.addi %add3A_120, %convert_element_type3A_117 : vector<16xi32>
        %mul3A_122 = arith.constant 80 : i32
        %mul3A_123 = vector.broadcast %mul3A_122 : i32 to vector<16xi32>
        %mul3A_124 = arith.muli %convert_element_type3A_117, %mul3A_123 : vector<16xi32>
        %sub3A_125 = arith.subi %add3A_114, %mul3A_124 : vector<16xi32>
        %gather3A = tpu.vector_load_idx %arg7[%add3A_121, %sub3A_125] : memref<196x80xi32, #tpu.memory_space<vmem>>[vector<16xi32>, vector<16xi32>], vector<16xi32>,
        %add3A_126 = arith.constant 1 : i32
        %add3A_127 = vector.broadcast %add3A_126 : i32 to vector<16xi32>
        %add3A_128 = arith.addi %mul3A_111, %add3A_127 : vector<16xi32>
        %ge3A_129 = arith.constant 80 : i32
        %ge3A_130 = vector.broadcast %ge3A_129 : i32 to vector<16xi32>
        %ge3A_131 = arith.cmpi sge, %add3A_128, %ge3A_130 : vector<16xi32>
        %convert_element_type3A_132 = arith.extui %ge3A_131 : vector<16xi1> to vector<16xi32>
        %mul3A_133 = arith.constant 2 : i32
        %mul3A_134 = arith.muli %add3A_87, %mul3A_133 : i32
        %add3A_135 = vector.broadcast %mul3A_134 : i32 to vector<16xi32>
        %add3A_136 = arith.addi %add3A_135, %convert_element_type3A_132 : vector<16xi32>
        %mul3A_137 = arith.constant 80 : i32
        %mul3A_138 = vector.broadcast %mul3A_137 : i32 to vector<16xi32>
        %mul3A_139 = arith.muli %convert_element_type3A_132, %mul3A_138 : vector<16xi32>
        %sub3A_140 = arith.subi %add3A_128, %mul3A_139 : vector<16xi32>
        %gather3A_141 = tpu.vector_load_idx %arg7[%add3A_136, %sub3A_140] : memref<196x80xi32, #tpu.memory_space<vmem>>[vector<16xi32>, vector<16xi32>], vector<16xi32>,
        %add3A_142 = arith.constant 2 : i32
        %add3A_143 = vector.broadcast %add3A_142 : i32 to vector<16xi32>
        %add3A_144 = arith.addi %mul3A_111, %add3A_143 : vector<16xi32>
        %ge3A_145 = arith.constant 80 : i32
        %ge3A_146 = vector.broadcast %ge3A_145 : i32 to vector<16xi32>
        %ge3A_147 = arith.cmpi sge, %add3A_144, %ge3A_146 : vector<16xi32>
        %convert_element_type3A_148 = arith.extui %ge3A_147 : vector<16xi1> to vector<16xi32>
        %mul3A_149 = arith.constant 2 : i32
        %mul3A_150 = arith.muli %add3A_87, %mul3A_149 : i32
        %add3A_151 = vector.broadcast %mul3A_150 : i32 to vector<16xi32>
        %add3A_152 = arith.addi %add3A_151, %convert_element_type3A_148 : vector<16xi32>
        %mul3A_153 = arith.constant 80 : i32
        %mul3A_154 = vector.broadcast %mul3A_153 : i32 to vector<16xi32>
        %mul3A_155 = arith.muli %convert_element_type3A_148, %mul3A_154 : vector<16xi32>
        %sub3A_156 = arith.subi %add3A_144, %mul3A_155 : vector<16xi32>
        %gather3A_157 = tpu.vector_load_idx %arg7[%add3A_152, %sub3A_156] : memref<196x80xi32, #tpu.memory_space<vmem>>[vector<16xi32>, vector<16xi32>], vector<16xi32>,
        %add3A_158 = arith.constant 3 : i32
        %add3A_159 = vector.broadcast %add3A_158 : i32 to vector<16xi32>
        %add3A_160 = arith.addi %mul3A_111, %add3A_159 : vector<16xi32>
        %ge3A_161 = arith.constant 80 : i32
        %ge3A_162 = vector.broadcast %ge3A_161 : i32 to vector<16xi32>
        %ge3A_163 = arith.cmpi sge, %add3A_160, %ge3A_162 : vector<16xi32>
        %convert_element_type3A_164 = arith.extui %ge3A_163 : vector<16xi1> to vector<16xi32>
        %mul3A_165 = arith.constant 2 : i32
        %mul3A_166 = arith.muli %add3A_87, %mul3A_165 : i32
        %add3A_167 = vector.broadcast %mul3A_166 : i32 to vector<16xi32>
        %add3A_168 = arith.addi %add3A_167, %convert_element_type3A_164 : vector<16xi32>
        %mul3A_169 = arith.constant 80 : i32
        %mul3A_170 = vector.broadcast %mul3A_169 : i32 to vector<16xi32>
        %mul3A_171 = arith.muli %convert_element_type3A_164, %mul3A_170 : vector<16xi32>
        %sub3A_172 = arith.subi %add3A_160, %mul3A_171 : vector<16xi32>
        %gather3A_173 = tpu.vector_load_idx %arg7[%add3A_168, %sub3A_172] : memref<196x80xi32, #tpu.memory_space<vmem>>[vector<16xi32>, vector<16xi32>], vector<16xi32>,
        %add3A_174 = arith.constant 4 : i32
        %add3A_175 = vector.broadcast %add3A_174 : i32 to vector<16xi32>
        %add3A_176 = arith.addi %mul3A_111, %add3A_175 : vector<16xi32>
        %ge3A_177 = arith.constant 80 : i32
        %ge3A_178 = vector.broadcast %ge3A_177 : i32 to vector<16xi32>
        %ge3A_179 = arith.cmpi sge, %add3A_176, %ge3A_178 : vector<16xi32>
        %convert_element_type3A_180 = arith.extui %ge3A_179 : vector<16xi1> to vector<16xi32>
        %mul3A_181 = arith.constant 2 : i32
        %mul3A_182 = arith.muli %add3A_87, %mul3A_181 : i32
        %add3A_183 = vector.broadcast %mul3A_182 : i32 to vector<16xi32>
        %add3A_184 = arith.addi %add3A_183, %convert_element_type3A_180 : vector<16xi32>
        %mul3A_185 = arith.constant 80 : i32
        %mul3A_186 = vector.broadcast %mul3A_185 : i32 to vector<16xi32>
        %mul3A_187 = arith.muli %convert_element_type3A_180, %mul3A_186 : vector<16xi32>
        %sub3A_188 = arith.subi %add3A_176, %mul3A_187 : vector<16xi32>
        %gather3A_189 = tpu.vector_load_idx %arg7[%add3A_184, %sub3A_188] : memref<196x80xi32, #tpu.memory_space<vmem>>[vector<16xi32>, vector<16xi32>], vector<16xi32>,
        %add3A_190 = arith.constant 5 : i32
        %add3A_191 = vector.broadcast %add3A_190 : i32 to vector<16xi32>
        %add3A_192 = arith.addi %mul3A_111, %add3A_191 : vector<16xi32>
        %ge3A_193 = arith.constant 80 : i32
        %ge3A_194 = vector.broadcast %ge3A_193 : i32 to vector<16xi32>
        %ge3A_195 = arith.cmpi sge, %add3A_192, %ge3A_194 : vector<16xi32>
        %convert_element_type3A_196 = arith.extui %ge3A_195 : vector<16xi1> to vector<16xi32>
        %mul3A_197 = arith.constant 2 : i32
        %mul3A_198 = arith.muli %add3A_87, %mul3A_197 : i32
        %add3A_199 = vector.broadcast %mul3A_198 : i32 to vector<16xi32>
        %add3A_200 = arith.addi %add3A_199, %convert_element_type3A_196 : vector<16xi32>
        %mul3A_201 = arith.constant 80 : i32
        %mul3A_202 = vector.broadcast %mul3A_201 : i32 to vector<16xi32>
        %mul3A_203 = arith.muli %convert_element_type3A_196, %mul3A_202 : vector<16xi32>
        %sub3A_204 = arith.subi %add3A_192, %mul3A_203 : vector<16xi32>
        %gather3A_205 = tpu.vector_load_idx %arg7[%add3A_200, %sub3A_204] : memref<196x80xi32, #tpu.memory_space<vmem>>[vector<16xi32>, vector<16xi32>], vector<16xi32>,
        %add3A_206 = arith.constant 6 : i32
        %add3A_207 = vector.broadcast %add3A_206 : i32 to vector<16xi32>
        %add3A_208 = arith.addi %mul3A_111, %add3A_207 : vector<16xi32>
        %ge3A_209 = arith.constant 80 : i32
        %ge3A_210 = vector.broadcast %ge3A_209 : i32 to vector<16xi32>
        %ge3A_211 = arith.cmpi sge, %add3A_208, %ge3A_210 : vector<16xi32>
        %convert_element_type3A_212 = arith.extui %ge3A_211 : vector<16xi1> to vector<16xi32>
        %mul3A_213 = arith.constant 2 : i32
        %mul3A_214 = arith.muli %add3A_87, %mul3A_213 : i32
        %add3A_215 = vector.broadcast %mul3A_214 : i32 to vector<16xi32>
        %add3A_216 = arith.addi %add3A_215, %convert_element_type3A_212 : vector<16xi32>
        %mul3A_217 = arith.constant 80 : i32
        %mul3A_218 = vector.broadcast %mul3A_217 : i32 to vector<16xi32>
        %mul3A_219 = arith.muli %convert_element_type3A_212, %mul3A_218 : vector<16xi32>
        %sub3A_220 = arith.subi %add3A_208, %mul3A_219 : vector<16xi32>
        %gather3A_221 = tpu.vector_load_idx %arg7[%add3A_216, %sub3A_220] : memref<196x80xi32, #tpu.memory_space<vmem>>[vector<16xi32>, vector<16xi32>], vector<16xi32>,
        %add3A_222 = arith.constant 7 : i32
        %add3A_223 = vector.broadcast %add3A_222 : i32 to vector<16xi32>
        %add3A_224 = arith.addi %mul3A_111, %add3A_223 : vector<16xi32>
        %ge3A_225 = arith.constant 80 : i32
        %ge3A_226 = vector.broadcast %ge3A_225 : i32 to vector<16xi32>
        %ge3A_227 = arith.cmpi sge, %add3A_224, %ge3A_226 : vector<16xi32>
        %convert_element_type3A_228 = arith.extui %ge3A_227 : vector<16xi1> to vector<16xi32>
        %mul3A_229 = arith.constant 2 : i32
        %mul3A_230 = arith.muli %add3A_87, %mul3A_229 : i32
        %add3A_231 = vector.broadcast %mul3A_230 : i32 to vector<16xi32>
        %add3A_232 = arith.addi %add3A_231, %convert_element_type3A_228 : vector<16xi32>
        %mul3A_233 = arith.constant 80 : i32
        %mul3A_234 = vector.broadcast %mul3A_233 : i32 to vector<16xi32>
        %mul3A_235 = arith.muli %convert_element_type3A_228, %mul3A_234 : vector<16xi32>
        %sub3A_236 = arith.subi %add3A_224, %mul3A_235 : vector<16xi32>
        %gather3A_237 = tpu.vector_load_idx %arg7[%add3A_232, %sub3A_236] : memref<196x80xi32, #tpu.memory_space<vmem>>[vector<16xi32>, vector<16xi32>], vector<16xi32>,
        %add3A_238 = arith.constant 8 : i32
        %add3A_239 = vector.broadcast %add3A_238 : i32 to vector<16xi32>
        %add3A_240 = arith.addi %mul3A_111, %add3A_239 : vector<16xi32>
        %ge3A_241 = arith.constant 80 : i32
        %ge3A_242 = vector.broadcast %ge3A_241 : i32 to vector<16xi32>
        %ge3A_243 = arith.cmpi sge, %add3A_240, %ge3A_242 : vector<16xi32>
        %convert_element_type3A_244 = arith.extui %ge3A_243 : vector<16xi1> to vector<16xi32>
        %mul3A_245 = arith.constant 2 : i32
        %mul3A_246 = arith.muli %add3A_87, %mul3A_245 : i32
        %add3A_247 = vector.broadcast %mul3A_246 : i32 to vector<16xi32>
        %add3A_248 = arith.addi %add3A_247, %convert_element_type3A_244 : vector<16xi32>
        %mul3A_249 = arith.constant 80 : i32
        %mul3A_250 = vector.broadcast %mul3A_249 : i32 to vector<16xi32>
        %mul3A_251 = arith.muli %convert_element_type3A_244, %mul3A_250 : vector<16xi32>
        %sub3A_252 = arith.subi %add3A_240, %mul3A_251 : vector<16xi32>
        %gather3A_253 = tpu.vector_load_idx %arg7[%add3A_248, %sub3A_252] : memref<196x80xi32, #tpu.memory_space<vmem>>[vector<16xi32>, vector<16xi32>], vector<16xi32>,
        %add3A_254 = arith.constant 9 : i32
        %add3A_255 = vector.broadcast %add3A_254 : i32 to vector<16xi32>
        %add3A_256 = arith.addi %mul3A_111, %add3A_255 : vector<16xi32>
        %ge3A_257 = arith.constant 80 : i32
        %ge3A_258 = vector.broadcast %ge3A_257 : i32 to vector<16xi32>
        %ge3A_259 = arith.cmpi sge, %add3A_256, %ge3A_258 : vector<16xi32>
        %convert_element_type3A_260 = arith.extui %ge3A_259 : vector<16xi1> to vector<16xi32>
        %mul3A_261 = arith.constant 2 : i32
        %mul3A_262 = arith.muli %add3A_87, %mul3A_261 : i32
        %add3A_263 = vector.broadcast %mul3A_262 : i32 to vector<16xi32>
        %add3A_264 = arith.addi %add3A_263, %convert_element_type3A_260 : vector<16xi32>
        %mul3A_265 = arith.constant 80 : i32
        %mul3A_266 = vector.broadcast %mul3A_265 : i32 to vector<16xi32>
        %mul3A_267 = arith.muli %convert_element_type3A_260, %mul3A_266 : vector<16xi32>
        %sub3A_268 = arith.subi %add3A_256, %mul3A_267 : vector<16xi32>
        %gather3A_269 = tpu.vector_load_idx %arg7[%add3A_264, %sub3A_268] : memref<196x80xi32, #tpu.memory_space<vmem>>[vector<16xi32>, vector<16xi32>], vector<16xi32>,
        %gather3A_270 = tpu.vector_load_idx %arg8[%gather3A] : memref<50000xf32, #tpu.memory_space<vmem>>[vector<16xi32>], vector<16xf32>,
        %gather3A_271 = tpu.vector_load_idx %arg8[%gather3A_141] : memref<50000xf32, #tpu.memory_space<vmem>>[vector<16xi32>], vector<16xf32>,
        %gather3A_272 = tpu.vector_load_idx %arg8[%gather3A_157] : memref<50000xf32, #tpu.memory_space<vmem>>[vector<16xi32>], vector<16xf32>,
        %gather3A_273 = tpu.vector_load_idx %arg8[%gather3A_173] : memref<50000xf32, #tpu.memory_space<vmem>>[vector<16xi32>], vector<16xf32>,
        %gather3A_274 = tpu.vector_load_idx %arg8[%gather3A_189] : memref<50000xf32, #tpu.memory_space<vmem>>[vector<16xi32>], vector<16xf32>,
        %gather3A_275 = tpu.vector_load_idx %arg8[%gather3A_205] : memref<50000xf32, #tpu.memory_space<vmem>>[vector<16xi32>], vector<16xf32>,
        %gather3A_276 = tpu.vector_load_idx %arg8[%gather3A_221] : memref<50000xf32, #tpu.memory_space<vmem>>[vector<16xi32>], vector<16xf32>,
        %gather3A_277 = tpu.vector_load_idx %arg8[%gather3A_237] : memref<50000xf32, #tpu.memory_space<vmem>>[vector<16xi32>], vector<16xf32>,
        %gather3A_278 = tpu.vector_load_idx %arg8[%gather3A_253] : memref<50000xf32, #tpu.memory_space<vmem>>[vector<16xi32>], vector<16xf32>,
        %gather3A_279 = tpu.vector_load_idx %arg8[%gather3A_269] : memref<50000xf32, #tpu.memory_space<vmem>>[vector<16xi32>], vector<16xf32>,
        %max3A = arith.maximumf %gather3A_270, %gather3A_271 : vector<16xf32>
        %max3A_280 = arith.maximumf %max3A, %gather3A_272 : vector<16xf32>
        %max3A_281 = arith.maximumf %max3A_280, %gather3A_273 : vector<16xf32>
        %max3A_282 = arith.maximumf %max3A_281, %gather3A_274 : vector<16xf32>
        %max3A_283 = arith.maximumf %max3A_282, %gather3A_275 : vector<16xf32>
        %max3A_284 = arith.maximumf %max3A_283, %gather3A_276 : vector<16xf32>
        %max3A_285 = arith.maximumf %max3A_284, %gather3A_277 : vector<16xf32>
        %max3A_286 = arith.maximumf %max3A_285, %gather3A_278 : vector<16xf32>
        %max3A_287 = arith.maximumf %max3A_286, %gather3A_279 : vector<16xf32>
        %sub3A_288 = arith.subf %gather3A_270, %max3A_287 : vector<16xf32>
        %exp3A = math.exp %sub3A_288 : vector<16xf32>
        %sub3A_289 = arith.subf %gather3A_271, %max3A_287 : vector<16xf32>
        %exp3A_290 = math.exp %sub3A_289 : vector<16xf32>
        %sub3A_291 = arith.subf %gather3A_272, %max3A_287 : vector<16xf32>
        %exp3A_292 = math.exp %sub3A_291 : vector<16xf32>
        %sub3A_293 = arith.subf %gather3A_273, %max3A_287 : vector<16xf32>
        %exp3A_294 = math.exp %sub3A_293 : vector<16xf32>
        %sub3A_295 = arith.subf %gather3A_274, %max3A_287 : vector<16xf32>
        %exp3A_296 = math.exp %sub3A_295 : vector<16xf32>
        %sub3A_297 = arith.subf %gather3A_275, %max3A_287 : vector<16xf32>
        %exp3A_298 = math.exp %sub3A_297 : vector<16xf32>
        %sub3A_299 = arith.subf %gather3A_276, %max3A_287 : vector<16xf32>
        %exp3A_300 = math.exp %sub3A_299 : vector<16xf32>
        %sub3A_301 = arith.subf %gather3A_277, %max3A_287 : vector<16xf32>
        %exp3A_302 = math.exp %sub3A_301 : vector<16xf32>
        %sub3A_303 = arith.subf %gather3A_278, %max3A_287 : vector<16xf32>
        %exp3A_304 = math.exp %sub3A_303 : vector<16xf32>
        %sub3A_305 = arith.subf %gather3A_279, %max3A_287 : vector<16xf32>
        %exp3A_306 = math.exp %sub3A_305 : vector<16xf32>
        %add3A_307 = arith.addf %exp3A, %exp3A_290 : vector<16xf32>
        %add3A_308 = arith.addf %add3A_307, %exp3A_292 : vector<16xf32>
        %add3A_309 = arith.addf %add3A_308, %exp3A_294 : vector<16xf32>
        %add3A_310 = arith.addf %add3A_309, %exp3A_296 : vector<16xf32>
        %add3A_311 = arith.addf %add3A_310, %exp3A_298 : vector<16xf32>
        %add3A_312 = arith.addf %add3A_311, %exp3A_300 : vector<16xf32>
        %add3A_313 = arith.addf %add3A_312, %exp3A_302 : vector<16xf32>
        %add3A_314 = arith.addf %add3A_313, %exp3A_304 : vector<16xf32>
        %add3A_315 = arith.addf %add3A_314, %exp3A_306 : vector<16xf32>
        %div3A = arith.divf %get3A_15, %add3A_315 : vector<16xf32>
        %mul3A_316 = arith.mulf %exp3A, %div3A : vector<16xf32>
        %swap3A = arith.constant 0 : i32
        %swap3A_317 = arith.index_cast %swap3A : i32 to index
        %swap3A_318 = arith.constant 0 : index
        %swap3A_319 = tpu.vector_load %arg10[%swap3A_317, %swap3A_318] {strides = array<i32>} : memref<10x16xf32, #tpu.memory_space<vmem>>, vector<16xf32>,
        tpu.vector_store %arg10[%swap3A_317, %swap3A_318], %mul3A_316 {strides = array<i32>} : memref<10x16xf32, #tpu.memory_space<vmem>>, vector<16xf32>,
        %mul3A_320 = arith.mulf %exp3A_290, %div3A : vector<16xf32>
        %swap3A_321 = arith.constant 1 : i32
        %swap3A_322 = arith.index_cast %swap3A_321 : i32 to index
        %swap3A_323 = arith.constant 0 : index
        %swap3A_324 = tpu.vector_load %arg10[%swap3A_322, %swap3A_323] {strides = array<i32>} : memref<10x16xf32, #tpu.memory_space<vmem>>, vector<16xf32>,
        tpu.vector_store %arg10[%swap3A_322, %swap3A_323], %mul3A_320 {strides = array<i32>} : memref<10x16xf32, #tpu.memory_space<vmem>>, vector<16xf32>,
        %mul3A_325 = arith.mulf %exp3A_292, %div3A : vector<16xf32>
        %swap3A_326 = arith.constant 2 : i32
        %swap3A_327 = arith.index_cast %swap3A_326 : i32 to index
        %swap3A_328 = arith.constant 0 : index
        %swap3A_329 = tpu.vector_load %arg10[%swap3A_327, %swap3A_328] {strides = array<i32>} : memref<10x16xf32, #tpu.memory_space<vmem>>, vector<16xf32>,
        tpu.vector_store %arg10[%swap3A_327, %swap3A_328], %mul3A_325 {strides = array<i32>} : memref<10x16xf32, #tpu.memory_space<vmem>>, vector<16xf32>,
        %mul3A_330 = arith.mulf %exp3A_294, %div3A : vector<16xf32>
        %swap3A_331 = arith.constant 3 : i32
        %swap3A_332 = arith.index_cast %swap3A_331 : i32 to index
        %swap3A_333 = arith.constant 0 : index
        %swap3A_334 = tpu.vector_load %arg10[%swap3A_332, %swap3A_333] {strides = array<i32>} : memref<10x16xf32, #tpu.memory_space<vmem>>, vector<16xf32>,
        tpu.vector_store %arg10[%swap3A_332, %swap3A_333], %mul3A_330 {strides = array<i32>} : memref<10x16xf32, #tpu.memory_space<vmem>>, vector<16xf32>,
        %mul3A_335 = arith.mulf %exp3A_296, %div3A : vector<16xf32>
        %swap3A_336 = arith.constant 4 : i32
        %swap3A_337 = arith.index_cast %swap3A_336 : i32 to index
        %swap3A_338 = arith.constant 0 : index
        %swap3A_339 = tpu.vector_load %arg10[%swap3A_337, %swap3A_338] {strides = array<i32>} : memref<10x16xf32, #tpu.memory_space<vmem>>, vector<16xf32>,
        tpu.vector_store %arg10[%swap3A_337, %swap3A_338], %mul3A_335 {strides = array<i32>} : memref<10x16xf32, #tpu.memory_space<vmem>>, vector<16xf32>,
        %mul3A_340 = arith.mulf %exp3A_298, %div3A : vector<16xf32>
        %swap3A_341 = arith.constant 5 : i32
        %swap3A_342 = arith.index_cast %swap3A_341 : i32 to index
        %swap3A_343 = arith.constant 0 : index
        %swap3A_344 = tpu.vector_load %arg10[%swap3A_342, %swap3A_343] {strides = array<i32>} : memref<10x16xf32, #tpu.memory_space<vmem>>, vector<16xf32>,
        tpu.vector_store %arg10[%swap3A_342, %swap3A_343], %mul3A_340 {strides = array<i32>} : memref<10x16xf32, #tpu.memory_space<vmem>>, vector<16xf32>,
        %mul3A_345 = arith.mulf %exp3A_300, %div3A : vector<16xf32>
        %swap3A_346 = arith.constant 6 : i32
        %swap3A_347 = arith.index_cast %swap3A_346 : i32 to index
        %swap3A_348 = arith.constant 0 : index
        %swap3A_349 = tpu.vector_load %arg10[%swap3A_347, %swap3A_348] {strides = array<i32>} : memref<10x16xf32, #tpu.memory_space<vmem>>, vector<16xf32>,
        tpu.vector_store %arg10[%swap3A_347, %swap3A_348], %mul3A_345 {strides = array<i32>} : memref<10x16xf32, #tpu.memory_space<vmem>>, vector<16xf32>,
        %mul3A_350 = arith.mulf %exp3A_302, %div3A : vector<16xf32>
        %swap3A_351 = arith.constant 7 : i32
        %swap3A_352 = arith.index_cast %swap3A_351 : i32 to index
        %swap3A_353 = arith.constant 0 : index
        %swap3A_354 = tpu.vector_load %arg10[%swap3A_352, %swap3A_353] {strides = array<i32>} : memref<10x16xf32, #tpu.memory_space<vmem>>, vector<16xf32>,
        tpu.vector_store %arg10[%swap3A_352, %swap3A_353], %mul3A_350 {strides = array<i32>} : memref<10x16xf32, #tpu.memory_space<vmem>>, vector<16xf32>,
        %mul3A_355 = arith.mulf %exp3A_304, %div3A : vector<16xf32>
        %swap3A_356 = arith.constant 8 : i32
        %swap3A_357 = arith.index_cast %swap3A_356 : i32 to index
        %swap3A_358 = arith.constant 0 : index
        %swap3A_359 = tpu.vector_load %arg10[%swap3A_357, %swap3A_358] {strides = array<i32>} : memref<10x16xf32, #tpu.memory_space<vmem>>, vector<16xf32>,
        tpu.vector_store %arg10[%swap3A_357, %swap3A_358], %mul3A_355 {strides = array<i32>} : memref<10x16xf32, #tpu.memory_space<vmem>>, vector<16xf32>,
        %mul3A_360 = arith.mulf %exp3A_306, %div3A : vector<16xf32>
        %swap3A_361 = arith.constant 9 : i32
        %swap3A_362 = arith.index_cast %swap3A_361 : i32 to index
        %swap3A_363 = arith.constant 0 : index
        %swap3A_364 = tpu.vector_load %arg10[%swap3A_362, %swap3A_363] {strides = array<i32>} : memref<10x16xf32, #tpu.memory_space<vmem>>, vector<16xf32>,
        tpu.vector_store %arg10[%swap3A_362, %swap3A_363], %mul3A_360 {strides = array<i32>} : memref<10x16xf32, #tpu.memory_space<vmem>>, vector<16xf32>,
        %ge3A_365 = arith.constant 1 : i32
        %ge3A_366 = arith.cmpi sge, %add3A_87, %ge3A_365 : i32
        %convert_element_type3A_367 = arith.extui %ge3A_366 : i1 to i32
        %cond3A_368 = arith.constant 0 : i32
        %cond3A_369 = arith.cmpi ne, %convert_element_type3A_367, %cond3A_368 : i32
        scf.if %cond3A_369 {
          %dma_wait3A_392 = arith.constant 0 : i32
          %dma_wait3A_393 = arith.constant 0 : i32
          %dma_wait3A_394 = tpu.memref_slice %arg6[%dma_wait3A_392, %dma_wait3A_393] : memref<50000x128xf32, #tpu.memory_space<hbm>> -> memref<16x128xf32, #tpu.memory_space<hbm>>
          %dma_wait3A_395 = arith.constant 0 : i32
          %dma_wait3A_396 = arith.constant 0 : i32
          %dma_wait3A_397 = tpu.memref_slice %arg6[%dma_wait3A_395, %dma_wait3A_396] : memref<50000x128xf32, #tpu.memory_space<hbm>> -> memref<16x128xf32, #tpu.memory_space<hbm>>
          tpu.wait_dma2 semaphore(%arg16 : memref<!tpu.dma_semaphore, #tpu.memory_space<semaphore_mem>>) src(%dma_wait3A_397 : memref<16x128xf32, #tpu.memory_space<hbm>>) dst(%arg11 : memref<16x128xf32, #tpu.memory_space<vmem>>)
        } else {
        }
        %dma_wait3A = arith.constant 1 : i32
        %dma_wait3A_370 = arith.constant 0 : i32
        %dma_wait3A_371 = arith.constant 0 : i32
        %dma_wait3A_372 = tpu.memref_slice %arg9[%dma_wait3A, %dma_wait3A_370, %dma_wait3A_371] : memref<3x160x128xf32, #tpu.memory_space<vmem>> -> memref<1x160x128xf32, #tpu.memory_space<vmem>>
        %dma_wait3A_373 = tpu.memref_squeeze %dma_wait3A_372 : memref<1x160x128xf32, #tpu.memory_space<vmem>> -> memref<160x128xf32, #tpu.memory_space<vmem>>
        %dma_wait3A_374 = arith.constant 0 : i32
        %dma_wait3A_375 = arith.constant 0 : i32
        %dma_wait3A_376 = tpu.memref_slice %arg2[%dma_wait3A_374, %dma_wait3A_375] : memref<50000x128xf32, #tpu.memory_space<hbm>> -> memref<160x128xf32, #tpu.memory_space<hbm>>
        %dma_wait3A_377 = arith.constant 0 : i32
        %dma_wait3A_378 = arith.constant 0 : i32
        %dma_wait3A_379 = tpu.memref_slice %arg9[%dma_wait3A, %dma_wait3A_377, %dma_wait3A_378] : memref<3x160x128xf32, #tpu.memory_space<vmem>> -> memref<1x160x128xf32, #tpu.memory_space<vmem>>
        %dma_wait3A_380 = tpu.memref_squeeze %dma_wait3A_379 : memref<1x160x128xf32, #tpu.memory_space<vmem>> -> memref<160x128xf32, #tpu.memory_space<vmem>>
        %dma_wait3A_381 = arith.constant 0 : i32
        %dma_wait3A_382 = arith.constant 0 : i32
        %dma_wait3A_383 = tpu.memref_slice %arg2[%dma_wait3A_381, %dma_wait3A_382] : memref<50000x128xf32, #tpu.memory_space<hbm>> -> memref<160x128xf32, #tpu.memory_space<hbm>>
        tpu.wait_dma2 semaphore(%arg14 : memref<!tpu.dma_semaphore, #tpu.memory_space<semaphore_mem>>) src(%dma_wait3A_383 : memref<160x128xf32, #tpu.memory_space<hbm>>) dst(%dma_wait3A_380 : memref<160x128xf32, #tpu.memory_space<vmem>>)
        %parallel_loop3A = arith.constant 0 : i32
        %parallel_loop3A_384 = arith.constant 16 : i32
        %parallel_loop3A_385 = arith.constant 1 : i32
        scf.for %parallel_loop3A_392 = %parallel_loop3A to %parallel_loop3A_384 step %parallel_loop3A_385  : i32 {
          %parallel_loop3A_393 = vector.broadcast %parallel_loop3A_392 : i32 to vector<16xi32>
          %parallel_loop3A_394 = arith.constant 0 : i32
          %parallel_loop3A_395 = vector.broadcast %parallel_loop3A_394 : i32 to vector<16xi32>
          %parallel_loop3A_396 = tpu.vector_load_idx %arg10[%parallel_loop3A_395, %parallel_loop3A_393] : memref<10x16xf32, #tpu.memory_space<vmem>>[vector<16xi32>, vector<16xi32>], vector<16xf32>,
          %parallel_loop3A_397 = arith.constant 1 : i32
          %parallel_loop3A_398 = vector.broadcast %parallel_loop3A_397 : i32 to vector<16xi32>
          %parallel_loop3A_399 = tpu.vector_load_idx %arg10[%parallel_loop3A_398, %parallel_loop3A_393] : memref<10x16xf32, #tpu.memory_space<vmem>>[vector<16xi32>, vector<16xi32>], vector<16xf32>,
          %parallel_loop3A_400 = arith.constant 2 : i32
          %parallel_loop3A_401 = vector.broadcast %parallel_loop3A_400 : i32 to vector<16xi32>
          %parallel_loop3A_402 = tpu.vector_load_idx %arg10[%parallel_loop3A_401, %parallel_loop3A_393] : memref<10x16xf32, #tpu.memory_space<vmem>>[vector<16xi32>, vector<16xi32>], vector<16xf32>,
          %parallel_loop3A_403 = arith.constant 3 : i32
          %parallel_loop3A_404 = vector.broadcast %parallel_loop3A_403 : i32 to vector<16xi32>
          %parallel_loop3A_405 = tpu.vector_load_idx %arg10[%parallel_loop3A_404, %parallel_loop3A_393] : memref<10x16xf32, #tpu.memory_space<vmem>>[vector<16xi32>, vector<16xi32>], vector<16xf32>,
          %parallel_loop3A_406 = arith.constant 4 : i32
          %parallel_loop3A_407 = vector.broadcast %parallel_loop3A_406 : i32 to vector<16xi32>
          %parallel_loop3A_408 = tpu.vector_load_idx %arg10[%parallel_loop3A_407, %parallel_loop3A_393] : memref<10x16xf32, #tpu.memory_space<vmem>>[vector<16xi32>, vector<16xi32>], vector<16xf32>,
          %parallel_loop3A_409 = arith.constant 5 : i32
          %parallel_loop3A_410 = vector.broadcast %parallel_loop3A_409 : i32 to vector<16xi32>
          %parallel_loop3A_411 = tpu.vector_load_idx %arg10[%parallel_loop3A_410, %parallel_loop3A_393] : memref<10x16xf32, #tpu.memory_space<vmem>>[vector<16xi32>, vector<16xi32>], vector<16xf32>,
          %parallel_loop3A_412 = arith.constant 6 : i32
          %parallel_loop3A_413 = vector.broadcast %parallel_loop3A_412 : i32 to vector<16xi32>
          %parallel_loop3A_414 = tpu.vector_load_idx %arg10[%parallel_loop3A_413, %parallel_loop3A_393] : memref<10x16xf32, #tpu.memory_space<vmem>>[vector<16xi32>, vector<16xi32>], vector<16xf32>,
          %parallel_loop3A_415 = arith.constant 7 : i32
          %parallel_loop3A_416 = vector.broadcast %parallel_loop3A_415 : i32 to vector<16xi32>
          %parallel_loop3A_417 = tpu.vector_load_idx %arg10[%parallel_loop3A_416, %parallel_loop3A_393] : memref<10x16xf32, #tpu.memory_space<vmem>>[vector<16xi32>, vector<16xi32>], vector<16xf32>,
          %parallel_loop3A_418 = arith.constant 8 : i32
          %parallel_loop3A_419 = vector.broadcast %parallel_loop3A_418 : i32 to vector<16xi32>
          %parallel_loop3A_420 = tpu.vector_load_idx %arg10[%parallel_loop3A_419, %parallel_loop3A_393] : memref<10x16xf32, #tpu.memory_space<vmem>>[vector<16xi32>, vector<16xi32>], vector<16xf32>,
          %parallel_loop3A_421 = arith.constant 9 : i32
          %parallel_loop3A_422 = vector.broadcast %parallel_loop3A_421 : i32 to vector<16xi32>
          %parallel_loop3A_423 = tpu.vector_load_idx %arg10[%parallel_loop3A_422, %parallel_loop3A_393] : memref<10x16xf32, #tpu.memory_space<vmem>>[vector<16xi32>, vector<16xi32>], vector<16xf32>,
          %parallel_loop3A_424 = arith.constant 10 : i32
          %parallel_loop3A_425 = arith.muli %parallel_loop3A_392, %parallel_loop3A_424 : i32
          %parallel_loop3A_426 = arith.constant 0 : i32
          %parallel_loop3A_427 = arith.addi %parallel_loop3A_425, %parallel_loop3A_426 : i32
          %parallel_loop3A_428 = arith.constant 1 : i32
          %parallel_loop3A_429 = arith.index_cast %parallel_loop3A_428 : i32 to index
          %parallel_loop3A_430 = arith.index_cast %parallel_loop3A_427 : i32 to index
          %parallel_loop3A_431 = arith.constant 0 : index
          %parallel_loop3A_432 = tpu.vector_load %arg9[%parallel_loop3A_429, %parallel_loop3A_430, %parallel_loop3A_431] {strides = array<i32>} : memref<3x160x128xf32, #tpu.memory_space<vmem>>, vector<16xf32>,
          %parallel_loop3A_433 = arith.mulf %parallel_loop3A_396, %parallel_loop3A_432 : vector<16xf32>
          %parallel_loop3A_434 = arith.constant 10 : i32
          %parallel_loop3A_435 = arith.muli %parallel_loop3A_392, %parallel_loop3A_434 : i32
          %parallel_loop3A_436 = arith.constant 1 : i32
          %parallel_loop3A_437 = arith.addi %parallel_loop3A_435, %parallel_loop3A_436 : i32
          %parallel_loop3A_438 = arith.constant 1 : i32
          %parallel_loop3A_439 = arith.index_cast %parallel_loop3A_438 : i32 to index
          %parallel_loop3A_440 = arith.index_cast %parallel_loop3A_437 : i32 to index
          %parallel_loop3A_441 = arith.constant 0 : index
          %parallel_loop3A_442 = tpu.vector_load %arg9[%parallel_loop3A_439, %parallel_loop3A_440, %parallel_loop3A_441] {strides = array<i32>} : memref<3x160x128xf32, #tpu.memory_space<vmem>>, vector<16xf32>,
          %parallel_loop3A_443 = arith.mulf %parallel_loop3A_399, %parallel_loop3A_442 : vector<16xf32>
          %parallel_loop3A_444 = arith.constant 10 : i32
          %parallel_loop3A_445 = arith.muli %parallel_loop3A_392, %parallel_loop3A_444 : i32
          %parallel_loop3A_446 = arith.constant 2 : i32
          %parallel_loop3A_447 = arith.addi %parallel_loop3A_445, %parallel_loop3A_446 : i32
          %parallel_loop3A_448 = arith.constant 1 : i32
          %parallel_loop3A_449 = arith.index_cast %parallel_loop3A_448 : i32 to index
          %parallel_loop3A_450 = arith.index_cast %parallel_loop3A_447 : i32 to index
          %parallel_loop3A_451 = arith.constant 0 : index
          %parallel_loop3A_452 = tpu.vector_load %arg9[%parallel_loop3A_449, %parallel_loop3A_450, %parallel_loop3A_451] {strides = array<i32>} : memref<3x160x128xf32, #tpu.memory_space<vmem>>, vector<16xf32>,
          %parallel_loop3A_453 = arith.mulf %parallel_loop3A_402, %parallel_loop3A_452 : vector<16xf32>
          %parallel_loop3A_454 = arith.constant 10 : i32
          %parallel_loop3A_455 = arith.muli %parallel_loop3A_392, %parallel_loop3A_454 : i32
          %parallel_loop3A_456 = arith.constant 3 : i32
          %parallel_loop3A_457 = arith.addi %parallel_loop3A_455, %parallel_loop3A_456 : i32
          %parallel_loop3A_458 = arith.constant 1 : i32
          %parallel_loop3A_459 = arith.index_cast %parallel_loop3A_458 : i32 to index
          %parallel_loop3A_460 = arith.index_cast %parallel_loop3A_457 : i32 to index
          %parallel_loop3A_461 = arith.constant 0 : index
          %parallel_loop3A_462 = tpu.vector_load %arg9[%parallel_loop3A_459, %parallel_loop3A_460, %parallel_loop3A_461] {strides = array<i32>} : memref<3x160x128xf32, #tpu.memory_space<vmem>>, vector<16xf32>,
          %parallel_loop3A_463 = arith.mulf %parallel_loop3A_405, %parallel_loop3A_462 : vector<16xf32>
          %parallel_loop3A_464 = arith.constant 10 : i32
          %parallel_loop3A_465 = arith.muli %parallel_loop3A_392, %parallel_loop3A_464 : i32
          %parallel_loop3A_466 = arith.constant 4 : i32
          %parallel_loop3A_467 = arith.addi %parallel_loop3A_465, %parallel_loop3A_466 : i32
          %parallel_loop3A_468 = arith.constant 1 : i32
          %parallel_loop3A_469 = arith.index_cast %parallel_loop3A_468 : i32 to index
          %parallel_loop3A_470 = arith.index_cast %parallel_loop3A_467 : i32 to index
          %parallel_loop3A_471 = arith.constant 0 : index
          %parallel_loop3A_472 = tpu.vector_load %arg9[%parallel_loop3A_469, %parallel_loop3A_470, %parallel_loop3A_471] {strides = array<i32>} : memref<3x160x128xf32, #tpu.memory_space<vmem>>, vector<16xf32>,
          %parallel_loop3A_473 = arith.mulf %parallel_loop3A_408, %parallel_loop3A_472 : vector<16xf32>
          %parallel_loop3A_474 = arith.constant 10 : i32
          %parallel_loop3A_475 = arith.muli %parallel_loop3A_392, %parallel_loop3A_474 : i32
          %parallel_loop3A_476 = arith.constant 5 : i32
          %parallel_loop3A_477 = arith.addi %parallel_loop3A_475, %parallel_loop3A_476 : i32
          %parallel_loop3A_478 = arith.constant 1 : i32
          %parallel_loop3A_479 = arith.index_cast %parallel_loop3A_478 : i32 to index
          %parallel_loop3A_480 = arith.index_cast %parallel_loop3A_477 : i32 to index
          %parallel_loop3A_481 = arith.constant 0 : index
          %parallel_loop3A_482 = tpu.vector_load %arg9[%parallel_loop3A_479, %parallel_loop3A_480, %parallel_loop3A_481] {strides = array<i32>} : memref<3x160x128xf32, #tpu.memory_space<vmem>>, vector<16xf32>,
          %parallel_loop3A_483 = arith.mulf %parallel_loop3A_411, %parallel_loop3A_482 : vector<16xf32>
          %parallel_loop3A_484 = arith.constant 10 : i32
          %parallel_loop3A_485 = arith.muli %parallel_loop3A_392, %parallel_loop3A_484 : i32
          %parallel_loop3A_486 = arith.constant 6 : i32
          %parallel_loop3A_487 = arith.addi %parallel_loop3A_485, %parallel_loop3A_486 : i32
          %parallel_loop3A_488 = arith.constant 1 : i32
          %parallel_loop3A_489 = arith.index_cast %parallel_loop3A_488 : i32 to index
          %parallel_loop3A_490 = arith.index_cast %parallel_loop3A_487 : i32 to index
          %parallel_loop3A_491 = arith.constant 0 : index
          %parallel_loop3A_492 = tpu.vector_load %arg9[%parallel_loop3A_489, %parallel_loop3A_490, %parallel_loop3A_491] {strides = array<i32>} : memref<3x160x128xf32, #tpu.memory_space<vmem>>, vector<16xf32>,
          %parallel_loop3A_493 = arith.mulf %parallel_loop3A_414, %parallel_loop3A_492 : vector<16xf32>
          %parallel_loop3A_494 = arith.constant 10 : i32
          %parallel_loop3A_495 = arith.muli %parallel_loop3A_392, %parallel_loop3A_494 : i32
          %parallel_loop3A_496 = arith.constant 7 : i32
          %parallel_loop3A_497 = arith.addi %parallel_loop3A_495, %parallel_loop3A_496 : i32
          %parallel_loop3A_498 = arith.constant 1 : i32
          %parallel_loop3A_499 = arith.index_cast %parallel_loop3A_498 : i32 to index
          %parallel_loop3A_500 = arith.index_cast %parallel_loop3A_497 : i32 to index
          %parallel_loop3A_501 = arith.constant 0 : index
          %parallel_loop3A_502 = tpu.vector_load %arg9[%parallel_loop3A_499, %parallel_loop3A_500, %parallel_loop3A_501] {strides = array<i32>} : memref<3x160x128xf32, #tpu.memory_space<vmem>>, vector<16xf32>,
          %parallel_loop3A_503 = arith.mulf %parallel_loop3A_417, %parallel_loop3A_502 : vector<16xf32>
          %parallel_loop3A_504 = arith.constant 10 : i32
          %parallel_loop3A_505 = arith.muli %parallel_loop3A_392, %parallel_loop3A_504 : i32
          %parallel_loop3A_506 = arith.constant 8 : i32
          %parallel_loop3A_507 = arith.addi %parallel_loop3A_505, %parallel_loop3A_506 : i32
          %parallel_loop3A_508 = arith.constant 1 : i32
          %parallel_loop3A_509 = arith.index_cast %parallel_loop3A_508 : i32 to index
          %parallel_loop3A_510 = arith.index_cast %parallel_loop3A_507 : i32 to index
          %parallel_loop3A_511 = arith.constant 0 : index
          %parallel_loop3A_512 = tpu.vector_load %arg9[%parallel_loop3A_509, %parallel_loop3A_510, %parallel_loop3A_511] {strides = array<i32>} : memref<3x160x128xf32, #tpu.memory_space<vmem>>, vector<16xf32>,
          %parallel_loop3A_513 = arith.mulf %parallel_loop3A_420, %parallel_loop3A_512 : vector<16xf32>
          %parallel_loop3A_514 = arith.constant 10 : i32
          %parallel_loop3A_515 = arith.muli %parallel_loop3A_392, %parallel_loop3A_514 : i32
          %parallel_loop3A_516 = arith.constant 9 : i32
          %parallel_loop3A_517 = arith.addi %parallel_loop3A_515, %parallel_loop3A_516 : i32
          %parallel_loop3A_518 = arith.constant 1 : i32
          %parallel_loop3A_519 = arith.index_cast %parallel_loop3A_518 : i32 to index
          %parallel_loop3A_520 = arith.index_cast %parallel_loop3A_517 : i32 to index
          %parallel_loop3A_521 = arith.constant 0 : index
          %parallel_loop3A_522 = tpu.vector_load %arg9[%parallel_loop3A_519, %parallel_loop3A_520, %parallel_loop3A_521] {strides = array<i32>} : memref<3x160x128xf32, #tpu.memory_space<vmem>>, vector<16xf32>,
          %parallel_loop3A_523 = arith.mulf %parallel_loop3A_423, %parallel_loop3A_522 : vector<16xf32>
          %parallel_loop3A_524 = arith.addf %parallel_loop3A_433, %parallel_loop3A_443 : vector<16xf32>
          %parallel_loop3A_525 = arith.addf %parallel_loop3A_453, %parallel_loop3A_463 : vector<16xf32>
          %parallel_loop3A_526 = arith.addf %parallel_loop3A_473, %parallel_loop3A_483 : vector<16xf32>
          %parallel_loop3A_527 = arith.addf %parallel_loop3A_493, %parallel_loop3A_503 : vector<16xf32>
          %parallel_loop3A_528 = arith.addf %parallel_loop3A_513, %parallel_loop3A_523 : vector<16xf32>
          %parallel_loop3A_529 = arith.addf %parallel_loop3A_524, %parallel_loop3A_525 : vector<16xf32>
          %parallel_loop3A_530 = arith.addf %parallel_loop3A_526, %parallel_loop3A_527 : vector<16xf32>
          %parallel_loop3A_531 = arith.addf %parallel_loop3A_529, %parallel_loop3A_530 : vector<16xf32>
          %parallel_loop3A_532 = arith.addf %parallel_loop3A_531, %parallel_loop3A_528 : vector<16xf32>
          %parallel_loop3A_533 = arith.constant 0.000000e+00 : f32
          %parallel_loop3A_534 = vector.broadcast %parallel_loop3A_533 : f32 to vector<16xf32>
          %parallel_loop3A_535 = arith.maximumf %parallel_loop3A_532, %parallel_loop3A_534 : vector<16xf32>
          %parallel_loop3A_536 = arith.index_cast %parallel_loop3A_392 : i32 to index
          %parallel_loop3A_537 = arith.constant 0 : index
          %parallel_loop3A_538 = tpu.vector_load %arg11[%parallel_loop3A_536, %parallel_loop3A_537] {strides = array<i32>} : memref<16x128xf32, #tpu.memory_space<vmem>>, vector<16xf32>,
          tpu.vector_store %arg11[%parallel_loop3A_536, %parallel_loop3A_537], %parallel_loop3A_535 {strides = array<i32>} : memref<16x128xf32, #tpu.memory_space<vmem>>, vector<16xf32>,
          %parallel_loop3A_539 = arith.constant 10 : i32
          %parallel_loop3A_540 = arith.muli %parallel_loop3A_392, %parallel_loop3A_539 : i32
          %parallel_loop3A_541 = arith.constant 0 : i32
          %parallel_loop3A_542 = arith.addi %parallel_loop3A_540, %parallel_loop3A_541 : i32
          %parallel_loop3A_543 = arith.constant 1 : i32
          %parallel_loop3A_544 = arith.index_cast %parallel_loop3A_543 : i32 to index
          %parallel_loop3A_545 = arith.index_cast %parallel_loop3A_542 : i32 to index
          %parallel_loop3A_546 = arith.constant 16 : index
          %parallel_loop3A_547 = tpu.vector_load %arg9[%parallel_loop3A_544, %parallel_loop3A_545, %parallel_loop3A_546] {strides = array<i32>} : memref<3x160x128xf32, #tpu.memory_space<vmem>>, vector<16xf32>,
          %parallel_loop3A_548 = arith.mulf %parallel_loop3A_396, %parallel_loop3A_547 : vector<16xf32>
          %parallel_loop3A_549 = arith.constant 10 : i32
          %parallel_loop3A_550 = arith.muli %parallel_loop3A_392, %parallel_loop3A_549 : i32
          %parallel_loop3A_551 = arith.constant 1 : i32
          %parallel_loop3A_552 = arith.addi %parallel_loop3A_550, %parallel_loop3A_551 : i32
          %parallel_loop3A_553 = arith.constant 1 : i32
          %parallel_loop3A_554 = arith.index_cast %parallel_loop3A_553 : i32 to index
          %parallel_loop3A_555 = arith.index_cast %parallel_loop3A_552 : i32 to index
          %parallel_loop3A_556 = arith.constant 16 : index
          %parallel_loop3A_557 = tpu.vector_load %arg9[%parallel_loop3A_554, %parallel_loop3A_555, %parallel_loop3A_556] {strides = array<i32>} : memref<3x160x128xf32, #tpu.memory_space<vmem>>, vector<16xf32>,
          %parallel_loop3A_558 = arith.mulf %parallel_loop3A_399, %parallel_loop3A_557 : vector<16xf32>
          %parallel_loop3A_559 = arith.constant 10 : i32
          %parallel_loop3A_560 = arith.muli %parallel_loop3A_392, %parallel_loop3A_559 : i32
          %parallel_loop3A_561 = arith.constant 2 : i32
          %parallel_loop3A_562 = arith.addi %parallel_loop3A_560, %parallel_loop3A_561 : i32
          %parallel_loop3A_563 = arith.constant 1 : i32
          %parallel_loop3A_564 = arith.index_cast %parallel_loop3A_563 : i32 to index
          %parallel_loop3A_565 = arith.index_cast %parallel_loop3A_562 : i32 to index
          %parallel_loop3A_566 = arith.constant 16 : index
          %parallel_loop3A_567 = tpu.vector_load %arg9[%parallel_loop3A_564, %parallel_loop3A_565, %parallel_loop3A_566] {strides = array<i32>} : memref<3x160x128xf32, #tpu.memory_space<vmem>>, vector<16xf32>,
          %parallel_loop3A_568 = arith.mulf %parallel_loop3A_402, %parallel_loop3A_567 : vector<16xf32>
          %parallel_loop3A_569 = arith.constant 10 : i32
          %parallel_loop3A_570 = arith.muli %parallel_loop3A_392, %parallel_loop3A_569 : i32
          %parallel_loop3A_571 = arith.constant 3 : i32
          %parallel_loop3A_572 = arith.addi %parallel_loop3A_570, %parallel_loop3A_571 : i32
          %parallel_loop3A_573 = arith.constant 1 : i32
          %parallel_loop3A_574 = arith.index_cast %parallel_loop3A_573 : i32 to index
          %parallel_loop3A_575 = arith.index_cast %parallel_loop3A_572 : i32 to index
          %parallel_loop3A_576 = arith.constant 16 : index
          %parallel_loop3A_577 = tpu.vector_load %arg9[%parallel_loop3A_574, %parallel_loop3A_575, %parallel_loop3A_576] {strides = array<i32>} : memref<3x160x128xf32, #tpu.memory_space<vmem>>, vector<16xf32>,
          %parallel_loop3A_578 = arith.mulf %parallel_loop3A_405, %parallel_loop3A_577 : vector<16xf32>
          %parallel_loop3A_579 = arith.constant 10 : i32
          %parallel_loop3A_580 = arith.muli %parallel_loop3A_392, %parallel_loop3A_579 : i32
          %parallel_loop3A_581 = arith.constant 4 : i32
          %parallel_loop3A_582 = arith.addi %parallel_loop3A_580, %parallel_loop3A_581 : i32
          %parallel_loop3A_583 = arith.constant 1 : i32
          %parallel_loop3A_584 = arith.index_cast %parallel_loop3A_583 : i32 to index
          %parallel_loop3A_585 = arith.index_cast %parallel_loop3A_582 : i32 to index
          %parallel_loop3A_586 = arith.constant 16 : index
          %parallel_loop3A_587 = tpu.vector_load %arg9[%parallel_loop3A_584, %parallel_loop3A_585, %parallel_loop3A_586] {strides = array<i32>} : memref<3x160x128xf32, #tpu.memory_space<vmem>>, vector<16xf32>,
          %parallel_loop3A_588 = arith.mulf %parallel_loop3A_408, %parallel_loop3A_587 : vector<16xf32>
          %parallel_loop3A_589 = arith.constant 10 : i32
          %parallel_loop3A_590 = arith.muli %parallel_loop3A_392, %parallel_loop3A_589 : i32
          %parallel_loop3A_591 = arith.constant 5 : i32
          %parallel_loop3A_592 = arith.addi %parallel_loop3A_590, %parallel_loop3A_591 : i32
          %parallel_loop3A_593 = arith.constant 1 : i32
          %parallel_loop3A_594 = arith.index_cast %parallel_loop3A_593 : i32 to index
          %parallel_loop3A_595 = arith.index_cast %parallel_loop3A_592 : i32 to index
          %parallel_loop3A_596 = arith.constant 16 : index
          %parallel_loop3A_597 = tpu.vector_load %arg9[%parallel_loop3A_594, %parallel_loop3A_595, %parallel_loop3A_596] {strides = array<i32>} : memref<3x160x128xf32, #tpu.memory_space<vmem>>, vector<16xf32>,
          %parallel_loop3A_598 = arith.mulf %parallel_loop3A_411, %parallel_loop3A_597 : vector<16xf32>
          %parallel_loop3A_599 = arith.constant 10 : i32
          %parallel_loop3A_600 = arith.muli %parallel_loop3A_392, %parallel_loop3A_599 : i32
          %parallel_loop3A_601 = arith.constant 6 : i32
          %parallel_loop3A_602 = arith.addi %parallel_loop3A_600, %parallel_loop3A_601 : i32
          %parallel_loop3A_603 = arith.constant 1 : i32
          %parallel_loop3A_604 = arith.index_cast %parallel_loop3A_603 : i32 to index
          %parallel_loop3A_605 = arith.index_cast %parallel_loop3A_602 : i32 to index
          %parallel_loop3A_606 = arith.constant 16 : index
          %parallel_loop3A_607 = tpu.vector_load %arg9[%parallel_loop3A_604, %parallel_loop3A_605, %parallel_loop3A_606] {strides = array<i32>} : memref<3x160x128xf32, #tpu.memory_space<vmem>>, vector<16xf32>,
          %parallel_loop3A_608 = arith.mulf %parallel_loop3A_414, %parallel_loop3A_607 : vector<16xf32>
          %parallel_loop3A_609 = arith.constant 10 : i32
          %parallel_loop3A_610 = arith.muli %parallel_loop3A_392, %parallel_loop3A_609 : i32
          %parallel_loop3A_611 = arith.constant 7 : i32
          %parallel_loop3A_612 = arith.addi %parallel_loop3A_610, %parallel_loop3A_611 : i32
          %parallel_loop3A_613 = arith.constant 1 : i32
          %parallel_loop3A_614 = arith.index_cast %parallel_loop3A_613 : i32 to index
          %parallel_loop3A_615 = arith.index_cast %parallel_loop3A_612 : i32 to index
          %parallel_loop3A_616 = arith.constant 16 : index
          %parallel_loop3A_617 = tpu.vector_load %arg9[%parallel_loop3A_614, %parallel_loop3A_615, %parallel_loop3A_616] {strides = array<i32>} : memref<3x160x128xf32, #tpu.memory_space<vmem>>, vector<16xf32>,
          %parallel_loop3A_618 = arith.mulf %parallel_loop3A_417, %parallel_loop3A_617 : vector<16xf32>
          %parallel_loop3A_619 = arith.constant 10 : i32
          %parallel_loop3A_620 = arith.muli %parallel_loop3A_392, %parallel_loop3A_619 : i32
          %parallel_loop3A_621 = arith.constant 8 : i32
          %parallel_loop3A_622 = arith.addi %parallel_loop3A_620, %parallel_loop3A_621 : i32
          %parallel_loop3A_623 = arith.constant 1 : i32
          %parallel_loop3A_624 = arith.index_cast %parallel_loop3A_623 : i32 to index
          %parallel_loop3A_625 = arith.index_cast %parallel_loop3A_622 : i32 to index
          %parallel_loop3A_626 = arith.constant 16 : index
          %parallel_loop3A_627 = tpu.vector_load %arg9[%parallel_loop3A_624, %parallel_loop3A_625, %parallel_loop3A_626] {strides = array<i32>} : memref<3x160x128xf32, #tpu.memory_space<vmem>>, vector<16xf32>,
          %parallel_loop3A_628 = arith.mulf %parallel_loop3A_420, %parallel_loop3A_627 : vector<16xf32>
          %parallel_loop3A_629 = arith.constant 10 : i32
          %parallel_loop3A_630 = arith.muli %parallel_loop3A_392, %parallel_loop3A_629 : i32
          %parallel_loop3A_631 = arith.constant 9 : i32
          %parallel_loop3A_632 = arith.addi %parallel_loop3A_630, %parallel_loop3A_631 : i32
          %parallel_loop3A_633 = arith.constant 1 : i32
          %parallel_loop3A_634 = arith.index_cast %parallel_loop3A_633 : i32 to index
          %parallel_loop3A_635 = arith.index_cast %parallel_loop3A_632 : i32 to index
          %parallel_loop3A_636 = arith.constant 16 : index
          %parallel_loop3A_637 = tpu.vector_load %arg9[%parallel_loop3A_634, %parallel_loop3A_635, %parallel_loop3A_636] {strides = array<i32>} : memref<3x160x128xf32, #tpu.memory_space<vmem>>, vector<16xf32>,
          %parallel_loop3A_638 = arith.mulf %parallel_loop3A_423, %parallel_loop3A_637 : vector<16xf32>
          %parallel_loop3A_639 = arith.addf %parallel_loop3A_548, %parallel_loop3A_558 : vector<16xf32>
          %parallel_loop3A_640 = arith.addf %parallel_loop3A_568, %parallel_loop3A_578 : vector<16xf32>
          %parallel_loop3A_641 = arith.addf %parallel_loop3A_588, %parallel_loop3A_598 : vector<16xf32>
          %parallel_loop3A_642 = arith.addf %parallel_loop3A_608, %parallel_loop3A_618 : vector<16xf32>
          %parallel_loop3A_643 = arith.addf %parallel_loop3A_628, %parallel_loop3A_638 : vector<16xf32>
          %parallel_loop3A_644 = arith.addf %parallel_loop3A_639, %parallel_loop3A_640 : vector<16xf32>
          %parallel_loop3A_645 = arith.addf %parallel_loop3A_641, %parallel_loop3A_642 : vector<16xf32>
          %parallel_loop3A_646 = arith.addf %parallel_loop3A_644, %parallel_loop3A_645 : vector<16xf32>
          %parallel_loop3A_647 = arith.addf %parallel_loop3A_646, %parallel_loop3A_643 : vector<16xf32>
          %parallel_loop3A_648 = arith.constant 0.000000e+00 : f32
          %parallel_loop3A_649 = vector.broadcast %parallel_loop3A_648 : f32 to vector<16xf32>
          %parallel_loop3A_650 = arith.maximumf %parallel_loop3A_647, %parallel_loop3A_649 : vector<16xf32>
          %parallel_loop3A_651 = arith.index_cast %parallel_loop3A_392 : i32 to index
          %parallel_loop3A_652 = arith.constant 16 : index
          %parallel_loop3A_653 = tpu.vector_load %arg11[%parallel_loop3A_651, %parallel_loop3A_652] {strides = array<i32>} : memref<16x128xf32, #tpu.memory_space<vmem>>, vector<16xf32>,
          tpu.vector_store %arg11[%parallel_loop3A_651, %parallel_loop3A_652], %parallel_loop3A_650 {strides = array<i32>} : memref<16x128xf32, #tpu.memory_space<vmem>>, vector<16xf32>,
          %parallel_loop3A_654 = arith.constant 10 : i32
          %parallel_loop3A_655 = arith.muli %parallel_loop3A_392, %parallel_loop3A_654 : i32
          %parallel_loop3A_656 = arith.constant 0 : i32
          %parallel_loop3A_657 = arith.addi %parallel_loop3A_655, %parallel_loop3A_656 : i32
          %parallel_loop3A_658 = arith.constant 1 : i32
          %parallel_loop3A_659 = arith.index_cast %parallel_loop3A_658 : i32 to index
          %parallel_loop3A_660 = arith.index_cast %parallel_loop3A_657 : i32 to index
          %parallel_loop3A_661 = arith.constant 32 : index
          %parallel_loop3A_662 = tpu.vector_load %arg9[%parallel_loop3A_659, %parallel_loop3A_660, %parallel_loop3A_661] {strides = array<i32>} : memref<3x160x128xf32, #tpu.memory_space<vmem>>, vector<16xf32>,
          %parallel_loop3A_663 = arith.mulf %parallel_loop3A_396, %parallel_loop3A_662 : vector<16xf32>
          %parallel_loop3A_664 = arith.constant 10 : i32
          %parallel_loop3A_665 = arith.muli %parallel_loop3A_392, %parallel_loop3A_664 : i32
          %parallel_loop3A_666 = arith.constant 1 : i32
          %parallel_loop3A_667 = arith.addi %parallel_loop3A_665, %parallel_loop3A_666 : i32
          %parallel_loop3A_668 = arith.constant 1 : i32
          %parallel_loop3A_669 = arith.index_cast %parallel_loop3A_668 : i32 to index
          %parallel_loop3A_670 = arith.index_cast %parallel_loop3A_667 : i32 to index
          %parallel_loop3A_671 = arith.constant 32 : index
          %parallel_loop3A_672 = tpu.vector_load %arg9[%parallel_loop3A_669, %parallel_loop3A_670, %parallel_loop3A_671] {strides = array<i32>} : memref<3x160x128xf32, #tpu.memory_space<vmem>>, vector<16xf32>,
          %parallel_loop3A_673 = arith.mulf %parallel_loop3A_399, %parallel_loop3A_672 : vector<16xf32>
          %parallel_loop3A_674 = arith.constant 10 : i32
          %parallel_loop3A_675 = arith.muli %parallel_loop3A_392, %parallel_loop3A_674 : i32
          %parallel_loop3A_676 = arith.constant 2 : i32
          %parallel_loop3A_677 = arith.addi %parallel_loop3A_675, %parallel_loop3A_676 : i32
          %parallel_loop3A_678 = arith.constant 1 : i32
          %parallel_loop3A_679 = arith.index_cast %parallel_loop3A_678 : i32 to index
          %parallel_loop3A_680 = arith.index_cast %parallel_loop3A_677 : i32 to index
          %parallel_loop3A_681 = arith.constant 32 : index
          %parallel_loop3A_682 = tpu.vector_load %arg9[%parallel_loop3A_679, %parallel_loop3A_680, %parallel_loop3A_681] {strides = array<i32>} : memref<3x160x128xf32, #tpu.memory_space<vmem>>, vector<16xf32>,
          %parallel_loop3A_683 = arith.mulf %parallel_loop3A_402, %parallel_loop3A_682 : vector<16xf32>
          %parallel_loop3A_684 = arith.constant 10 : i32
          %parallel_loop3A_685 = arith.muli %parallel_loop3A_392, %parallel_loop3A_684 : i32
          %parallel_loop3A_686 = arith.constant 3 : i32
          %parallel_loop3A_687 = arith.addi %parallel_loop3A_685, %parallel_loop3A_686 : i32
          %parallel_loop3A_688 = arith.constant 1 : i32
          %parallel_loop3A_689 = arith.index_cast %parallel_loop3A_688 : i32 to index
          %parallel_loop3A_690 = arith.index_cast %parallel_loop3A_687 : i32 to index
          %parallel_loop3A_691 = arith.constant 32 : index
          %parallel_loop3A_692 = tpu.vector_load %arg9[%parallel_loop3A_689, %parallel_loop3A_690, %parallel_loop3A_691] {strides = array<i32>} : memref<3x160x128xf32, #tpu.memory_space<vmem>>, vector<16xf32>,
          %parallel_loop3A_693 = arith.mulf %parallel_loop3A_405, %parallel_loop3A_692 : vector<16xf32>
          %parallel_loop3A_694 = arith.constant 10 : i32
          %parallel_loop3A_695 = arith.muli %parallel_loop3A_392, %parallel_loop3A_694 : i32
          %parallel_loop3A_696 = arith.constant 4 : i32
          %parallel_loop3A_697 = arith.addi %parallel_loop3A_695, %parallel_loop3A_696 : i32
          %parallel_loop3A_698 = arith.constant 1 : i32
          %parallel_loop3A_699 = arith.index_cast %parallel_loop3A_698 : i32 to index
          %parallel_loop3A_700 = arith.index_cast %parallel_loop3A_697 : i32 to index
          %parallel_loop3A_701 = arith.constant 32 : index
          %parallel_loop3A_702 = tpu.vector_load %arg9[%parallel_loop3A_699, %parallel_loop3A_700, %parallel_loop3A_701] {strides = array<i32>} : memref<3x160x128xf32, #tpu.memory_space<vmem>>, vector<16xf32>,
          %parallel_loop3A_703 = arith.mulf %parallel_loop3A_408, %parallel_loop3A_702 : vector<16xf32>
          %parallel_loop3A_704 = arith.constant 10 : i32
          %parallel_loop3A_705 = arith.muli %parallel_loop3A_392, %parallel_loop3A_704 : i32
          %parallel_loop3A_706 = arith.constant 5 : i32
          %parallel_loop3A_707 = arith.addi %parallel_loop3A_705, %parallel_loop3A_706 : i32
          %parallel_loop3A_708 = arith.constant 1 : i32
          %parallel_loop3A_709 = arith.index_cast %parallel_loop3A_708 : i32 to index
          %parallel_loop3A_710 = arith.index_cast %parallel_loop3A_707 : i32 to index
          %parallel_loop3A_711 = arith.constant 32 : index
          %parallel_loop3A_712 = tpu.vector_load %arg9[%parallel_loop3A_709, %parallel_loop3A_710, %parallel_loop3A_711] {strides = array<i32>} : memref<3x160x128xf32, #tpu.memory_space<vmem>>, vector<16xf32>,
          %parallel_loop3A_713 = arith.mulf %parallel_loop3A_411, %parallel_loop3A_712 : vector<16xf32>
          %parallel_loop3A_714 = arith.constant 10 : i32
          %parallel_loop3A_715 = arith.muli %parallel_loop3A_392, %parallel_loop3A_714 : i32
          %parallel_loop3A_716 = arith.constant 6 : i32
          %parallel_loop3A_717 = arith.addi %parallel_loop3A_715, %parallel_loop3A_716 : i32
          %parallel_loop3A_718 = arith.constant 1 : i32
          %parallel_loop3A_719 = arith.index_cast %parallel_loop3A_718 : i32 to index
          %parallel_loop3A_720 = arith.index_cast %parallel_loop3A_717 : i32 to index
          %parallel_loop3A_721 = arith.constant 32 : index
          %parallel_loop3A_722 = tpu.vector_load %arg9[%parallel_loop3A_719, %parallel_loop3A_720, %parallel_loop3A_721] {strides = array<i32>} : memref<3x160x128xf32, #tpu.memory_space<vmem>>, vector<16xf32>,
          %parallel_loop3A_723 = arith.mulf %parallel_loop3A_414, %parallel_loop3A_722 : vector<16xf32>
          %parallel_loop3A_724 = arith.constant 10 : i32
          %parallel_loop3A_725 = arith.muli %parallel_loop3A_392, %parallel_loop3A_724 : i32
          %parallel_loop3A_726 = arith.constant 7 : i32
          %parallel_loop3A_727 = arith.addi %parallel_loop3A_725, %parallel_loop3A_726 : i32
          %parallel_loop3A_728 = arith.constant 1 : i32
          %parallel_loop3A_729 = arith.index_cast %parallel_loop3A_728 : i32 to index
          %parallel_loop3A_730 = arith.index_cast %parallel_loop3A_727 : i32 to index
          %parallel_loop3A_731 = arith.constant 32 : index
          %parallel_loop3A_732 = tpu.vector_load %arg9[%parallel_loop3A_729, %parallel_loop3A_730, %parallel_loop3A_731] {strides = array<i32>} : memref<3x160x128xf32, #tpu.memory_space<vmem>>, vector<16xf32>,
          %parallel_loop3A_733 = arith.mulf %parallel_loop3A_417, %parallel_loop3A_732 : vector<16xf32>
          %parallel_loop3A_734 = arith.constant 10 : i32
          %parallel_loop3A_735 = arith.muli %parallel_loop3A_392, %parallel_loop3A_734 : i32
          %parallel_loop3A_736 = arith.constant 8 : i32
          %parallel_loop3A_737 = arith.addi %parallel_loop3A_735, %parallel_loop3A_736 : i32
          %parallel_loop3A_738 = arith.constant 1 : i32
          %parallel_loop3A_739 = arith.index_cast %parallel_loop3A_738 : i32 to index
          %parallel_loop3A_740 = arith.index_cast %parallel_loop3A_737 : i32 to index
          %parallel_loop3A_741 = arith.constant 32 : index
          %parallel_loop3A_742 = tpu.vector_load %arg9[%parallel_loop3A_739, %parallel_loop3A_740, %parallel_loop3A_741] {strides = array<i32>} : memref<3x160x128xf32, #tpu.memory_space<vmem>>, vector<16xf32>,
          %parallel_loop3A_743 = arith.mulf %parallel_loop3A_420, %parallel_loop3A_742 : vector<16xf32>
          %parallel_loop3A_744 = arith.constant 10 : i32
          %parallel_loop3A_745 = arith.muli %parallel_loop3A_392, %parallel_loop3A_744 : i32
          %parallel_loop3A_746 = arith.constant 9 : i32
          %parallel_loop3A_747 = arith.addi %parallel_loop3A_745, %parallel_loop3A_746 : i32
          %parallel_loop3A_748 = arith.constant 1 : i32
          %parallel_loop3A_749 = arith.index_cast %parallel_loop3A_748 : i32 to index
          %parallel_loop3A_750 = arith.index_cast %parallel_loop3A_747 : i32 to index
          %parallel_loop3A_751 = arith.constant 32 : index
          %parallel_loop3A_752 = tpu.vector_load %arg9[%parallel_loop3A_749, %parallel_loop3A_750, %parallel_loop3A_751] {strides = array<i32>} : memref<3x160x128xf32, #tpu.memory_space<vmem>>, vector<16xf32>,
          %parallel_loop3A_753 = arith.mulf %parallel_loop3A_423, %parallel_loop3A_752 : vector<16xf32>
          %parallel_loop3A_754 = arith.addf %parallel_loop3A_663, %parallel_loop3A_673 : vector<16xf32>
          %parallel_loop3A_755 = arith.addf %parallel_loop3A_683, %parallel_loop3A_693 : vector<16xf32>
          %parallel_loop3A_756 = arith.addf %parallel_loop3A_703, %parallel_loop3A_713 : vector<16xf32>
          %parallel_loop3A_757 = arith.addf %parallel_loop3A_723, %parallel_loop3A_733 : vector<16xf32>
          %parallel_loop3A_758 = arith.addf %parallel_loop3A_743, %parallel_loop3A_753 : vector<16xf32>
          %parallel_loop3A_759 = arith.addf %parallel_loop3A_754, %parallel_loop3A_755 : vector<16xf32>
          %parallel_loop3A_760 = arith.addf %parallel_loop3A_756, %parallel_loop3A_757 : vector<16xf32>
          %parallel_loop3A_761 = arith.addf %parallel_loop3A_759, %parallel_loop3A_760 : vector<16xf32>
          %parallel_loop3A_762 = arith.addf %parallel_loop3A_761, %parallel_loop3A_758 : vector<16xf32>
          %parallel_loop3A_763 = arith.constant 0.000000e+00 : f32
          %parallel_loop3A_764 = vector.broadcast %parallel_loop3A_763 : f32 to vector<16xf32>
          %parallel_loop3A_765 = arith.maximumf %parallel_loop3A_762, %parallel_loop3A_764 : vector<16xf32>
          %parallel_loop3A_766 = arith.index_cast %parallel_loop3A_392 : i32 to index
          %parallel_loop3A_767 = arith.constant 32 : index
          %parallel_loop3A_768 = tpu.vector_load %arg11[%parallel_loop3A_766, %parallel_loop3A_767] {strides = array<i32>} : memref<16x128xf32, #tpu.memory_space<vmem>>, vector<16xf32>,
          tpu.vector_store %arg11[%parallel_loop3A_766, %parallel_loop3A_767], %parallel_loop3A_765 {strides = array<i32>} : memref<16x128xf32, #tpu.memory_space<vmem>>, vector<16xf32>,
          %parallel_loop3A_769 = arith.constant 10 : i32
          %parallel_loop3A_770 = arith.muli %parallel_loop3A_392, %parallel_loop3A_769 : i32
          %parallel_loop3A_771 = arith.constant 0 : i32
          %parallel_loop3A_772 = arith.addi %parallel_loop3A_770, %parallel_loop3A_771 : i32
          %parallel_loop3A_773 = arith.constant 1 : i32
          %parallel_loop3A_774 = arith.index_cast %parallel_loop3A_773 : i32 to index
          %parallel_loop3A_775 = arith.index_cast %parallel_loop3A_772 : i32 to index
          %parallel_loop3A_776 = arith.constant 48 : index
          %parallel_loop3A_777 = tpu.vector_load %arg9[%parallel_loop3A_774, %parallel_loop3A_775, %parallel_loop3A_776] {strides = array<i32>} : memref<3x160x128xf32, #tpu.memory_space<vmem>>, vector<16xf32>,
          %parallel_loop3A_778 = arith.mulf %parallel_loop3A_396, %parallel_loop3A_777 : vector<16xf32>
          %parallel_loop3A_779 = arith.constant 10 : i32
          %parallel_loop3A_780 = arith.muli %parallel_loop3A_392, %parallel_loop3A_779 : i32
          %parallel_loop3A_781 = arith.constant 1 : i32
          %parallel_loop3A_782 = arith.addi %parallel_loop3A_780, %parallel_loop3A_781 : i32
          %parallel_loop3A_783 = arith.constant 1 : i32
          %parallel_loop3A_784 = arith.index_cast %parallel_loop3A_783 : i32 to index
          %parallel_loop3A_785 = arith.index_cast %parallel_loop3A_782 : i32 to index
          %parallel_loop3A_786 = arith.constant 48 : index
          %parallel_loop3A_787 = tpu.vector_load %arg9[%parallel_loop3A_784, %parallel_loop3A_785, %parallel_loop3A_786] {strides = array<i32>} : memref<3x160x128xf32, #tpu.memory_space<vmem>>, vector<16xf32>,
          %parallel_loop3A_788 = arith.mulf %parallel_loop3A_399, %parallel_loop3A_787 : vector<16xf32>
          %parallel_loop3A_789 = arith.constant 10 : i32
          %parallel_loop3A_790 = arith.muli %parallel_loop3A_392, %parallel_loop3A_789 : i32
          %parallel_loop3A_791 = arith.constant 2 : i32
          %parallel_loop3A_792 = arith.addi %parallel_loop3A_790, %parallel_loop3A_791 : i32
          %parallel_loop3A_793 = arith.constant 1 : i32
          %parallel_loop3A_794 = arith.index_cast %parallel_loop3A_793 : i32 to index
          %parallel_loop3A_795 = arith.index_cast %parallel_loop3A_792 : i32 to index
          %parallel_loop3A_796 = arith.constant 48 : index
          %parallel_loop3A_797 = tpu.vector_load %arg9[%parallel_loop3A_794, %parallel_loop3A_795, %parallel_loop3A_796] {strides = array<i32>} : memref<3x160x128xf32, #tpu.memory_space<vmem>>, vector<16xf32>,
          %parallel_loop3A_798 = arith.mulf %parallel_loop3A_402, %parallel_loop3A_797 : vector<16xf32>
          %parallel_loop3A_799 = arith.constant 10 : i32
          %parallel_loop3A_800 = arith.muli %parallel_loop3A_392, %parallel_loop3A_799 : i32
          %parallel_loop3A_801 = arith.constant 3 : i32
          %parallel_loop3A_802 = arith.addi %parallel_loop3A_800, %parallel_loop3A_801 : i32
          %parallel_loop3A_803 = arith.constant 1 : i32
          %parallel_loop3A_804 = arith.index_cast %parallel_loop3A_803 : i32 to index
          %parallel_loop3A_805 = arith.index_cast %parallel_loop3A_802 : i32 to index
          %parallel_loop3A_806 = arith.constant 48 : index
          %parallel_loop3A_807 = tpu.vector_load %arg9[%parallel_loop3A_804, %parallel_loop3A_805, %parallel_loop3A_806] {strides = array<i32>} : memref<3x160x128xf32, #tpu.memory_space<vmem>>, vector<16xf32>,
          %parallel_loop3A_808 = arith.mulf %parallel_loop3A_405, %parallel_loop3A_807 : vector<16xf32>
          %parallel_loop3A_809 = arith.constant 10 : i32
          %parallel_loop3A_810 = arith.muli %parallel_loop3A_392, %parallel_loop3A_809 : i32
          %parallel_loop3A_811 = arith.constant 4 : i32
          %parallel_loop3A_812 = arith.addi %parallel_loop3A_810, %parallel_loop3A_811 : i32
          %parallel_loop3A_813 = arith.constant 1 : i32
          %parallel_loop3A_814 = arith.index_cast %parallel_loop3A_813 : i32 to index
          %parallel_loop3A_815 = arith.index_cast %parallel_loop3A_812 : i32 to index
          %parallel_loop3A_816 = arith.constant 48 : index
          %parallel_loop3A_817 = tpu.vector_load %arg9[%parallel_loop3A_814, %parallel_loop3A_815, %parallel_loop3A_816] {strides = array<i32>} : memref<3x160x128xf32, #tpu.memory_space<vmem>>, vector<16xf32>,
          %parallel_loop3A_818 = arith.mulf %parallel_loop3A_408, %parallel_loop3A_817 : vector<16xf32>
          %parallel_loop3A_819 = arith.constant 10 : i32
          %parallel_loop3A_820 = arith.muli %parallel_loop3A_392, %parallel_loop3A_819 : i32
          %parallel_loop3A_821 = arith.constant 5 : i32
          %parallel_loop3A_822 = arith.addi %parallel_loop3A_820, %parallel_loop3A_821 : i32
          %parallel_loop3A_823 = arith.constant 1 : i32
          %parallel_loop3A_824 = arith.index_cast %parallel_loop3A_823 : i32 to index
          %parallel_loop3A_825 = arith.index_cast %parallel_loop3A_822 : i32 to index
          %parallel_loop3A_826 = arith.constant 48 : index
          %parallel_loop3A_827 = tpu.vector_load %arg9[%parallel_loop3A_824, %parallel_loop3A_825, %parallel_loop3A_826] {strides = array<i32>} : memref<3x160x128xf32, #tpu.memory_space<vmem>>, vector<16xf32>,
          %parallel_loop3A_828 = arith.mulf %parallel_loop3A_411, %parallel_loop3A_827 : vector<16xf32>
          %parallel_loop3A_829 = arith.constant 10 : i32
          %parallel_loop3A_830 = arith.muli %parallel_loop3A_392, %parallel_loop3A_829 : i32
          %parallel_loop3A_831 = arith.constant 6 : i32
          %parallel_loop3A_832 = arith.addi %parallel_loop3A_830, %parallel_loop3A_831 : i32
          %parallel_loop3A_833 = arith.constant 1 : i32
          %parallel_loop3A_834 = arith.index_cast %parallel_loop3A_833 : i32 to index
          %parallel_loop3A_835 = arith.index_cast %parallel_loop3A_832 : i32 to index
          %parallel_loop3A_836 = arith.constant 48 : index
          %parallel_loop3A_837 = tpu.vector_load %arg9[%parallel_loop3A_834, %parallel_loop3A_835, %parallel_loop3A_836] {strides = array<i32>} : memref<3x160x128xf32, #tpu.memory_space<vmem>>, vector<16xf32>,
          %parallel_loop3A_838 = arith.mulf %parallel_loop3A_414, %parallel_loop3A_837 : vector<16xf32>
          %parallel_loop3A_839 = arith.constant 10 : i32
          %parallel_loop3A_840 = arith.muli %parallel_loop3A_392, %parallel_loop3A_839 : i32
          %parallel_loop3A_841 = arith.constant 7 : i32
          %parallel_loop3A_842 = arith.addi %parallel_loop3A_840, %parallel_loop3A_841 : i32
          %parallel_loop3A_843 = arith.constant 1 : i32
          %parallel_loop3A_844 = arith.index_cast %parallel_loop3A_843 : i32 to index
          %parallel_loop3A_845 = arith.index_cast %parallel_loop3A_842 : i32 to index
          %parallel_loop3A_846 = arith.constant 48 : index
          %parallel_loop3A_847 = tpu.vector_load %arg9[%parallel_loop3A_844, %parallel_loop3A_845, %parallel_loop3A_846] {strides = array<i32>} : memref<3x160x128xf32, #tpu.memory_space<vmem>>, vector<16xf32>,
          %parallel_loop3A_848 = arith.mulf %parallel_loop3A_417, %parallel_loop3A_847 : vector<16xf32>
          %parallel_loop3A_849 = arith.constant 10 : i32
          %parallel_loop3A_850 = arith.muli %parallel_loop3A_392, %parallel_loop3A_849 : i32
          %parallel_loop3A_851 = arith.constant 8 : i32
          %parallel_loop3A_852 = arith.addi %parallel_loop3A_850, %parallel_loop3A_851 : i32
          %parallel_loop3A_853 = arith.constant 1 : i32
          %parallel_loop3A_854 = arith.index_cast %parallel_loop3A_853 : i32 to index
          %parallel_loop3A_855 = arith.index_cast %parallel_loop3A_852 : i32 to index
          %parallel_loop3A_856 = arith.constant 48 : index
          %parallel_loop3A_857 = tpu.vector_load %arg9[%parallel_loop3A_854, %parallel_loop3A_855, %parallel_loop3A_856] {strides = array<i32>} : memref<3x160x128xf32, #tpu.memory_space<vmem>>, vector<16xf32>,
          %parallel_loop3A_858 = arith.mulf %parallel_loop3A_420, %parallel_loop3A_857 : vector<16xf32>
          %parallel_loop3A_859 = arith.constant 10 : i32
          %parallel_loop3A_860 = arith.muli %parallel_loop3A_392, %parallel_loop3A_859 : i32
          %parallel_loop3A_861 = arith.constant 9 : i32
          %parallel_loop3A_862 = arith.addi %parallel_loop3A_860, %parallel_loop3A_861 : i32
          %parallel_loop3A_863 = arith.constant 1 : i32
          %parallel_loop3A_864 = arith.index_cast %parallel_loop3A_863 : i32 to index
          %parallel_loop3A_865 = arith.index_cast %parallel_loop3A_862 : i32 to index
          %parallel_loop3A_866 = arith.constant 48 : index
          %parallel_loop3A_867 = tpu.vector_load %arg9[%parallel_loop3A_864, %parallel_loop3A_865, %parallel_loop3A_866] {strides = array<i32>} : memref<3x160x128xf32, #tpu.memory_space<vmem>>, vector<16xf32>,
          %parallel_loop3A_868 = arith.mulf %parallel_loop3A_423, %parallel_loop3A_867 : vector<16xf32>
          %parallel_loop3A_869 = arith.addf %parallel_loop3A_778, %parallel_loop3A_788 : vector<16xf32>
          %parallel_loop3A_870 = arith.addf %parallel_loop3A_798, %parallel_loop3A_808 : vector<16xf32>
          %parallel_loop3A_871 = arith.addf %parallel_loop3A_818, %parallel_loop3A_828 : vector<16xf32>
          %parallel_loop3A_872 = arith.addf %parallel_loop3A_838, %parallel_loop3A_848 : vector<16xf32>
          %parallel_loop3A_873 = arith.addf %parallel_loop3A_858, %parallel_loop3A_868 : vector<16xf32>
          %parallel_loop3A_874 = arith.addf %parallel_loop3A_869, %parallel_loop3A_870 : vector<16xf32>
          %parallel_loop3A_875 = arith.addf %parallel_loop3A_871, %parallel_loop3A_872 : vector<16xf32>
          %parallel_loop3A_876 = arith.addf %parallel_loop3A_874, %parallel_loop3A_875 : vector<16xf32>
          %parallel_loop3A_877 = arith.addf %parallel_loop3A_876, %parallel_loop3A_873 : vector<16xf32>
          %parallel_loop3A_878 = arith.constant 0.000000e+00 : f32
          %parallel_loop3A_879 = vector.broadcast %parallel_loop3A_878 : f32 to vector<16xf32>
          %parallel_loop3A_880 = arith.maximumf %parallel_loop3A_877, %parallel_loop3A_879 : vector<16xf32>
          %parallel_loop3A_881 = arith.index_cast %parallel_loop3A_392 : i32 to index
          %parallel_loop3A_882 = arith.constant 48 : index
          %parallel_loop3A_883 = tpu.vector_load %arg11[%parallel_loop3A_881, %parallel_loop3A_882] {strides = array<i32>} : memref<16x128xf32, #tpu.memory_space<vmem>>, vector<16xf32>,
          tpu.vector_store %arg11[%parallel_loop3A_881, %parallel_loop3A_882], %parallel_loop3A_880 {strides = array<i32>} : memref<16x128xf32, #tpu.memory_space<vmem>>, vector<16xf32>,
          %parallel_loop3A_884 = arith.constant 10 : i32
          %parallel_loop3A_885 = arith.muli %parallel_loop3A_392, %parallel_loop3A_884 : i32
          %parallel_loop3A_886 = arith.constant 0 : i32
          %parallel_loop3A_887 = arith.addi %parallel_loop3A_885, %parallel_loop3A_886 : i32
          %parallel_loop3A_888 = arith.constant 1 : i32
          %parallel_loop3A_889 = arith.index_cast %parallel_loop3A_888 : i32 to index
          %parallel_loop3A_890 = arith.index_cast %parallel_loop3A_887 : i32 to index
          %parallel_loop3A_891 = arith.constant 64 : index
          %parallel_loop3A_892 = tpu.vector_load %arg9[%parallel_loop3A_889, %parallel_loop3A_890, %parallel_loop3A_891] {strides = array<i32>} : memref<3x160x128xf32, #tpu.memory_space<vmem>>, vector<16xf32>,
          %parallel_loop3A_893 = arith.mulf %parallel_loop3A_396, %parallel_loop3A_892 : vector<16xf32>
          %parallel_loop3A_894 = arith.constant 10 : i32
          %parallel_loop3A_895 = arith.muli %parallel_loop3A_392, %parallel_loop3A_894 : i32
          %parallel_loop3A_896 = arith.constant 1 : i32
          %parallel_loop3A_897 = arith.addi %parallel_loop3A_895, %parallel_loop3A_896 : i32
          %parallel_loop3A_898 = arith.constant 1 : i32
          %parallel_loop3A_899 = arith.index_cast %parallel_loop3A_898 : i32 to index
          %parallel_loop3A_900 = arith.index_cast %parallel_loop3A_897 : i32 to index
          %parallel_loop3A_901 = arith.constant 64 : index
          %parallel_loop3A_902 = tpu.vector_load %arg9[%parallel_loop3A_899, %parallel_loop3A_900, %parallel_loop3A_901] {strides = array<i32>} : memref<3x160x128xf32, #tpu.memory_space<vmem>>, vector<16xf32>,
          %parallel_loop3A_903 = arith.mulf %parallel_loop3A_399, %parallel_loop3A_902 : vector<16xf32>
          %parallel_loop3A_904 = arith.constant 10 : i32
          %parallel_loop3A_905 = arith.muli %parallel_loop3A_392, %parallel_loop3A_904 : i32
          %parallel_loop3A_906 = arith.constant 2 : i32
          %parallel_loop3A_907 = arith.addi %parallel_loop3A_905, %parallel_loop3A_906 : i32
          %parallel_loop3A_908 = arith.constant 1 : i32
          %parallel_loop3A_909 = arith.index_cast %parallel_loop3A_908 : i32 to index
          %parallel_loop3A_910 = arith.index_cast %parallel_loop3A_907 : i32 to index
          %parallel_loop3A_911 = arith.constant 64 : index
          %parallel_loop3A_912 = tpu.vector_load %arg9[%parallel_loop3A_909, %parallel_loop3A_910, %parallel_loop3A_911] {strides = array<i32>} : memref<3x160x128xf32, #tpu.memory_space<vmem>>, vector<16xf32>,
          %parallel_loop3A_913 = arith.mulf %parallel_loop3A_402, %parallel_loop3A_912 : vector<16xf32>
          %parallel_loop3A_914 = arith.constant 10 : i32
          %parallel_loop3A_915 = arith.muli %parallel_loop3A_392, %parallel_loop3A_914 : i32
          %parallel_loop3A_916 = arith.constant 3 : i32
          %parallel_loop3A_917 = arith.addi %parallel_loop3A_915, %parallel_loop3A_916 : i32
          %parallel_loop3A_918 = arith.constant 1 : i32
          %parallel_loop3A_919 = arith.index_cast %parallel_loop3A_918 : i32 to index
          %parallel_loop3A_920 = arith.index_cast %parallel_loop3A_917 : i32 to index
          %parallel_loop3A_921 = arith.constant 64 : index
          %parallel_loop3A_922 = tpu.vector_load %arg9[%parallel_loop3A_919, %parallel_loop3A_920, %parallel_loop3A_921] {strides = array<i32>} : memref<3x160x128xf32, #tpu.memory_space<vmem>>, vector<16xf32>,
          %parallel_loop3A_923 = arith.mulf %parallel_loop3A_405, %parallel_loop3A_922 : vector<16xf32>
          %parallel_loop3A_924 = arith.constant 10 : i32
          %parallel_loop3A_925 = arith.muli %parallel_loop3A_392, %parallel_loop3A_924 : i32
          %parallel_loop3A_926 = arith.constant 4 : i32
          %parallel_loop3A_927 = arith.addi %parallel_loop3A_925, %parallel_loop3A_926 : i32
          %parallel_loop3A_928 = arith.constant 1 : i32
          %parallel_loop3A_929 = arith.index_cast %parallel_loop3A_928 : i32 to index
          %parallel_loop3A_930 = arith.index_cast %parallel_loop3A_927 : i32 to index
          %parallel_loop3A_931 = arith.constant 64 : index
          %parallel_loop3A_932 = tpu.vector_load %arg9[%parallel_loop3A_929, %parallel_loop3A_930, %parallel_loop3A_931] {strides = array<i32>} : memref<3x160x128xf32, #tpu.memory_space<vmem>>, vector<16xf32>,
          %parallel_loop3A_933 = arith.mulf %parallel_loop3A_408, %parallel_loop3A_932 : vector<16xf32>
          %parallel_loop3A_934 = arith.constant 10 : i32
          %parallel_loop3A_935 = arith.muli %parallel_loop3A_392, %parallel_loop3A_934 : i32
          %parallel_loop3A_936 = arith.constant 5 : i32
          %parallel_loop3A_937 = arith.addi %parallel_loop3A_935, %parallel_loop3A_936 : i32
          %parallel_loop3A_938 = arith.constant 1 : i32
          %parallel_loop3A_939 = arith.index_cast %parallel_loop3A_938 : i32 to index
          %parallel_loop3A_940 = arith.index_cast %parallel_loop3A_937 : i32 to index
          %parallel_loop3A_941 = arith.constant 64 : index
          %parallel_loop3A_942 = tpu.vector_load %arg9[%parallel_loop3A_939, %parallel_loop3A_940, %parallel_loop3A_941] {strides = array<i32>} : memref<3x160x128xf32, #tpu.memory_space<vmem>>, vector<16xf32>,
          %parallel_loop3A_943 = arith.mulf %parallel_loop3A_411, %parallel_loop3A_942 : vector<16xf32>
          %parallel_loop3A_944 = arith.constant 10 : i32
          %parallel_loop3A_945 = arith.muli %parallel_loop3A_392, %parallel_loop3A_944 : i32
          %parallel_loop3A_946 = arith.constant 6 : i32
          %parallel_loop3A_947 = arith.addi %parallel_loop3A_945, %parallel_loop3A_946 : i32
          %parallel_loop3A_948 = arith.constant 1 : i32
          %parallel_loop3A_949 = arith.index_cast %parallel_loop3A_948 : i32 to index
          %parallel_loop3A_950 = arith.index_cast %parallel_loop3A_947 : i32 to index
          %parallel_loop3A_951 = arith.constant 64 : index
          %parallel_loop3A_952 = tpu.vector_load %arg9[%parallel_loop3A_949, %parallel_loop3A_950, %parallel_loop3A_951] {strides = array<i32>} : memref<3x160x128xf32, #tpu.memory_space<vmem>>, vector<16xf32>,
          %parallel_loop3A_953 = arith.mulf %parallel_loop3A_414, %parallel_loop3A_952 : vector<16xf32>
          %parallel_loop3A_954 = arith.constant 10 : i32
          %parallel_loop3A_955 = arith.muli %parallel_loop3A_392, %parallel_loop3A_954 : i32
          %parallel_loop3A_956 = arith.constant 7 : i32
          %parallel_loop3A_957 = arith.addi %parallel_loop3A_955, %parallel_loop3A_956 : i32
          %parallel_loop3A_958 = arith.constant 1 : i32
          %parallel_loop3A_959 = arith.index_cast %parallel_loop3A_958 : i32 to index
          %parallel_loop3A_960 = arith.index_cast %parallel_loop3A_957 : i32 to index
          %parallel_loop3A_961 = arith.constant 64 : index
          %parallel_loop3A_962 = tpu.vector_load %arg9[%parallel_loop3A_959, %parallel_loop3A_960, %parallel_loop3A_961] {strides = array<i32>} : memref<3x160x128xf32, #tpu.memory_space<vmem>>, vector<16xf32>,
          %parallel_loop3A_963 = arith.mulf %parallel_loop3A_417, %parallel_loop3A_962 : vector<16xf32>
          %parallel_loop3A_964 = arith.constant 10 : i32
          %parallel_loop3A_965 = arith.muli %parallel_loop3A_392, %parallel_loop3A_964 : i32
          %parallel_loop3A_966 = arith.constant 8 : i32
          %parallel_loop3A_967 = arith.addi %parallel_loop3A_965, %parallel_loop3A_966 : i32
          %parallel_loop3A_968 = arith.constant 1 : i32
          %parallel_loop3A_969 = arith.index_cast %parallel_loop3A_968 : i32 to index
          %parallel_loop3A_970 = arith.index_cast %parallel_loop3A_967 : i32 to index
          %parallel_loop3A_971 = arith.constant 64 : index
          %parallel_loop3A_972 = tpu.vector_load %arg9[%parallel_loop3A_969, %parallel_loop3A_970, %parallel_loop3A_971] {strides = array<i32>} : memref<3x160x128xf32, #tpu.memory_space<vmem>>, vector<16xf32>,
          %parallel_loop3A_973 = arith.mulf %parallel_loop3A_420, %parallel_loop3A_972 : vector<16xf32>
          %parallel_loop3A_974 = arith.constant 10 : i32
          %parallel_loop3A_975 = arith.muli %parallel_loop3A_392, %parallel_loop3A_974 : i32
          %parallel_loop3A_976 = arith.constant 9 : i32
          %parallel_loop3A_977 = arith.addi %parallel_loop3A_975, %parallel_loop3A_976 : i32
          %parallel_loop3A_978 = arith.constant 1 : i32
          %parallel_loop3A_979 = arith.index_cast %parallel_loop3A_978 : i32 to index
          %parallel_loop3A_980 = arith.index_cast %parallel_loop3A_977 : i32 to index
          %parallel_loop3A_981 = arith.constant 64 : index
          %parallel_loop3A_982 = tpu.vector_load %arg9[%parallel_loop3A_979, %parallel_loop3A_980, %parallel_loop3A_981] {strides = array<i32>} : memref<3x160x128xf32, #tpu.memory_space<vmem>>, vector<16xf32>,
          %parallel_loop3A_983 = arith.mulf %parallel_loop3A_423, %parallel_loop3A_982 : vector<16xf32>
          %parallel_loop3A_984 = arith.addf %parallel_loop3A_893, %parallel_loop3A_903 : vector<16xf32>
          %parallel_loop3A_985 = arith.addf %parallel_loop3A_913, %parallel_loop3A_923 : vector<16xf32>
          %parallel_loop3A_986 = arith.addf %parallel_loop3A_933, %parallel_loop3A_943 : vector<16xf32>
          %parallel_loop3A_987 = arith.addf %parallel_loop3A_953, %parallel_loop3A_963 : vector<16xf32>
          %parallel_loop3A_988 = arith.addf %parallel_loop3A_973, %parallel_loop3A_983 : vector<16xf32>
          %parallel_loop3A_989 = arith.addf %parallel_loop3A_984, %parallel_loop3A_985 : vector<16xf32>
          %parallel_loop3A_990 = arith.addf %parallel_loop3A_986, %parallel_loop3A_987 : vector<16xf32>
          %parallel_loop3A_991 = arith.addf %parallel_loop3A_989, %parallel_loop3A_990 : vector<16xf32>
          %parallel_loop3A_992 = arith.addf %parallel_loop3A_991, %parallel_loop3A_988 : vector<16xf32>
          %parallel_loop3A_993 = arith.constant 0.000000e+00 : f32
          %parallel_loop3A_994 = vector.broadcast %parallel_loop3A_993 : f32 to vector<16xf32>
          %parallel_loop3A_995 = arith.maximumf %parallel_loop3A_992, %parallel_loop3A_994 : vector<16xf32>
          %parallel_loop3A_996 = arith.index_cast %parallel_loop3A_392 : i32 to index
          %parallel_loop3A_997 = arith.constant 64 : index
          %parallel_loop3A_998 = tpu.vector_load %arg11[%parallel_loop3A_996, %parallel_loop3A_997] {strides = array<i32>} : memref<16x128xf32, #tpu.memory_space<vmem>>, vector<16xf32>,
          tpu.vector_store %arg11[%parallel_loop3A_996, %parallel_loop3A_997], %parallel_loop3A_995 {strides = array<i32>} : memref<16x128xf32, #tpu.memory_space<vmem>>, vector<16xf32>,
          %parallel_loop3A_999 = arith.constant 10 : i32
          %parallel_loop3A_1000 = arith.muli %parallel_loop3A_392, %parallel_loop3A_999 : i32
          %parallel_loop3A_1001 = arith.constant 0 : i32
          %parallel_loop3A_1002 = arith.addi %parallel_loop3A_1000, %parallel_loop3A_1001 : i32
          %parallel_loop3A_1003 = arith.constant 1 : i32
          %parallel_loop3A_1004 = arith.index_cast %parallel_loop3A_1003 : i32 to index
          %parallel_loop3A_1005 = arith.index_cast %parallel_loop3A_1002 : i32 to index
          %parallel_loop3A_1006 = arith.constant 80 : index
          %parallel_loop3A_1007 = tpu.vector_load %arg9[%parallel_loop3A_1004, %parallel_loop3A_1005, %parallel_loop3A_1006] {strides = array<i32>} : memref<3x160x128xf32, #tpu.memory_space<vmem>>, vector<16xf32>,
          %parallel_loop3A_1008 = arith.mulf %parallel_loop3A_396, %parallel_loop3A_1007 : vector<16xf32>
          %parallel_loop3A_1009 = arith.constant 10 : i32
          %parallel_loop3A_1010 = arith.muli %parallel_loop3A_392, %parallel_loop3A_1009 : i32
          %parallel_loop3A_1011 = arith.constant 1 : i32
          %parallel_loop3A_1012 = arith.addi %parallel_loop3A_1010, %parallel_loop3A_1011 : i32
          %parallel_loop3A_1013 = arith.constant 1 : i32
          %parallel_loop3A_1014 = arith.index_cast %parallel_loop3A_1013 : i32 to index
          %parallel_loop3A_1015 = arith.index_cast %parallel_loop3A_1012 : i32 to index
          %parallel_loop3A_1016 = arith.constant 80 : index
          %parallel_loop3A_1017 = tpu.vector_load %arg9[%parallel_loop3A_1014, %parallel_loop3A_1015, %parallel_loop3A_1016] {strides = array<i32>} : memref<3x160x128xf32, #tpu.memory_space<vmem>>, vector<16xf32>,
          %parallel_loop3A_1018 = arith.mulf %parallel_loop3A_399, %parallel_loop3A_1017 : vector<16xf32>
          %parallel_loop3A_1019 = arith.constant 10 : i32
          %parallel_loop3A_1020 = arith.muli %parallel_loop3A_392, %parallel_loop3A_1019 : i32
          %parallel_loop3A_1021 = arith.constant 2 : i32
          %parallel_loop3A_1022 = arith.addi %parallel_loop3A_1020, %parallel_loop3A_1021 : i32
          %parallel_loop3A_1023 = arith.constant 1 : i32
          %parallel_loop3A_1024 = arith.index_cast %parallel_loop3A_1023 : i32 to index
          %parallel_loop3A_1025 = arith.index_cast %parallel_loop3A_1022 : i32 to index
          %parallel_loop3A_1026 = arith.constant 80 : index
          %parallel_loop3A_1027 = tpu.vector_load %arg9[%parallel_loop3A_1024, %parallel_loop3A_1025, %parallel_loop3A_1026] {strides = array<i32>} : memref<3x160x128xf32, #tpu.memory_space<vmem>>, vector<16xf32>,
          %parallel_loop3A_1028 = arith.mulf %parallel_loop3A_402, %parallel_loop3A_1027 : vector<16xf32>
          %parallel_loop3A_1029 = arith.constant 10 : i32
          %parallel_loop3A_1030 = arith.muli %parallel_loop3A_392, %parallel_loop3A_1029 : i32
          %parallel_loop3A_1031 = arith.constant 3 : i32
          %parallel_loop3A_1032 = arith.addi %parallel_loop3A_1030, %parallel_loop3A_1031 : i32
          %parallel_loop3A_1033 = arith.constant 1 : i32
          %parallel_loop3A_1034 = arith.index_cast %parallel_loop3A_1033 : i32 to index
          %parallel_loop3A_1035 = arith.index_cast %parallel_loop3A_1032 : i32 to index
          %parallel_loop3A_1036 = arith.constant 80 : index
          %parallel_loop3A_1037 = tpu.vector_load %arg9[%parallel_loop3A_1034, %parallel_loop3A_1035, %parallel_loop3A_1036] {strides = array<i32>} : memref<3x160x128xf32, #tpu.memory_space<vmem>>, vector<16xf32>,
          %parallel_loop3A_1038 = arith.mulf %parallel_loop3A_405, %parallel_loop3A_1037 : vector<16xf32>
          %parallel_loop3A_1039 = arith.constant 10 : i32
          %parallel_loop3A_1040 = arith.muli %parallel_loop3A_392, %parallel_loop3A_1039 : i32
          %parallel_loop3A_1041 = arith.constant 4 : i32
          %parallel_loop3A_1042 = arith.addi %parallel_loop3A_1040, %parallel_loop3A_1041 : i32
          %parallel_loop3A_1043 = arith.constant 1 : i32
          %parallel_loop3A_1044 = arith.index_cast %parallel_loop3A_1043 : i32 to index
          %parallel_loop3A_1045 = arith.index_cast %parallel_loop3A_1042 : i32 to index
          %parallel_loop3A_1046 = arith.constant 80 : index
          %parallel_loop3A_1047 = tpu.vector_load %arg9[%parallel_loop3A_1044, %parallel_loop3A_1045, %parallel_loop3A_1046] {strides = array<i32>} : memref<3x160x128xf32, #tpu.memory_space<vmem>>, vector<16xf32>,
          %parallel_loop3A_1048 = arith.mulf %parallel_loop3A_408, %parallel_loop3A_1047 : vector<16xf32>
          %parallel_loop3A_1049 = arith.constant 10 : i32
          %parallel_loop3A_1050 = arith.muli %parallel_loop3A_392, %parallel_loop3A_1049 : i32
          %parallel_loop3A_1051 = arith.constant 5 : i32
          %parallel_loop3A_1052 = arith.addi %parallel_loop3A_1050, %parallel_loop3A_1051 : i32
          %parallel_loop3A_1053 = arith.constant 1 : i32
          %parallel_loop3A_1054 = arith.index_cast %parallel_loop3A_1053 : i32 to index
          %parallel_loop3A_1055 = arith.index_cast %parallel_loop3A_1052 : i32 to index
          %parallel_loop3A_1056 = arith.constant 80 : index
          %parallel_loop3A_1057 = tpu.vector_load %arg9[%parallel_loop3A_1054, %parallel_loop3A_1055, %parallel_loop3A_1056] {strides = array<i32>} : memref<3x160x128xf32, #tpu.memory_space<vmem>>, vector<16xf32>,
          %parallel_loop3A_1058 = arith.mulf %parallel_loop3A_411, %parallel_loop3A_1057 : vector<16xf32>
          %parallel_loop3A_1059 = arith.constant 10 : i32
          %parallel_loop3A_1060 = arith.muli %parallel_loop3A_392, %parallel_loop3A_1059 : i32
          %parallel_loop3A_1061 = arith.constant 6 : i32
          %parallel_loop3A_1062 = arith.addi %parallel_loop3A_1060, %parallel_loop3A_1061 : i32
          %parallel_loop3A_1063 = arith.constant 1 : i32
          %parallel_loop3A_1064 = arith.index_cast %parallel_loop3A_1063 : i32 to index
          %parallel_loop3A_1065 = arith.index_cast %parallel_loop3A_1062 : i32 to index
          %parallel_loop3A_1066 = arith.constant 80 : index
          %parallel_loop3A_1067 = tpu.vector_load %arg9[%parallel_loop3A_1064, %parallel_loop3A_1065, %parallel_loop3A_1066] {strides = array<i32>} : memref<3x160x128xf32, #tpu.memory_space<vmem>>, vector<16xf32>,
          %parallel_loop3A_1068 = arith.mulf %parallel_loop3A_414, %parallel_loop3A_1067 : vector<16xf32>
          %parallel_loop3A_1069 = arith.constant 10 : i32
          %parallel_loop3A_1070 = arith.muli %parallel_loop3A_392, %parallel_loop3A_1069 : i32
          %parallel_loop3A_1071 = arith.constant 7 : i32
          %parallel_loop3A_1072 = arith.addi %parallel_loop3A_1070, %parallel_loop3A_1071 : i32
          %parallel_loop3A_1073 = arith.constant 1 : i32
          %parallel_loop3A_1074 = arith.index_cast %parallel_loop3A_1073 : i32 to index
          %parallel_loop3A_1075 = arith.index_cast %parallel_loop3A_1072 : i32 to index
          %parallel_loop3A_1076 = arith.constant 80 : index
          %parallel_loop3A_1077 = tpu.vector_load %arg9[%parallel_loop3A_1074, %parallel_loop3A_1075, %parallel_loop3A_1076] {strides = array<i32>} : memref<3x160x128xf32, #tpu.memory_space<vmem>>, vector<16xf32>,
          %parallel_loop3A_1078 = arith.mulf %parallel_loop3A_417, %parallel_loop3A_1077 : vector<16xf32>
          %parallel_loop3A_1079 = arith.constant 10 : i32
          %parallel_loop3A_1080 = arith.muli %parallel_loop3A_392, %parallel_loop3A_1079 : i32
          %parallel_loop3A_1081 = arith.constant 8 : i32
          %parallel_loop3A_1082 = arith.addi %parallel_loop3A_1080, %parallel_loop3A_1081 : i32
          %parallel_loop3A_1083 = arith.constant 1 : i32
          %parallel_loop3A_1084 = arith.index_cast %parallel_loop3A_1083 : i32 to index
          %parallel_loop3A_1085 = arith.index_cast %parallel_loop3A_1082 : i32 to index
          %parallel_loop3A_1086 = arith.constant 80 : index
          %parallel_loop3A_1087 = tpu.vector_load %arg9[%parallel_loop3A_1084, %parallel_loop3A_1085, %parallel_loop3A_1086] {strides = array<i32>} : memref<3x160x128xf32, #tpu.memory_space<vmem>>, vector<16xf32>,
          %parallel_loop3A_1088 = arith.mulf %parallel_loop3A_420, %parallel_loop3A_1087 : vector<16xf32>
          %parallel_loop3A_1089 = arith.constant 10 : i32
          %parallel_loop3A_1090 = arith.muli %parallel_loop3A_392, %parallel_loop3A_1089 : i32
          %parallel_loop3A_1091 = arith.constant 9 : i32
          %parallel_loop3A_1092 = arith.addi %parallel_loop3A_1090, %parallel_loop3A_1091 : i32
          %parallel_loop3A_1093 = arith.constant 1 : i32
          %parallel_loop3A_1094 = arith.index_cast %parallel_loop3A_1093 : i32 to index
          %parallel_loop3A_1095 = arith.index_cast %parallel_loop3A_1092 : i32 to index
          %parallel_loop3A_1096 = arith.constant 80 : index
          %parallel_loop3A_1097 = tpu.vector_load %arg9[%parallel_loop3A_1094, %parallel_loop3A_1095, %parallel_loop3A_1096] {strides = array<i32>} : memref<3x160x128xf32, #tpu.memory_space<vmem>>, vector<16xf32>,
          %parallel_loop3A_1098 = arith.mulf %parallel_loop3A_423, %parallel_loop3A_1097 : vector<16xf32>
          %parallel_loop3A_1099 = arith.addf %parallel_loop3A_1008, %parallel_loop3A_1018 : vector<16xf32>
          %parallel_loop3A_1100 = arith.addf %parallel_loop3A_1028, %parallel_loop3A_1038 : vector<16xf32>
          %parallel_loop3A_1101 = arith.addf %parallel_loop3A_1048, %parallel_loop3A_1058 : vector<16xf32>
          %parallel_loop3A_1102 = arith.addf %parallel_loop3A_1068, %parallel_loop3A_1078 : vector<16xf32>
          %parallel_loop3A_1103 = arith.addf %parallel_loop3A_1088, %parallel_loop3A_1098 : vector<16xf32>
          %parallel_loop3A_1104 = arith.addf %parallel_loop3A_1099, %parallel_loop3A_1100 : vector<16xf32>
          %parallel_loop3A_1105 = arith.addf %parallel_loop3A_1101, %parallel_loop3A_1102 : vector<16xf32>
          %parallel_loop3A_1106 = arith.addf %parallel_loop3A_1104, %parallel_loop3A_1105 : vector<16xf32>
          %parallel_loop3A_1107 = arith.addf %parallel_loop3A_1106, %parallel_loop3A_1103 : vector<16xf32>
          %parallel_loop3A_1108 = arith.constant 0.000000e+00 : f32
          %parallel_loop3A_1109 = vector.broadcast %parallel_loop3A_1108 : f32 to vector<16xf32>
          %parallel_loop3A_1110 = arith.maximumf %parallel_loop3A_1107, %parallel_loop3A_1109 : vector<16xf32>
          %parallel_loop3A_1111 = arith.index_cast %parallel_loop3A_392 : i32 to index
          %parallel_loop3A_1112 = arith.constant 80 : index
          %parallel_loop3A_1113 = tpu.vector_load %arg11[%parallel_loop3A_1111, %parallel_loop3A_1112] {strides = array<i32>} : memref<16x128xf32, #tpu.memory_space<vmem>>, vector<16xf32>,
          tpu.vector_store %arg11[%parallel_loop3A_1111, %parallel_loop3A_1112], %parallel_loop3A_1110 {strides = array<i32>} : memref<16x128xf32, #tpu.memory_space<vmem>>, vector<16xf32>,
          %parallel_loop3A_1114 = arith.constant 10 : i32
          %parallel_loop3A_1115 = arith.muli %parallel_loop3A_392, %parallel_loop3A_1114 : i32
          %parallel_loop3A_1116 = arith.constant 0 : i32
          %parallel_loop3A_1117 = arith.addi %parallel_loop3A_1115, %parallel_loop3A_1116 : i32
          %parallel_loop3A_1118 = arith.constant 1 : i32
          %parallel_loop3A_1119 = arith.index_cast %parallel_loop3A_1118 : i32 to index
          %parallel_loop3A_1120 = arith.index_cast %parallel_loop3A_1117 : i32 to index
          %parallel_loop3A_1121 = arith.constant 96 : index
          %parallel_loop3A_1122 = tpu.vector_load %arg9[%parallel_loop3A_1119, %parallel_loop3A_1120, %parallel_loop3A_1121] {strides = array<i32>} : memref<3x160x128xf32, #tpu.memory_space<vmem>>, vector<16xf32>,
          %parallel_loop3A_1123 = arith.mulf %parallel_loop3A_396, %parallel_loop3A_1122 : vector<16xf32>
          %parallel_loop3A_1124 = arith.constant 10 : i32
          %parallel_loop3A_1125 = arith.muli %parallel_loop3A_392, %parallel_loop3A_1124 : i32
          %parallel_loop3A_1126 = arith.constant 1 : i32
          %parallel_loop3A_1127 = arith.addi %parallel_loop3A_1125, %parallel_loop3A_1126 : i32
          %parallel_loop3A_1128 = arith.constant 1 : i32
          %parallel_loop3A_1129 = arith.index_cast %parallel_loop3A_1128 : i32 to index
          %parallel_loop3A_1130 = arith.index_cast %parallel_loop3A_1127 : i32 to index
          %parallel_loop3A_1131 = arith.constant 96 : index
          %parallel_loop3A_1132 = tpu.vector_load %arg9[%parallel_loop3A_1129, %parallel_loop3A_1130, %parallel_loop3A_1131] {strides = array<i32>} : memref<3x160x128xf32, #tpu.memory_space<vmem>>, vector<16xf32>,
          %parallel_loop3A_1133 = arith.mulf %parallel_loop3A_399, %parallel_loop3A_1132 : vector<16xf32>
          %parallel_loop3A_1134 = arith.constant 10 : i32
          %parallel_loop3A_1135 = arith.muli %parallel_loop3A_392, %parallel_loop3A_1134 : i32
          %parallel_loop3A_1136 = arith.constant 2 : i32
          %parallel_loop3A_1137 = arith.addi %parallel_loop3A_1135, %parallel_loop3A_1136 : i32
          %parallel_loop3A_1138 = arith.constant 1 : i32
          %parallel_loop3A_1139 = arith.index_cast %parallel_loop3A_1138 : i32 to index
          %parallel_loop3A_1140 = arith.index_cast %parallel_loop3A_1137 : i32 to index
          %parallel_loop3A_1141 = arith.constant 96 : index
          %parallel_loop3A_1142 = tpu.vector_load %arg9[%parallel_loop3A_1139, %parallel_loop3A_1140, %parallel_loop3A_1141] {strides = array<i32>} : memref<3x160x128xf32, #tpu.memory_space<vmem>>, vector<16xf32>,
          %parallel_loop3A_1143 = arith.mulf %parallel_loop3A_402, %parallel_loop3A_1142 : vector<16xf32>
          %parallel_loop3A_1144 = arith.constant 10 : i32
          %parallel_loop3A_1145 = arith.muli %parallel_loop3A_392, %parallel_loop3A_1144 : i32
          %parallel_loop3A_1146 = arith.constant 3 : i32
          %parallel_loop3A_1147 = arith.addi %parallel_loop3A_1145, %parallel_loop3A_1146 : i32
          %parallel_loop3A_1148 = arith.constant 1 : i32
          %parallel_loop3A_1149 = arith.index_cast %parallel_loop3A_1148 : i32 to index
          %parallel_loop3A_1150 = arith.index_cast %parallel_loop3A_1147 : i32 to index
          %parallel_loop3A_1151 = arith.constant 96 : index
          %parallel_loop3A_1152 = tpu.vector_load %arg9[%parallel_loop3A_1149, %parallel_loop3A_1150, %parallel_loop3A_1151] {strides = array<i32>} : memref<3x160x128xf32, #tpu.memory_space<vmem>>, vector<16xf32>,
          %parallel_loop3A_1153 = arith.mulf %parallel_loop3A_405, %parallel_loop3A_1152 : vector<16xf32>
          %parallel_loop3A_1154 = arith.constant 10 : i32
          %parallel_loop3A_1155 = arith.muli %parallel_loop3A_392, %parallel_loop3A_1154 : i32
          %parallel_loop3A_1156 = arith.constant 4 : i32
          %parallel_loop3A_1157 = arith.addi %parallel_loop3A_1155, %parallel_loop3A_1156 : i32
          %parallel_loop3A_1158 = arith.constant 1 : i32
          %parallel_loop3A_1159 = arith.index_cast %parallel_loop3A_1158 : i32 to index
          %parallel_loop3A_1160 = arith.index_cast %parallel_loop3A_1157 : i32 to index
          %parallel_loop3A_1161 = arith.constant 96 : index
          %parallel_loop3A_1162 = tpu.vector_load %arg9[%parallel_loop3A_1159, %parallel_loop3A_1160, %parallel_loop3A_1161] {strides = array<i32>} : memref<3x160x128xf32, #tpu.memory_space<vmem>>, vector<16xf32>,
          %parallel_loop3A_1163 = arith.mulf %parallel_loop3A_408, %parallel_loop3A_1162 : vector<16xf32>
          %parallel_loop3A_1164 = arith.constant 10 : i32
          %parallel_loop3A_1165 = arith.muli %parallel_loop3A_392, %parallel_loop3A_1164 : i32
          %parallel_loop3A_1166 = arith.constant 5 : i32
          %parallel_loop3A_1167 = arith.addi %parallel_loop3A_1165, %parallel_loop3A_1166 : i32
          %parallel_loop3A_1168 = arith.constant 1 : i32
          %parallel_loop3A_1169 = arith.index_cast %parallel_loop3A_1168 : i32 to index
          %parallel_loop3A_1170 = arith.index_cast %parallel_loop3A_1167 : i32 to index
          %parallel_loop3A_1171 = arith.constant 96 : index
          %parallel_loop3A_1172 = tpu.vector_load %arg9[%parallel_loop3A_1169, %parallel_loop3A_1170, %parallel_loop3A_1171] {strides = array<i32>} : memref<3x160x128xf32, #tpu.memory_space<vmem>>, vector<16xf32>,
          %parallel_loop3A_1173 = arith.mulf %parallel_loop3A_411, %parallel_loop3A_1172 : vector<16xf32>
          %parallel_loop3A_1174 = arith.constant 10 : i32
          %parallel_loop3A_1175 = arith.muli %parallel_loop3A_392, %parallel_loop3A_1174 : i32
          %parallel_loop3A_1176 = arith.constant 6 : i32
          %parallel_loop3A_1177 = arith.addi %parallel_loop3A_1175, %parallel_loop3A_1176 : i32
          %parallel_loop3A_1178 = arith.constant 1 : i32
          %parallel_loop3A_1179 = arith.index_cast %parallel_loop3A_1178 : i32 to index
          %parallel_loop3A_1180 = arith.index_cast %parallel_loop3A_1177 : i32 to index
          %parallel_loop3A_1181 = arith.constant 96 : index
          %parallel_loop3A_1182 = tpu.vector_load %arg9[%parallel_loop3A_1179, %parallel_loop3A_1180, %parallel_loop3A_1181] {strides = array<i32>} : memref<3x160x128xf32, #tpu.memory_space<vmem>>, vector<16xf32>,
          %parallel_loop3A_1183 = arith.mulf %parallel_loop3A_414, %parallel_loop3A_1182 : vector<16xf32>
          %parallel_loop3A_1184 = arith.constant 10 : i32
          %parallel_loop3A_1185 = arith.muli %parallel_loop3A_392, %parallel_loop3A_1184 : i32
          %parallel_loop3A_1186 = arith.constant 7 : i32
          %parallel_loop3A_1187 = arith.addi %parallel_loop3A_1185, %parallel_loop3A_1186 : i32
          %parallel_loop3A_1188 = arith.constant 1 : i32
          %parallel_loop3A_1189 = arith.index_cast %parallel_loop3A_1188 : i32 to index
          %parallel_loop3A_1190 = arith.index_cast %parallel_loop3A_1187 : i32 to index
          %parallel_loop3A_1191 = arith.constant 96 : index
          %parallel_loop3A_1192 = tpu.vector_load %arg9[%parallel_loop3A_1189, %parallel_loop3A_1190, %parallel_loop3A_1191] {strides = array<i32>} : memref<3x160x128xf32, #tpu.memory_space<vmem>>, vector<16xf32>,
          %parallel_loop3A_1193 = arith.mulf %parallel_loop3A_417, %parallel_loop3A_1192 : vector<16xf32>
          %parallel_loop3A_1194 = arith.constant 10 : i32
          %parallel_loop3A_1195 = arith.muli %parallel_loop3A_392, %parallel_loop3A_1194 : i32
          %parallel_loop3A_1196 = arith.constant 8 : i32
          %parallel_loop3A_1197 = arith.addi %parallel_loop3A_1195, %parallel_loop3A_1196 : i32
          %parallel_loop3A_1198 = arith.constant 1 : i32
          %parallel_loop3A_1199 = arith.index_cast %parallel_loop3A_1198 : i32 to index
          %parallel_loop3A_1200 = arith.index_cast %parallel_loop3A_1197 : i32 to index
          %parallel_loop3A_1201 = arith.constant 96 : index
          %parallel_loop3A_1202 = tpu.vector_load %arg9[%parallel_loop3A_1199, %parallel_loop3A_1200, %parallel_loop3A_1201] {strides = array<i32>} : memref<3x160x128xf32, #tpu.memory_space<vmem>>, vector<16xf32>,
          %parallel_loop3A_1203 = arith.mulf %parallel_loop3A_420, %parallel_loop3A_1202 : vector<16xf32>
          %parallel_loop3A_1204 = arith.constant 10 : i32
          %parallel_loop3A_1205 = arith.muli %parallel_loop3A_392, %parallel_loop3A_1204 : i32
          %parallel_loop3A_1206 = arith.constant 9 : i32
          %parallel_loop3A_1207 = arith.addi %parallel_loop3A_1205, %parallel_loop3A_1206 : i32
          %parallel_loop3A_1208 = arith.constant 1 : i32
          %parallel_loop3A_1209 = arith.index_cast %parallel_loop3A_1208 : i32 to index
          %parallel_loop3A_1210 = arith.index_cast %parallel_loop3A_1207 : i32 to index
          %parallel_loop3A_1211 = arith.constant 96 : index
          %parallel_loop3A_1212 = tpu.vector_load %arg9[%parallel_loop3A_1209, %parallel_loop3A_1210, %parallel_loop3A_1211] {strides = array<i32>} : memref<3x160x128xf32, #tpu.memory_space<vmem>>, vector<16xf32>,
          %parallel_loop3A_1213 = arith.mulf %parallel_loop3A_423, %parallel_loop3A_1212 : vector<16xf32>
          %parallel_loop3A_1214 = arith.addf %parallel_loop3A_1123, %parallel_loop3A_1133 : vector<16xf32>
          %parallel_loop3A_1215 = arith.addf %parallel_loop3A_1143, %parallel_loop3A_1153 : vector<16xf32>
          %parallel_loop3A_1216 = arith.addf %parallel_loop3A_1163, %parallel_loop3A_1173 : vector<16xf32>
          %parallel_loop3A_1217 = arith.addf %parallel_loop3A_1183, %parallel_loop3A_1193 : vector<16xf32>
          %parallel_loop3A_1218 = arith.addf %parallel_loop3A_1203, %parallel_loop3A_1213 : vector<16xf32>
          %parallel_loop3A_1219 = arith.addf %parallel_loop3A_1214, %parallel_loop3A_1215 : vector<16xf32>
          %parallel_loop3A_1220 = arith.addf %parallel_loop3A_1216, %parallel_loop3A_1217 : vector<16xf32>
          %parallel_loop3A_1221 = arith.addf %parallel_loop3A_1219, %parallel_loop3A_1220 : vector<16xf32>
          %parallel_loop3A_1222 = arith.addf %parallel_loop3A_1221, %parallel_loop3A_1218 : vector<16xf32>
          %parallel_loop3A_1223 = arith.constant 0.000000e+00 : f32
          %parallel_loop3A_1224 = vector.broadcast %parallel_loop3A_1223 : f32 to vector<16xf32>
          %parallel_loop3A_1225 = arith.maximumf %parallel_loop3A_1222, %parallel_loop3A_1224 : vector<16xf32>
          %parallel_loop3A_1226 = arith.index_cast %parallel_loop3A_392 : i32 to index
          %parallel_loop3A_1227 = arith.constant 96 : index
          %parallel_loop3A_1228 = tpu.vector_load %arg11[%parallel_loop3A_1226, %parallel_loop3A_1227] {strides = array<i32>} : memref<16x128xf32, #tpu.memory_space<vmem>>, vector<16xf32>,
          tpu.vector_store %arg11[%parallel_loop3A_1226, %parallel_loop3A_1227], %parallel_loop3A_1225 {strides = array<i32>} : memref<16x128xf32, #tpu.memory_space<vmem>>, vector<16xf32>,
          %parallel_loop3A_1229 = arith.constant 10 : i32
          %parallel_loop3A_1230 = arith.muli %parallel_loop3A_392, %parallel_loop3A_1229 : i32
          %parallel_loop3A_1231 = arith.constant 0 : i32
          %parallel_loop3A_1232 = arith.addi %parallel_loop3A_1230, %parallel_loop3A_1231 : i32
          %parallel_loop3A_1233 = arith.constant 1 : i32
          %parallel_loop3A_1234 = arith.index_cast %parallel_loop3A_1233 : i32 to index
          %parallel_loop3A_1235 = arith.index_cast %parallel_loop3A_1232 : i32 to index
          %parallel_loop3A_1236 = arith.constant 112 : index
          %parallel_loop3A_1237 = tpu.vector_load %arg9[%parallel_loop3A_1234, %parallel_loop3A_1235, %parallel_loop3A_1236] {strides = array<i32>} : memref<3x160x128xf32, #tpu.memory_space<vmem>>, vector<16xf32>,
          %parallel_loop3A_1238 = arith.mulf %parallel_loop3A_396, %parallel_loop3A_1237 : vector<16xf32>
          %parallel_loop3A_1239 = arith.constant 10 : i32
          %parallel_loop3A_1240 = arith.muli %parallel_loop3A_392, %parallel_loop3A_1239 : i32
          %parallel_loop3A_1241 = arith.constant 1 : i32
          %parallel_loop3A_1242 = arith.addi %parallel_loop3A_1240, %parallel_loop3A_1241 : i32
          %parallel_loop3A_1243 = arith.constant 1 : i32
          %parallel_loop3A_1244 = arith.index_cast %parallel_loop3A_1243 : i32 to index
          %parallel_loop3A_1245 = arith.index_cast %parallel_loop3A_1242 : i32 to index
          %parallel_loop3A_1246 = arith.constant 112 : index
          %parallel_loop3A_1247 = tpu.vector_load %arg9[%parallel_loop3A_1244, %parallel_loop3A_1245, %parallel_loop3A_1246] {strides = array<i32>} : memref<3x160x128xf32, #tpu.memory_space<vmem>>, vector<16xf32>,
          %parallel_loop3A_1248 = arith.mulf %parallel_loop3A_399, %parallel_loop3A_1247 : vector<16xf32>
          %parallel_loop3A_1249 = arith.constant 10 : i32
          %parallel_loop3A_1250 = arith.muli %parallel_loop3A_392, %parallel_loop3A_1249 : i32
          %parallel_loop3A_1251 = arith.constant 2 : i32
          %parallel_loop3A_1252 = arith.addi %parallel_loop3A_1250, %parallel_loop3A_1251 : i32
          %parallel_loop3A_1253 = arith.constant 1 : i32
          %parallel_loop3A_1254 = arith.index_cast %parallel_loop3A_1253 : i32 to index
          %parallel_loop3A_1255 = arith.index_cast %parallel_loop3A_1252 : i32 to index
          %parallel_loop3A_1256 = arith.constant 112 : index
          %parallel_loop3A_1257 = tpu.vector_load %arg9[%parallel_loop3A_1254, %parallel_loop3A_1255, %parallel_loop3A_1256] {strides = array<i32>} : memref<3x160x128xf32, #tpu.memory_space<vmem>>, vector<16xf32>,
          %parallel_loop3A_1258 = arith.mulf %parallel_loop3A_402, %parallel_loop3A_1257 : vector<16xf32>
          %parallel_loop3A_1259 = arith.constant 10 : i32
          %parallel_loop3A_1260 = arith.muli %parallel_loop3A_392, %parallel_loop3A_1259 : i32
          %parallel_loop3A_1261 = arith.constant 3 : i32
          %parallel_loop3A_1262 = arith.addi %parallel_loop3A_1260, %parallel_loop3A_1261 : i32
          %parallel_loop3A_1263 = arith.constant 1 : i32
          %parallel_loop3A_1264 = arith.index_cast %parallel_loop3A_1263 : i32 to index
          %parallel_loop3A_1265 = arith.index_cast %parallel_loop3A_1262 : i32 to index
          %parallel_loop3A_1266 = arith.constant 112 : index
          %parallel_loop3A_1267 = tpu.vector_load %arg9[%parallel_loop3A_1264, %parallel_loop3A_1265, %parallel_loop3A_1266] {strides = array<i32>} : memref<3x160x128xf32, #tpu.memory_space<vmem>>, vector<16xf32>,
          %parallel_loop3A_1268 = arith.mulf %parallel_loop3A_405, %parallel_loop3A_1267 : vector<16xf32>
          %parallel_loop3A_1269 = arith.constant 10 : i32
          %parallel_loop3A_1270 = arith.muli %parallel_loop3A_392, %parallel_loop3A_1269 : i32
          %parallel_loop3A_1271 = arith.constant 4 : i32
          %parallel_loop3A_1272 = arith.addi %parallel_loop3A_1270, %parallel_loop3A_1271 : i32
          %parallel_loop3A_1273 = arith.constant 1 : i32
          %parallel_loop3A_1274 = arith.index_cast %parallel_loop3A_1273 : i32 to index
          %parallel_loop3A_1275 = arith.index_cast %parallel_loop3A_1272 : i32 to index
          %parallel_loop3A_1276 = arith.constant 112 : index
          %parallel_loop3A_1277 = tpu.vector_load %arg9[%parallel_loop3A_1274, %parallel_loop3A_1275, %parallel_loop3A_1276] {strides = array<i32>} : memref<3x160x128xf32, #tpu.memory_space<vmem>>, vector<16xf32>,
          %parallel_loop3A_1278 = arith.mulf %parallel_loop3A_408, %parallel_loop3A_1277 : vector<16xf32>
          %parallel_loop3A_1279 = arith.constant 10 : i32
          %parallel_loop3A_1280 = arith.muli %parallel_loop3A_392, %parallel_loop3A_1279 : i32
          %parallel_loop3A_1281 = arith.constant 5 : i32
          %parallel_loop3A_1282 = arith.addi %parallel_loop3A_1280, %parallel_loop3A_1281 : i32
          %parallel_loop3A_1283 = arith.constant 1 : i32
          %parallel_loop3A_1284 = arith.index_cast %parallel_loop3A_1283 : i32 to index
          %parallel_loop3A_1285 = arith.index_cast %parallel_loop3A_1282 : i32 to index
          %parallel_loop3A_1286 = arith.constant 112 : index
          %parallel_loop3A_1287 = tpu.vector_load %arg9[%parallel_loop3A_1284, %parallel_loop3A_1285, %parallel_loop3A_1286] {strides = array<i32>} : memref<3x160x128xf32, #tpu.memory_space<vmem>>, vector<16xf32>,
          %parallel_loop3A_1288 = arith.mulf %parallel_loop3A_411, %parallel_loop3A_1287 : vector<16xf32>
          %parallel_loop3A_1289 = arith.constant 10 : i32
          %parallel_loop3A_1290 = arith.muli %parallel_loop3A_392, %parallel_loop3A_1289 : i32
          %parallel_loop3A_1291 = arith.constant 6 : i32
          %parallel_loop3A_1292 = arith.addi %parallel_loop3A_1290, %parallel_loop3A_1291 : i32
          %parallel_loop3A_1293 = arith.constant 1 : i32
          %parallel_loop3A_1294 = arith.index_cast %parallel_loop3A_1293 : i32 to index
          %parallel_loop3A_1295 = arith.index_cast %parallel_loop3A_1292 : i32 to index
          %parallel_loop3A_1296 = arith.constant 112 : index
          %parallel_loop3A_1297 = tpu.vector_load %arg9[%parallel_loop3A_1294, %parallel_loop3A_1295, %parallel_loop3A_1296] {strides = array<i32>} : memref<3x160x128xf32, #tpu.memory_space<vmem>>, vector<16xf32>,
          %parallel_loop3A_1298 = arith.mulf %parallel_loop3A_414, %parallel_loop3A_1297 : vector<16xf32>
          %parallel_loop3A_1299 = arith.constant 10 : i32
          %parallel_loop3A_1300 = arith.muli %parallel_loop3A_392, %parallel_loop3A_1299 : i32
          %parallel_loop3A_1301 = arith.constant 7 : i32
          %parallel_loop3A_1302 = arith.addi %parallel_loop3A_1300, %parallel_loop3A_1301 : i32
          %parallel_loop3A_1303 = arith.constant 1 : i32
          %parallel_loop3A_1304 = arith.index_cast %parallel_loop3A_1303 : i32 to index
          %parallel_loop3A_1305 = arith.index_cast %parallel_loop3A_1302 : i32 to index
          %parallel_loop3A_1306 = arith.constant 112 : index
          %parallel_loop3A_1307 = tpu.vector_load %arg9[%parallel_loop3A_1304, %parallel_loop3A_1305, %parallel_loop3A_1306] {strides = array<i32>} : memref<3x160x128xf32, #tpu.memory_space<vmem>>, vector<16xf32>,
          %parallel_loop3A_1308 = arith.mulf %parallel_loop3A_417, %parallel_loop3A_1307 : vector<16xf32>
          %parallel_loop3A_1309 = arith.constant 10 : i32
          %parallel_loop3A_1310 = arith.muli %parallel_loop3A_392, %parallel_loop3A_1309 : i32
          %parallel_loop3A_1311 = arith.constant 8 : i32
          %parallel_loop3A_1312 = arith.addi %parallel_loop3A_1310, %parallel_loop3A_1311 : i32
          %parallel_loop3A_1313 = arith.constant 1 : i32
          %parallel_loop3A_1314 = arith.index_cast %parallel_loop3A_1313 : i32 to index
          %parallel_loop3A_1315 = arith.index_cast %parallel_loop3A_1312 : i32 to index
          %parallel_loop3A_1316 = arith.constant 112 : index
          %parallel_loop3A_1317 = tpu.vector_load %arg9[%parallel_loop3A_1314, %parallel_loop3A_1315, %parallel_loop3A_1316] {strides = array<i32>} : memref<3x160x128xf32, #tpu.memory_space<vmem>>, vector<16xf32>,
          %parallel_loop3A_1318 = arith.mulf %parallel_loop3A_420, %parallel_loop3A_1317 : vector<16xf32>
          %parallel_loop3A_1319 = arith.constant 10 : i32
          %parallel_loop3A_1320 = arith.muli %parallel_loop3A_392, %parallel_loop3A_1319 : i32
          %parallel_loop3A_1321 = arith.constant 9 : i32
          %parallel_loop3A_1322 = arith.addi %parallel_loop3A_1320, %parallel_loop3A_1321 : i32
          %parallel_loop3A_1323 = arith.constant 1 : i32
          %parallel_loop3A_1324 = arith.index_cast %parallel_loop3A_1323 : i32 to index
          %parallel_loop3A_1325 = arith.index_cast %parallel_loop3A_1322 : i32 to index
          %parallel_loop3A_1326 = arith.constant 112 : index
          %parallel_loop3A_1327 = tpu.vector_load %arg9[%parallel_loop3A_1324, %parallel_loop3A_1325, %parallel_loop3A_1326] {strides = array<i32>} : memref<3x160x128xf32, #tpu.memory_space<vmem>>, vector<16xf32>,
          %parallel_loop3A_1328 = arith.mulf %parallel_loop3A_423, %parallel_loop3A_1327 : vector<16xf32>
          %parallel_loop3A_1329 = arith.addf %parallel_loop3A_1238, %parallel_loop3A_1248 : vector<16xf32>
          %parallel_loop3A_1330 = arith.addf %parallel_loop3A_1258, %parallel_loop3A_1268 : vector<16xf32>
          %parallel_loop3A_1331 = arith.addf %parallel_loop3A_1278, %parallel_loop3A_1288 : vector<16xf32>
          %parallel_loop3A_1332 = arith.addf %parallel_loop3A_1298, %parallel_loop3A_1308 : vector<16xf32>
          %parallel_loop3A_1333 = arith.addf %parallel_loop3A_1318, %parallel_loop3A_1328 : vector<16xf32>
          %parallel_loop3A_1334 = arith.addf %parallel_loop3A_1329, %parallel_loop3A_1330 : vector<16xf32>
          %parallel_loop3A_1335 = arith.addf %parallel_loop3A_1331, %parallel_loop3A_1332 : vector<16xf32>
          %parallel_loop3A_1336 = arith.addf %parallel_loop3A_1334, %parallel_loop3A_1335 : vector<16xf32>
          %parallel_loop3A_1337 = arith.addf %parallel_loop3A_1336, %parallel_loop3A_1333 : vector<16xf32>
          %parallel_loop3A_1338 = arith.constant 0.000000e+00 : f32
          %parallel_loop3A_1339 = vector.broadcast %parallel_loop3A_1338 : f32 to vector<16xf32>
          %parallel_loop3A_1340 = arith.maximumf %parallel_loop3A_1337, %parallel_loop3A_1339 : vector<16xf32>
          %parallel_loop3A_1341 = arith.index_cast %parallel_loop3A_392 : i32 to index
          %parallel_loop3A_1342 = arith.constant 112 : index
          %parallel_loop3A_1343 = tpu.vector_load %arg11[%parallel_loop3A_1341, %parallel_loop3A_1342] {strides = array<i32>} : memref<16x128xf32, #tpu.memory_space<vmem>>, vector<16xf32>,
          tpu.vector_store %arg11[%parallel_loop3A_1341, %parallel_loop3A_1342], %parallel_loop3A_1340 {strides = array<i32>} : memref<16x128xf32, #tpu.memory_space<vmem>>, vector<16xf32>,
        } {sc.loop_unroll_factor = 1 : i64, sc.parallel_access}
        %add3A_386 = arith.addi %add3A_4, %add3A_87 : i32
        %lt3A_387 = arith.constant 3125 : i32
        %lt3A_388 = arith.cmpi slt, %add3A_386, %lt3A_387 : i32
        %convert_element_type3A_389 = arith.extui %lt3A_388 : i1 to i32
        %cond3A_390 = arith.constant 0 : i32
        %cond3A_391 = arith.cmpi ne, %convert_element_type3A_389, %cond3A_390 : i32
        scf.if %cond3A_391 {
          %add3A_392 = arith.addi %add3A_4, %add3A_87 : i32
          %mul3A_393 = arith.constant 16 : i32
          %mul3A_394 = arith.muli %add3A_392, %mul3A_393 : i32
          %dma_start3A_395 = arith.constant 0 : i32
          %dma_start3A_396 = tpu.memref_slice %arg6[%mul3A_394, %dma_start3A_395] : memref<50000x128xf32, #tpu.memory_space<hbm>> -> memref<16x128xf32, #tpu.memory_space<hbm>>
          %dma_start3A_397 = arith.constant 0 : i32
          %dma_start3A_398 = tpu.memref_slice %arg6[%mul3A_394, %dma_start3A_397] : memref<50000x128xf32, #tpu.memory_space<hbm>> -> memref<16x128xf32, #tpu.memory_space<hbm>>
          tpu.enqueue_dma source(%arg11 : memref<16x128xf32, #tpu.memory_space<vmem>>) target(%dma_start3A_398 : memref<16x128xf32, #tpu.memory_space<hbm>>) target_semaphore(%arg16 : memref<!tpu.dma_semaphore, #tpu.memory_space<semaphore_mem>>)
        } else {
        }
      } else {
      }
      %mul3A_93 = arith.constant 3 : i32
      %mul3A_94 = arith.muli %mul3A_93, %scan3A_74 : i32
      %add3A_95 = arith.constant 2 : i32
      %add3A_96 = arith.addi %mul3A_94, %add3A_95 : i32
      %lt3A_97 = arith.constant 98 : i32
      %lt3A_98 = arith.cmpi slt, %add3A_96, %lt3A_97 : i32
      %convert_element_type3A_99 = arith.extui %lt3A_98 : i1 to i32
      %cond3A_100 = arith.constant 0 : i32
      %cond3A_101 = arith.cmpi ne, %convert_element_type3A_99, %cond3A_100 : i32
      scf.if %cond3A_101 {
        %add3A_102 = arith.constant 2 : i32
        %add3A_103 = arith.addi %add3A_96, %add3A_102 : i32
        %lt3A_104 = arith.constant 98 : i32
        %lt3A_105 = arith.cmpi slt, %add3A_103, %lt3A_104 : i32
        %convert_element_type3A_106 = arith.extui %lt3A_105 : i1 to i32
        %cond3A_107 = arith.constant 0 : i32
        %cond3A_108 = arith.cmpi ne, %convert_element_type3A_106, %cond3A_107 : i32
        scf.if %cond3A_108 {
          %add3A_392 = arith.constant 2 : i32
          %add3A_393 = arith.addi %add3A_96, %add3A_392 : i32
          %mul3A_394 = arith.constant 2 : i32
          %mul3A_395 = arith.muli %add3A_393, %mul3A_394 : i32
          %add3A_396 = arith.constant 0 : i32
          %add3A_397 = arith.addi %mul3A_395, %add3A_396 : i32
          %dma_start3A_398 = arith.constant 1 : i32
          %dma_start3A_399 = arith.constant 0 : i32
          %dma_start3A_400 = arith.constant 0 : i32
          %dma_start3A_401 = tpu.memref_slice %arg9[%dma_start3A_398, %dma_start3A_399, %dma_start3A_400] : memref<3x160x128xf32, #tpu.memory_space<vmem>> -> memref<1x80x128xf32, #tpu.memory_space<vmem>>
          %dma_start3A_402 = tpu.memref_squeeze %dma_start3A_401 : memref<1x80x128xf32, #tpu.memory_space<vmem>> -> memref<80x128xf32, #tpu.memory_space<vmem>>
          %dma_start3A_403 = arith.constant 0 : i32
          %dma_start3A_404 = tpu.memref_slice %arg7[%add3A_397, %dma_start3A_403] : memref<196x80xi32, #tpu.memory_space<vmem>> -> memref<1x80xi32, #tpu.memory_space<vmem>>
          %dma_start3A_405 = tpu.memref_squeeze %dma_start3A_404 : memref<1x80xi32, #tpu.memory_space<vmem>> -> memref<80xi32, #tpu.memory_space<vmem>>
          %dma_start3A_406 = arith.constant 0 : i32
          %dma_start3A_407 = arith.constant 0 : i32
          %dma_start3A_408 = tpu.memref_slice %arg2[%dma_start3A_406, %dma_start3A_407] : memref<50000x128xf32, #tpu.memory_space<hbm>> -> memref<50000x128xf32, #tpu.memory_space<hbm>>
          tpu.enqueue_indirect_dma source(%dma_start3A_408 : memref<50000x128xf32, #tpu.memory_space<hbm>>) target(%dma_start3A_402 : memref<80x128xf32, #tpu.memory_space<vmem>>) offsets(%dma_start3A_405 : memref<80xi32, #tpu.memory_space<vmem>>) semaphore(%arg14 : memref<!tpu.dma_semaphore, #tpu.memory_space<semaphore_mem>>)
          %mul3A_409 = arith.constant 2 : i32
          %mul3A_410 = arith.muli %add3A_393, %mul3A_409 : i32
          %add3A_411 = arith.constant 1 : i32
          %add3A_412 = arith.addi %mul3A_410, %add3A_411 : i32
          %dma_start3A_413 = arith.constant 1 : i32
          %dma_start3A_414 = arith.constant 80 : i32
          %dma_start3A_415 = arith.constant 0 : i32
          %dma_start3A_416 = tpu.memref_slice %arg9[%dma_start3A_413, %dma_start3A_414, %dma_start3A_415] : memref<3x160x128xf32, #tpu.memory_space<vmem>> -> memref<1x80x128xf32, #tpu.memory_space<vmem>>
          %dma_start3A_417 = tpu.memref_squeeze %dma_start3A_416 : memref<1x80x128xf32, #tpu.memory_space<vmem>> -> memref<80x128xf32, #tpu.memory_space<vmem>>
          %dma_start3A_418 = arith.constant 0 : i32
          %dma_start3A_419 = tpu.memref_slice %arg7[%add3A_412, %dma_start3A_418] : memref<196x80xi32, #tpu.memory_space<vmem>> -> memref<1x80xi32, #tpu.memory_space<vmem>>
          %dma_start3A_420 = tpu.memref_squeeze %dma_start3A_419 : memref<1x80xi32, #tpu.memory_space<vmem>> -> memref<80xi32, #tpu.memory_space<vmem>>
          %dma_start3A_421 = arith.constant 0 : i32
          %dma_start3A_422 = arith.constant 0 : i32
          %dma_start3A_423 = tpu.memref_slice %arg2[%dma_start3A_421, %dma_start3A_422] : memref<50000x128xf32, #tpu.memory_space<hbm>> -> memref<50000x128xf32, #tpu.memory_space<hbm>>
          tpu.enqueue_indirect_dma source(%dma_start3A_423 : memref<50000x128xf32, #tpu.memory_space<hbm>>) target(%dma_start3A_417 : memref<80x128xf32, #tpu.memory_space<vmem>>) offsets(%dma_start3A_420 : memref<80xi32, #tpu.memory_space<vmem>>) semaphore(%arg14 : memref<!tpu.dma_semaphore, #tpu.memory_space<semaphore_mem>>)
        } else {
        }
        %iota3A = tpu.iota {dimensions = array<i32: 0>} : vector<16xi32>
        %mul3A_109 = arith.constant 10 : i32
        %mul3A_110 = vector.broadcast %mul3A_109 : i32 to vector<16xi32>
        %mul3A_111 = arith.muli %iota3A, %mul3A_110 : vector<16xi32>
        %add3A_112 = arith.constant 0 : i32
        %add3A_113 = vector.broadcast %add3A_112 : i32 to vector<16xi32>
        %add3A_114 = arith.addi %mul3A_111, %add3A_113 : vector<16xi32>
        %ge3A = arith.constant 80 : i32
        %ge3A_115 = vector.broadcast %ge3A : i32 to vector<16xi32>
        %ge3A_116 = arith.cmpi sge, %add3A_114, %ge3A_115 : vector<16xi32>
        %convert_element_type3A_117 = arith.extui %ge3A_116 : vector<16xi1> to vector<16xi32>
        %mul3A_118 = arith.constant 2 : i32
        %mul3A_119 = arith.muli %add3A_96, %mul3A_118 : i32
        %add3A_120 = vector.broadcast %mul3A_119 : i32 to vector<16xi32>
        %add3A_121 = arith.addi %add3A_120, %convert_element_type3A_117 : vector<16xi32>
        %mul3A_122 = arith.constant 80 : i32
        %mul3A_123 = vector.broadcast %mul3A_122 : i32 to vector<16xi32>
        %mul3A_124 = arith.muli %convert_element_type3A_117, %mul3A_123 : vector<16xi32>
        %sub3A_125 = arith.subi %add3A_114, %mul3A_124 : vector<16xi32>
        %gather3A = tpu.vector_load_idx %arg7[%add3A_121, %sub3A_125] : memref<196x80xi32, #tpu.memory_space<vmem>>[vector<16xi32>, vector<16xi32>], vector<16xi32>,
        %add3A_126 = arith.constant 1 : i32
        %add3A_127 = vector.broadcast %add3A_126 : i32 to vector<16xi32>
        %add3A_128 = arith.addi %mul3A_111, %add3A_127 : vector<16xi32>
        %ge3A_129 = arith.constant 80 : i32
        %ge3A_130 = vector.broadcast %ge3A_129 : i32 to vector<16xi32>
        %ge3A_131 = arith.cmpi sge, %add3A_128, %ge3A_130 : vector<16xi32>
        %convert_element_type3A_132 = arith.extui %ge3A_131 : vector<16xi1> to vector<16xi32>
        %mul3A_133 = arith.constant 2 : i32
        %mul3A_134 = arith.muli %add3A_96, %mul3A_133 : i32
        %add3A_135 = vector.broadcast %mul3A_134 : i32 to vector<16xi32>
        %add3A_136 = arith.addi %add3A_135, %convert_element_type3A_132 : vector<16xi32>
        %mul3A_137 = arith.constant 80 : i32
        %mul3A_138 = vector.broadcast %mul3A_137 : i32 to vector<16xi32>
        %mul3A_139 = arith.muli %convert_element_type3A_132, %mul3A_138 : vector<16xi32>
        %sub3A_140 = arith.subi %add3A_128, %mul3A_139 : vector<16xi32>
        %gather3A_141 = tpu.vector_load_idx %arg7[%add3A_136, %sub3A_140] : memref<196x80xi32, #tpu.memory_space<vmem>>[vector<16xi32>, vector<16xi32>], vector<16xi32>,
        %add3A_142 = arith.constant 2 : i32
        %add3A_143 = vector.broadcast %add3A_142 : i32 to vector<16xi32>
        %add3A_144 = arith.addi %mul3A_111, %add3A_143 : vector<16xi32>
        %ge3A_145 = arith.constant 80 : i32
        %ge3A_146 = vector.broadcast %ge3A_145 : i32 to vector<16xi32>
        %ge3A_147 = arith.cmpi sge, %add3A_144, %ge3A_146 : vector<16xi32>
        %convert_element_type3A_148 = arith.extui %ge3A_147 : vector<16xi1> to vector<16xi32>
        %mul3A_149 = arith.constant 2 : i32
        %mul3A_150 = arith.muli %add3A_96, %mul3A_149 : i32
        %add3A_151 = vector.broadcast %mul3A_150 : i32 to vector<16xi32>
        %add3A_152 = arith.addi %add3A_151, %convert_element_type3A_148 : vector<16xi32>
        %mul3A_153 = arith.constant 80 : i32
        %mul3A_154 = vector.broadcast %mul3A_153 : i32 to vector<16xi32>
        %mul3A_155 = arith.muli %convert_element_type3A_148, %mul3A_154 : vector<16xi32>
        %sub3A_156 = arith.subi %add3A_144, %mul3A_155 : vector<16xi32>
        %gather3A_157 = tpu.vector_load_idx %arg7[%add3A_152, %sub3A_156] : memref<196x80xi32, #tpu.memory_space<vmem>>[vector<16xi32>, vector<16xi32>], vector<16xi32>,
        %add3A_158 = arith.constant 3 : i32
        %add3A_159 = vector.broadcast %add3A_158 : i32 to vector<16xi32>
        %add3A_160 = arith.addi %mul3A_111, %add3A_159 : vector<16xi32>
        %ge3A_161 = arith.constant 80 : i32
        %ge3A_162 = vector.broadcast %ge3A_161 : i32 to vector<16xi32>
        %ge3A_163 = arith.cmpi sge, %add3A_160, %ge3A_162 : vector<16xi32>
        %convert_element_type3A_164 = arith.extui %ge3A_163 : vector<16xi1> to vector<16xi32>
        %mul3A_165 = arith.constant 2 : i32
        %mul3A_166 = arith.muli %add3A_96, %mul3A_165 : i32
        %add3A_167 = vector.broadcast %mul3A_166 : i32 to vector<16xi32>
        %add3A_168 = arith.addi %add3A_167, %convert_element_type3A_164 : vector<16xi32>
        %mul3A_169 = arith.constant 80 : i32
        %mul3A_170 = vector.broadcast %mul3A_169 : i32 to vector<16xi32>
        %mul3A_171 = arith.muli %convert_element_type3A_164, %mul3A_170 : vector<16xi32>
        %sub3A_172 = arith.subi %add3A_160, %mul3A_171 : vector<16xi32>
        %gather3A_173 = tpu.vector_load_idx %arg7[%add3A_168, %sub3A_172] : memref<196x80xi32, #tpu.memory_space<vmem>>[vector<16xi32>, vector<16xi32>], vector<16xi32>,
        %add3A_174 = arith.constant 4 : i32
        %add3A_175 = vector.broadcast %add3A_174 : i32 to vector<16xi32>
        %add3A_176 = arith.addi %mul3A_111, %add3A_175 : vector<16xi32>
        %ge3A_177 = arith.constant 80 : i32
        %ge3A_178 = vector.broadcast %ge3A_177 : i32 to vector<16xi32>
        %ge3A_179 = arith.cmpi sge, %add3A_176, %ge3A_178 : vector<16xi32>
        %convert_element_type3A_180 = arith.extui %ge3A_179 : vector<16xi1> to vector<16xi32>
        %mul3A_181 = arith.constant 2 : i32
        %mul3A_182 = arith.muli %add3A_96, %mul3A_181 : i32
        %add3A_183 = vector.broadcast %mul3A_182 : i32 to vector<16xi32>
        %add3A_184 = arith.addi %add3A_183, %convert_element_type3A_180 : vector<16xi32>
        %mul3A_185 = arith.constant 80 : i32
        %mul3A_186 = vector.broadcast %mul3A_185 : i32 to vector<16xi32>
        %mul3A_187 = arith.muli %convert_element_type3A_180, %mul3A_186 : vector<16xi32>
        %sub3A_188 = arith.subi %add3A_176, %mul3A_187 : vector<16xi32>
        %gather3A_189 = tpu.vector_load_idx %arg7[%add3A_184, %sub3A_188] : memref<196x80xi32, #tpu.memory_space<vmem>>[vector<16xi32>, vector<16xi32>], vector<16xi32>,
        %add3A_190 = arith.constant 5 : i32
        %add3A_191 = vector.broadcast %add3A_190 : i32 to vector<16xi32>
        %add3A_192 = arith.addi %mul3A_111, %add3A_191 : vector<16xi32>
        %ge3A_193 = arith.constant 80 : i32
        %ge3A_194 = vector.broadcast %ge3A_193 : i32 to vector<16xi32>
        %ge3A_195 = arith.cmpi sge, %add3A_192, %ge3A_194 : vector<16xi32>
        %convert_element_type3A_196 = arith.extui %ge3A_195 : vector<16xi1> to vector<16xi32>
        %mul3A_197 = arith.constant 2 : i32
        %mul3A_198 = arith.muli %add3A_96, %mul3A_197 : i32
        %add3A_199 = vector.broadcast %mul3A_198 : i32 to vector<16xi32>
        %add3A_200 = arith.addi %add3A_199, %convert_element_type3A_196 : vector<16xi32>
        %mul3A_201 = arith.constant 80 : i32
        %mul3A_202 = vector.broadcast %mul3A_201 : i32 to vector<16xi32>
        %mul3A_203 = arith.muli %convert_element_type3A_196, %mul3A_202 : vector<16xi32>
        %sub3A_204 = arith.subi %add3A_192, %mul3A_203 : vector<16xi32>
        %gather3A_205 = tpu.vector_load_idx %arg7[%add3A_200, %sub3A_204] : memref<196x80xi32, #tpu.memory_space<vmem>>[vector<16xi32>, vector<16xi32>], vector<16xi32>,
        %add3A_206 = arith.constant 6 : i32
        %add3A_207 = vector.broadcast %add3A_206 : i32 to vector<16xi32>
        %add3A_208 = arith.addi %mul3A_111, %add3A_207 : vector<16xi32>
        %ge3A_209 = arith.constant 80 : i32
        %ge3A_210 = vector.broadcast %ge3A_209 : i32 to vector<16xi32>
        %ge3A_211 = arith.cmpi sge, %add3A_208, %ge3A_210 : vector<16xi32>
        %convert_element_type3A_212 = arith.extui %ge3A_211 : vector<16xi1> to vector<16xi32>
        %mul3A_213 = arith.constant 2 : i32
        %mul3A_214 = arith.muli %add3A_96, %mul3A_213 : i32
        %add3A_215 = vector.broadcast %mul3A_214 : i32 to vector<16xi32>
        %add3A_216 = arith.addi %add3A_215, %convert_element_type3A_212 : vector<16xi32>
        %mul3A_217 = arith.constant 80 : i32
        %mul3A_218 = vector.broadcast %mul3A_217 : i32 to vector<16xi32>
        %mul3A_219 = arith.muli %convert_element_type3A_212, %mul3A_218 : vector<16xi32>
        %sub3A_220 = arith.subi %add3A_208, %mul3A_219 : vector<16xi32>
        %gather3A_221 = tpu.vector_load_idx %arg7[%add3A_216, %sub3A_220] : memref<196x80xi32, #tpu.memory_space<vmem>>[vector<16xi32>, vector<16xi32>], vector<16xi32>,
        %add3A_222 = arith.constant 7 : i32
        %add3A_223 = vector.broadcast %add3A_222 : i32 to vector<16xi32>
        %add3A_224 = arith.addi %mul3A_111, %add3A_223 : vector<16xi32>
        %ge3A_225 = arith.constant 80 : i32
        %ge3A_226 = vector.broadcast %ge3A_225 : i32 to vector<16xi32>
        %ge3A_227 = arith.cmpi sge, %add3A_224, %ge3A_226 : vector<16xi32>
        %convert_element_type3A_228 = arith.extui %ge3A_227 : vector<16xi1> to vector<16xi32>
        %mul3A_229 = arith.constant 2 : i32
        %mul3A_230 = arith.muli %add3A_96, %mul3A_229 : i32
        %add3A_231 = vector.broadcast %mul3A_230 : i32 to vector<16xi32>
        %add3A_232 = arith.addi %add3A_231, %convert_element_type3A_228 : vector<16xi32>
        %mul3A_233 = arith.constant 80 : i32
        %mul3A_234 = vector.broadcast %mul3A_233 : i32 to vector<16xi32>
        %mul3A_235 = arith.muli %convert_element_type3A_228, %mul3A_234 : vector<16xi32>
        %sub3A_236 = arith.subi %add3A_224, %mul3A_235 : vector<16xi32>
        %gather3A_237 = tpu.vector_load_idx %arg7[%add3A_232, %sub3A_236] : memref<196x80xi32, #tpu.memory_space<vmem>>[vector<16xi32>, vector<16xi32>], vector<16xi32>,
        %add3A_238 = arith.constant 8 : i32
        %add3A_239 = vector.broadcast %add3A_238 : i32 to vector<16xi32>
        %add3A_240 = arith.addi %mul3A_111, %add3A_239 : vector<16xi32>
        %ge3A_241 = arith.constant 80 : i32
        %ge3A_242 = vector.broadcast %ge3A_241 : i32 to vector<16xi32>
        %ge3A_243 = arith.cmpi sge, %add3A_240, %ge3A_242 : vector<16xi32>
        %convert_element_type3A_244 = arith.extui %ge3A_243 : vector<16xi1> to vector<16xi32>
        %mul3A_245 = arith.constant 2 : i32
        %mul3A_246 = arith.muli %add3A_96, %mul3A_245 : i32
        %add3A_247 = vector.broadcast %mul3A_246 : i32 to vector<16xi32>
        %add3A_248 = arith.addi %add3A_247, %convert_element_type3A_244 : vector<16xi32>
        %mul3A_249 = arith.constant 80 : i32
        %mul3A_250 = vector.broadcast %mul3A_249 : i32 to vector<16xi32>
        %mul3A_251 = arith.muli %convert_element_type3A_244, %mul3A_250 : vector<16xi32>
        %sub3A_252 = arith.subi %add3A_240, %mul3A_251 : vector<16xi32>
        %gather3A_253 = tpu.vector_load_idx %arg7[%add3A_248, %sub3A_252] : memref<196x80xi32, #tpu.memory_space<vmem>>[vector<16xi32>, vector<16xi32>], vector<16xi32>,
        %add3A_254 = arith.constant 9 : i32
        %add3A_255 = vector.broadcast %add3A_254 : i32 to vector<16xi32>
        %add3A_256 = arith.addi %mul3A_111, %add3A_255 : vector<16xi32>
        %ge3A_257 = arith.constant 80 : i32
        %ge3A_258 = vector.broadcast %ge3A_257 : i32 to vector<16xi32>
        %ge3A_259 = arith.cmpi sge, %add3A_256, %ge3A_258 : vector<16xi32>
        %convert_element_type3A_260 = arith.extui %ge3A_259 : vector<16xi1> to vector<16xi32>
        %mul3A_261 = arith.constant 2 : i32
        %mul3A_262 = arith.muli %add3A_96, %mul3A_261 : i32
        %add3A_263 = vector.broadcast %mul3A_262 : i32 to vector<16xi32>
        %add3A_264 = arith.addi %add3A_263, %convert_element_type3A_260 : vector<16xi32>
        %mul3A_265 = arith.constant 80 : i32
        %mul3A_266 = vector.broadcast %mul3A_265 : i32 to vector<16xi32>
        %mul3A_267 = arith.muli %convert_element_type3A_260, %mul3A_266 : vector<16xi32>
        %sub3A_268 = arith.subi %add3A_256, %mul3A_267 : vector<16xi32>
        %gather3A_269 = tpu.vector_load_idx %arg7[%add3A_264, %sub3A_268] : memref<196x80xi32, #tpu.memory_space<vmem>>[vector<16xi32>, vector<16xi32>], vector<16xi32>,
        %gather3A_270 = tpu.vector_load_idx %arg8[%gather3A] : memref<50000xf32, #tpu.memory_space<vmem>>[vector<16xi32>], vector<16xf32>,
        %gather3A_271 = tpu.vector_load_idx %arg8[%gather3A_141] : memref<50000xf32, #tpu.memory_space<vmem>>[vector<16xi32>], vector<16xf32>,
        %gather3A_272 = tpu.vector_load_idx %arg8[%gather3A_157] : memref<50000xf32, #tpu.memory_space<vmem>>[vector<16xi32>], vector<16xf32>,
        %gather3A_273 = tpu.vector_load_idx %arg8[%gather3A_173] : memref<50000xf32, #tpu.memory_space<vmem>>[vector<16xi32>], vector<16xf32>,
        %gather3A_274 = tpu.vector_load_idx %arg8[%gather3A_189] : memref<50000xf32, #tpu.memory_space<vmem>>[vector<16xi32>], vector<16xf32>,
        %gather3A_275 = tpu.vector_load_idx %arg8[%gather3A_205] : memref<50000xf32, #tpu.memory_space<vmem>>[vector<16xi32>], vector<16xf32>,
        %gather3A_276 = tpu.vector_load_idx %arg8[%gather3A_221] : memref<50000xf32, #tpu.memory_space<vmem>>[vector<16xi32>], vector<16xf32>,
        %gather3A_277 = tpu.vector_load_idx %arg8[%gather3A_237] : memref<50000xf32, #tpu.memory_space<vmem>>[vector<16xi32>], vector<16xf32>,
        %gather3A_278 = tpu.vector_load_idx %arg8[%gather3A_253] : memref<50000xf32, #tpu.memory_space<vmem>>[vector<16xi32>], vector<16xf32>,
        %gather3A_279 = tpu.vector_load_idx %arg8[%gather3A_269] : memref<50000xf32, #tpu.memory_space<vmem>>[vector<16xi32>], vector<16xf32>,
        %max3A = arith.maximumf %gather3A_270, %gather3A_271 : vector<16xf32>
        %max3A_280 = arith.maximumf %max3A, %gather3A_272 : vector<16xf32>
        %max3A_281 = arith.maximumf %max3A_280, %gather3A_273 : vector<16xf32>
        %max3A_282 = arith.maximumf %max3A_281, %gather3A_274 : vector<16xf32>
        %max3A_283 = arith.maximumf %max3A_282, %gather3A_275 : vector<16xf32>
        %max3A_284 = arith.maximumf %max3A_283, %gather3A_276 : vector<16xf32>
        %max3A_285 = arith.maximumf %max3A_284, %gather3A_277 : vector<16xf32>
        %max3A_286 = arith.maximumf %max3A_285, %gather3A_278 : vector<16xf32>
        %max3A_287 = arith.maximumf %max3A_286, %gather3A_279 : vector<16xf32>
        %sub3A_288 = arith.subf %gather3A_270, %max3A_287 : vector<16xf32>
        %exp3A = math.exp %sub3A_288 : vector<16xf32>
        %sub3A_289 = arith.subf %gather3A_271, %max3A_287 : vector<16xf32>
        %exp3A_290 = math.exp %sub3A_289 : vector<16xf32>
        %sub3A_291 = arith.subf %gather3A_272, %max3A_287 : vector<16xf32>
        %exp3A_292 = math.exp %sub3A_291 : vector<16xf32>
        %sub3A_293 = arith.subf %gather3A_273, %max3A_287 : vector<16xf32>
        %exp3A_294 = math.exp %sub3A_293 : vector<16xf32>
        %sub3A_295 = arith.subf %gather3A_274, %max3A_287 : vector<16xf32>
        %exp3A_296 = math.exp %sub3A_295 : vector<16xf32>
        %sub3A_297 = arith.subf %gather3A_275, %max3A_287 : vector<16xf32>
        %exp3A_298 = math.exp %sub3A_297 : vector<16xf32>
        %sub3A_299 = arith.subf %gather3A_276, %max3A_287 : vector<16xf32>
        %exp3A_300 = math.exp %sub3A_299 : vector<16xf32>
        %sub3A_301 = arith.subf %gather3A_277, %max3A_287 : vector<16xf32>
        %exp3A_302 = math.exp %sub3A_301 : vector<16xf32>
        %sub3A_303 = arith.subf %gather3A_278, %max3A_287 : vector<16xf32>
        %exp3A_304 = math.exp %sub3A_303 : vector<16xf32>
        %sub3A_305 = arith.subf %gather3A_279, %max3A_287 : vector<16xf32>
        %exp3A_306 = math.exp %sub3A_305 : vector<16xf32>
        %add3A_307 = arith.addf %exp3A, %exp3A_290 : vector<16xf32>
        %add3A_308 = arith.addf %add3A_307, %exp3A_292 : vector<16xf32>
        %add3A_309 = arith.addf %add3A_308, %exp3A_294 : vector<16xf32>
        %add3A_310 = arith.addf %add3A_309, %exp3A_296 : vector<16xf32>
        %add3A_311 = arith.addf %add3A_310, %exp3A_298 : vector<16xf32>
        %add3A_312 = arith.addf %add3A_311, %exp3A_300 : vector<16xf32>
        %add3A_313 = arith.addf %add3A_312, %exp3A_302 : vector<16xf32>
        %add3A_314 = arith.addf %add3A_313, %exp3A_304 : vector<16xf32>
        %add3A_315 = arith.addf %add3A_314, %exp3A_306 : vector<16xf32>
        %div3A = arith.divf %get3A_15, %add3A_315 : vector<16xf32>
        %mul3A_316 = arith.mulf %exp3A, %div3A : vector<16xf32>
        %swap3A = arith.constant 0 : i32
        %swap3A_317 = arith.index_cast %swap3A : i32 to index
        %swap3A_318 = arith.constant 0 : index
        %swap3A_319 = tpu.vector_load %arg10[%swap3A_317, %swap3A_318] {strides = array<i32>} : memref<10x16xf32, #tpu.memory_space<vmem>>, vector<16xf32>,
        tpu.vector_store %arg10[%swap3A_317, %swap3A_318], %mul3A_316 {strides = array<i32>} : memref<10x16xf32, #tpu.memory_space<vmem>>, vector<16xf32>,
        %mul3A_320 = arith.mulf %exp3A_290, %div3A : vector<16xf32>
        %swap3A_321 = arith.constant 1 : i32
        %swap3A_322 = arith.index_cast %swap3A_321 : i32 to index
        %swap3A_323 = arith.constant 0 : index
        %swap3A_324 = tpu.vector_load %arg10[%swap3A_322, %swap3A_323] {strides = array<i32>} : memref<10x16xf32, #tpu.memory_space<vmem>>, vector<16xf32>,
        tpu.vector_store %arg10[%swap3A_322, %swap3A_323], %mul3A_320 {strides = array<i32>} : memref<10x16xf32, #tpu.memory_space<vmem>>, vector<16xf32>,
        %mul3A_325 = arith.mulf %exp3A_292, %div3A : vector<16xf32>
        %swap3A_326 = arith.constant 2 : i32
        %swap3A_327 = arith.index_cast %swap3A_326 : i32 to index
        %swap3A_328 = arith.constant 0 : index
        %swap3A_329 = tpu.vector_load %arg10[%swap3A_327, %swap3A_328] {strides = array<i32>} : memref<10x16xf32, #tpu.memory_space<vmem>>, vector<16xf32>,
        tpu.vector_store %arg10[%swap3A_327, %swap3A_328], %mul3A_325 {strides = array<i32>} : memref<10x16xf32, #tpu.memory_space<vmem>>, vector<16xf32>,
        %mul3A_330 = arith.mulf %exp3A_294, %div3A : vector<16xf32>
        %swap3A_331 = arith.constant 3 : i32
        %swap3A_332 = arith.index_cast %swap3A_331 : i32 to index
        %swap3A_333 = arith.constant 0 : index
        %swap3A_334 = tpu.vector_load %arg10[%swap3A_332, %swap3A_333] {strides = array<i32>} : memref<10x16xf32, #tpu.memory_space<vmem>>, vector<16xf32>,
        tpu.vector_store %arg10[%swap3A_332, %swap3A_333], %mul3A_330 {strides = array<i32>} : memref<10x16xf32, #tpu.memory_space<vmem>>, vector<16xf32>,
        %mul3A_335 = arith.mulf %exp3A_296, %div3A : vector<16xf32>
        %swap3A_336 = arith.constant 4 : i32
        %swap3A_337 = arith.index_cast %swap3A_336 : i32 to index
        %swap3A_338 = arith.constant 0 : index
        %swap3A_339 = tpu.vector_load %arg10[%swap3A_337, %swap3A_338] {strides = array<i32>} : memref<10x16xf32, #tpu.memory_space<vmem>>, vector<16xf32>,
        tpu.vector_store %arg10[%swap3A_337, %swap3A_338], %mul3A_335 {strides = array<i32>} : memref<10x16xf32, #tpu.memory_space<vmem>>, vector<16xf32>,
        %mul3A_340 = arith.mulf %exp3A_298, %div3A : vector<16xf32>
        %swap3A_341 = arith.constant 5 : i32
        %swap3A_342 = arith.index_cast %swap3A_341 : i32 to index
        %swap3A_343 = arith.constant 0 : index
        %swap3A_344 = tpu.vector_load %arg10[%swap3A_342, %swap3A_343] {strides = array<i32>} : memref<10x16xf32, #tpu.memory_space<vmem>>, vector<16xf32>,
        tpu.vector_store %arg10[%swap3A_342, %swap3A_343], %mul3A_340 {strides = array<i32>} : memref<10x16xf32, #tpu.memory_space<vmem>>, vector<16xf32>,
        %mul3A_345 = arith.mulf %exp3A_300, %div3A : vector<16xf32>
        %swap3A_346 = arith.constant 6 : i32
        %swap3A_347 = arith.index_cast %swap3A_346 : i32 to index
        %swap3A_348 = arith.constant 0 : index
        %swap3A_349 = tpu.vector_load %arg10[%swap3A_347, %swap3A_348] {strides = array<i32>} : memref<10x16xf32, #tpu.memory_space<vmem>>, vector<16xf32>,
        tpu.vector_store %arg10[%swap3A_347, %swap3A_348], %mul3A_345 {strides = array<i32>} : memref<10x16xf32, #tpu.memory_space<vmem>>, vector<16xf32>,
        %mul3A_350 = arith.mulf %exp3A_302, %div3A : vector<16xf32>
        %swap3A_351 = arith.constant 7 : i32
        %swap3A_352 = arith.index_cast %swap3A_351 : i32 to index
        %swap3A_353 = arith.constant 0 : index
        %swap3A_354 = tpu.vector_load %arg10[%swap3A_352, %swap3A_353] {strides = array<i32>} : memref<10x16xf32, #tpu.memory_space<vmem>>, vector<16xf32>,
        tpu.vector_store %arg10[%swap3A_352, %swap3A_353], %mul3A_350 {strides = array<i32>} : memref<10x16xf32, #tpu.memory_space<vmem>>, vector<16xf32>,
        %mul3A_355 = arith.mulf %exp3A_304, %div3A : vector<16xf32>
        %swap3A_356 = arith.constant 8 : i32
        %swap3A_357 = arith.index_cast %swap3A_356 : i32 to index
        %swap3A_358 = arith.constant 0 : index
        %swap3A_359 = tpu.vector_load %arg10[%swap3A_357, %swap3A_358] {strides = array<i32>} : memref<10x16xf32, #tpu.memory_space<vmem>>, vector<16xf32>,
        tpu.vector_store %arg10[%swap3A_357, %swap3A_358], %mul3A_355 {strides = array<i32>} : memref<10x16xf32, #tpu.memory_space<vmem>>, vector<16xf32>,
        %mul3A_360 = arith.mulf %exp3A_306, %div3A : vector<16xf32>
        %swap3A_361 = arith.constant 9 : i32
        %swap3A_362 = arith.index_cast %swap3A_361 : i32 to index
        %swap3A_363 = arith.constant 0 : index
        %swap3A_364 = tpu.vector_load %arg10[%swap3A_362, %swap3A_363] {strides = array<i32>} : memref<10x16xf32, #tpu.memory_space<vmem>>, vector<16xf32>,
        tpu.vector_store %arg10[%swap3A_362, %swap3A_363], %mul3A_360 {strides = array<i32>} : memref<10x16xf32, #tpu.memory_space<vmem>>, vector<16xf32>,
        %ge3A_365 = arith.constant 1 : i32
        %ge3A_366 = arith.cmpi sge, %add3A_96, %ge3A_365 : i32
        %convert_element_type3A_367 = arith.extui %ge3A_366 : i1 to i32
        %cond3A_368 = arith.constant 0 : i32
        %cond3A_369 = arith.cmpi ne, %convert_element_type3A_367, %cond3A_368 : i32
        scf.if %cond3A_369 {
          %dma_wait3A_392 = arith.constant 0 : i32
          %dma_wait3A_393 = arith.constant 0 : i32
          %dma_wait3A_394 = tpu.memref_slice %arg6[%dma_wait3A_392, %dma_wait3A_393] : memref<50000x128xf32, #tpu.memory_space<hbm>> -> memref<16x128xf32, #tpu.memory_space<hbm>>
          %dma_wait3A_395 = arith.constant 0 : i32
          %dma_wait3A_396 = arith.constant 0 : i32
          %dma_wait3A_397 = tpu.memref_slice %arg6[%dma_wait3A_395, %dma_wait3A_396] : memref<50000x128xf32, #tpu.memory_space<hbm>> -> memref<16x128xf32, #tpu.memory_space<hbm>>
          tpu.wait_dma2 semaphore(%arg16 : memref<!tpu.dma_semaphore, #tpu.memory_space<semaphore_mem>>) src(%dma_wait3A_397 : memref<16x128xf32, #tpu.memory_space<hbm>>) dst(%arg11 : memref<16x128xf32, #tpu.memory_space<vmem>>)
        } else {
        }
        %dma_wait3A = arith.constant 2 : i32
        %dma_wait3A_370 = arith.constant 0 : i32
        %dma_wait3A_371 = arith.constant 0 : i32
        %dma_wait3A_372 = tpu.memref_slice %arg9[%dma_wait3A, %dma_wait3A_370, %dma_wait3A_371] : memref<3x160x128xf32, #tpu.memory_space<vmem>> -> memref<1x160x128xf32, #tpu.memory_space<vmem>>
        %dma_wait3A_373 = tpu.memref_squeeze %dma_wait3A_372 : memref<1x160x128xf32, #tpu.memory_space<vmem>> -> memref<160x128xf32, #tpu.memory_space<vmem>>
        %dma_wait3A_374 = arith.constant 0 : i32
        %dma_wait3A_375 = arith.constant 0 : i32
        %dma_wait3A_376 = tpu.memref_slice %arg2[%dma_wait3A_374, %dma_wait3A_375] : memref<50000x128xf32, #tpu.memory_space<hbm>> -> memref<160x128xf32, #tpu.memory_space<hbm>>
        %dma_wait3A_377 = arith.constant 0 : i32
        %dma_wait3A_378 = arith.constant 0 : i32
        %dma_wait3A_379 = tpu.memref_slice %arg9[%dma_wait3A, %dma_wait3A_377, %dma_wait3A_378] : memref<3x160x128xf32, #tpu.memory_space<vmem>> -> memref<1x160x128xf32, #tpu.memory_space<vmem>>
        %dma_wait3A_380 = tpu.memref_squeeze %dma_wait3A_379 : memref<1x160x128xf32, #tpu.memory_space<vmem>> -> memref<160x128xf32, #tpu.memory_space<vmem>>
        %dma_wait3A_381 = arith.constant 0 : i32
        %dma_wait3A_382 = arith.constant 0 : i32
        %dma_wait3A_383 = tpu.memref_slice %arg2[%dma_wait3A_381, %dma_wait3A_382] : memref<50000x128xf32, #tpu.memory_space<hbm>> -> memref<160x128xf32, #tpu.memory_space<hbm>>
        tpu.wait_dma2 semaphore(%arg15 : memref<!tpu.dma_semaphore, #tpu.memory_space<semaphore_mem>>) src(%dma_wait3A_383 : memref<160x128xf32, #tpu.memory_space<hbm>>) dst(%dma_wait3A_380 : memref<160x128xf32, #tpu.memory_space<vmem>>)
        %parallel_loop3A = arith.constant 0 : i32
        %parallel_loop3A_384 = arith.constant 16 : i32
        %parallel_loop3A_385 = arith.constant 1 : i32
        scf.for %parallel_loop3A_392 = %parallel_loop3A to %parallel_loop3A_384 step %parallel_loop3A_385  : i32 {
          %parallel_loop3A_393 = vector.broadcast %parallel_loop3A_392 : i32 to vector<16xi32>
          %parallel_loop3A_394 = arith.constant 0 : i32
          %parallel_loop3A_395 = vector.broadcast %parallel_loop3A_394 : i32 to vector<16xi32>
          %parallel_loop3A_396 = tpu.vector_load_idx %arg10[%parallel_loop3A_395, %parallel_loop3A_393] : memref<10x16xf32, #tpu.memory_space<vmem>>[vector<16xi32>, vector<16xi32>], vector<16xf32>,
          %parallel_loop3A_397 = arith.constant 1 : i32
          %parallel_loop3A_398 = vector.broadcast %parallel_loop3A_397 : i32 to vector<16xi32>
          %parallel_loop3A_399 = tpu.vector_load_idx %arg10[%parallel_loop3A_398, %parallel_loop3A_393] : memref<10x16xf32, #tpu.memory_space<vmem>>[vector<16xi32>, vector<16xi32>], vector<16xf32>,
          %parallel_loop3A_400 = arith.constant 2 : i32
          %parallel_loop3A_401 = vector.broadcast %parallel_loop3A_400 : i32 to vector<16xi32>
          %parallel_loop3A_402 = tpu.vector_load_idx %arg10[%parallel_loop3A_401, %parallel_loop3A_393] : memref<10x16xf32, #tpu.memory_space<vmem>>[vector<16xi32>, vector<16xi32>], vector<16xf32>,
          %parallel_loop3A_403 = arith.constant 3 : i32
          %parallel_loop3A_404 = vector.broadcast %parallel_loop3A_403 : i32 to vector<16xi32>
          %parallel_loop3A_405 = tpu.vector_load_idx %arg10[%parallel_loop3A_404, %parallel_loop3A_393] : memref<10x16xf32, #tpu.memory_space<vmem>>[vector<16xi32>, vector<16xi32>], vector<16xf32>,
          %parallel_loop3A_406 = arith.constant 4 : i32
          %parallel_loop3A_407 = vector.broadcast %parallel_loop3A_406 : i32 to vector<16xi32>
          %parallel_loop3A_408 = tpu.vector_load_idx %arg10[%parallel_loop3A_407, %parallel_loop3A_393] : memref<10x16xf32, #tpu.memory_space<vmem>>[vector<16xi32>, vector<16xi32>], vector<16xf32>,
          %parallel_loop3A_409 = arith.constant 5 : i32
          %parallel_loop3A_410 = vector.broadcast %parallel_loop3A_409 : i32 to vector<16xi32>
          %parallel_loop3A_411 = tpu.vector_load_idx %arg10[%parallel_loop3A_410, %parallel_loop3A_393] : memref<10x16xf32, #tpu.memory_space<vmem>>[vector<16xi32>, vector<16xi32>], vector<16xf32>,
          %parallel_loop3A_412 = arith.constant 6 : i32
          %parallel_loop3A_413 = vector.broadcast %parallel_loop3A_412 : i32 to vector<16xi32>
          %parallel_loop3A_414 = tpu.vector_load_idx %arg10[%parallel_loop3A_413, %parallel_loop3A_393] : memref<10x16xf32, #tpu.memory_space<vmem>>[vector<16xi32>, vector<16xi32>], vector<16xf32>,
          %parallel_loop3A_415 = arith.constant 7 : i32
          %parallel_loop3A_416 = vector.broadcast %parallel_loop3A_415 : i32 to vector<16xi32>
          %parallel_loop3A_417 = tpu.vector_load_idx %arg10[%parallel_loop3A_416, %parallel_loop3A_393] : memref<10x16xf32, #tpu.memory_space<vmem>>[vector<16xi32>, vector<16xi32>], vector<16xf32>,
          %parallel_loop3A_418 = arith.constant 8 : i32
          %parallel_loop3A_419 = vector.broadcast %parallel_loop3A_418 : i32 to vector<16xi32>
          %parallel_loop3A_420 = tpu.vector_load_idx %arg10[%parallel_loop3A_419, %parallel_loop3A_393] : memref<10x16xf32, #tpu.memory_space<vmem>>[vector<16xi32>, vector<16xi32>], vector<16xf32>,
          %parallel_loop3A_421 = arith.constant 9 : i32
          %parallel_loop3A_422 = vector.broadcast %parallel_loop3A_421 : i32 to vector<16xi32>
          %parallel_loop3A_423 = tpu.vector_load_idx %arg10[%parallel_loop3A_422, %parallel_loop3A_393] : memref<10x16xf32, #tpu.memory_space<vmem>>[vector<16xi32>, vector<16xi32>], vector<16xf32>,
          %parallel_loop3A_424 = arith.constant 10 : i32
          %parallel_loop3A_425 = arith.muli %parallel_loop3A_392, %parallel_loop3A_424 : i32
          %parallel_loop3A_426 = arith.constant 0 : i32
          %parallel_loop3A_427 = arith.addi %parallel_loop3A_425, %parallel_loop3A_426 : i32
          %parallel_loop3A_428 = arith.constant 2 : i32
          %parallel_loop3A_429 = arith.index_cast %parallel_loop3A_428 : i32 to index
          %parallel_loop3A_430 = arith.index_cast %parallel_loop3A_427 : i32 to index
          %parallel_loop3A_431 = arith.constant 0 : index
          %parallel_loop3A_432 = tpu.vector_load %arg9[%parallel_loop3A_429, %parallel_loop3A_430, %parallel_loop3A_431] {strides = array<i32>} : memref<3x160x128xf32, #tpu.memory_space<vmem>>, vector<16xf32>,
          %parallel_loop3A_433 = arith.mulf %parallel_loop3A_396, %parallel_loop3A_432 : vector<16xf32>
          %parallel_loop3A_434 = arith.constant 10 : i32
          %parallel_loop3A_435 = arith.muli %parallel_loop3A_392, %parallel_loop3A_434 : i32
          %parallel_loop3A_436 = arith.constant 1 : i32
          %parallel_loop3A_437 = arith.addi %parallel_loop3A_435, %parallel_loop3A_436 : i32
          %parallel_loop3A_438 = arith.constant 2 : i32
          %parallel_loop3A_439 = arith.index_cast %parallel_loop3A_438 : i32 to index
          %parallel_loop3A_440 = arith.index_cast %parallel_loop3A_437 : i32 to index
          %parallel_loop3A_441 = arith.constant 0 : index
          %parallel_loop3A_442 = tpu.vector_load %arg9[%parallel_loop3A_439, %parallel_loop3A_440, %parallel_loop3A_441] {strides = array<i32>} : memref<3x160x128xf32, #tpu.memory_space<vmem>>, vector<16xf32>,
          %parallel_loop3A_443 = arith.mulf %parallel_loop3A_399, %parallel_loop3A_442 : vector<16xf32>
          %parallel_loop3A_444 = arith.constant 10 : i32
          %parallel_loop3A_445 = arith.muli %parallel_loop3A_392, %parallel_loop3A_444 : i32
          %parallel_loop3A_446 = arith.constant 2 : i32
          %parallel_loop3A_447 = arith.addi %parallel_loop3A_445, %parallel_loop3A_446 : i32
          %parallel_loop3A_448 = arith.constant 2 : i32
          %parallel_loop3A_449 = arith.index_cast %parallel_loop3A_448 : i32 to index
          %parallel_loop3A_450 = arith.index_cast %parallel_loop3A_447 : i32 to index
          %parallel_loop3A_451 = arith.constant 0 : index
          %parallel_loop3A_452 = tpu.vector_load %arg9[%parallel_loop3A_449, %parallel_loop3A_450, %parallel_loop3A_451] {strides = array<i32>} : memref<3x160x128xf32, #tpu.memory_space<vmem>>, vector<16xf32>,
          %parallel_loop3A_453 = arith.mulf %parallel_loop3A_402, %parallel_loop3A_452 : vector<16xf32>
          %parallel_loop3A_454 = arith.constant 10 : i32
          %parallel_loop3A_455 = arith.muli %parallel_loop3A_392, %parallel_loop3A_454 : i32
          %parallel_loop3A_456 = arith.constant 3 : i32
          %parallel_loop3A_457 = arith.addi %parallel_loop3A_455, %parallel_loop3A_456 : i32
          %parallel_loop3A_458 = arith.constant 2 : i32
          %parallel_loop3A_459 = arith.index_cast %parallel_loop3A_458 : i32 to index
          %parallel_loop3A_460 = arith.index_cast %parallel_loop3A_457 : i32 to index
          %parallel_loop3A_461 = arith.constant 0 : index
          %parallel_loop3A_462 = tpu.vector_load %arg9[%parallel_loop3A_459, %parallel_loop3A_460, %parallel_loop3A_461] {strides = array<i32>} : memref<3x160x128xf32, #tpu.memory_space<vmem>>, vector<16xf32>,
          %parallel_loop3A_463 = arith.mulf %parallel_loop3A_405, %parallel_loop3A_462 : vector<16xf32>
          %parallel_loop3A_464 = arith.constant 10 : i32
          %parallel_loop3A_465 = arith.muli %parallel_loop3A_392, %parallel_loop3A_464 : i32
          %parallel_loop3A_466 = arith.constant 4 : i32
          %parallel_loop3A_467 = arith.addi %parallel_loop3A_465, %parallel_loop3A_466 : i32
          %parallel_loop3A_468 = arith.constant 2 : i32
          %parallel_loop3A_469 = arith.index_cast %parallel_loop3A_468 : i32 to index
          %parallel_loop3A_470 = arith.index_cast %parallel_loop3A_467 : i32 to index
          %parallel_loop3A_471 = arith.constant 0 : index
          %parallel_loop3A_472 = tpu.vector_load %arg9[%parallel_loop3A_469, %parallel_loop3A_470, %parallel_loop3A_471] {strides = array<i32>} : memref<3x160x128xf32, #tpu.memory_space<vmem>>, vector<16xf32>,
          %parallel_loop3A_473 = arith.mulf %parallel_loop3A_408, %parallel_loop3A_472 : vector<16xf32>
          %parallel_loop3A_474 = arith.constant 10 : i32
          %parallel_loop3A_475 = arith.muli %parallel_loop3A_392, %parallel_loop3A_474 : i32
          %parallel_loop3A_476 = arith.constant 5 : i32
          %parallel_loop3A_477 = arith.addi %parallel_loop3A_475, %parallel_loop3A_476 : i32
          %parallel_loop3A_478 = arith.constant 2 : i32
          %parallel_loop3A_479 = arith.index_cast %parallel_loop3A_478 : i32 to index
          %parallel_loop3A_480 = arith.index_cast %parallel_loop3A_477 : i32 to index
          %parallel_loop3A_481 = arith.constant 0 : index
          %parallel_loop3A_482 = tpu.vector_load %arg9[%parallel_loop3A_479, %parallel_loop3A_480, %parallel_loop3A_481] {strides = array<i32>} : memref<3x160x128xf32, #tpu.memory_space<vmem>>, vector<16xf32>,
          %parallel_loop3A_483 = arith.mulf %parallel_loop3A_411, %parallel_loop3A_482 : vector<16xf32>
          %parallel_loop3A_484 = arith.constant 10 : i32
          %parallel_loop3A_485 = arith.muli %parallel_loop3A_392, %parallel_loop3A_484 : i32
          %parallel_loop3A_486 = arith.constant 6 : i32
          %parallel_loop3A_487 = arith.addi %parallel_loop3A_485, %parallel_loop3A_486 : i32
          %parallel_loop3A_488 = arith.constant 2 : i32
          %parallel_loop3A_489 = arith.index_cast %parallel_loop3A_488 : i32 to index
          %parallel_loop3A_490 = arith.index_cast %parallel_loop3A_487 : i32 to index
          %parallel_loop3A_491 = arith.constant 0 : index
          %parallel_loop3A_492 = tpu.vector_load %arg9[%parallel_loop3A_489, %parallel_loop3A_490, %parallel_loop3A_491] {strides = array<i32>} : memref<3x160x128xf32, #tpu.memory_space<vmem>>, vector<16xf32>,
          %parallel_loop3A_493 = arith.mulf %parallel_loop3A_414, %parallel_loop3A_492 : vector<16xf32>
          %parallel_loop3A_494 = arith.constant 10 : i32
          %parallel_loop3A_495 = arith.muli %parallel_loop3A_392, %parallel_loop3A_494 : i32
          %parallel_loop3A_496 = arith.constant 7 : i32
          %parallel_loop3A_497 = arith.addi %parallel_loop3A_495, %parallel_loop3A_496 : i32
          %parallel_loop3A_498 = arith.constant 2 : i32
          %parallel_loop3A_499 = arith.index_cast %parallel_loop3A_498 : i32 to index
          %parallel_loop3A_500 = arith.index_cast %parallel_loop3A_497 : i32 to index
          %parallel_loop3A_501 = arith.constant 0 : index
          %parallel_loop3A_502 = tpu.vector_load %arg9[%parallel_loop3A_499, %parallel_loop3A_500, %parallel_loop3A_501] {strides = array<i32>} : memref<3x160x128xf32, #tpu.memory_space<vmem>>, vector<16xf32>,
          %parallel_loop3A_503 = arith.mulf %parallel_loop3A_417, %parallel_loop3A_502 : vector<16xf32>
          %parallel_loop3A_504 = arith.constant 10 : i32
          %parallel_loop3A_505 = arith.muli %parallel_loop3A_392, %parallel_loop3A_504 : i32
          %parallel_loop3A_506 = arith.constant 8 : i32
          %parallel_loop3A_507 = arith.addi %parallel_loop3A_505, %parallel_loop3A_506 : i32
          %parallel_loop3A_508 = arith.constant 2 : i32
          %parallel_loop3A_509 = arith.index_cast %parallel_loop3A_508 : i32 to index
          %parallel_loop3A_510 = arith.index_cast %parallel_loop3A_507 : i32 to index
          %parallel_loop3A_511 = arith.constant 0 : index
          %parallel_loop3A_512 = tpu.vector_load %arg9[%parallel_loop3A_509, %parallel_loop3A_510, %parallel_loop3A_511] {strides = array<i32>} : memref<3x160x128xf32, #tpu.memory_space<vmem>>, vector<16xf32>,
          %parallel_loop3A_513 = arith.mulf %parallel_loop3A_420, %parallel_loop3A_512 : vector<16xf32>
          %parallel_loop3A_514 = arith.constant 10 : i32
          %parallel_loop3A_515 = arith.muli %parallel_loop3A_392, %parallel_loop3A_514 : i32
          %parallel_loop3A_516 = arith.constant 9 : i32
          %parallel_loop3A_517 = arith.addi %parallel_loop3A_515, %parallel_loop3A_516 : i32
          %parallel_loop3A_518 = arith.constant 2 : i32
          %parallel_loop3A_519 = arith.index_cast %parallel_loop3A_518 : i32 to index
          %parallel_loop3A_520 = arith.index_cast %parallel_loop3A_517 : i32 to index
          %parallel_loop3A_521 = arith.constant 0 : index
          %parallel_loop3A_522 = tpu.vector_load %arg9[%parallel_loop3A_519, %parallel_loop3A_520, %parallel_loop3A_521] {strides = array<i32>} : memref<3x160x128xf32, #tpu.memory_space<vmem>>, vector<16xf32>,
          %parallel_loop3A_523 = arith.mulf %parallel_loop3A_423, %parallel_loop3A_522 : vector<16xf32>
          %parallel_loop3A_524 = arith.addf %parallel_loop3A_433, %parallel_loop3A_443 : vector<16xf32>
          %parallel_loop3A_525 = arith.addf %parallel_loop3A_453, %parallel_loop3A_463 : vector<16xf32>
          %parallel_loop3A_526 = arith.addf %parallel_loop3A_473, %parallel_loop3A_483 : vector<16xf32>
          %parallel_loop3A_527 = arith.addf %parallel_loop3A_493, %parallel_loop3A_503 : vector<16xf32>
          %parallel_loop3A_528 = arith.addf %parallel_loop3A_513, %parallel_loop3A_523 : vector<16xf32>
          %parallel_loop3A_529 = arith.addf %parallel_loop3A_524, %parallel_loop3A_525 : vector<16xf32>
          %parallel_loop3A_530 = arith.addf %parallel_loop3A_526, %parallel_loop3A_527 : vector<16xf32>
          %parallel_loop3A_531 = arith.addf %parallel_loop3A_529, %parallel_loop3A_530 : vector<16xf32>
          %parallel_loop3A_532 = arith.addf %parallel_loop3A_531, %parallel_loop3A_528 : vector<16xf32>
          %parallel_loop3A_533 = arith.constant 0.000000e+00 : f32
          %parallel_loop3A_534 = vector.broadcast %parallel_loop3A_533 : f32 to vector<16xf32>
          %parallel_loop3A_535 = arith.maximumf %parallel_loop3A_532, %parallel_loop3A_534 : vector<16xf32>
          %parallel_loop3A_536 = arith.index_cast %parallel_loop3A_392 : i32 to index
          %parallel_loop3A_537 = arith.constant 0 : index
          %parallel_loop3A_538 = tpu.vector_load %arg11[%parallel_loop3A_536, %parallel_loop3A_537] {strides = array<i32>} : memref<16x128xf32, #tpu.memory_space<vmem>>, vector<16xf32>,
          tpu.vector_store %arg11[%parallel_loop3A_536, %parallel_loop3A_537], %parallel_loop3A_535 {strides = array<i32>} : memref<16x128xf32, #tpu.memory_space<vmem>>, vector<16xf32>,
          %parallel_loop3A_539 = arith.constant 10 : i32
          %parallel_loop3A_540 = arith.muli %parallel_loop3A_392, %parallel_loop3A_539 : i32
          %parallel_loop3A_541 = arith.constant 0 : i32
          %parallel_loop3A_542 = arith.addi %parallel_loop3A_540, %parallel_loop3A_541 : i32
          %parallel_loop3A_543 = arith.constant 2 : i32
          %parallel_loop3A_544 = arith.index_cast %parallel_loop3A_543 : i32 to index
          %parallel_loop3A_545 = arith.index_cast %parallel_loop3A_542 : i32 to index
          %parallel_loop3A_546 = arith.constant 16 : index
          %parallel_loop3A_547 = tpu.vector_load %arg9[%parallel_loop3A_544, %parallel_loop3A_545, %parallel_loop3A_546] {strides = array<i32>} : memref<3x160x128xf32, #tpu.memory_space<vmem>>, vector<16xf32>,
          %parallel_loop3A_548 = arith.mulf %parallel_loop3A_396, %parallel_loop3A_547 : vector<16xf32>
          %parallel_loop3A_549 = arith.constant 10 : i32
          %parallel_loop3A_550 = arith.muli %parallel_loop3A_392, %parallel_loop3A_549 : i32
          %parallel_loop3A_551 = arith.constant 1 : i32
          %parallel_loop3A_552 = arith.addi %parallel_loop3A_550, %parallel_loop3A_551 : i32
          %parallel_loop3A_553 = arith.constant 2 : i32
          %parallel_loop3A_554 = arith.index_cast %parallel_loop3A_553 : i32 to index
          %parallel_loop3A_555 = arith.index_cast %parallel_loop3A_552 : i32 to index
          %parallel_loop3A_556 = arith.constant 16 : index
          %parallel_loop3A_557 = tpu.vector_load %arg9[%parallel_loop3A_554, %parallel_loop3A_555, %parallel_loop3A_556] {strides = array<i32>} : memref<3x160x128xf32, #tpu.memory_space<vmem>>, vector<16xf32>,
          %parallel_loop3A_558 = arith.mulf %parallel_loop3A_399, %parallel_loop3A_557 : vector<16xf32>
          %parallel_loop3A_559 = arith.constant 10 : i32
          %parallel_loop3A_560 = arith.muli %parallel_loop3A_392, %parallel_loop3A_559 : i32
          %parallel_loop3A_561 = arith.constant 2 : i32
          %parallel_loop3A_562 = arith.addi %parallel_loop3A_560, %parallel_loop3A_561 : i32
          %parallel_loop3A_563 = arith.constant 2 : i32
          %parallel_loop3A_564 = arith.index_cast %parallel_loop3A_563 : i32 to index
          %parallel_loop3A_565 = arith.index_cast %parallel_loop3A_562 : i32 to index
          %parallel_loop3A_566 = arith.constant 16 : index
          %parallel_loop3A_567 = tpu.vector_load %arg9[%parallel_loop3A_564, %parallel_loop3A_565, %parallel_loop3A_566] {strides = array<i32>} : memref<3x160x128xf32, #tpu.memory_space<vmem>>, vector<16xf32>,
          %parallel_loop3A_568 = arith.mulf %parallel_loop3A_402, %parallel_loop3A_567 : vector<16xf32>
          %parallel_loop3A_569 = arith.constant 10 : i32
          %parallel_loop3A_570 = arith.muli %parallel_loop3A_392, %parallel_loop3A_569 : i32
          %parallel_loop3A_571 = arith.constant 3 : i32
          %parallel_loop3A_572 = arith.addi %parallel_loop3A_570, %parallel_loop3A_571 : i32
          %parallel_loop3A_573 = arith.constant 2 : i32
          %parallel_loop3A_574 = arith.index_cast %parallel_loop3A_573 : i32 to index
          %parallel_loop3A_575 = arith.index_cast %parallel_loop3A_572 : i32 to index
          %parallel_loop3A_576 = arith.constant 16 : index
          %parallel_loop3A_577 = tpu.vector_load %arg9[%parallel_loop3A_574, %parallel_loop3A_575, %parallel_loop3A_576] {strides = array<i32>} : memref<3x160x128xf32, #tpu.memory_space<vmem>>, vector<16xf32>,
          %parallel_loop3A_578 = arith.mulf %parallel_loop3A_405, %parallel_loop3A_577 : vector<16xf32>
          %parallel_loop3A_579 = arith.constant 10 : i32
          %parallel_loop3A_580 = arith.muli %parallel_loop3A_392, %parallel_loop3A_579 : i32
          %parallel_loop3A_581 = arith.constant 4 : i32
          %parallel_loop3A_582 = arith.addi %parallel_loop3A_580, %parallel_loop3A_581 : i32
          %parallel_loop3A_583 = arith.constant 2 : i32
          %parallel_loop3A_584 = arith.index_cast %parallel_loop3A_583 : i32 to index
          %parallel_loop3A_585 = arith.index_cast %parallel_loop3A_582 : i32 to index
          %parallel_loop3A_586 = arith.constant 16 : index
          %parallel_loop3A_587 = tpu.vector_load %arg9[%parallel_loop3A_584, %parallel_loop3A_585, %parallel_loop3A_586] {strides = array<i32>} : memref<3x160x128xf32, #tpu.memory_space<vmem>>, vector<16xf32>,
          %parallel_loop3A_588 = arith.mulf %parallel_loop3A_408, %parallel_loop3A_587 : vector<16xf32>
          %parallel_loop3A_589 = arith.constant 10 : i32
          %parallel_loop3A_590 = arith.muli %parallel_loop3A_392, %parallel_loop3A_589 : i32
          %parallel_loop3A_591 = arith.constant 5 : i32
          %parallel_loop3A_592 = arith.addi %parallel_loop3A_590, %parallel_loop3A_591 : i32
          %parallel_loop3A_593 = arith.constant 2 : i32
          %parallel_loop3A_594 = arith.index_cast %parallel_loop3A_593 : i32 to index
          %parallel_loop3A_595 = arith.index_cast %parallel_loop3A_592 : i32 to index
          %parallel_loop3A_596 = arith.constant 16 : index
          %parallel_loop3A_597 = tpu.vector_load %arg9[%parallel_loop3A_594, %parallel_loop3A_595, %parallel_loop3A_596] {strides = array<i32>} : memref<3x160x128xf32, #tpu.memory_space<vmem>>, vector<16xf32>,
          %parallel_loop3A_598 = arith.mulf %parallel_loop3A_411, %parallel_loop3A_597 : vector<16xf32>
          %parallel_loop3A_599 = arith.constant 10 : i32
          %parallel_loop3A_600 = arith.muli %parallel_loop3A_392, %parallel_loop3A_599 : i32
          %parallel_loop3A_601 = arith.constant 6 : i32
          %parallel_loop3A_602 = arith.addi %parallel_loop3A_600, %parallel_loop3A_601 : i32
          %parallel_loop3A_603 = arith.constant 2 : i32
          %parallel_loop3A_604 = arith.index_cast %parallel_loop3A_603 : i32 to index
          %parallel_loop3A_605 = arith.index_cast %parallel_loop3A_602 : i32 to index
          %parallel_loop3A_606 = arith.constant 16 : index
          %parallel_loop3A_607 = tpu.vector_load %arg9[%parallel_loop3A_604, %parallel_loop3A_605, %parallel_loop3A_606] {strides = array<i32>} : memref<3x160x128xf32, #tpu.memory_space<vmem>>, vector<16xf32>,
          %parallel_loop3A_608 = arith.mulf %parallel_loop3A_414, %parallel_loop3A_607 : vector<16xf32>
          %parallel_loop3A_609 = arith.constant 10 : i32
          %parallel_loop3A_610 = arith.muli %parallel_loop3A_392, %parallel_loop3A_609 : i32
          %parallel_loop3A_611 = arith.constant 7 : i32
          %parallel_loop3A_612 = arith.addi %parallel_loop3A_610, %parallel_loop3A_611 : i32
          %parallel_loop3A_613 = arith.constant 2 : i32
          %parallel_loop3A_614 = arith.index_cast %parallel_loop3A_613 : i32 to index
          %parallel_loop3A_615 = arith.index_cast %parallel_loop3A_612 : i32 to index
          %parallel_loop3A_616 = arith.constant 16 : index
          %parallel_loop3A_617 = tpu.vector_load %arg9[%parallel_loop3A_614, %parallel_loop3A_615, %parallel_loop3A_616] {strides = array<i32>} : memref<3x160x128xf32, #tpu.memory_space<vmem>>, vector<16xf32>,
          %parallel_loop3A_618 = arith.mulf %parallel_loop3A_417, %parallel_loop3A_617 : vector<16xf32>
          %parallel_loop3A_619 = arith.constant 10 : i32
          %parallel_loop3A_620 = arith.muli %parallel_loop3A_392, %parallel_loop3A_619 : i32
          %parallel_loop3A_621 = arith.constant 8 : i32
          %parallel_loop3A_622 = arith.addi %parallel_loop3A_620, %parallel_loop3A_621 : i32
          %parallel_loop3A_623 = arith.constant 2 : i32
          %parallel_loop3A_624 = arith.index_cast %parallel_loop3A_623 : i32 to index
          %parallel_loop3A_625 = arith.index_cast %parallel_loop3A_622 : i32 to index
          %parallel_loop3A_626 = arith.constant 16 : index
          %parallel_loop3A_627 = tpu.vector_load %arg9[%parallel_loop3A_624, %parallel_loop3A_625, %parallel_loop3A_626] {strides = array<i32>} : memref<3x160x128xf32, #tpu.memory_space<vmem>>, vector<16xf32>,
          %parallel_loop3A_628 = arith.mulf %parallel_loop3A_420, %parallel_loop3A_627 : vector<16xf32>
          %parallel_loop3A_629 = arith.constant 10 : i32
          %parallel_loop3A_630 = arith.muli %parallel_loop3A_392, %parallel_loop3A_629 : i32
          %parallel_loop3A_631 = arith.constant 9 : i32
          %parallel_loop3A_632 = arith.addi %parallel_loop3A_630, %parallel_loop3A_631 : i32
          %parallel_loop3A_633 = arith.constant 2 : i32
          %parallel_loop3A_634 = arith.index_cast %parallel_loop3A_633 : i32 to index
          %parallel_loop3A_635 = arith.index_cast %parallel_loop3A_632 : i32 to index
          %parallel_loop3A_636 = arith.constant 16 : index
          %parallel_loop3A_637 = tpu.vector_load %arg9[%parallel_loop3A_634, %parallel_loop3A_635, %parallel_loop3A_636] {strides = array<i32>} : memref<3x160x128xf32, #tpu.memory_space<vmem>>, vector<16xf32>,
          %parallel_loop3A_638 = arith.mulf %parallel_loop3A_423, %parallel_loop3A_637 : vector<16xf32>
          %parallel_loop3A_639 = arith.addf %parallel_loop3A_548, %parallel_loop3A_558 : vector<16xf32>
          %parallel_loop3A_640 = arith.addf %parallel_loop3A_568, %parallel_loop3A_578 : vector<16xf32>
          %parallel_loop3A_641 = arith.addf %parallel_loop3A_588, %parallel_loop3A_598 : vector<16xf32>
          %parallel_loop3A_642 = arith.addf %parallel_loop3A_608, %parallel_loop3A_618 : vector<16xf32>
          %parallel_loop3A_643 = arith.addf %parallel_loop3A_628, %parallel_loop3A_638 : vector<16xf32>
          %parallel_loop3A_644 = arith.addf %parallel_loop3A_639, %parallel_loop3A_640 : vector<16xf32>
          %parallel_loop3A_645 = arith.addf %parallel_loop3A_641, %parallel_loop3A_642 : vector<16xf32>
          %parallel_loop3A_646 = arith.addf %parallel_loop3A_644, %parallel_loop3A_645 : vector<16xf32>
          %parallel_loop3A_647 = arith.addf %parallel_loop3A_646, %parallel_loop3A_643 : vector<16xf32>
          %parallel_loop3A_648 = arith.constant 0.000000e+00 : f32
          %parallel_loop3A_649 = vector.broadcast %parallel_loop3A_648 : f32 to vector<16xf32>
          %parallel_loop3A_650 = arith.maximumf %parallel_loop3A_647, %parallel_loop3A_649 : vector<16xf32>
          %parallel_loop3A_651 = arith.index_cast %parallel_loop3A_392 : i32 to index
          %parallel_loop3A_652 = arith.constant 16 : index
          %parallel_loop3A_653 = tpu.vector_load %arg11[%parallel_loop3A_651, %parallel_loop3A_652] {strides = array<i32>} : memref<16x128xf32, #tpu.memory_space<vmem>>, vector<16xf32>,
          tpu.vector_store %arg11[%parallel_loop3A_651, %parallel_loop3A_652], %parallel_loop3A_650 {strides = array<i32>} : memref<16x128xf32, #tpu.memory_space<vmem>>, vector<16xf32>,
          %parallel_loop3A_654 = arith.constant 10 : i32
          %parallel_loop3A_655 = arith.muli %parallel_loop3A_392, %parallel_loop3A_654 : i32
          %parallel_loop3A_656 = arith.constant 0 : i32
          %parallel_loop3A_657 = arith.addi %parallel_loop3A_655, %parallel_loop3A_656 : i32
          %parallel_loop3A_658 = arith.constant 2 : i32
          %parallel_loop3A_659 = arith.index_cast %parallel_loop3A_658 : i32 to index
          %parallel_loop3A_660 = arith.index_cast %parallel_loop3A_657 : i32 to index
          %parallel_loop3A_661 = arith.constant 32 : index
          %parallel_loop3A_662 = tpu.vector_load %arg9[%parallel_loop3A_659, %parallel_loop3A_660, %parallel_loop3A_661] {strides = array<i32>} : memref<3x160x128xf32, #tpu.memory_space<vmem>>, vector<16xf32>,
          %parallel_loop3A_663 = arith.mulf %parallel_loop3A_396, %parallel_loop3A_662 : vector<16xf32>
          %parallel_loop3A_664 = arith.constant 10 : i32
          %parallel_loop3A_665 = arith.muli %parallel_loop3A_392, %parallel_loop3A_664 : i32
          %parallel_loop3A_666 = arith.constant 1 : i32
          %parallel_loop3A_667 = arith.addi %parallel_loop3A_665, %parallel_loop3A_666 : i32
          %parallel_loop3A_668 = arith.constant 2 : i32
          %parallel_loop3A_669 = arith.index_cast %parallel_loop3A_668 : i32 to index
          %parallel_loop3A_670 = arith.index_cast %parallel_loop3A_667 : i32 to index
          %parallel_loop3A_671 = arith.constant 32 : index
          %parallel_loop3A_672 = tpu.vector_load %arg9[%parallel_loop3A_669, %parallel_loop3A_670, %parallel_loop3A_671] {strides = array<i32>} : memref<3x160x128xf32, #tpu.memory_space<vmem>>, vector<16xf32>,
          %parallel_loop3A_673 = arith.mulf %parallel_loop3A_399, %parallel_loop3A_672 : vector<16xf32>
          %parallel_loop3A_674 = arith.constant 10 : i32
          %parallel_loop3A_675 = arith.muli %parallel_loop3A_392, %parallel_loop3A_674 : i32
          %parallel_loop3A_676 = arith.constant 2 : i32
          %parallel_loop3A_677 = arith.addi %parallel_loop3A_675, %parallel_loop3A_676 : i32
          %parallel_loop3A_678 = arith.constant 2 : i32
          %parallel_loop3A_679 = arith.index_cast %parallel_loop3A_678 : i32 to index
          %parallel_loop3A_680 = arith.index_cast %parallel_loop3A_677 : i32 to index
          %parallel_loop3A_681 = arith.constant 32 : index
          %parallel_loop3A_682 = tpu.vector_load %arg9[%parallel_loop3A_679, %parallel_loop3A_680, %parallel_loop3A_681] {strides = array<i32>} : memref<3x160x128xf32, #tpu.memory_space<vmem>>, vector<16xf32>,
          %parallel_loop3A_683 = arith.mulf %parallel_loop3A_402, %parallel_loop3A_682 : vector<16xf32>
          %parallel_loop3A_684 = arith.constant 10 : i32
          %parallel_loop3A_685 = arith.muli %parallel_loop3A_392, %parallel_loop3A_684 : i32
          %parallel_loop3A_686 = arith.constant 3 : i32
          %parallel_loop3A_687 = arith.addi %parallel_loop3A_685, %parallel_loop3A_686 : i32
          %parallel_loop3A_688 = arith.constant 2 : i32
          %parallel_loop3A_689 = arith.index_cast %parallel_loop3A_688 : i32 to index
          %parallel_loop3A_690 = arith.index_cast %parallel_loop3A_687 : i32 to index
          %parallel_loop3A_691 = arith.constant 32 : index
          %parallel_loop3A_692 = tpu.vector_load %arg9[%parallel_loop3A_689, %parallel_loop3A_690, %parallel_loop3A_691] {strides = array<i32>} : memref<3x160x128xf32, #tpu.memory_space<vmem>>, vector<16xf32>,
          %parallel_loop3A_693 = arith.mulf %parallel_loop3A_405, %parallel_loop3A_692 : vector<16xf32>
          %parallel_loop3A_694 = arith.constant 10 : i32
          %parallel_loop3A_695 = arith.muli %parallel_loop3A_392, %parallel_loop3A_694 : i32
          %parallel_loop3A_696 = arith.constant 4 : i32
          %parallel_loop3A_697 = arith.addi %parallel_loop3A_695, %parallel_loop3A_696 : i32
          %parallel_loop3A_698 = arith.constant 2 : i32
          %parallel_loop3A_699 = arith.index_cast %parallel_loop3A_698 : i32 to index
          %parallel_loop3A_700 = arith.index_cast %parallel_loop3A_697 : i32 to index
          %parallel_loop3A_701 = arith.constant 32 : index
          %parallel_loop3A_702 = tpu.vector_load %arg9[%parallel_loop3A_699, %parallel_loop3A_700, %parallel_loop3A_701] {strides = array<i32>} : memref<3x160x128xf32, #tpu.memory_space<vmem>>, vector<16xf32>,
          %parallel_loop3A_703 = arith.mulf %parallel_loop3A_408, %parallel_loop3A_702 : vector<16xf32>
          %parallel_loop3A_704 = arith.constant 10 : i32
          %parallel_loop3A_705 = arith.muli %parallel_loop3A_392, %parallel_loop3A_704 : i32
          %parallel_loop3A_706 = arith.constant 5 : i32
          %parallel_loop3A_707 = arith.addi %parallel_loop3A_705, %parallel_loop3A_706 : i32
          %parallel_loop3A_708 = arith.constant 2 : i32
          %parallel_loop3A_709 = arith.index_cast %parallel_loop3A_708 : i32 to index
          %parallel_loop3A_710 = arith.index_cast %parallel_loop3A_707 : i32 to index
          %parallel_loop3A_711 = arith.constant 32 : index
          %parallel_loop3A_712 = tpu.vector_load %arg9[%parallel_loop3A_709, %parallel_loop3A_710, %parallel_loop3A_711] {strides = array<i32>} : memref<3x160x128xf32, #tpu.memory_space<vmem>>, vector<16xf32>,
          %parallel_loop3A_713 = arith.mulf %parallel_loop3A_411, %parallel_loop3A_712 : vector<16xf32>
          %parallel_loop3A_714 = arith.constant 10 : i32
          %parallel_loop3A_715 = arith.muli %parallel_loop3A_392, %parallel_loop3A_714 : i32
          %parallel_loop3A_716 = arith.constant 6 : i32
          %parallel_loop3A_717 = arith.addi %parallel_loop3A_715, %parallel_loop3A_716 : i32
          %parallel_loop3A_718 = arith.constant 2 : i32
          %parallel_loop3A_719 = arith.index_cast %parallel_loop3A_718 : i32 to index
          %parallel_loop3A_720 = arith.index_cast %parallel_loop3A_717 : i32 to index
          %parallel_loop3A_721 = arith.constant 32 : index
          %parallel_loop3A_722 = tpu.vector_load %arg9[%parallel_loop3A_719, %parallel_loop3A_720, %parallel_loop3A_721] {strides = array<i32>} : memref<3x160x128xf32, #tpu.memory_space<vmem>>, vector<16xf32>,
          %parallel_loop3A_723 = arith.mulf %parallel_loop3A_414, %parallel_loop3A_722 : vector<16xf32>
          %parallel_loop3A_724 = arith.constant 10 : i32
          %parallel_loop3A_725 = arith.muli %parallel_loop3A_392, %parallel_loop3A_724 : i32
          %parallel_loop3A_726 = arith.constant 7 : i32
          %parallel_loop3A_727 = arith.addi %parallel_loop3A_725, %parallel_loop3A_726 : i32
          %parallel_loop3A_728 = arith.constant 2 : i32
          %parallel_loop3A_729 = arith.index_cast %parallel_loop3A_728 : i32 to index
          %parallel_loop3A_730 = arith.index_cast %parallel_loop3A_727 : i32 to index
          %parallel_loop3A_731 = arith.constant 32 : index
          %parallel_loop3A_732 = tpu.vector_load %arg9[%parallel_loop3A_729, %parallel_loop3A_730, %parallel_loop3A_731] {strides = array<i32>} : memref<3x160x128xf32, #tpu.memory_space<vmem>>, vector<16xf32>,
          %parallel_loop3A_733 = arith.mulf %parallel_loop3A_417, %parallel_loop3A_732 : vector<16xf32>
          %parallel_loop3A_734 = arith.constant 10 : i32
          %parallel_loop3A_735 = arith.muli %parallel_loop3A_392, %parallel_loop3A_734 : i32
          %parallel_loop3A_736 = arith.constant 8 : i32
          %parallel_loop3A_737 = arith.addi %parallel_loop3A_735, %parallel_loop3A_736 : i32
          %parallel_loop3A_738 = arith.constant 2 : i32
          %parallel_loop3A_739 = arith.index_cast %parallel_loop3A_738 : i32 to index
          %parallel_loop3A_740 = arith.index_cast %parallel_loop3A_737 : i32 to index
          %parallel_loop3A_741 = arith.constant 32 : index
          %parallel_loop3A_742 = tpu.vector_load %arg9[%parallel_loop3A_739, %parallel_loop3A_740, %parallel_loop3A_741] {strides = array<i32>} : memref<3x160x128xf32, #tpu.memory_space<vmem>>, vector<16xf32>,
          %parallel_loop3A_743 = arith.mulf %parallel_loop3A_420, %parallel_loop3A_742 : vector<16xf32>
          %parallel_loop3A_744 = arith.constant 10 : i32
          %parallel_loop3A_745 = arith.muli %parallel_loop3A_392, %parallel_loop3A_744 : i32
          %parallel_loop3A_746 = arith.constant 9 : i32
          %parallel_loop3A_747 = arith.addi %parallel_loop3A_745, %parallel_loop3A_746 : i32
          %parallel_loop3A_748 = arith.constant 2 : i32
          %parallel_loop3A_749 = arith.index_cast %parallel_loop3A_748 : i32 to index
          %parallel_loop3A_750 = arith.index_cast %parallel_loop3A_747 : i32 to index
          %parallel_loop3A_751 = arith.constant 32 : index
          %parallel_loop3A_752 = tpu.vector_load %arg9[%parallel_loop3A_749, %parallel_loop3A_750, %parallel_loop3A_751] {strides = array<i32>} : memref<3x160x128xf32, #tpu.memory_space<vmem>>, vector<16xf32>,
          %parallel_loop3A_753 = arith.mulf %parallel_loop3A_423, %parallel_loop3A_752 : vector<16xf32>
          %parallel_loop3A_754 = arith.addf %parallel_loop3A_663, %parallel_loop3A_673 : vector<16xf32>
          %parallel_loop3A_755 = arith.addf %parallel_loop3A_683, %parallel_loop3A_693 : vector<16xf32>
          %parallel_loop3A_756 = arith.addf %parallel_loop3A_703, %parallel_loop3A_713 : vector<16xf32>
          %parallel_loop3A_757 = arith.addf %parallel_loop3A_723, %parallel_loop3A_733 : vector<16xf32>
          %parallel_loop3A_758 = arith.addf %parallel_loop3A_743, %parallel_loop3A_753 : vector<16xf32>
          %parallel_loop3A_759 = arith.addf %parallel_loop3A_754, %parallel_loop3A_755 : vector<16xf32>
          %parallel_loop3A_760 = arith.addf %parallel_loop3A_756, %parallel_loop3A_757 : vector<16xf32>
          %parallel_loop3A_761 = arith.addf %parallel_loop3A_759, %parallel_loop3A_760 : vector<16xf32>
          %parallel_loop3A_762 = arith.addf %parallel_loop3A_761, %parallel_loop3A_758 : vector<16xf32>
          %parallel_loop3A_763 = arith.constant 0.000000e+00 : f32
          %parallel_loop3A_764 = vector.broadcast %parallel_loop3A_763 : f32 to vector<16xf32>
          %parallel_loop3A_765 = arith.maximumf %parallel_loop3A_762, %parallel_loop3A_764 : vector<16xf32>
          %parallel_loop3A_766 = arith.index_cast %parallel_loop3A_392 : i32 to index
          %parallel_loop3A_767 = arith.constant 32 : index
          %parallel_loop3A_768 = tpu.vector_load %arg11[%parallel_loop3A_766, %parallel_loop3A_767] {strides = array<i32>} : memref<16x128xf32, #tpu.memory_space<vmem>>, vector<16xf32>,
          tpu.vector_store %arg11[%parallel_loop3A_766, %parallel_loop3A_767], %parallel_loop3A_765 {strides = array<i32>} : memref<16x128xf32, #tpu.memory_space<vmem>>, vector<16xf32>,
          %parallel_loop3A_769 = arith.constant 10 : i32
          %parallel_loop3A_770 = arith.muli %parallel_loop3A_392, %parallel_loop3A_769 : i32
          %parallel_loop3A_771 = arith.constant 0 : i32
          %parallel_loop3A_772 = arith.addi %parallel_loop3A_770, %parallel_loop3A_771 : i32
          %parallel_loop3A_773 = arith.constant 2 : i32
          %parallel_loop3A_774 = arith.index_cast %parallel_loop3A_773 : i32 to index
          %parallel_loop3A_775 = arith.index_cast %parallel_loop3A_772 : i32 to index
          %parallel_loop3A_776 = arith.constant 48 : index
          %parallel_loop3A_777 = tpu.vector_load %arg9[%parallel_loop3A_774, %parallel_loop3A_775, %parallel_loop3A_776] {strides = array<i32>} : memref<3x160x128xf32, #tpu.memory_space<vmem>>, vector<16xf32>,
          %parallel_loop3A_778 = arith.mulf %parallel_loop3A_396, %parallel_loop3A_777 : vector<16xf32>
          %parallel_loop3A_779 = arith.constant 10 : i32
          %parallel_loop3A_780 = arith.muli %parallel_loop3A_392, %parallel_loop3A_779 : i32
          %parallel_loop3A_781 = arith.constant 1 : i32
          %parallel_loop3A_782 = arith.addi %parallel_loop3A_780, %parallel_loop3A_781 : i32
          %parallel_loop3A_783 = arith.constant 2 : i32
          %parallel_loop3A_784 = arith.index_cast %parallel_loop3A_783 : i32 to index
          %parallel_loop3A_785 = arith.index_cast %parallel_loop3A_782 : i32 to index
          %parallel_loop3A_786 = arith.constant 48 : index
          %parallel_loop3A_787 = tpu.vector_load %arg9[%parallel_loop3A_784, %parallel_loop3A_785, %parallel_loop3A_786] {strides = array<i32>} : memref<3x160x128xf32, #tpu.memory_space<vmem>>, vector<16xf32>,
          %parallel_loop3A_788 = arith.mulf %parallel_loop3A_399, %parallel_loop3A_787 : vector<16xf32>
          %parallel_loop3A_789 = arith.constant 10 : i32
          %parallel_loop3A_790 = arith.muli %parallel_loop3A_392, %parallel_loop3A_789 : i32
          %parallel_loop3A_791 = arith.constant 2 : i32
          %parallel_loop3A_792 = arith.addi %parallel_loop3A_790, %parallel_loop3A_791 : i32
          %parallel_loop3A_793 = arith.constant 2 : i32
          %parallel_loop3A_794 = arith.index_cast %parallel_loop3A_793 : i32 to index
          %parallel_loop3A_795 = arith.index_cast %parallel_loop3A_792 : i32 to index
          %parallel_loop3A_796 = arith.constant 48 : index
          %parallel_loop3A_797 = tpu.vector_load %arg9[%parallel_loop3A_794, %parallel_loop3A_795, %parallel_loop3A_796] {strides = array<i32>} : memref<3x160x128xf32, #tpu.memory_space<vmem>>, vector<16xf32>,
          %parallel_loop3A_798 = arith.mulf %parallel_loop3A_402, %parallel_loop3A_797 : vector<16xf32>
          %parallel_loop3A_799 = arith.constant 10 : i32
          %parallel_loop3A_800 = arith.muli %parallel_loop3A_392, %parallel_loop3A_799 : i32
          %parallel_loop3A_801 = arith.constant 3 : i32
          %parallel_loop3A_802 = arith.addi %parallel_loop3A_800, %parallel_loop3A_801 : i32
          %parallel_loop3A_803 = arith.constant 2 : i32
          %parallel_loop3A_804 = arith.index_cast %parallel_loop3A_803 : i32 to index
          %parallel_loop3A_805 = arith.index_cast %parallel_loop3A_802 : i32 to index
          %parallel_loop3A_806 = arith.constant 48 : index
          %parallel_loop3A_807 = tpu.vector_load %arg9[%parallel_loop3A_804, %parallel_loop3A_805, %parallel_loop3A_806] {strides = array<i32>} : memref<3x160x128xf32, #tpu.memory_space<vmem>>, vector<16xf32>,
          %parallel_loop3A_808 = arith.mulf %parallel_loop3A_405, %parallel_loop3A_807 : vector<16xf32>
          %parallel_loop3A_809 = arith.constant 10 : i32
          %parallel_loop3A_810 = arith.muli %parallel_loop3A_392, %parallel_loop3A_809 : i32
          %parallel_loop3A_811 = arith.constant 4 : i32
          %parallel_loop3A_812 = arith.addi %parallel_loop3A_810, %parallel_loop3A_811 : i32
          %parallel_loop3A_813 = arith.constant 2 : i32
          %parallel_loop3A_814 = arith.index_cast %parallel_loop3A_813 : i32 to index
          %parallel_loop3A_815 = arith.index_cast %parallel_loop3A_812 : i32 to index
          %parallel_loop3A_816 = arith.constant 48 : index
          %parallel_loop3A_817 = tpu.vector_load %arg9[%parallel_loop3A_814, %parallel_loop3A_815, %parallel_loop3A_816] {strides = array<i32>} : memref<3x160x128xf32, #tpu.memory_space<vmem>>, vector<16xf32>,
          %parallel_loop3A_818 = arith.mulf %parallel_loop3A_408, %parallel_loop3A_817 : vector<16xf32>
          %parallel_loop3A_819 = arith.constant 10 : i32
          %parallel_loop3A_820 = arith.muli %parallel_loop3A_392, %parallel_loop3A_819 : i32
          %parallel_loop3A_821 = arith.constant 5 : i32
          %parallel_loop3A_822 = arith.addi %parallel_loop3A_820, %parallel_loop3A_821 : i32
          %parallel_loop3A_823 = arith.constant 2 : i32
          %parallel_loop3A_824 = arith.index_cast %parallel_loop3A_823 : i32 to index
          %parallel_loop3A_825 = arith.index_cast %parallel_loop3A_822 : i32 to index
          %parallel_loop3A_826 = arith.constant 48 : index
          %parallel_loop3A_827 = tpu.vector_load %arg9[%parallel_loop3A_824, %parallel_loop3A_825, %parallel_loop3A_826] {strides = array<i32>} : memref<3x160x128xf32, #tpu.memory_space<vmem>>, vector<16xf32>,
          %parallel_loop3A_828 = arith.mulf %parallel_loop3A_411, %parallel_loop3A_827 : vector<16xf32>
          %parallel_loop3A_829 = arith.constant 10 : i32
          %parallel_loop3A_830 = arith.muli %parallel_loop3A_392, %parallel_loop3A_829 : i32
          %parallel_loop3A_831 = arith.constant 6 : i32
          %parallel_loop3A_832 = arith.addi %parallel_loop3A_830, %parallel_loop3A_831 : i32
          %parallel_loop3A_833 = arith.constant 2 : i32
          %parallel_loop3A_834 = arith.index_cast %parallel_loop3A_833 : i32 to index
          %parallel_loop3A_835 = arith.index_cast %parallel_loop3A_832 : i32 to index
          %parallel_loop3A_836 = arith.constant 48 : index
          %parallel_loop3A_837 = tpu.vector_load %arg9[%parallel_loop3A_834, %parallel_loop3A_835, %parallel_loop3A_836] {strides = array<i32>} : memref<3x160x128xf32, #tpu.memory_space<vmem>>, vector<16xf32>,
          %parallel_loop3A_838 = arith.mulf %parallel_loop3A_414, %parallel_loop3A_837 : vector<16xf32>
          %parallel_loop3A_839 = arith.constant 10 : i32
          %parallel_loop3A_840 = arith.muli %parallel_loop3A_392, %parallel_loop3A_839 : i32
          %parallel_loop3A_841 = arith.constant 7 : i32
          %parallel_loop3A_842 = arith.addi %parallel_loop3A_840, %parallel_loop3A_841 : i32
          %parallel_loop3A_843 = arith.constant 2 : i32
          %parallel_loop3A_844 = arith.index_cast %parallel_loop3A_843 : i32 to index
          %parallel_loop3A_845 = arith.index_cast %parallel_loop3A_842 : i32 to index
          %parallel_loop3A_846 = arith.constant 48 : index
          %parallel_loop3A_847 = tpu.vector_load %arg9[%parallel_loop3A_844, %parallel_loop3A_845, %parallel_loop3A_846] {strides = array<i32>} : memref<3x160x128xf32, #tpu.memory_space<vmem>>, vector<16xf32>,
          %parallel_loop3A_848 = arith.mulf %parallel_loop3A_417, %parallel_loop3A_847 : vector<16xf32>
          %parallel_loop3A_849 = arith.constant 10 : i32
          %parallel_loop3A_850 = arith.muli %parallel_loop3A_392, %parallel_loop3A_849 : i32
          %parallel_loop3A_851 = arith.constant 8 : i32
          %parallel_loop3A_852 = arith.addi %parallel_loop3A_850, %parallel_loop3A_851 : i32
          %parallel_loop3A_853 = arith.constant 2 : i32
          %parallel_loop3A_854 = arith.index_cast %parallel_loop3A_853 : i32 to index
          %parallel_loop3A_855 = arith.index_cast %parallel_loop3A_852 : i32 to index
          %parallel_loop3A_856 = arith.constant 48 : index
          %parallel_loop3A_857 = tpu.vector_load %arg9[%parallel_loop3A_854, %parallel_loop3A_855, %parallel_loop3A_856] {strides = array<i32>} : memref<3x160x128xf32, #tpu.memory_space<vmem>>, vector<16xf32>,
          %parallel_loop3A_858 = arith.mulf %parallel_loop3A_420, %parallel_loop3A_857 : vector<16xf32>
          %parallel_loop3A_859 = arith.constant 10 : i32
          %parallel_loop3A_860 = arith.muli %parallel_loop3A_392, %parallel_loop3A_859 : i32
          %parallel_loop3A_861 = arith.constant 9 : i32
          %parallel_loop3A_862 = arith.addi %parallel_loop3A_860, %parallel_loop3A_861 : i32
          %parallel_loop3A_863 = arith.constant 2 : i32
          %parallel_loop3A_864 = arith.index_cast %parallel_loop3A_863 : i32 to index
          %parallel_loop3A_865 = arith.index_cast %parallel_loop3A_862 : i32 to index
          %parallel_loop3A_866 = arith.constant 48 : index
          %parallel_loop3A_867 = tpu.vector_load %arg9[%parallel_loop3A_864, %parallel_loop3A_865, %parallel_loop3A_866] {strides = array<i32>} : memref<3x160x128xf32, #tpu.memory_space<vmem>>, vector<16xf32>,
          %parallel_loop3A_868 = arith.mulf %parallel_loop3A_423, %parallel_loop3A_867 : vector<16xf32>
          %parallel_loop3A_869 = arith.addf %parallel_loop3A_778, %parallel_loop3A_788 : vector<16xf32>
          %parallel_loop3A_870 = arith.addf %parallel_loop3A_798, %parallel_loop3A_808 : vector<16xf32>
          %parallel_loop3A_871 = arith.addf %parallel_loop3A_818, %parallel_loop3A_828 : vector<16xf32>
          %parallel_loop3A_872 = arith.addf %parallel_loop3A_838, %parallel_loop3A_848 : vector<16xf32>
          %parallel_loop3A_873 = arith.addf %parallel_loop3A_858, %parallel_loop3A_868 : vector<16xf32>
          %parallel_loop3A_874 = arith.addf %parallel_loop3A_869, %parallel_loop3A_870 : vector<16xf32>
          %parallel_loop3A_875 = arith.addf %parallel_loop3A_871, %parallel_loop3A_872 : vector<16xf32>
          %parallel_loop3A_876 = arith.addf %parallel_loop3A_874, %parallel_loop3A_875 : vector<16xf32>
          %parallel_loop3A_877 = arith.addf %parallel_loop3A_876, %parallel_loop3A_873 : vector<16xf32>
          %parallel_loop3A_878 = arith.constant 0.000000e+00 : f32
          %parallel_loop3A_879 = vector.broadcast %parallel_loop3A_878 : f32 to vector<16xf32>
          %parallel_loop3A_880 = arith.maximumf %parallel_loop3A_877, %parallel_loop3A_879 : vector<16xf32>
          %parallel_loop3A_881 = arith.index_cast %parallel_loop3A_392 : i32 to index
          %parallel_loop3A_882 = arith.constant 48 : index
          %parallel_loop3A_883 = tpu.vector_load %arg11[%parallel_loop3A_881, %parallel_loop3A_882] {strides = array<i32>} : memref<16x128xf32, #tpu.memory_space<vmem>>, vector<16xf32>,
          tpu.vector_store %arg11[%parallel_loop3A_881, %parallel_loop3A_882], %parallel_loop3A_880 {strides = array<i32>} : memref<16x128xf32, #tpu.memory_space<vmem>>, vector<16xf32>,
          %parallel_loop3A_884 = arith.constant 10 : i32
          %parallel_loop3A_885 = arith.muli %parallel_loop3A_392, %parallel_loop3A_884 : i32
          %parallel_loop3A_886 = arith.constant 0 : i32
          %parallel_loop3A_887 = arith.addi %parallel_loop3A_885, %parallel_loop3A_886 : i32
          %parallel_loop3A_888 = arith.constant 2 : i32
          %parallel_loop3A_889 = arith.index_cast %parallel_loop3A_888 : i32 to index
          %parallel_loop3A_890 = arith.index_cast %parallel_loop3A_887 : i32 to index
          %parallel_loop3A_891 = arith.constant 64 : index
          %parallel_loop3A_892 = tpu.vector_load %arg9[%parallel_loop3A_889, %parallel_loop3A_890, %parallel_loop3A_891] {strides = array<i32>} : memref<3x160x128xf32, #tpu.memory_space<vmem>>, vector<16xf32>,
          %parallel_loop3A_893 = arith.mulf %parallel_loop3A_396, %parallel_loop3A_892 : vector<16xf32>
          %parallel_loop3A_894 = arith.constant 10 : i32
          %parallel_loop3A_895 = arith.muli %parallel_loop3A_392, %parallel_loop3A_894 : i32
          %parallel_loop3A_896 = arith.constant 1 : i32
          %parallel_loop3A_897 = arith.addi %parallel_loop3A_895, %parallel_loop3A_896 : i32
          %parallel_loop3A_898 = arith.constant 2 : i32
          %parallel_loop3A_899 = arith.index_cast %parallel_loop3A_898 : i32 to index
          %parallel_loop3A_900 = arith.index_cast %parallel_loop3A_897 : i32 to index
          %parallel_loop3A_901 = arith.constant 64 : index
          %parallel_loop3A_902 = tpu.vector_load %arg9[%parallel_loop3A_899, %parallel_loop3A_900, %parallel_loop3A_901] {strides = array<i32>} : memref<3x160x128xf32, #tpu.memory_space<vmem>>, vector<16xf32>,
          %parallel_loop3A_903 = arith.mulf %parallel_loop3A_399, %parallel_loop3A_902 : vector<16xf32>
          %parallel_loop3A_904 = arith.constant 10 : i32
          %parallel_loop3A_905 = arith.muli %parallel_loop3A_392, %parallel_loop3A_904 : i32
          %parallel_loop3A_906 = arith.constant 2 : i32
          %parallel_loop3A_907 = arith.addi %parallel_loop3A_905, %parallel_loop3A_906 : i32
          %parallel_loop3A_908 = arith.constant 2 : i32
          %parallel_loop3A_909 = arith.index_cast %parallel_loop3A_908 : i32 to index
          %parallel_loop3A_910 = arith.index_cast %parallel_loop3A_907 : i32 to index
          %parallel_loop3A_911 = arith.constant 64 : index
          %parallel_loop3A_912 = tpu.vector_load %arg9[%parallel_loop3A_909, %parallel_loop3A_910, %parallel_loop3A_911] {strides = array<i32>} : memref<3x160x128xf32, #tpu.memory_space<vmem>>, vector<16xf32>,
          %parallel_loop3A_913 = arith.mulf %parallel_loop3A_402, %parallel_loop3A_912 : vector<16xf32>
          %parallel_loop3A_914 = arith.constant 10 : i32
          %parallel_loop3A_915 = arith.muli %parallel_loop3A_392, %parallel_loop3A_914 : i32
          %parallel_loop3A_916 = arith.constant 3 : i32
          %parallel_loop3A_917 = arith.addi %parallel_loop3A_915, %parallel_loop3A_916 : i32
          %parallel_loop3A_918 = arith.constant 2 : i32
          %parallel_loop3A_919 = arith.index_cast %parallel_loop3A_918 : i32 to index
          %parallel_loop3A_920 = arith.index_cast %parallel_loop3A_917 : i32 to index
          %parallel_loop3A_921 = arith.constant 64 : index
          %parallel_loop3A_922 = tpu.vector_load %arg9[%parallel_loop3A_919, %parallel_loop3A_920, %parallel_loop3A_921] {strides = array<i32>} : memref<3x160x128xf32, #tpu.memory_space<vmem>>, vector<16xf32>,
          %parallel_loop3A_923 = arith.mulf %parallel_loop3A_405, %parallel_loop3A_922 : vector<16xf32>
          %parallel_loop3A_924 = arith.constant 10 : i32
          %parallel_loop3A_925 = arith.muli %parallel_loop3A_392, %parallel_loop3A_924 : i32
          %parallel_loop3A_926 = arith.constant 4 : i32
          %parallel_loop3A_927 = arith.addi %parallel_loop3A_925, %parallel_loop3A_926 : i32
          %parallel_loop3A_928 = arith.constant 2 : i32
          %parallel_loop3A_929 = arith.index_cast %parallel_loop3A_928 : i32 to index
          %parallel_loop3A_930 = arith.index_cast %parallel_loop3A_927 : i32 to index
          %parallel_loop3A_931 = arith.constant 64 : index
          %parallel_loop3A_932 = tpu.vector_load %arg9[%parallel_loop3A_929, %parallel_loop3A_930, %parallel_loop3A_931] {strides = array<i32>} : memref<3x160x128xf32, #tpu.memory_space<vmem>>, vector<16xf32>,
          %parallel_loop3A_933 = arith.mulf %parallel_loop3A_408, %parallel_loop3A_932 : vector<16xf32>
          %parallel_loop3A_934 = arith.constant 10 : i32
          %parallel_loop3A_935 = arith.muli %parallel_loop3A_392, %parallel_loop3A_934 : i32
          %parallel_loop3A_936 = arith.constant 5 : i32
          %parallel_loop3A_937 = arith.addi %parallel_loop3A_935, %parallel_loop3A_936 : i32
          %parallel_loop3A_938 = arith.constant 2 : i32
          %parallel_loop3A_939 = arith.index_cast %parallel_loop3A_938 : i32 to index
          %parallel_loop3A_940 = arith.index_cast %parallel_loop3A_937 : i32 to index
          %parallel_loop3A_941 = arith.constant 64 : index
          %parallel_loop3A_942 = tpu.vector_load %arg9[%parallel_loop3A_939, %parallel_loop3A_940, %parallel_loop3A_941] {strides = array<i32>} : memref<3x160x128xf32, #tpu.memory_space<vmem>>, vector<16xf32>,
          %parallel_loop3A_943 = arith.mulf %parallel_loop3A_411, %parallel_loop3A_942 : vector<16xf32>
          %parallel_loop3A_944 = arith.constant 10 : i32
          %parallel_loop3A_945 = arith.muli %parallel_loop3A_392, %parallel_loop3A_944 : i32
          %parallel_loop3A_946 = arith.constant 6 : i32
          %parallel_loop3A_947 = arith.addi %parallel_loop3A_945, %parallel_loop3A_946 : i32
          %parallel_loop3A_948 = arith.constant 2 : i32
          %parallel_loop3A_949 = arith.index_cast %parallel_loop3A_948 : i32 to index
          %parallel_loop3A_950 = arith.index_cast %parallel_loop3A_947 : i32 to index
          %parallel_loop3A_951 = arith.constant 64 : index
          %parallel_loop3A_952 = tpu.vector_load %arg9[%parallel_loop3A_949, %parallel_loop3A_950, %parallel_loop3A_951] {strides = array<i32>} : memref<3x160x128xf32, #tpu.memory_space<vmem>>, vector<16xf32>,
          %parallel_loop3A_953 = arith.mulf %parallel_loop3A_414, %parallel_loop3A_952 : vector<16xf32>
          %parallel_loop3A_954 = arith.constant 10 : i32
          %parallel_loop3A_955 = arith.muli %parallel_loop3A_392, %parallel_loop3A_954 : i32
          %parallel_loop3A_956 = arith.constant 7 : i32
          %parallel_loop3A_957 = arith.addi %parallel_loop3A_955, %parallel_loop3A_956 : i32
          %parallel_loop3A_958 = arith.constant 2 : i32
          %parallel_loop3A_959 = arith.index_cast %parallel_loop3A_958 : i32 to index
          %parallel_loop3A_960 = arith.index_cast %parallel_loop3A_957 : i32 to index
          %parallel_loop3A_961 = arith.constant 64 : index
          %parallel_loop3A_962 = tpu.vector_load %arg9[%parallel_loop3A_959, %parallel_loop3A_960, %parallel_loop3A_961] {strides = array<i32>} : memref<3x160x128xf32, #tpu.memory_space<vmem>>, vector<16xf32>,
          %parallel_loop3A_963 = arith.mulf %parallel_loop3A_417, %parallel_loop3A_962 : vector<16xf32>
          %parallel_loop3A_964 = arith.constant 10 : i32
          %parallel_loop3A_965 = arith.muli %parallel_loop3A_392, %parallel_loop3A_964 : i32
          %parallel_loop3A_966 = arith.constant 8 : i32
          %parallel_loop3A_967 = arith.addi %parallel_loop3A_965, %parallel_loop3A_966 : i32
          %parallel_loop3A_968 = arith.constant 2 : i32
          %parallel_loop3A_969 = arith.index_cast %parallel_loop3A_968 : i32 to index
          %parallel_loop3A_970 = arith.index_cast %parallel_loop3A_967 : i32 to index
          %parallel_loop3A_971 = arith.constant 64 : index
          %parallel_loop3A_972 = tpu.vector_load %arg9[%parallel_loop3A_969, %parallel_loop3A_970, %parallel_loop3A_971] {strides = array<i32>} : memref<3x160x128xf32, #tpu.memory_space<vmem>>, vector<16xf32>,
          %parallel_loop3A_973 = arith.mulf %parallel_loop3A_420, %parallel_loop3A_972 : vector<16xf32>
          %parallel_loop3A_974 = arith.constant 10 : i32
          %parallel_loop3A_975 = arith.muli %parallel_loop3A_392, %parallel_loop3A_974 : i32
          %parallel_loop3A_976 = arith.constant 9 : i32
          %parallel_loop3A_977 = arith.addi %parallel_loop3A_975, %parallel_loop3A_976 : i32
          %parallel_loop3A_978 = arith.constant 2 : i32
          %parallel_loop3A_979 = arith.index_cast %parallel_loop3A_978 : i32 to index
          %parallel_loop3A_980 = arith.index_cast %parallel_loop3A_977 : i32 to index
          %parallel_loop3A_981 = arith.constant 64 : index
          %parallel_loop3A_982 = tpu.vector_load %arg9[%parallel_loop3A_979, %parallel_loop3A_980, %parallel_loop3A_981] {strides = array<i32>} : memref<3x160x128xf32, #tpu.memory_space<vmem>>, vector<16xf32>,
          %parallel_loop3A_983 = arith.mulf %parallel_loop3A_423, %parallel_loop3A_982 : vector<16xf32>
          %parallel_loop3A_984 = arith.addf %parallel_loop3A_893, %parallel_loop3A_903 : vector<16xf32>
          %parallel_loop3A_985 = arith.addf %parallel_loop3A_913, %parallel_loop3A_923 : vector<16xf32>
          %parallel_loop3A_986 = arith.addf %parallel_loop3A_933, %parallel_loop3A_943 : vector<16xf32>
          %parallel_loop3A_987 = arith.addf %parallel_loop3A_953, %parallel_loop3A_963 : vector<16xf32>
          %parallel_loop3A_988 = arith.addf %parallel_loop3A_973, %parallel_loop3A_983 : vector<16xf32>
          %parallel_loop3A_989 = arith.addf %parallel_loop3A_984, %parallel_loop3A_985 : vector<16xf32>
          %parallel_loop3A_990 = arith.addf %parallel_loop3A_986, %parallel_loop3A_987 : vector<16xf32>
          %parallel_loop3A_991 = arith.addf %parallel_loop3A_989, %parallel_loop3A_990 : vector<16xf32>
          %parallel_loop3A_992 = arith.addf %parallel_loop3A_991, %parallel_loop3A_988 : vector<16xf32>
          %parallel_loop3A_993 = arith.constant 0.000000e+00 : f32
          %parallel_loop3A_994 = vector.broadcast %parallel_loop3A_993 : f32 to vector<16xf32>
          %parallel_loop3A_995 = arith.maximumf %parallel_loop3A_992, %parallel_loop3A_994 : vector<16xf32>
          %parallel_loop3A_996 = arith.index_cast %parallel_loop3A_392 : i32 to index
          %parallel_loop3A_997 = arith.constant 64 : index
          %parallel_loop3A_998 = tpu.vector_load %arg11[%parallel_loop3A_996, %parallel_loop3A_997] {strides = array<i32>} : memref<16x128xf32, #tpu.memory_space<vmem>>, vector<16xf32>,
          tpu.vector_store %arg11[%parallel_loop3A_996, %parallel_loop3A_997], %parallel_loop3A_995 {strides = array<i32>} : memref<16x128xf32, #tpu.memory_space<vmem>>, vector<16xf32>,
          %parallel_loop3A_999 = arith.constant 10 : i32
          %parallel_loop3A_1000 = arith.muli %parallel_loop3A_392, %parallel_loop3A_999 : i32
          %parallel_loop3A_1001 = arith.constant 0 : i32
          %parallel_loop3A_1002 = arith.addi %parallel_loop3A_1000, %parallel_loop3A_1001 : i32
          %parallel_loop3A_1003 = arith.constant 2 : i32
          %parallel_loop3A_1004 = arith.index_cast %parallel_loop3A_1003 : i32 to index
          %parallel_loop3A_1005 = arith.index_cast %parallel_loop3A_1002 : i32 to index
          %parallel_loop3A_1006 = arith.constant 80 : index
          %parallel_loop3A_1007 = tpu.vector_load %arg9[%parallel_loop3A_1004, %parallel_loop3A_1005, %parallel_loop3A_1006] {strides = array<i32>} : memref<3x160x128xf32, #tpu.memory_space<vmem>>, vector<16xf32>,
          %parallel_loop3A_1008 = arith.mulf %parallel_loop3A_396, %parallel_loop3A_1007 : vector<16xf32>
          %parallel_loop3A_1009 = arith.constant 10 : i32
          %parallel_loop3A_1010 = arith.muli %parallel_loop3A_392, %parallel_loop3A_1009 : i32
          %parallel_loop3A_1011 = arith.constant 1 : i32
          %parallel_loop3A_1012 = arith.addi %parallel_loop3A_1010, %parallel_loop3A_1011 : i32
          %parallel_loop3A_1013 = arith.constant 2 : i32
          %parallel_loop3A_1014 = arith.index_cast %parallel_loop3A_1013 : i32 to index
          %parallel_loop3A_1015 = arith.index_cast %parallel_loop3A_1012 : i32 to index
          %parallel_loop3A_1016 = arith.constant 80 : index
          %parallel_loop3A_1017 = tpu.vector_load %arg9[%parallel_loop3A_1014, %parallel_loop3A_1015, %parallel_loop3A_1016] {strides = array<i32>} : memref<3x160x128xf32, #tpu.memory_space<vmem>>, vector<16xf32>,
          %parallel_loop3A_1018 = arith.mulf %parallel_loop3A_399, %parallel_loop3A_1017 : vector<16xf32>
          %parallel_loop3A_1019 = arith.constant 10 : i32
          %parallel_loop3A_1020 = arith.muli %parallel_loop3A_392, %parallel_loop3A_1019 : i32
          %parallel_loop3A_1021 = arith.constant 2 : i32
          %parallel_loop3A_1022 = arith.addi %parallel_loop3A_1020, %parallel_loop3A_1021 : i32
          %parallel_loop3A_1023 = arith.constant 2 : i32
          %parallel_loop3A_1024 = arith.index_cast %parallel_loop3A_1023 : i32 to index
          %parallel_loop3A_1025 = arith.index_cast %parallel_loop3A_1022 : i32 to index
          %parallel_loop3A_1026 = arith.constant 80 : index
          %parallel_loop3A_1027 = tpu.vector_load %arg9[%parallel_loop3A_1024, %parallel_loop3A_1025, %parallel_loop3A_1026] {strides = array<i32>} : memref<3x160x128xf32, #tpu.memory_space<vmem>>, vector<16xf32>,
          %parallel_loop3A_1028 = arith.mulf %parallel_loop3A_402, %parallel_loop3A_1027 : vector<16xf32>
          %parallel_loop3A_1029 = arith.constant 10 : i32
          %parallel_loop3A_1030 = arith.muli %parallel_loop3A_392, %parallel_loop3A_1029 : i32
          %parallel_loop3A_1031 = arith.constant 3 : i32
          %parallel_loop3A_1032 = arith.addi %parallel_loop3A_1030, %parallel_loop3A_1031 : i32
          %parallel_loop3A_1033 = arith.constant 2 : i32
          %parallel_loop3A_1034 = arith.index_cast %parallel_loop3A_1033 : i32 to index
          %parallel_loop3A_1035 = arith.index_cast %parallel_loop3A_1032 : i32 to index
          %parallel_loop3A_1036 = arith.constant 80 : index
          %parallel_loop3A_1037 = tpu.vector_load %arg9[%parallel_loop3A_1034, %parallel_loop3A_1035, %parallel_loop3A_1036] {strides = array<i32>} : memref<3x160x128xf32, #tpu.memory_space<vmem>>, vector<16xf32>,
          %parallel_loop3A_1038 = arith.mulf %parallel_loop3A_405, %parallel_loop3A_1037 : vector<16xf32>
          %parallel_loop3A_1039 = arith.constant 10 : i32
          %parallel_loop3A_1040 = arith.muli %parallel_loop3A_392, %parallel_loop3A_1039 : i32
          %parallel_loop3A_1041 = arith.constant 4 : i32
          %parallel_loop3A_1042 = arith.addi %parallel_loop3A_1040, %parallel_loop3A_1041 : i32
          %parallel_loop3A_1043 = arith.constant 2 : i32
          %parallel_loop3A_1044 = arith.index_cast %parallel_loop3A_1043 : i32 to index
          %parallel_loop3A_1045 = arith.index_cast %parallel_loop3A_1042 : i32 to index
          %parallel_loop3A_1046 = arith.constant 80 : index
          %parallel_loop3A_1047 = tpu.vector_load %arg9[%parallel_loop3A_1044, %parallel_loop3A_1045, %parallel_loop3A_1046] {strides = array<i32>} : memref<3x160x128xf32, #tpu.memory_space<vmem>>, vector<16xf32>,
          %parallel_loop3A_1048 = arith.mulf %parallel_loop3A_408, %parallel_loop3A_1047 : vector<16xf32>
          %parallel_loop3A_1049 = arith.constant 10 : i32
          %parallel_loop3A_1050 = arith.muli %parallel_loop3A_392, %parallel_loop3A_1049 : i32
          %parallel_loop3A_1051 = arith.constant 5 : i32
          %parallel_loop3A_1052 = arith.addi %parallel_loop3A_1050, %parallel_loop3A_1051 : i32
          %parallel_loop3A_1053 = arith.constant 2 : i32
          %parallel_loop3A_1054 = arith.index_cast %parallel_loop3A_1053 : i32 to index
          %parallel_loop3A_1055 = arith.index_cast %parallel_loop3A_1052 : i32 to index
          %parallel_loop3A_1056 = arith.constant 80 : index
          %parallel_loop3A_1057 = tpu.vector_load %arg9[%parallel_loop3A_1054, %parallel_loop3A_1055, %parallel_loop3A_1056] {strides = array<i32>} : memref<3x160x128xf32, #tpu.memory_space<vmem>>, vector<16xf32>,
          %parallel_loop3A_1058 = arith.mulf %parallel_loop3A_411, %parallel_loop3A_1057 : vector<16xf32>
          %parallel_loop3A_1059 = arith.constant 10 : i32
          %parallel_loop3A_1060 = arith.muli %parallel_loop3A_392, %parallel_loop3A_1059 : i32
          %parallel_loop3A_1061 = arith.constant 6 : i32
          %parallel_loop3A_1062 = arith.addi %parallel_loop3A_1060, %parallel_loop3A_1061 : i32
          %parallel_loop3A_1063 = arith.constant 2 : i32
          %parallel_loop3A_1064 = arith.index_cast %parallel_loop3A_1063 : i32 to index
          %parallel_loop3A_1065 = arith.index_cast %parallel_loop3A_1062 : i32 to index
          %parallel_loop3A_1066 = arith.constant 80 : index
          %parallel_loop3A_1067 = tpu.vector_load %arg9[%parallel_loop3A_1064, %parallel_loop3A_1065, %parallel_loop3A_1066] {strides = array<i32>} : memref<3x160x128xf32, #tpu.memory_space<vmem>>, vector<16xf32>,
          %parallel_loop3A_1068 = arith.mulf %parallel_loop3A_414, %parallel_loop3A_1067 : vector<16xf32>
          %parallel_loop3A_1069 = arith.constant 10 : i32
          %parallel_loop3A_1070 = arith.muli %parallel_loop3A_392, %parallel_loop3A_1069 : i32
          %parallel_loop3A_1071 = arith.constant 7 : i32
          %parallel_loop3A_1072 = arith.addi %parallel_loop3A_1070, %parallel_loop3A_1071 : i32
          %parallel_loop3A_1073 = arith.constant 2 : i32
          %parallel_loop3A_1074 = arith.index_cast %parallel_loop3A_1073 : i32 to index
          %parallel_loop3A_1075 = arith.index_cast %parallel_loop3A_1072 : i32 to index
          %parallel_loop3A_1076 = arith.constant 80 : index
          %parallel_loop3A_1077 = tpu.vector_load %arg9[%parallel_loop3A_1074, %parallel_loop3A_1075, %parallel_loop3A_1076] {strides = array<i32>} : memref<3x160x128xf32, #tpu.memory_space<vmem>>, vector<16xf32>,
          %parallel_loop3A_1078 = arith.mulf %parallel_loop3A_417, %parallel_loop3A_1077 : vector<16xf32>
          %parallel_loop3A_1079 = arith.constant 10 : i32
          %parallel_loop3A_1080 = arith.muli %parallel_loop3A_392, %parallel_loop3A_1079 : i32
          %parallel_loop3A_1081 = arith.constant 8 : i32
          %parallel_loop3A_1082 = arith.addi %parallel_loop3A_1080, %parallel_loop3A_1081 : i32
          %parallel_loop3A_1083 = arith.constant 2 : i32
          %parallel_loop3A_1084 = arith.index_cast %parallel_loop3A_1083 : i32 to index
          %parallel_loop3A_1085 = arith.index_cast %parallel_loop3A_1082 : i32 to index
          %parallel_loop3A_1086 = arith.constant 80 : index
          %parallel_loop3A_1087 = tpu.vector_load %arg9[%parallel_loop3A_1084, %parallel_loop3A_1085, %parallel_loop3A_1086] {strides = array<i32>} : memref<3x160x128xf32, #tpu.memory_space<vmem>>, vector<16xf32>,
          %parallel_loop3A_1088 = arith.mulf %parallel_loop3A_420, %parallel_loop3A_1087 : vector<16xf32>
          %parallel_loop3A_1089 = arith.constant 10 : i32
          %parallel_loop3A_1090 = arith.muli %parallel_loop3A_392, %parallel_loop3A_1089 : i32
          %parallel_loop3A_1091 = arith.constant 9 : i32
          %parallel_loop3A_1092 = arith.addi %parallel_loop3A_1090, %parallel_loop3A_1091 : i32
          %parallel_loop3A_1093 = arith.constant 2 : i32
          %parallel_loop3A_1094 = arith.index_cast %parallel_loop3A_1093 : i32 to index
          %parallel_loop3A_1095 = arith.index_cast %parallel_loop3A_1092 : i32 to index
          %parallel_loop3A_1096 = arith.constant 80 : index
          %parallel_loop3A_1097 = tpu.vector_load %arg9[%parallel_loop3A_1094, %parallel_loop3A_1095, %parallel_loop3A_1096] {strides = array<i32>} : memref<3x160x128xf32, #tpu.memory_space<vmem>>, vector<16xf32>,
          %parallel_loop3A_1098 = arith.mulf %parallel_loop3A_423, %parallel_loop3A_1097 : vector<16xf32>
          %parallel_loop3A_1099 = arith.addf %parallel_loop3A_1008, %parallel_loop3A_1018 : vector<16xf32>
          %parallel_loop3A_1100 = arith.addf %parallel_loop3A_1028, %parallel_loop3A_1038 : vector<16xf32>
          %parallel_loop3A_1101 = arith.addf %parallel_loop3A_1048, %parallel_loop3A_1058 : vector<16xf32>
          %parallel_loop3A_1102 = arith.addf %parallel_loop3A_1068, %parallel_loop3A_1078 : vector<16xf32>
          %parallel_loop3A_1103 = arith.addf %parallel_loop3A_1088, %parallel_loop3A_1098 : vector<16xf32>
          %parallel_loop3A_1104 = arith.addf %parallel_loop3A_1099, %parallel_loop3A_1100 : vector<16xf32>
          %parallel_loop3A_1105 = arith.addf %parallel_loop3A_1101, %parallel_loop3A_1102 : vector<16xf32>
          %parallel_loop3A_1106 = arith.addf %parallel_loop3A_1104, %parallel_loop3A_1105 : vector<16xf32>
          %parallel_loop3A_1107 = arith.addf %parallel_loop3A_1106, %parallel_loop3A_1103 : vector<16xf32>
          %parallel_loop3A_1108 = arith.constant 0.000000e+00 : f32
          %parallel_loop3A_1109 = vector.broadcast %parallel_loop3A_1108 : f32 to vector<16xf32>
          %parallel_loop3A_1110 = arith.maximumf %parallel_loop3A_1107, %parallel_loop3A_1109 : vector<16xf32>
          %parallel_loop3A_1111 = arith.index_cast %parallel_loop3A_392 : i32 to index
          %parallel_loop3A_1112 = arith.constant 80 : index
          %parallel_loop3A_1113 = tpu.vector_load %arg11[%parallel_loop3A_1111, %parallel_loop3A_1112] {strides = array<i32>} : memref<16x128xf32, #tpu.memory_space<vmem>>, vector<16xf32>,
          tpu.vector_store %arg11[%parallel_loop3A_1111, %parallel_loop3A_1112], %parallel_loop3A_1110 {strides = array<i32>} : memref<16x128xf32, #tpu.memory_space<vmem>>, vector<16xf32>,
          %parallel_loop3A_1114 = arith.constant 10 : i32
          %parallel_loop3A_1115 = arith.muli %parallel_loop3A_392, %parallel_loop3A_1114 : i32
          %parallel_loop3A_1116 = arith.constant 0 : i32
          %parallel_loop3A_1117 = arith.addi %parallel_loop3A_1115, %parallel_loop3A_1116 : i32
          %parallel_loop3A_1118 = arith.constant 2 : i32
          %parallel_loop3A_1119 = arith.index_cast %parallel_loop3A_1118 : i32 to index
          %parallel_loop3A_1120 = arith.index_cast %parallel_loop3A_1117 : i32 to index
          %parallel_loop3A_1121 = arith.constant 96 : index
          %parallel_loop3A_1122 = tpu.vector_load %arg9[%parallel_loop3A_1119, %parallel_loop3A_1120, %parallel_loop3A_1121] {strides = array<i32>} : memref<3x160x128xf32, #tpu.memory_space<vmem>>, vector<16xf32>,
          %parallel_loop3A_1123 = arith.mulf %parallel_loop3A_396, %parallel_loop3A_1122 : vector<16xf32>
          %parallel_loop3A_1124 = arith.constant 10 : i32
          %parallel_loop3A_1125 = arith.muli %parallel_loop3A_392, %parallel_loop3A_1124 : i32
          %parallel_loop3A_1126 = arith.constant 1 : i32
          %parallel_loop3A_1127 = arith.addi %parallel_loop3A_1125, %parallel_loop3A_1126 : i32
          %parallel_loop3A_1128 = arith.constant 2 : i32
          %parallel_loop3A_1129 = arith.index_cast %parallel_loop3A_1128 : i32 to index
          %parallel_loop3A_1130 = arith.index_cast %parallel_loop3A_1127 : i32 to index
          %parallel_loop3A_1131 = arith.constant 96 : index
          %parallel_loop3A_1132 = tpu.vector_load %arg9[%parallel_loop3A_1129, %parallel_loop3A_1130, %parallel_loop3A_1131] {strides = array<i32>} : memref<3x160x128xf32, #tpu.memory_space<vmem>>, vector<16xf32>,
          %parallel_loop3A_1133 = arith.mulf %parallel_loop3A_399, %parallel_loop3A_1132 : vector<16xf32>
          %parallel_loop3A_1134 = arith.constant 10 : i32
          %parallel_loop3A_1135 = arith.muli %parallel_loop3A_392, %parallel_loop3A_1134 : i32
          %parallel_loop3A_1136 = arith.constant 2 : i32
          %parallel_loop3A_1137 = arith.addi %parallel_loop3A_1135, %parallel_loop3A_1136 : i32
          %parallel_loop3A_1138 = arith.constant 2 : i32
          %parallel_loop3A_1139 = arith.index_cast %parallel_loop3A_1138 : i32 to index
          %parallel_loop3A_1140 = arith.index_cast %parallel_loop3A_1137 : i32 to index
          %parallel_loop3A_1141 = arith.constant 96 : index
          %parallel_loop3A_1142 = tpu.vector_load %arg9[%parallel_loop3A_1139, %parallel_loop3A_1140, %parallel_loop3A_1141] {strides = array<i32>} : memref<3x160x128xf32, #tpu.memory_space<vmem>>, vector<16xf32>,
          %parallel_loop3A_1143 = arith.mulf %parallel_loop3A_402, %parallel_loop3A_1142 : vector<16xf32>
          %parallel_loop3A_1144 = arith.constant 10 : i32
          %parallel_loop3A_1145 = arith.muli %parallel_loop3A_392, %parallel_loop3A_1144 : i32
          %parallel_loop3A_1146 = arith.constant 3 : i32
          %parallel_loop3A_1147 = arith.addi %parallel_loop3A_1145, %parallel_loop3A_1146 : i32
          %parallel_loop3A_1148 = arith.constant 2 : i32
          %parallel_loop3A_1149 = arith.index_cast %parallel_loop3A_1148 : i32 to index
          %parallel_loop3A_1150 = arith.index_cast %parallel_loop3A_1147 : i32 to index
          %parallel_loop3A_1151 = arith.constant 96 : index
          %parallel_loop3A_1152 = tpu.vector_load %arg9[%parallel_loop3A_1149, %parallel_loop3A_1150, %parallel_loop3A_1151] {strides = array<i32>} : memref<3x160x128xf32, #tpu.memory_space<vmem>>, vector<16xf32>,
          %parallel_loop3A_1153 = arith.mulf %parallel_loop3A_405, %parallel_loop3A_1152 : vector<16xf32>
          %parallel_loop3A_1154 = arith.constant 10 : i32
          %parallel_loop3A_1155 = arith.muli %parallel_loop3A_392, %parallel_loop3A_1154 : i32
          %parallel_loop3A_1156 = arith.constant 4 : i32
          %parallel_loop3A_1157 = arith.addi %parallel_loop3A_1155, %parallel_loop3A_1156 : i32
          %parallel_loop3A_1158 = arith.constant 2 : i32
          %parallel_loop3A_1159 = arith.index_cast %parallel_loop3A_1158 : i32 to index
          %parallel_loop3A_1160 = arith.index_cast %parallel_loop3A_1157 : i32 to index
          %parallel_loop3A_1161 = arith.constant 96 : index
          %parallel_loop3A_1162 = tpu.vector_load %arg9[%parallel_loop3A_1159, %parallel_loop3A_1160, %parallel_loop3A_1161] {strides = array<i32>} : memref<3x160x128xf32, #tpu.memory_space<vmem>>, vector<16xf32>,
          %parallel_loop3A_1163 = arith.mulf %parallel_loop3A_408, %parallel_loop3A_1162 : vector<16xf32>
          %parallel_loop3A_1164 = arith.constant 10 : i32
          %parallel_loop3A_1165 = arith.muli %parallel_loop3A_392, %parallel_loop3A_1164 : i32
          %parallel_loop3A_1166 = arith.constant 5 : i32
          %parallel_loop3A_1167 = arith.addi %parallel_loop3A_1165, %parallel_loop3A_1166 : i32
          %parallel_loop3A_1168 = arith.constant 2 : i32
          %parallel_loop3A_1169 = arith.index_cast %parallel_loop3A_1168 : i32 to index
          %parallel_loop3A_1170 = arith.index_cast %parallel_loop3A_1167 : i32 to index
          %parallel_loop3A_1171 = arith.constant 96 : index
          %parallel_loop3A_1172 = tpu.vector_load %arg9[%parallel_loop3A_1169, %parallel_loop3A_1170, %parallel_loop3A_1171] {strides = array<i32>} : memref<3x160x128xf32, #tpu.memory_space<vmem>>, vector<16xf32>,
          %parallel_loop3A_1173 = arith.mulf %parallel_loop3A_411, %parallel_loop3A_1172 : vector<16xf32>
          %parallel_loop3A_1174 = arith.constant 10 : i32
          %parallel_loop3A_1175 = arith.muli %parallel_loop3A_392, %parallel_loop3A_1174 : i32
          %parallel_loop3A_1176 = arith.constant 6 : i32
          %parallel_loop3A_1177 = arith.addi %parallel_loop3A_1175, %parallel_loop3A_1176 : i32
          %parallel_loop3A_1178 = arith.constant 2 : i32
          %parallel_loop3A_1179 = arith.index_cast %parallel_loop3A_1178 : i32 to index
          %parallel_loop3A_1180 = arith.index_cast %parallel_loop3A_1177 : i32 to index
          %parallel_loop3A_1181 = arith.constant 96 : index
          %parallel_loop3A_1182 = tpu.vector_load %arg9[%parallel_loop3A_1179, %parallel_loop3A_1180, %parallel_loop3A_1181] {strides = array<i32>} : memref<3x160x128xf32, #tpu.memory_space<vmem>>, vector<16xf32>,
          %parallel_loop3A_1183 = arith.mulf %parallel_loop3A_414, %parallel_loop3A_1182 : vector<16xf32>
          %parallel_loop3A_1184 = arith.constant 10 : i32
          %parallel_loop3A_1185 = arith.muli %parallel_loop3A_392, %parallel_loop3A_1184 : i32
          %parallel_loop3A_1186 = arith.constant 7 : i32
          %parallel_loop3A_1187 = arith.addi %parallel_loop3A_1185, %parallel_loop3A_1186 : i32
          %parallel_loop3A_1188 = arith.constant 2 : i32
          %parallel_loop3A_1189 = arith.index_cast %parallel_loop3A_1188 : i32 to index
          %parallel_loop3A_1190 = arith.index_cast %parallel_loop3A_1187 : i32 to index
          %parallel_loop3A_1191 = arith.constant 96 : index
          %parallel_loop3A_1192 = tpu.vector_load %arg9[%parallel_loop3A_1189, %parallel_loop3A_1190, %parallel_loop3A_1191] {strides = array<i32>} : memref<3x160x128xf32, #tpu.memory_space<vmem>>, vector<16xf32>,
          %parallel_loop3A_1193 = arith.mulf %parallel_loop3A_417, %parallel_loop3A_1192 : vector<16xf32>
          %parallel_loop3A_1194 = arith.constant 10 : i32
          %parallel_loop3A_1195 = arith.muli %parallel_loop3A_392, %parallel_loop3A_1194 : i32
          %parallel_loop3A_1196 = arith.constant 8 : i32
          %parallel_loop3A_1197 = arith.addi %parallel_loop3A_1195, %parallel_loop3A_1196 : i32
          %parallel_loop3A_1198 = arith.constant 2 : i32
          %parallel_loop3A_1199 = arith.index_cast %parallel_loop3A_1198 : i32 to index
          %parallel_loop3A_1200 = arith.index_cast %parallel_loop3A_1197 : i32 to index
          %parallel_loop3A_1201 = arith.constant 96 : index
          %parallel_loop3A_1202 = tpu.vector_load %arg9[%parallel_loop3A_1199, %parallel_loop3A_1200, %parallel_loop3A_1201] {strides = array<i32>} : memref<3x160x128xf32, #tpu.memory_space<vmem>>, vector<16xf32>,
          %parallel_loop3A_1203 = arith.mulf %parallel_loop3A_420, %parallel_loop3A_1202 : vector<16xf32>
          %parallel_loop3A_1204 = arith.constant 10 : i32
          %parallel_loop3A_1205 = arith.muli %parallel_loop3A_392, %parallel_loop3A_1204 : i32
          %parallel_loop3A_1206 = arith.constant 9 : i32
          %parallel_loop3A_1207 = arith.addi %parallel_loop3A_1205, %parallel_loop3A_1206 : i32
          %parallel_loop3A_1208 = arith.constant 2 : i32
          %parallel_loop3A_1209 = arith.index_cast %parallel_loop3A_1208 : i32 to index
          %parallel_loop3A_1210 = arith.index_cast %parallel_loop3A_1207 : i32 to index
          %parallel_loop3A_1211 = arith.constant 96 : index
          %parallel_loop3A_1212 = tpu.vector_load %arg9[%parallel_loop3A_1209, %parallel_loop3A_1210, %parallel_loop3A_1211] {strides = array<i32>} : memref<3x160x128xf32, #tpu.memory_space<vmem>>, vector<16xf32>,
          %parallel_loop3A_1213 = arith.mulf %parallel_loop3A_423, %parallel_loop3A_1212 : vector<16xf32>
          %parallel_loop3A_1214 = arith.addf %parallel_loop3A_1123, %parallel_loop3A_1133 : vector<16xf32>
          %parallel_loop3A_1215 = arith.addf %parallel_loop3A_1143, %parallel_loop3A_1153 : vector<16xf32>
          %parallel_loop3A_1216 = arith.addf %parallel_loop3A_1163, %parallel_loop3A_1173 : vector<16xf32>
          %parallel_loop3A_1217 = arith.addf %parallel_loop3A_1183, %parallel_loop3A_1193 : vector<16xf32>
          %parallel_loop3A_1218 = arith.addf %parallel_loop3A_1203, %parallel_loop3A_1213 : vector<16xf32>
          %parallel_loop3A_1219 = arith.addf %parallel_loop3A_1214, %parallel_loop3A_1215 : vector<16xf32>
          %parallel_loop3A_1220 = arith.addf %parallel_loop3A_1216, %parallel_loop3A_1217 : vector<16xf32>
          %parallel_loop3A_1221 = arith.addf %parallel_loop3A_1219, %parallel_loop3A_1220 : vector<16xf32>
          %parallel_loop3A_1222 = arith.addf %parallel_loop3A_1221, %parallel_loop3A_1218 : vector<16xf32>
          %parallel_loop3A_1223 = arith.constant 0.000000e+00 : f32
          %parallel_loop3A_1224 = vector.broadcast %parallel_loop3A_1223 : f32 to vector<16xf32>
          %parallel_loop3A_1225 = arith.maximumf %parallel_loop3A_1222, %parallel_loop3A_1224 : vector<16xf32>
          %parallel_loop3A_1226 = arith.index_cast %parallel_loop3A_392 : i32 to index
          %parallel_loop3A_1227 = arith.constant 96 : index
          %parallel_loop3A_1228 = tpu.vector_load %arg11[%parallel_loop3A_1226, %parallel_loop3A_1227] {strides = array<i32>} : memref<16x128xf32, #tpu.memory_space<vmem>>, vector<16xf32>,
          tpu.vector_store %arg11[%parallel_loop3A_1226, %parallel_loop3A_1227], %parallel_loop3A_1225 {strides = array<i32>} : memref<16x128xf32, #tpu.memory_space<vmem>>, vector<16xf32>,
          %parallel_loop3A_1229 = arith.constant 10 : i32
          %parallel_loop3A_1230 = arith.muli %parallel_loop3A_392, %parallel_loop3A_1229 : i32
          %parallel_loop3A_1231 = arith.constant 0 : i32
          %parallel_loop3A_1232 = arith.addi %parallel_loop3A_1230, %parallel_loop3A_1231 : i32
          %parallel_loop3A_1233 = arith.constant 2 : i32
          %parallel_loop3A_1234 = arith.index_cast %parallel_loop3A_1233 : i32 to index
          %parallel_loop3A_1235 = arith.index_cast %parallel_loop3A_1232 : i32 to index
          %parallel_loop3A_1236 = arith.constant 112 : index
          %parallel_loop3A_1237 = tpu.vector_load %arg9[%parallel_loop3A_1234, %parallel_loop3A_1235, %parallel_loop3A_1236] {strides = array<i32>} : memref<3x160x128xf32, #tpu.memory_space<vmem>>, vector<16xf32>,
          %parallel_loop3A_1238 = arith.mulf %parallel_loop3A_396, %parallel_loop3A_1237 : vector<16xf32>
          %parallel_loop3A_1239 = arith.constant 10 : i32
          %parallel_loop3A_1240 = arith.muli %parallel_loop3A_392, %parallel_loop3A_1239 : i32
          %parallel_loop3A_1241 = arith.constant 1 : i32
          %parallel_loop3A_1242 = arith.addi %parallel_loop3A_1240, %parallel_loop3A_1241 : i32
          %parallel_loop3A_1243 = arith.constant 2 : i32
          %parallel_loop3A_1244 = arith.index_cast %parallel_loop3A_1243 : i32 to index
          %parallel_loop3A_1245 = arith.index_cast %parallel_loop3A_1242 : i32 to index
          %parallel_loop3A_1246 = arith.constant 112 : index
          %parallel_loop3A_1247 = tpu.vector_load %arg9[%parallel_loop3A_1244, %parallel_loop3A_1245, %parallel_loop3A_1246] {strides = array<i32>} : memref<3x160x128xf32, #tpu.memory_space<vmem>>, vector<16xf32>,
          %parallel_loop3A_1248 = arith.mulf %parallel_loop3A_399, %parallel_loop3A_1247 : vector<16xf32>
          %parallel_loop3A_1249 = arith.constant 10 : i32
          %parallel_loop3A_1250 = arith.muli %parallel_loop3A_392, %parallel_loop3A_1249 : i32
          %parallel_loop3A_1251 = arith.constant 2 : i32
          %parallel_loop3A_1252 = arith.addi %parallel_loop3A_1250, %parallel_loop3A_1251 : i32
          %parallel_loop3A_1253 = arith.constant 2 : i32
          %parallel_loop3A_1254 = arith.index_cast %parallel_loop3A_1253 : i32 to index
          %parallel_loop3A_1255 = arith.index_cast %parallel_loop3A_1252 : i32 to index
          %parallel_loop3A_1256 = arith.constant 112 : index
          %parallel_loop3A_1257 = tpu.vector_load %arg9[%parallel_loop3A_1254, %parallel_loop3A_1255, %parallel_loop3A_1256] {strides = array<i32>} : memref<3x160x128xf32, #tpu.memory_space<vmem>>, vector<16xf32>,
          %parallel_loop3A_1258 = arith.mulf %parallel_loop3A_402, %parallel_loop3A_1257 : vector<16xf32>
          %parallel_loop3A_1259 = arith.constant 10 : i32
          %parallel_loop3A_1260 = arith.muli %parallel_loop3A_392, %parallel_loop3A_1259 : i32
          %parallel_loop3A_1261 = arith.constant 3 : i32
          %parallel_loop3A_1262 = arith.addi %parallel_loop3A_1260, %parallel_loop3A_1261 : i32
          %parallel_loop3A_1263 = arith.constant 2 : i32
          %parallel_loop3A_1264 = arith.index_cast %parallel_loop3A_1263 : i32 to index
          %parallel_loop3A_1265 = arith.index_cast %parallel_loop3A_1262 : i32 to index
          %parallel_loop3A_1266 = arith.constant 112 : index
          %parallel_loop3A_1267 = tpu.vector_load %arg9[%parallel_loop3A_1264, %parallel_loop3A_1265, %parallel_loop3A_1266] {strides = array<i32>} : memref<3x160x128xf32, #tpu.memory_space<vmem>>, vector<16xf32>,
          %parallel_loop3A_1268 = arith.mulf %parallel_loop3A_405, %parallel_loop3A_1267 : vector<16xf32>
          %parallel_loop3A_1269 = arith.constant 10 : i32
          %parallel_loop3A_1270 = arith.muli %parallel_loop3A_392, %parallel_loop3A_1269 : i32
          %parallel_loop3A_1271 = arith.constant 4 : i32
          %parallel_loop3A_1272 = arith.addi %parallel_loop3A_1270, %parallel_loop3A_1271 : i32
          %parallel_loop3A_1273 = arith.constant 2 : i32
          %parallel_loop3A_1274 = arith.index_cast %parallel_loop3A_1273 : i32 to index
          %parallel_loop3A_1275 = arith.index_cast %parallel_loop3A_1272 : i32 to index
          %parallel_loop3A_1276 = arith.constant 112 : index
          %parallel_loop3A_1277 = tpu.vector_load %arg9[%parallel_loop3A_1274, %parallel_loop3A_1275, %parallel_loop3A_1276] {strides = array<i32>} : memref<3x160x128xf32, #tpu.memory_space<vmem>>, vector<16xf32>,
          %parallel_loop3A_1278 = arith.mulf %parallel_loop3A_408, %parallel_loop3A_1277 : vector<16xf32>
          %parallel_loop3A_1279 = arith.constant 10 : i32
          %parallel_loop3A_1280 = arith.muli %parallel_loop3A_392, %parallel_loop3A_1279 : i32
          %parallel_loop3A_1281 = arith.constant 5 : i32
          %parallel_loop3A_1282 = arith.addi %parallel_loop3A_1280, %parallel_loop3A_1281 : i32
          %parallel_loop3A_1283 = arith.constant 2 : i32
          %parallel_loop3A_1284 = arith.index_cast %parallel_loop3A_1283 : i32 to index
          %parallel_loop3A_1285 = arith.index_cast %parallel_loop3A_1282 : i32 to index
          %parallel_loop3A_1286 = arith.constant 112 : index
          %parallel_loop3A_1287 = tpu.vector_load %arg9[%parallel_loop3A_1284, %parallel_loop3A_1285, %parallel_loop3A_1286] {strides = array<i32>} : memref<3x160x128xf32, #tpu.memory_space<vmem>>, vector<16xf32>,
          %parallel_loop3A_1288 = arith.mulf %parallel_loop3A_411, %parallel_loop3A_1287 : vector<16xf32>
          %parallel_loop3A_1289 = arith.constant 10 : i32
          %parallel_loop3A_1290 = arith.muli %parallel_loop3A_392, %parallel_loop3A_1289 : i32
          %parallel_loop3A_1291 = arith.constant 6 : i32
          %parallel_loop3A_1292 = arith.addi %parallel_loop3A_1290, %parallel_loop3A_1291 : i32
          %parallel_loop3A_1293 = arith.constant 2 : i32
          %parallel_loop3A_1294 = arith.index_cast %parallel_loop3A_1293 : i32 to index
          %parallel_loop3A_1295 = arith.index_cast %parallel_loop3A_1292 : i32 to index
          %parallel_loop3A_1296 = arith.constant 112 : index
          %parallel_loop3A_1297 = tpu.vector_load %arg9[%parallel_loop3A_1294, %parallel_loop3A_1295, %parallel_loop3A_1296] {strides = array<i32>} : memref<3x160x128xf32, #tpu.memory_space<vmem>>, vector<16xf32>,
          %parallel_loop3A_1298 = arith.mulf %parallel_loop3A_414, %parallel_loop3A_1297 : vector<16xf32>
          %parallel_loop3A_1299 = arith.constant 10 : i32
          %parallel_loop3A_1300 = arith.muli %parallel_loop3A_392, %parallel_loop3A_1299 : i32
          %parallel_loop3A_1301 = arith.constant 7 : i32
          %parallel_loop3A_1302 = arith.addi %parallel_loop3A_1300, %parallel_loop3A_1301 : i32
          %parallel_loop3A_1303 = arith.constant 2 : i32
          %parallel_loop3A_1304 = arith.index_cast %parallel_loop3A_1303 : i32 to index
          %parallel_loop3A_1305 = arith.index_cast %parallel_loop3A_1302 : i32 to index
          %parallel_loop3A_1306 = arith.constant 112 : index
          %parallel_loop3A_1307 = tpu.vector_load %arg9[%parallel_loop3A_1304, %parallel_loop3A_1305, %parallel_loop3A_1306] {strides = array<i32>} : memref<3x160x128xf32, #tpu.memory_space<vmem>>, vector<16xf32>,
          %parallel_loop3A_1308 = arith.mulf %parallel_loop3A_417, %parallel_loop3A_1307 : vector<16xf32>
          %parallel_loop3A_1309 = arith.constant 10 : i32
          %parallel_loop3A_1310 = arith.muli %parallel_loop3A_392, %parallel_loop3A_1309 : i32
          %parallel_loop3A_1311 = arith.constant 8 : i32
          %parallel_loop3A_1312 = arith.addi %parallel_loop3A_1310, %parallel_loop3A_1311 : i32
          %parallel_loop3A_1313 = arith.constant 2 : i32
          %parallel_loop3A_1314 = arith.index_cast %parallel_loop3A_1313 : i32 to index
          %parallel_loop3A_1315 = arith.index_cast %parallel_loop3A_1312 : i32 to index
          %parallel_loop3A_1316 = arith.constant 112 : index
          %parallel_loop3A_1317 = tpu.vector_load %arg9[%parallel_loop3A_1314, %parallel_loop3A_1315, %parallel_loop3A_1316] {strides = array<i32>} : memref<3x160x128xf32, #tpu.memory_space<vmem>>, vector<16xf32>,
          %parallel_loop3A_1318 = arith.mulf %parallel_loop3A_420, %parallel_loop3A_1317 : vector<16xf32>
          %parallel_loop3A_1319 = arith.constant 10 : i32
          %parallel_loop3A_1320 = arith.muli %parallel_loop3A_392, %parallel_loop3A_1319 : i32
          %parallel_loop3A_1321 = arith.constant 9 : i32
          %parallel_loop3A_1322 = arith.addi %parallel_loop3A_1320, %parallel_loop3A_1321 : i32
          %parallel_loop3A_1323 = arith.constant 2 : i32
          %parallel_loop3A_1324 = arith.index_cast %parallel_loop3A_1323 : i32 to index
          %parallel_loop3A_1325 = arith.index_cast %parallel_loop3A_1322 : i32 to index
          %parallel_loop3A_1326 = arith.constant 112 : index
          %parallel_loop3A_1327 = tpu.vector_load %arg9[%parallel_loop3A_1324, %parallel_loop3A_1325, %parallel_loop3A_1326] {strides = array<i32>} : memref<3x160x128xf32, #tpu.memory_space<vmem>>, vector<16xf32>,
          %parallel_loop3A_1328 = arith.mulf %parallel_loop3A_423, %parallel_loop3A_1327 : vector<16xf32>
          %parallel_loop3A_1329 = arith.addf %parallel_loop3A_1238, %parallel_loop3A_1248 : vector<16xf32>
          %parallel_loop3A_1330 = arith.addf %parallel_loop3A_1258, %parallel_loop3A_1268 : vector<16xf32>
          %parallel_loop3A_1331 = arith.addf %parallel_loop3A_1278, %parallel_loop3A_1288 : vector<16xf32>
          %parallel_loop3A_1332 = arith.addf %parallel_loop3A_1298, %parallel_loop3A_1308 : vector<16xf32>
          %parallel_loop3A_1333 = arith.addf %parallel_loop3A_1318, %parallel_loop3A_1328 : vector<16xf32>
          %parallel_loop3A_1334 = arith.addf %parallel_loop3A_1329, %parallel_loop3A_1330 : vector<16xf32>
          %parallel_loop3A_1335 = arith.addf %parallel_loop3A_1331, %parallel_loop3A_1332 : vector<16xf32>
          %parallel_loop3A_1336 = arith.addf %parallel_loop3A_1334, %parallel_loop3A_1335 : vector<16xf32>
          %parallel_loop3A_1337 = arith.addf %parallel_loop3A_1336, %parallel_loop3A_1333 : vector<16xf32>
          %parallel_loop3A_1338 = arith.constant 0.000000e+00 : f32
          %parallel_loop3A_1339 = vector.broadcast %parallel_loop3A_1338 : f32 to vector<16xf32>
          %parallel_loop3A_1340 = arith.maximumf %parallel_loop3A_1337, %parallel_loop3A_1339 : vector<16xf32>
          %parallel_loop3A_1341 = arith.index_cast %parallel_loop3A_392 : i32 to index
          %parallel_loop3A_1342 = arith.constant 112 : index
          %parallel_loop3A_1343 = tpu.vector_load %arg11[%parallel_loop3A_1341, %parallel_loop3A_1342] {strides = array<i32>} : memref<16x128xf32, #tpu.memory_space<vmem>>, vector<16xf32>,
          tpu.vector_store %arg11[%parallel_loop3A_1341, %parallel_loop3A_1342], %parallel_loop3A_1340 {strides = array<i32>} : memref<16x128xf32, #tpu.memory_space<vmem>>, vector<16xf32>,
        } {sc.loop_unroll_factor = 1 : i64, sc.parallel_access}
        %add3A_386 = arith.addi %add3A_4, %add3A_96 : i32
        %lt3A_387 = arith.constant 3125 : i32
        %lt3A_388 = arith.cmpi slt, %add3A_386, %lt3A_387 : i32
        %convert_element_type3A_389 = arith.extui %lt3A_388 : i1 to i32
        %cond3A_390 = arith.constant 0 : i32
        %cond3A_391 = arith.cmpi ne, %convert_element_type3A_389, %cond3A_390 : i32
        scf.if %cond3A_391 {
          %add3A_392 = arith.addi %add3A_4, %add3A_96 : i32
          %mul3A_393 = arith.constant 16 : i32
          %mul3A_394 = arith.muli %add3A_392, %mul3A_393 : i32
          %dma_start3A_395 = arith.constant 0 : i32
          %dma_start3A_396 = tpu.memref_slice %arg6[%mul3A_394, %dma_start3A_395] : memref<50000x128xf32, #tpu.memory_space<hbm>> -> memref<16x128xf32, #tpu.memory_space<hbm>>
          %dma_start3A_397 = arith.constant 0 : i32
          %dma_start3A_398 = tpu.memref_slice %arg6[%mul3A_394, %dma_start3A_397] : memref<50000x128xf32, #tpu.memory_space<hbm>> -> memref<16x128xf32, #tpu.memory_space<hbm>>
          tpu.enqueue_dma source(%arg11 : memref<16x128xf32, #tpu.memory_space<vmem>>) target(%dma_start3A_398 : memref<16x128xf32, #tpu.memory_space<hbm>>) target_semaphore(%arg16 : memref<!tpu.dma_semaphore, #tpu.memory_space<semaphore_mem>>)
        } else {
        }
      } else {
      }
    }
    %scan3A_66 = arith.constant 33 : i32
    %add3A_67 = arith.constant 98 : i32
    %add3A_68 = arith.addi %add3A_4, %add3A_67 : i32
    %sub3A = arith.constant 1 : i32
    %sub3A_69 = arith.subi %add3A_68, %sub3A : i32
    %lt3A = arith.constant 3125 : i32
    %lt3A_70 = arith.cmpi slt, %sub3A_69, %lt3A : i32
    %convert_element_type3A_71 = arith.extui %lt3A_70 : i1 to i32
    %cond3A_72 = arith.constant 0 : i32
    %cond3A_73 = arith.cmpi ne, %convert_element_type3A_71, %cond3A_72 : i32
    scf.if %cond3A_73 {
      %dma_wait3A = arith.constant 0 : i32
      %dma_wait3A_74 = arith.constant 0 : i32
      %dma_wait3A_75 = tpu.memref_slice %arg6[%dma_wait3A, %dma_wait3A_74] : memref<50000x128xf32, #tpu.memory_space<hbm>> -> memref<16x128xf32, #tpu.memory_space<hbm>>
      %dma_wait3A_76 = arith.constant 0 : i32
      %dma_wait3A_77 = arith.constant 0 : i32
      %dma_wait3A_78 = tpu.memref_slice %arg6[%dma_wait3A_76, %dma_wait3A_77] : memref<50000x128xf32, #tpu.memory_space<hbm>> -> memref<16x128xf32, #tpu.memory_space<hbm>>
      tpu.wait_dma2 semaphore(%arg16 : memref<!tpu.dma_semaphore, #tpu.memory_space<semaphore_mem>>) src(%dma_wait3A_78 : memref<16x128xf32, #tpu.memory_space<hbm>>) dst(%arg11 : memref<16x128xf32, #tpu.memory_space<vmem>>)
    } else {
    }
    return
  }
}

module attributes {stable_mosaic.version = 14 : i64} {
  func.func @_stab_body(%arg0: i32, %arg1: memref<5000x128xf32, #tpu.memory_space<vmem>>, %arg2: memref<128x100xf32, #tpu.memory_space<vmem>>, %arg3: memref<1x100xf32, #tpu.memory_space<vmem>>, %arg4: memref<100x1xf32, #tpu.memory_space<vmem>>, %arg5: memref<5000x1xf32, #tpu.memory_space<vmem>>) attributes {dimension_semantics = [#tpu.dimension_semantics<arbitrary>], iteration_bounds = array<i64: 10>, scalar_prefetch = 0 : i64, scratch_operands = 0 : i64, tpu.core_type = #tpu.core_type<tc>, window_params = [{transform_indices = @transform_0, window_bounds = array<i64: 5000, 128>}, {pipeline_mode = #tpu.pipeline_mode<synchronous>, transform_indices = @transform_1, window_bounds = array<i64: 128, 100>}, {pipeline_mode = #tpu.pipeline_mode<synchronous>, transform_indices = @transform_2, window_bounds = array<i64: 1, 100>}, {pipeline_mode = #tpu.pipeline_mode<synchronous>, transform_indices = @transform_3, window_bounds = array<i64: 100, 1>}, {transform_indices = @transform_4, window_bounds = array<i64: 5000, 1>}]} {
    %get3A = arith.constant 0 : index
    %get3A_0 = arith.constant 0 : index
    %get3A_1 = vector.load %arg1[%get3A, %get3A_0] : memref<5000x128xf32, #tpu.memory_space<vmem>>, vector<5000x128xf32>
    %get3A_2 = arith.constant 0 : index
    %get3A_3 = arith.constant 0 : index
    %get3A_4 = vector.load %arg2[%get3A_2, %get3A_3] : memref<128x100xf32, #tpu.memory_space<vmem>>, vector<128x100xf32>
    %dot_general3A = arith.constant dense<0.000000e+00> : vector<5000x100xf32>
    %dot_general3A_5 = tpu.matmul %get3A_1, %get3A_4, %dot_general3A {dimension_numbers = #tpu.dot_dimension_numbers<[1], [0], [0], [1], [0, 0, 1, 1], [], []>, transpose_lhs_hint = false} : vector<5000x128xf32>, vector<128x100xf32>, vector<5000x100xf32> -> vector<5000x100xf32>
    %get3A_6 = arith.constant 0 : index
    %get3A_7 = arith.constant 0 : index
    %get3A_8 = vector.load %arg3[%get3A_6, %get3A_7] : memref<1x100xf32, #tpu.memory_space<vmem>>, vector<1x100xf32>
    %add3A = vector.broadcast %get3A_8 : vector<1x100xf32> to vector<5000x100xf32>
    %add3A_9 = arith.addf %dot_general3A_5, %add3A : vector<5000x100xf32>
    %tanh3A = math.tanh %add3A_9 : vector<5000x100xf32>
    %get3A_10 = arith.constant 0 : index
    %get3A_11 = arith.constant 0 : index
    %get3A_12 = vector.load %arg4[%get3A_10, %get3A_11] : memref<100x1xf32, #tpu.memory_space<vmem>>, vector<100x1xf32>
    %dot_general3A_13 = arith.constant dense<0.000000e+00> : vector<5000x1xf32>
    %dot_general3A_14 = tpu.matmul %tanh3A, %get3A_12, %dot_general3A_13 {dimension_numbers = #tpu.dot_dimension_numbers<[1], [0], [0], [1], [0, 0, 1, 1], [], []>, transpose_lhs_hint = false} : vector<5000x100xf32>, vector<100x1xf32>, vector<5000x1xf32> -> vector<5000x1xf32>
    %swap3A = arith.constant 0 : index
    %swap3A_15 = arith.constant 0 : index
    %swap3A_16 = vector.load %arg5[%swap3A, %swap3A_15] : memref<5000x1xf32, #tpu.memory_space<vmem>>, vector<5000x1xf32>
    tpu.vector_store %arg5[%swap3A, %swap3A_15], %dot_general3A_14 {strides = array<i32>} : memref<5000x1xf32, #tpu.memory_space<vmem>>, vector<5000x1xf32>,
    return
  }
  func.func @transform_0(%arg0: i32) -> (i32, i32) {
    %c0_i32 = arith.constant 0 : i32
    %c0_i32_0 = arith.constant 0 : i32
    return %arg0, %c0_i32 : i32, i32
  }
  func.func @transform_1(%arg0: i32) -> (i32, i32) {
    %c0_i32 = arith.constant 0 : i32
    %c0_i32_0 = arith.constant 0 : i32
    %c0_i32_1 = arith.constant 0 : i32
    return %c0_i32, %c0_i32_0 : i32, i32
  }
  func.func @transform_2(%arg0: i32) -> (i32, i32) {
    %c0_i32 = arith.constant 0 : i32
    %c0_i32_0 = arith.constant 0 : i32
    %c0_i32_1 = arith.constant 0 : i32
    return %c0_i32, %c0_i32_0 : i32, i32
  }
  func.func @transform_3(%arg0: i32) -> (i32, i32) {
    %c0_i32 = arith.constant 0 : i32
    %c0_i32_0 = arith.constant 0 : i32
    %c0_i32_1 = arith.constant 0 : i32
    return %c0_i32, %c0_i32_0 : i32, i32
  }
  func.func @transform_4(%arg0: i32) -> (i32, i32) {
    %c0_i32 = arith.constant 0 : i32
    %c0_i32_0 = arith.constant 0 : i32
    return %arg0, %c0_i32 : i32, i32
  }
}

</mosaic_0001>

<sc_bundles>
// kernel: kernel.4.cloned.1.call-start
scs
__scs_entry_jumppad:
0x0: {  	(pc) =	sbr.rel $0x88, $3  }
0x1: {  	(tag) =	ssettag $0x0;
	lr =	simm.s32 $0x1  }
0x2: {  	[smem:$0x3F9B] =	sst lr;
	_ =	strace $0xD0000000  }
0x3: {  	_ = 	snop  }
0x4: {  	_ = 	snop  }
0x5: {  	_ = 	snop  }
0x6: {  	_ = 	snop  }
0x7: {  	_ = 	snop  }
__scs_overlays_trampoline_lowered:
0x8: {  	[smem:$0x3FAA] =	sst s0  }
0x9: {  	[smem:$0x3FAB] =	sst s1  }
0xa: {  	[smem:$0x3FAC] =	sst s2  }
0xb: {  	[smem:$0x3FAD] =	sst s3  }
0xc: {  	[smem:$0x3FAE] =	sst s4  }
0xd: {  	[smem:$0x3FAF] =	sst s5  }
0xe: {  	[smem:$0x3FB0] =	sst s6  }
0xf: {  	[smem:$0x3FB1] =	sst s7  }
0x10: {  	[smem:$0x3FB2] =	sst s8  }
0x11: {  	[smem:$0x3FB3] =	sst s9;
	s0 =	simm.s32 @!p0 $0x0  }
0x12: {  	s1 =	sld [smem:$0x3F99];
	s0 =	simm.s32 @p0 $0x1  }
0x13: {  	[smem:$0x3FB4] =	sst s0;
	s0 =	simm.s32 @!p1 $0x0  }
0x14: {  	s2 =	sld [smem:$0x3F98];
	s0 =	simm.s32 @p1 $0x1  }
0x15: {  	[smem:$0x3FB5] =	sst s0;
	s0 =	simm.s32 @!p2 $0x0  }
0x16: {  	s3 =	sld [smem:$0x3FDB];
	s0 =	simm.s32 @p2 $0x1  }
0x17: {  	s4 =	simm.s32 $0x1BF5;
	[smem:$0x3FB7] =	sst s0  }
0x18: {  	s0 =	sld [smem:$0x3F9A];
	_ =	swait.ge [sflag:s4], $0x0  }
0x19: {  	s7 =	sld [smem:$0x3F9B]  }
0x1a: {  	s8 =	sadd.s32 $0xFFFFE003, lr  }
0x1b: {  	s9 =	sadd.s32 $0xFFFFFEF7, lr;
	s5 =	simm.s32 $0xFFFFFFFF;
	p2 =	slt.u32 s8, $0xFFFFF086  }
0x1c: {  	p1 =	slt.u32 s9, $0xF7A;
	s5 =	simm.s32 @!p2 $0x0  }
0x1d: {  	s5 =	simm.s32 @p1 $0x1;
	p0 =	seq.s32 s7, s2  }
0x1e: {  	s7 =	smul.u32 @!p0 $0xF7A, s2;
	p2 =	seq.s32 @!p0 s5, $0x0  }
0x1f: {  	s9 =	smul.u32 $0xF7A, s1;
	s8 =	simm.s32 @!p0 $0x1BF5;
	p2 =	por !p2, p0  }
0x20: {  	[sflag:s8] =	ssyncset.s32 @!p0 $0xFFFFF086;
	s6 =	sadd.s32 @!p0 s3, s7;
	s7 =	simm.s32 @!p0 $0x108  }
0x21: {  	s3 =	sadd.s32 s3, s9;
	s6 =	sadd.s32 @!p0 $0x88, s6;
	s7 =	simm.s32 @p2 $0x1082  }
0x22: {  	[simem:s7], [sflag:s8] =	dma.local @!p0 [hbm:s6], $0xF7A  }
0x23: {  	s9 =	sor.u32 $0xD0000000, s2;
	s6 =	simm.s32 $0x108;
	_ =	swait.ge @!p0 [sflag:s8], $0x0  }
0x24: {  	s3 =	sadd.s32 $0x88, s3;
	s6 =	simm.s32 @!p1 $0x1082;
	[sflag:s4] =	ssyncset.s32 $0xFFFFF086  }
0x25: {  	[simem:s6], [sflag:s4] =	dma.local [hbm:s3], $0xF7A  }
0x26: {  	[smem:$0x3F9B] =	sst s1;
	(tag) =	ssettag s2;
	_ =	strace s9  }
0x27: {  	s1 =	sld [smem:$0x3FAB]  }
0x28: {  	s2 =	sld [smem:$0x3FAC]  }
0x29: {  	s4 =	sld [smem:$0x3FAE]  }
0x2a: {  	p0 =	seq.s32 s5, $0x0;
	s5 =	sld [smem:$0x3FAF]  }
0x2b: {  	s6 =	sld [smem:$0x3FB0]  }
0x2c: {  	s7 =	sld [smem:$0x3FB1]  }
0x2d: {  	s3 =	simm.s32 $0x108;
	s8 =	sld [smem:$0x3FB2]  }
0x2e: {  	s3 =	simm.s32 @!p0 $0x1082;
	s9 =	sld [smem:$0x3FB3]  }
0x2f: {  	lr =	sadd.s32 s0, s3;
	s0 =	sld [smem:$0x3FAA]  }
0x30: {  	s3 =	sld [smem:$0x3FAD]  }
0x31: {  	[smem:$0x3FB6] =	sst s10  }
0x32: {  	s10 =	sld [smem:$0x3FB4];
	_ =	sdelay $0x3  }
0x33: {  	p0 =	seq.s32 s10, $0x1;
	s10 =	sld [smem:$0x3FB6];
	_ =	sdelay $0x3  }
0x34: {  	[smem:$0x3FB6] =	sst s10  }
0x35: {  	s10 =	sld [smem:$0x3FB5];
	_ =	sdelay $0x3  }
0x36: {  	p1 =	seq.s32 s10, $0x1;
	s10 =	sld [smem:$0x3FB6];
	_ =	sdelay $0x3  }
0x37: {  	[smem:$0x3FB6] =	sst s10  }
0x38: {  	s10 =	sld [smem:$0x3FB7]  }
0x39: {  	_ = 	snop;
	(pc) =	sbr.ind lr, $3  }
0x3a: {  	_ = 	snop  }
0x3b: {  	_ = 	snop  }
0x3c: {  	p2 =	seq.s32 s10, $0x1;
	s10 =	sld [smem:$0x3FB6]  }
0x3d: {  	_ =	shalt  }
0x3e: {  	_ =	shalt  }
0x3f: {  	_ =	shalt  }
0x40: {  	_ =	shalt  }
0x41: {  	_ =	shalt  }
0x42: {  	_ =	shalt  }
0x43: {  	_ =	shalt  }
0x44: {  	_ =	shalt  }
0x45: {  	_ =	shalt  }
0x46: {  	_ =	shalt  }
0x47: {  	_ =	shalt  }
0x48: {  	_ =	shalt  }
0x49: {  	_ =	shalt  }
0x4a: {  	_ =	shalt  }
0x4b: {  	_ =	shalt  }
0x4c: {  	_ =	shalt  }
0x4d: {  	_ =	shalt  }
0x4e: {  	_ =	shalt  }
0x4f: {  	_ =	shalt  }
0x50: {  	_ =	shalt  }
0x51: {  	_ =	shalt  }
0x52: {  	_ =	shalt  }
0x53: {  	_ =	shalt  }
0x54: {  	_ =	shalt  }
0x55: {  	_ =	shalt  }
0x56: {  	_ =	shalt  }
0x57: {  	_ =	shalt  }
0x58: {  	_ =	shalt  }
0x59: {  	_ =	shalt  }
0x5a: {  	_ =	shalt  }
0x5b: {  	_ =	shalt  }
0x5c: {  	_ =	shalt  }
0x5d: {  	_ =	shalt  }
0x5e: {  	_ =	shalt  }
0x5f: {  	_ =	shalt  }
0x60: {  	_ =	shalt  }
0x61: {  	_ =	shalt  }
0x62: {  	_ =	shalt  }
0x63: {  	_ =	shalt  }
0x64: {  	_ =	shalt  }
0x65: {  	_ =	shalt  }
0x66: {  	_ =	shalt  }
0x67: {  	_ =	shalt  }
0x68: {  	_ =	shalt  }
0x69: {  	_ =	shalt  }
0x6a: {  	_ =	shalt  }
0x6b: {  	_ =	shalt  }
0x6c: {  	_ =	shalt  }
0x6d: {  	_ =	shalt  }
0x6e: {  	_ =	shalt  }
0x6f: {  	_ =	shalt  }
0x70: {  	_ =	shalt  }
0x71: {  	_ =	shalt  }
0x72: {  	_ =	shalt  }
0x73: {  	_ =	shalt  }
0x74: {  	_ =	shalt  }
0x75: {  	_ =	shalt  }
0x76: {  	_ =	shalt  }
0x77: {  	_ =	shalt  }
0x78: {  	_ =	shalt  }
0x79: {  	_ =	shalt  }
0x7a: {  	_ =	shalt  }
0x7b: {  	_ =	shalt  }
0x7c: {  	_ =	shalt  }
0x7d: {  	_ =	shalt  }
0x7e: {  	_ =	shalt  }
0x7f: {  	_ =	shalt  }
0x80: {  	_ =	shalt  }
0x81: {  	_ =	shalt  }
0x82: {  	_ =	shalt  }
0x83: {  	_ =	shalt  }
0x84: {  	_ =	shalt  }
0x85: {  	_ =	shalt  }
0x86: {  	_ =	shalt  }
0x87: {  	_ =	shalt  }
.Lfunc_end0:
.L_simem_size_0:
called_computation_lowered:
.L_overlay_start_0:
0x88: {  	s2 =	sld [smem:$0x3FD9]  }
0x89: {  	s3 =	sld [smem:$0x3FFE];
	_ =	sdelay $0x1  }
0x8a: {  	s1 =	srdreg.scid  }
0x8b: {  	s0 =	sand.u32 $0x1, s1  }
0x8c: {  	s17 =	sshll.u32 s0, $0xA;
	s2 =	sadd.s32 s3, s2  }
0x8d: {  	s2 =	sadd.s32 s2, s17  }
0x8e: {  	[smem:$0x3FC2] =	sst s2  }
0x8f: {  	_ = 	snop  }
0x90: {  	s2 =	sld [smem:$0x3FC9]  }
0x91: {  	s18 =	sld [smem:$0x3FD0];
	(tm) =	ssettm $0x1  }
0x92: {  	s4 =	sld [smem:$0x3FFB];
	_ =	sdelay $0x3  }
0x93: {  	_ =	strace s4  }
0x94: {  	s4 =	sld [smem:$0x3FFC];
	_ =	sdelay $0x3  }
0x95: {  	_ =	strace s4  }
0x96: {  	s4 =	sld [smem:$0x3FFD];
	_ =	sdelay $0x3  }
0x97: {  	_ =	strace s4  }
0x98: {  	_ =	strace $0x8FFFFFFF  }
0x99: {  	s19 =	sld [smem:$0x3FDB];
	_ =	sdelay $0x1  }
0x9a: {  	s5 =	simm.s32 $_scs_section_size  }
0x9b: {  	s6 =	simm.s32 $_size__tile_overlayer_lowered;
	s7 =	simm.s32 $_tile_overlayer_lowered  }
0x9c: {  	s22 =	simm.s32 $0x1BFF;
	s21 =	sshll.u32 s7, $0x1;
	s4 =	sadd.s32 s5, s19  }
0x9d: {  	s8 =	simm.s32 $0x0;
	s20 =	sshll.u32 s6, $0x1;
	s6 =	sadd.s32 s21, s4  }
0x9e: {  	[timem:s8], [sflag:s22] =	dma.local [hbm:s6], s20  }
0x9f: {  	_ =	swait.ge [sflag:s22], s20  }
0xa0: {  	s5 =	ssub.s32 $0x0, s20;
	[sflag:s22] =	ssyncset.done $0x0  }
0xa1: {  	[sflag:s22] =	ssyncadd.s32 s5;
	_ =	sdelay $0x1  }
0xa2: {  	s23 =	simm.s32 $0x1B8B  }
0xa3: {  	_ =	swait.ge [sflag:s23], $0x1  }
0xa4: {  	[sflag:s23] =	ssyncset.done $0x0  }
0xa5: {  	s25 =	simm.s32 $0x1B8E;
	s24 =	sld [smem:$0x3FFE];
	[sflag:s23] =	ssyncadd.s32 $0xFFFFFFFF  }
0xa6: {  	s26 =	simm.s32 $execute0_lowered;
	[smem:$0x3FD2] =	sst s25  }
0xa7: {  	s6 =	sshll.u32 s26, $0x1;
	_ =	strace $0x80000046;
	[dreg:$0x1] =	wrdreg $0xFFFFFFFF  }
0xa8: {  	s28 =	simm.s32 $_size_execute0_lowered;
	s4 =	sadd.s32 s4, s6;
	[dreg:$0x0] =	wrdreg $0x0  }
0xa9: {  	s6 =	sshll.u32 s28, $0x1;
	[dreg:$0x2] =	wrdreg s4  }
0xaa: {  	[dreg:$0x3] =	wrdreg s6  }
0xab: {  	[dreg:$0x4] =	wrdreg $0xC0  }
0xac: {  	_ =	task [dreg:s8], $0x5FFFF  }
0xad: {  	[dreg:$0x1] =	wrdreg $0xFFFFFFFF  }
0xae: {  	[dreg:$0x0] =	wrdreg $0x60  }
0xaf: {  	[dreg:$0x2] =	wrdreg s2  }
0xb0: {  	[dreg:$0x3] =	wrdreg s24  }
0xb1: {  	[dreg:$0x4] =	wrdreg s18  }
0xb2: {  	[dreg:$0x5] =	wrdreg $0x9  }
0xb3: {  	_ =	task.clear_ibuf [dreg:s8], $0x6FFFF;
	_ =	strace $0x90000046  }
0xb4: {  	s29 =	simm.s32 $0x9;
	_ =	strace $0x80000048  }
0xb5: {  	_ =	swait.ge [sflag:s29], $0x1  }
0xb6: {  	[sflag:s29] =	ssyncadd.s32 $0xFFFFFFFF  }
0xb7: {  	_ =	strace $0x90000048  }
0xb8: {  	_ =	sfence  }
0xb9: {  	s30 =	sld [smem:$0x0];
	_ =	sdelay $0x2  }
0xba: {  	s31 =	sshll.u32 s1, $0xD;
	s1 =	sshrl.u32 s1, $0x2  }
0xbb: {  	s3 =	sand.u32 $0x4000, s31;
	s1 =	sadd.s32 s1, s30  }
0xbc: {  	s0 =	sor.u32 s3, s0;
	s1 =	sshll.u32 s1, $0x11  }
0xbd: {  	s0 =	sor.u32 s1, s0  }
0xbe: {  	s0 =	sadd.s32 $0x8F2B, s0  }
0xbf: {  	[sflag:s0] =	ssyncadd.remote.s32 $0x1  }
0xc0: {  	_ =	sfence.sel $0xFFFF  }
0xc1: {  	[dreg:$0x0] =	wrdreg $0xFFFFFFFF;
	(pc) =	sbr.abs _section_cstart, $3  }
0xc2: {  	[dreg:$0x1] =	wrdreg $0xFFFFFFFF  }
0xc3: {  	_ =	task.clear_ibuf [dreg:s8], $0x2FFFF;
	_ =	strace $0x9FFFFFFF  }
0xc4: {  	(tm) =	ssettm $0x7FFFFFFF  }
0xc5: {  	_ =	shalt  }
tec
execute0_lowered:
.L_overlay_start_1:
0x0: {  	(tag) =	ssettag $0x1  }
0x1: {  	s2 =	rddreg [dreg:$0x0]  }
0x2: {  	s0 =	srdreg.scid;
	s7 =	rddreg [dreg:$0x1]  }
0x3: {  	s1 =	stileid.u32;
	s3 =	rddreg [dreg:$0x2]  }
0x4: {  	s4 =	simm.s32 $0x0;
	s10 =	simm.s32 $0x3D40;
	s11 =	simm.s32 $0x5  }
0x5: {  	s13 =	simm.s32 $0x50;
	s17 =	simm.s32 $0x15090;
	s18 =	simm.s32 $0xF0  }
0x6: {  	s19 =	simm.s32 $0x17890;
	s0 =	sand.u32 $0x1, s0;
	s1 =	sshll.u32 s1, $0x1  }
0x7: {  	s20 =	simm.s32 $0x1;
	s21 =	simm.s32 $0x1F090;
	s1 =	sor.u32 s0, s1  }
0x8: {  	s22 =	simm.s32 $0x1F130;
	s23 =	simm.s32 $0x4;
	s5 =	smul.u32 $0x61, s1  }
0x9: {  	v0 =	vlaneseq.u32;
	s24 =	simm.s32 $0x2;
	s25 =	simm.s32 $0x3;
	s1 =	smin.u32 s1, $0x15  }
.Ltmp0:
0xa: {  	v0 =	vmul.u32 $0xA, v0;
	s0 =	ssub.s32 $0x2, s0;
	s5 =	sadd.s32 s1, s5;
	(pc) =	sbr.rel .LBB2_1-.Ltmp0, $4  }
0xb: {  	s26 =	simm.s32 $0x0;
	s8 =	sshrl.u32 s0, $0x1;
	s1 =	smul.u32 $0x14, s5  }
0xc: {  	[smem:$0x7FF] =	sst s4;
	s6 =	sadd.s32 $0xF800, s7;
	v1 =	vor.u32 $0x1, v0;
	v2 =	vadd.s32 $0x2, v0;
	v3 =	vadd.s32 $0x3, v0;
	s0 =	ssub.s32 s0, s8  }
0xd: {  	_ =	strace $0x80000047;
	v4 =	vadd.s32 $0x4, v0;
	v5 =	vadd.s32 $0x5, v0;
	v6 =	vadd.s32 $0x6, v0;
	s9 =	smax.u32 s0, $0x1;
	s1 =	sadd.s32 s1, s7  }
0xe: {  	v7 =	vadd.s32 $0x7, v0;
	v8 =	vadd.s32 $0x8, v0;
	v9 =	vadd.s32 $0x9, v0;
	p0 =	sgt.u32 s5, $0xBD3;
	s7 =	sadd.s32 $0x11200, s7;
	s8 =	sadd.s32 $0x200, s1  }
.LBB2_10:
0xf: {  	s26 =	sadd.s32 $0x1, s26  }
0x10: {  	p1 =	sne.s32 s26, s9  }
.Ltmp1:
0x11: {  	_ = 	snop;
	(pc) =	sbr.rel @!p1 .LBB2_11-.Ltmp1, $4  }
0x12: {  	s0 =	simm.s32 @!p0 $0x4  }
0x13: {  	_ =	swait.ge @!p0 [sflag:s0], $0x800  }
0x14: {  	[sflag:s0] =	ssyncset.done @!p0 $0x0  }
0x15: {  	[sflag:s0] =	ssyncadd.s32 @!p0 $0xFFFFF800  }
.LBB2_1:
0x16: {  	[tilespmem:s10], [sflag:$0x5] =	stream.linear.gather [hbm4b:s6+s4], $0xC350, $0x38;
	[tilespmem:$0x1F940] =	vst v63  }
0x17: {  	_ =	swait.ge [sflag:s11], $0xC350  }
0x18: {  	[sflag:s11] =	ssyncset.done $0x0  }
0x19: {  	s0 =	simm.s32 @p0 $0x0;
	[sflag:s11] =	ssyncadd.s32 $0xFFFF3CB0  }
0x1a: {  	[tilespmem:s0], [sflag:$0x5] =	stream.linear.gather @p0 [hbm4b:s8+s0], $0x3CA0, $0x38;
	[tilespmem:$0x1F940] =	vst v63  }
0x1b: {  	s0 =	simm.s32 @p0 $0x5  }
0x1c: {  	_ =	swait.ge @p0 [sflag:s0], $0x3CA0  }
0x1d: {  	[sflag:s0] =	ssyncset.done @p0 $0x0  }
0x1e: {  	v10 =	vimm.s32 @p0 $0x0;
	[sflag:s0] =	ssyncadd.s32 @p0 $0xFFFFC360  }
0x1f: {  	[tilespmem:$0x3CA0] =	vst @p0 v10  }
0x20: {  	[tilespmem:$0x3CB0] =	vst @p0 v10  }
0x21: {  	[tilespmem:$0x3CC0] =	vst @p0 v10  }
0x22: {  	[tilespmem:$0x3CD0] =	vst @p0 v10  }
0x23: {  	[tilespmem:$0x3CE0] =	vst @p0 v10  }
0x24: {  	[tilespmem:$0x3CF0] =	vst @p0 v10  }
0x25: {  	[tilespmem:$0x3D00] =	vst @p0 v10  }
0x26: {  	[tilespmem:$0x3D10] =	vst @p0 v10  }
0x27: {  	[tilespmem:$0x3D20] =	vst @p0 v10  }
0x28: {  	s0 =	simm.s32 @!p0 $0x0;
	[tilespmem:$0x3D30] =	vst @p0 v10  }
0x29: {  	[tilespmem:s0], [sflag:$0x5] =	stream.linear.gather @!p0 [hbm4b:s8+s0], $0x3D40, $0x38;
	[tilespmem:$0x1F940] =	vst v63  }
0x2a: {  	s0 =	simm.s32 @!p0 $0x5  }
0x2b: {  	_ =	swait.ge @!p0 [sflag:s0], $0x3D40  }
0x2c: {  	[sflag:s0] =	ssyncset.done @!p0 $0x0  }
0x2d: {  	s16 =	simm.s32 $0x1F930;
	[sflag:s0] =	ssyncadd.s32 @!p0 $0xFFFFC2C0  }
0x2e: {  	[tilespmem:s16], [sflag:$0x5] =	stream.linear.gather [hbm4b:s7+s4], $0x10, $0x38;
	[tilespmem:$0x1F940] =	vst v63  }
0x2f: {  	_ =	swait.ge [sflag:s11], $0x10  }
0x30: {  	[sflag:s11] =	ssyncset.done $0x0  }
0x31: {  	s29 =	simm.s32 $0x10090;
	[sflag:s11] =	ssyncadd.s32 $0xFFFFFFF0  }
0x32: {  	v10 =	vld [tilespmem:$0x1F930];
	[tilespmem:s29], [sflag:$0x1] =	stream.indirect.gather [hbm4b:s2+s13], $0x80, s4, s13, $0xb8  }
0x33: {  	s30 =	simm.s32 $0x12890  }
0x34: {  	[tilespmem:s30], [sflag:$0x1] =	stream.indirect.gather [hbm4b:s2+s13], $0x80, s13, s13, $0xb8;
	[tilespmem:$0x1F940] =	vst v63  }
0x35: {  	s31 =	simm.s32 $0xA0  }
0x36: {  	[tilespmem:s17], [sflag:$0x2] =	stream.indirect.gather [hbm4b:s2+s13], $0x80, s31, s13, $0xb8;
	[tilespmem:$0x1F940] =	vst v63  }
0x37: {  	s28 =	simm.s32 $0x0  }
0x38: {  	[tilespmem:s19], [sflag:$0x2] =	stream.indirect.gather [hbm4b:s2+s13], $0x80, s18, s13, $0xb8;
	[tilespmem:$0x1F940] =	vst v63  }
.LBB2_2:
0x39: {  	s0 =	smul.u32 $0x6, s28;
	_ =	sdelay $0x1  }
0x3a: {  	v11 =	vmov s0  }
0x3b: {  	v11 =	vmul.u32 $0x50, v11  }
0x3c: {  	p1 =	seq.s32 s28, $0x20  }
0x3d: {  	s0 =	smul.u32 @!p1 $0x780, s28;
	v11 =	vbroadcast v11, $0x0;
	_ =	sdelay $0x1  }
0x3e: {  	s30 =	sshra.s32 @!p1 s0, $0x2;
	v12 =	vadd.s32 v0, v11  }
0x3f: {  	s1 =	simm.s32 @!p1 $0x50;
	s12 =	simm.s32 @!p1 $0x1A090;
	s0 =	sadd.s32 @!p1 $0x140, s30;
	v13 =	vadd.s32 v1, v11  }
0x40: {  	[tilespmem:s12], [sflag:$0x3] =	stream.indirect.gather @!p1 [hbm4b:s2+s1], $0x80, s0, s1, $0xb8;
	v14 =	vadd.s32 v2, v11;
	[tilespmem:$0x1F940] =	vst v63  }
0x41: {  	s0 =	sadd.s32 @!p1 $0x190, s30;
	s12 =	simm.s32 @!p1 $0x1C890;
	v15 =	vadd.s32 v3, v11  }
0x42: {  	v16 =	vadd.s32 v4, v11;
	[tilespmem:s12], [sflag:$0x3] =	stream.indirect.gather @!p1 [hbm4b:s2+s1], $0x80, s0, s1, $0xb8;
	[tilespmem:$0x1F940] =	vst v63  }
0x43: {  	v17 =	vadd.s32 v5, v11;
	v12 =	vld.idx.msk [tilespmem:v12+s4+$0x0], $0xffff  }
0x44: {  	v18 =	vadd.s32 v6, v11;
	v13 =	vld.idx.msk [tilespmem:v13+s4+$0x0], $0xffff  }
0x45: {  	v19 =	vadd.s32 v7, v11;
	v14 =	vld.idx.msk [tilespmem:v14+s4+$0x0], $0xffff  }
0x46: {  	v20 =	vadd.s32 v8, v11;
	v15 =	vld.idx.msk [tilespmem:v15+s4+$0x0], $0xffff  }
0x47: {  	v11 =	vadd.s32 v9, v11;
	v16 =	vld.idx.msk [tilespmem:v16+s4+$0x0], $0xffff  }
0x48: {  	v17 =	vld.idx.msk [tilespmem:v17+s4+$0x0], $0xffff  }
0x49: {  	v18 =	vld.idx.msk [tilespmem:v18+s4+$0x0], $0xffff  }
0x4a: {  	v19 =	vld.idx.msk [tilespmem:v19+s4+$0x0], $0xffff  }
0x4b: {  	v20 =	vld.idx.msk [tilespmem:v20+s4+$0x0], $0xffff  }
0x4c: {  	v11 =	vld.idx.msk [tilespmem:v11+s4+$0x0], $0xffff  }
0x4d: {  	v12 =	vld.idx.msk [tilespmem:v12+s10+$0x0], $0xffff  }
0x4e: {  	v13 =	vld.idx.msk [tilespmem:v13+s10+$0x0], $0xffff  }
0x4f: {  	v14 =	vld.idx.msk [tilespmem:v14+s10+$0x0], $0xffff  }
0x50: {  	v15 =	vld.idx.msk [tilespmem:v15+s10+$0x0], $0xffff  }
0x51: {  	v16 =	vld.idx.msk [tilespmem:v16+s10+$0x0], $0xffff  }
0x52: {  	v17 =	vld.idx.msk [tilespmem:v17+s10+$0x0], $0xffff  }
0x53: {  	v18 =	vld.idx.msk [tilespmem:v18+s10+$0x0], $0xffff;
	v21 =	vmax.f32 v12, v13  }
0x54: {  	v19 =	vld.idx.msk [tilespmem:v19+s10+$0x0], $0xffff;
	v21 =	vmax.f32 v21, v14  }
0x55: {  	v20 =	vld.idx.msk [tilespmem:v20+s10+$0x0], $0xffff;
	v21 =	vmax.f32 v21, v15  }
0x56: {  	v11 =	vld.idx.msk [tilespmem:v11+s10+$0x0], $0xffff;
	v21 =	vmax.f32 v21, v16  }
0x57: {  	v21 =	vmax.f32 v21, v17  }
0x58: {  	v21 =	vmax.f32 v21, v18  }
0x59: {  	v21 =	vmax.f32 v21, v19  }
0x5a: {  	v21 =	vmax.f32 v21, v20  }
0x5b: {  	v21 =	vmax.f32 v21, v11  }
0x5c: {  	v12 =	vsub.f32 v12, v21  }
0x5d: {  	v13 =	vsub.f32 v13, v21  }
0x5e: {  	v12 =	vmul.f32 $1.442695020e+00, v12  }
0x5f: {  	v14 =	vsub.f32 v14, v21;
	v13 =	vmul.f32 $1.442695020e+00, v13  }
0x60: {  	(erf) = vpow2.f32 v12  }
0x61: {  	v12 =	vmul.f32 $1.442695020e+00, v14;
	(erf) = vpow2.f32 v13;
	v13 =	vsub.f32 v15, v21;
	_ =	sdelay $0x1  }
0x62: {  	(erf) = vpow2.f32 v12;
	v12 =	vmul.f32 $1.442695020e+00, v13;
	v13 =	vsub.f32 v16, v21;
	_ =	sdelay $0x1  }
0x63: {  	(erf) = vpow2.f32 v12;
	v12 =	vmul.f32 $1.442695020e+00, v13;
	v13 =	vsub.f32 v17, v21;
	_ =	sdelay $0x1  }
0x64: {  	(erf) = vpow2.f32 v12;
	v12 =	vmul.f32 $1.442695020e+00, v13;
	v13 =	vsub.f32 v18, v21;
	_ =	sdelay $0x2  }
0x65: {  	v15 =	vpop (erf)  }
0x66: {  	v14 =	vsub.f32 v19, v21;
	(erf) = vpow2.f32 v12;
	v12 =	vmul.f32 $1.442695020e+00, v13;
	v13 =	vpop (erf)  }
0x67: {  	v16 =	vadd.f32 v13, v15  }
0x68: {  	v14 =	vmul.f32 $1.442695020e+00, v14;
	(erf) = vpow2.f32 v12;
	v12 =	vsub.f32 v20, v21  }
0x69: {  	v17 =	vpop (erf)  }
0x6a: {  	(erf) = vpow2.f32 v14;
	v12 =	vmul.f32 $1.442695020e+00, v12;
	v14 =	vadd.f32 v16, v17  }
0x6b: {  	v11 =	vsub.f32 v11, v21;
	v16 =	vpop (erf)  }
0x6c: {  	(erf) = vpow2.f32 v12;
	v12 =	vadd.f32 v14, v16  }
0x6d: {  	v11 =	vmul.f32 $1.442695020e+00, v11  }
0x6e: {  	v14 =	vpop (erf)  }
0x6f: {  	(erf) = vpow2.f32 v11;
	v11 =	vadd.f32 v12, v14  }
0x70: {  	v12 =	vpop (erf)  }
0x71: {  	v11 =	vadd.f32 v11, v12  }
0x72: {  	v18 =	vpop (erf)  }
0x73: {  	v11 =	vadd.f32 v11, v18  }
0x74: {  	v19 =	vpop (erf)  }
0x75: {  	v11 =	vadd.f32 v11, v19  }
0x76: {  	v20 =	vpop (erf)  }
0x77: {  	v11 =	vadd.f32 v11, v20  }
0x78: {  	v21 =	vpop (erf)  }
0x79: {  	v11 =	vadd.f32 v11, v21;
	_ =	sdelay $0x1  }
0x7a: {  	(erf) = vrcp.f32 v11;
	_ =	sdelay $0x8  }
0x7b: {  	v11 =	vpop (erf)  }
0x7c: {  	v11 =	vmul.f32 v11, v10;
	_ =	sdelay $0x1  }
0x7d: {  	v15 =	vmul.f32 v11, v15  }
0x7e: {  	v13 =	vmul.f32 v11, v13  }
0x7f: {  	v14 =	vmul.f32 v11, v14;
	[tilespmem:$0x1F090] =	vst v15  }
0x80: {  	v12 =	vmul.f32 v11, v12;
	[tilespmem:$0x1F0A0] =	vst v13  }
0x81: {  	v13 =	vmul.f32 v11, v16;
	[tilespmem:$0x1F0D0] =	vst v14  }
0x82: {  	v15 =	vmul.f32 v11, v17;
	[tilespmem:$0x1F0E0] =	vst v12  }
0x83: {  	[tilespmem:$0x1F0C0] =	vst v13;
	v13 =	vmul.f32 v11, v18  }
0x84: {  	v12 =	vmul.f32 v11, v19;
	[tilespmem:$0x1F0B0] =	vst v15  }
0x85: {  	[tilespmem:$0x1F0F0] =	vst v13;
	v13 =	vmul.f32 v11, v20  }
0x86: {  	[tilespmem:$0x1F100] =	vst v12;
	v11 =	vmul.f32 v11, v21  }
0x87: {  	p2 =	seq.s32 s28, $0x0;
	[tilespmem:$0x1F110] =	vst v13  }
0x88: {  	s0 =	simm.s32 @!p2 $0x4;
	[tilespmem:$0x1F120] =	vst v11  }
0x89: {  	_ =	swait.ge @!p2 [sflag:s0], $0x800  }
0x8a: {  	[sflag:s0] =	ssyncset.done @!p2 $0x0  }
0x8b: {  	[sflag:s0] =	ssyncadd.s32 @!p2 $0xFFFFF800  }
0x8c: {  	_ =	swait.ge [sflag:s20], $0x5000  }
0x8d: {  	[sflag:s20] =	ssyncset.done $0x0  }
0x8e: {  	s31 =	simm.s32 $0x10310;
	[sflag:s20] =	ssyncadd.s32 $0xFFFFB000  }
0x8f: {  	s15 =	simm.s32 $0x0;
	v14 =	vld [tilespmem:s31+$0xFFFFFD80]  }
0x90: {  	v11 =	vmov s15;
	v17 =	vld [tilespmem:s31+$0xFFFFFE00]  }
0x91: {  	v20 =	vand.u32 $0xF, v11;
	v21 =	vld [tilespmem:s31+$0xFFFFFE80]  }
0x92: {  	v12 =	vor.u32 $0x10, v20;
	v22 =	vld [tilespmem:s31+$0xFFFFFF00]  }
0x93: {  	v13 =	vor.u32 $0x20, v20;
	v23 =	vld [tilespmem:s31+$0xFFFFFF80]  }
0x94: {  	v16 =	vor.u32 $0x30, v20;
	v24 =	vld [tilespmem:s31+$0x0]  }
0x95: {  	v18 =	vor.u32 $0x40, v20;
	v25 =	vld [tilespmem:s31+$0x80]  }
0x96: {  	v19 =	vor.u32 $0x50, v20;
	v11 =	vld.idx.msk [tilespmem:v11+s21+$0x0], $0xffff  }
0x97: {  	v26 =	vor.u32 $0x60, v20;
	v12 =	vld.idx.msk [tilespmem:v12+s21+$0x0], $0xffff  }
0x98: {  	v27 =	vor.u32 $0x70, v20;
	v15 =	vld.idx.msk [tilespmem:v13+s21+$0x0], $0xffff  }
0x99: {  	v16 =	vld.idx.msk [tilespmem:v16+s21+$0x0], $0xffff  }
0x9a: {  	v13 =	vld.idx.msk [tilespmem:v18+s21+$0x0], $0xffff  }
0x9b: {  	v19 =	vld.idx.msk [tilespmem:v19+s21+$0x0], $0xffff  }
0x9c: {  	v28 =	vor.u32 $0x80, v20;
	v18 =	vld.idx.msk [tilespmem:v26+s21+$0x0], $0xffff  }
0x9d: {  	v26 =	vor.u32 $0x90, v20;
	v20 =	vld.idx.msk [tilespmem:v27+s21+$0x0], $0xffff  }
0x9e: {  	v27 =	vld [tilespmem:s31+$0x100]  }
0x9f: {  	v29 =	vld [tilespmem:s31+$0x180]  }
0xa0: {  	v30 =	vld [tilespmem:s31+$0x200];
	v31 =	vmul.f32 v14, v11;
	v32 =	vmul.f32 v17, v12  }
0xa1: {  	v17 =	vld.idx.msk [tilespmem:v28+s21+$0x0], $0xffff;
	v21 =	vmul.f32 v21, v15;
	v22 =	vmul.f32 v22, v16  }
0xa2: {  	v14 =	vld.idx.msk [tilespmem:v26+s21+$0x0], $0xffff;
	v23 =	vmul.f32 v23, v13;
	v24 =	vmul.f32 v24, v19  }
0xa3: {  	v25 =	vmul.f32 v25, v18;
	v26 =	vmul.f32 v27, v20  }
0xa4: {  	v27 =	vadd.f32 v32, v31;
	v21 =	vadd.f32 v22, v21  }
0xa5: {  	v22 =	vadd.f32 v24, v23;
	v23 =	vadd.f32 v26, v25  }
0xa6: {  	v21 =	vadd.f32 v21, v27  }
0xa7: {  	v22 =	vadd.f32 v23, v22;
	v24 =	vmul.f32 v29, v17;
	v25 =	vmul.f32 v30, v14;
	_ =	sdelay $0x1  }
0xa8: {  	v21 =	vadd.f32 v22, v21;
	v23 =	vadd.f32 v25, v24;
	_ =	sdelay $0x1  }
0xa9: {  	v21 =	vadd.f32 v23, v21;
	_ =	sdelay $0x1  }
0xaa: {  	s1 =	simm.s32 $0x1F170;
	v21 =	vmax.f32 v21, $0.0e+00  }
0xab: {  	[tilespmem:s1+$0xFFFFFFC0] =	vst v21  }
0xac: {  	v21 =	vld [tilespmem:s31+$0xFFFFFD90]  }
0xad: {  	v22 =	vld [tilespmem:s31+$0xFFFFFE10]  }
0xae: {  	v23 =	vld [tilespmem:s31+$0xFFFFFE90]  }
0xaf: {  	v24 =	vld [tilespmem:s31+$0xFFFFFF10]  }
0xb0: {  	v25 =	vld [tilespmem:s31+$0xFFFFFF90]  }
0xb1: {  	v26 =	vld [tilespmem:s31+$0x10]  }
0xb2: {  	v27 =	vld [tilespmem:s31+$0x90]  }
0xb3: {  	v28 =	vld [tilespmem:s31+$0x110];
	_ =	sdelay $0x1  }
0xb4: {  	v21 =	vmul.f32 v21, v11;
	v22 =	vmul.f32 v22, v12  }
0xb5: {  	v29 =	vld [tilespmem:s31+$0x190];
	v23 =	vmul.f32 v23, v15;
	v24 =	vmul.f32 v24, v16  }
0xb6: {  	v30 =	vld [tilespmem:s31+$0x210];
	v25 =	vmul.f32 v25, v13;
	v26 =	vmul.f32 v26, v19  }
0xb7: {  	v27 =	vmul.f32 v27, v18;
	v28 =	vmul.f32 v28, v20  }
0xb8: {  	v21 =	vadd.f32 v22, v21;
	v22 =	vadd.f32 v24, v23  }
0xb9: {  	v23 =	vadd.f32 v26, v25;
	v24 =	vadd.f32 v28, v27  }
0xba: {  	v25 =	vmul.f32 v29, v17  }
0xbb: {  	v26 =	vmul.f32 v30, v14;
	v21 =	vadd.f32 v22, v21;
	v22 =	vadd.f32 v24, v23;
	_ =	sdelay $0x1  }
0xbc: {  	v23 =	vadd.f32 v26, v25;
	v21 =	vadd.f32 v22, v21;
	_ =	sdelay $0x1  }
0xbd: {  	v21 =	vadd.f32 v23, v21;
	_ =	sdelay $0x1  }
0xbe: {  	v21 =	vmax.f32 v21, $0.0e+00  }
0xbf: {  	[tilespmem:s1+$0xFFFFFFD0] =	vst v21  }
0xc0: {  	v21 =	vld [tilespmem:s31+$0xFFFFFDA0]  }
0xc1: {  	v22 =	vld [tilespmem:s31+$0xFFFFFE20]  }
0xc2: {  	v23 =	vld [tilespmem:s31+$0xFFFFFEA0]  }
0xc3: {  	v24 =	vld [tilespmem:s31+$0xFFFFFF20]  }
0xc4: {  	v25 =	vld [tilespmem:s31+$0xFFFFFFA0]  }
0xc5: {  	v26 =	vld [tilespmem:s31+$0x20]  }
0xc6: {  	v27 =	vld [tilespmem:s31+$0xA0]  }
0xc7: {  	v28 =	vld [tilespmem:s31+$0x120];
	_ =	sdelay $0x1  }
0xc8: {  	v21 =	vmul.f32 v21, v11;
	v22 =	vmul.f32 v22, v12  }
0xc9: {  	v29 =	vld [tilespmem:s31+$0x1A0];
	v23 =	vmul.f32 v23, v15;
	v24 =	vmul.f32 v24, v16  }
0xca: {  	v30 =	vld [tilespmem:s31+$0x220];
	v25 =	vmul.f32 v25, v13;
	v26 =	vmul.f32 v26, v19  }
0xcb: {  	v27 =	vmul.f32 v27, v18;
	v28 =	vmul.f32 v28, v20  }
0xcc: {  	v21 =	vadd.f32 v22, v21;
	v22 =	vadd.f32 v24, v23  }
0xcd: {  	v23 =	vadd.f32 v26, v25;
	v24 =	vadd.f32 v28, v27  }
0xce: {  	v25 =	vmul.f32 v29, v17  }
0xcf: {  	v26 =	vmul.f32 v30, v14;
	v21 =	vadd.f32 v22, v21;
	v22 =	vadd.f32 v24, v23  }
0xd0: {  	s14 =	simm.s32 $0x10810  }
0xd1: {  	v60 =	vld [tilespmem:s14+$0x200];
	v23 =	vadd.f32 v26, v25;
	v21 =	vadd.f32 v22, v21  }
0xd2: {  	v33 =	vld [tilespmem:s14+$0xFFFFFD80]  }
0xd3: {  	v34 =	vld [tilespmem:s14+$0xFFFFFE00];
	v21 =	vadd.f32 v23, v21  }
0xd4: {  	v35 =	vld [tilespmem:s14+$0xFFFFFE80]  }
0xd5: {  	v36 =	vld [tilespmem:s14+$0xFFFFFF00];
	v21 =	vmax.f32 v21, $0.0e+00  }
0xd6: {  	v37 =	vld [tilespmem:s14+$0xFFFFFF80];
	[tilespmem:s1+$0xFFFFFFE0] =	vst v21  }
0xd7: {  	v21 =	vld [tilespmem:s31+$0xFFFFFDB0]  }
0xd8: {  	v22 =	vld [tilespmem:s31+$0xFFFFFE30]  }
0xd9: {  	v23 =	vld [tilespmem:s31+$0xFFFFFEB0]  }
0xda: {  	v24 =	vld [tilespmem:s31+$0xFFFFFF30]  }
0xdb: {  	v25 =	vld [tilespmem:s31+$0xFFFFFFB0]  }
0xdc: {  	v26 =	vld [tilespmem:s31+$0x30]  }
0xdd: {  	v27 =	vld [tilespmem:s31+$0xB0]  }
0xde: {  	s16 =	simm.s32 $0x1;
	v29 =	vld [tilespmem:s31+$0x130]  }
0xdf: {  	v43 =	vld [tilespmem:s14+$0x0];
	v28 =	vmov s16  }
0xe0: {  	v45 =	vld [tilespmem:s14+$0x80];
	v38 =	vand.u32 $0xF, v28;
	v21 =	vmul.f32 v21, v11;
	v22 =	vmul.f32 v22, v12  }
0xe1: {  	v30 =	vor.u32 $0x10, v38;
	v39 =	vld [tilespmem:s31+$0x1B0];
	v23 =	vmul.f32 v23, v15;
	v24 =	vmul.f32 v24, v16  }
0xe2: {  	v40 =	vor.u32 $0x20, v38;
	v41 =	vld [tilespmem:s31+$0x230];
	v25 =	vmul.f32 v25, v13;
	v26 =	vmul.f32 v26, v19  }
0xe3: {  	v63 =	vld [tilespmem:s14+$0x100];
	v42 =	vor.u32 $0x30, v38;
	v27 =	vmul.f32 v27, v18;
	v29 =	vmul.f32 v29, v20  }
0xe4: {  	v31 =	vld [tilespmem:s14+$0x180];
	v44 =	vor.u32 $0x40, v38;
	v21 =	vadd.f32 v22, v21;
	v22 =	vadd.f32 v24, v23  }
0xe5: {  	v46 =	vor.u32 $0x50, v38;
	v23 =	vld.idx.msk [tilespmem:v28+s21+$0x0], $0xffff;
	v28 =	vadd.f32 v26, v25;
	v27 =	vadd.f32 v29, v27  }
0xe6: {  	v47 =	vor.u32 $0x70, v38;
	v39 =	vmul.f32 v39, v17;
	v24 =	vor.u32 $0x60, v38;
	v25 =	vld.idx.msk [tilespmem:v30+s21+$0x0], $0xffff  }
0xe7: {  	v61 =	vmul.f32 v41, v14;
	v26 =	vld.idx.msk [tilespmem:v40+s21+$0x0], $0xffff;
	v21 =	vadd.f32 v22, v21;
	v22 =	vadd.f32 v27, v28  }
0xe8: {  	v62 =	vor.u32 $0x80, v38;
	v30 =	vld.idx.msk [tilespmem:v42+s21+$0x0], $0xffff  }
0xe9: {  	v29 =	vld.idx.msk [tilespmem:v44+s21+$0x0], $0xffff;
	v39 =	vadd.f32 v61, v39;
	v38 =	vor.u32 $0x90, v38;
	v21 =	vadd.f32 v22, v21  }
0xea: {  	v28 =	vld.idx.msk [tilespmem:v46+s21+$0x0], $0xffff  }
0xeb: {  	v27 =	vld.idx.msk [tilespmem:v24+s21+$0x0], $0xffff;
	v22 =	vadd.f32 v39, v21  }
0xec: {  	v24 =	vld.idx.msk [tilespmem:v47+s21+$0x0], $0xffff  }
0xed: {  	v21 =	vld.idx.msk [tilespmem:v62+s21+$0x0], $0xffff;
	v44 =	vmax.f32 v22, $0.0e+00  }
0xee: {  	v33 =	vmul.f32 v33, v23;
	v34 =	vmul.f32 v34, v25;
	v22 =	vld.idx.msk [tilespmem:v38+s21+$0x0], $0xffff;
	[tilespmem:s1+$0xFFFFFFF0] =	vst v44  }
0xef: {  	v35 =	vmul.f32 v35, v26;
	v36 =	vmul.f32 v36, v30;
	v46 =	vld [tilespmem:s31+$0xFFFFFDC0]  }
0xf0: {  	v37 =	vmul.f32 v37, v29;
	v47 =	vmul.f32 v43, v28;
	v48 =	vld [tilespmem:s31+$0xFFFFFE40]  }
0xf1: {  	v49 =	vmul.f32 v45, v27;
	v39 =	vmul.f32 v63, v24;
	v50 =	vld [tilespmem:s31+$0xFFFFFEC0]  }
0xf2: {  	v33 =	vadd.f32 v34, v33;
	v51 =	vadd.f32 v36, v35;
	v52 =	vld [tilespmem:s31+$0xFFFFFF40]  }
0xf3: {  	v53 =	vadd.f32 v47, v37;
	v55 =	vld [tilespmem:s31+$0xFFFFFFC0];
	v54 =	vadd.f32 v39, v49  }
0xf4: {  	v33 =	vadd.f32 v51, v33;
	v56 =	vld [tilespmem:s31+$0x40]  }
0xf5: {  	v58 =	vld [tilespmem:s31+$0xC0];
	v31 =	vmul.f32 v31, v21;
	v32 =	vmul.f32 v60, v22;
	v57 =	vadd.f32 v54, v53  }
0xf6: {  	v59 =	vld [tilespmem:s31+$0x140]  }
0xf7: {  	v31 =	vadd.f32 v32, v31;
	v60 =	vadd.f32 v57, v33  }
0xf8: {  	v61 =	vmul.f32 v46, v11;
	v62 =	vmul.f32 v48, v12  }
0xf9: {  	v44 =	vld [tilespmem:s31+$0x1C0];
	v63 =	vmul.f32 v50, v15;
	v35 =	vmul.f32 v52, v16;
	v31 =	vadd.f32 v31, v60  }
0xfa: {  	v45 =	vld [tilespmem:s31+$0x240];
	v39 =	vmul.f32 v55, v13;
	v40 =	vmul.f32 v56, v19  }
0xfb: {  	s0 =	simm.s32 $0x1F1F0;
	v36 =	vmul.f32 v58, v18;
	v37 =	vmul.f32 v59, v20;
	v31 =	vmax.f32 v31, $0.0e+00  }
0xfc: {  	v32 =	vadd.f32 v35, v63;
	v47 =	vadd.f32 v40, v39;
	[tilespmem:s0+$0xFFFFFFC0] =	vst v31  }
0xfd: {  	v48 =	vadd.f32 v37, v36;
	v31 =	vadd.f32 v62, v61;
	v46 =	vld [tilespmem:s14+$0xFFFFFD90]  }
0xfe: {  	v50 =	vmul.f32 v44, v17;
	v49 =	vld [tilespmem:s14+$0xFFFFFE10]  }
0xff: {  	v52 =	vmul.f32 v45, v14;
	v53 =	vadd.f32 v48, v47;
	v51 =	vld [tilespmem:s14+$0xFFFFFE90];
	v31 =	vadd.f32 v32, v31  }
0x100: {  	v54 =	vld [tilespmem:s14+$0xFFFFFF10]  }
0x101: {  	v37 =	vadd.f32 v52, v50;
	v55 =	vld [tilespmem:s14+$0xFFFFFF90];
	v31 =	vadd.f32 v53, v31  }
0x102: {  	v56 =	vld [tilespmem:s14+$0x10]  }
0x103: {  	v57 =	vld [tilespmem:s14+$0x90];
	v31 =	vadd.f32 v37, v31  }
0x104: {  	v58 =	vld [tilespmem:s14+$0x110]  }
0x105: {  	v59 =	vld [tilespmem:s14+$0x190];
	v31 =	vmax.f32 v31, $0.0e+00  }
0x106: {  	v60 =	vld [tilespmem:s14+$0x210];
	v33 =	vmul.f32 v46, v23;
	v36 =	vmul.f32 v49, v25;
	[tilespmem:s1+$0x0] =	vst v31  }
0x107: {  	v34 =	vmul.f32 v54, v30;
	v35 =	vmul.f32 v55, v29;
	v61 =	vld [tilespmem:s31+$0xFFFFFDD0]  }
0x108: {  	v32 =	vmul.f32 v56, v28;
	v39 =	vmul.f32 v57, v27;
	v62 =	vld [tilespmem:s31+$0xFFFFFE50]  }
0x109: {  	v37 =	vmul.f32 v58, v24;
	v31 =	vmul.f32 v51, v26;
	v63 =	vld [tilespmem:s31+$0xFFFFFED0]  }
0x10a: {  	v33 =	vadd.f32 v36, v33;
	v32 =	vadd.f32 v32, v35;
	v45 =	vld [tilespmem:s31+$0xFFFFFF50]  }
0x10b: {  	v46 =	vadd.f32 v37, v39;
	v47 =	vld [tilespmem:s31+$0xFFFFFFD0];
	v31 =	vadd.f32 v34, v31  }
0x10c: {  	v48 =	vmul.f32 v59, v21;
	v49 =	vld [tilespmem:s31+$0x50]  }
0x10d: {  	v50 =	vmul.f32 v60, v22;
	v32 =	vadd.f32 v46, v32;
	v51 =	vld [tilespmem:s31+$0xD0];
	v31 =	vadd.f32 v31, v33  }
0x10e: {  	v52 =	vld [tilespmem:s31+$0x150]  }
0x10f: {  	v37 =	vadd.f32 v50, v48;
	v31 =	vadd.f32 v32, v31  }
0x110: {  	v53 =	vmul.f32 v61, v11;
	v54 =	vmul.f32 v62, v12  }
0x111: {  	v56 =	vld [tilespmem:s31+$0x1D0];
	v55 =	vmul.f32 v63, v15;
	v34 =	vmul.f32 v45, v16;
	v31 =	vadd.f32 v37, v31  }
0x112: {  	v57 =	vld [tilespmem:s31+$0x250];
	v36 =	vmul.f32 v47, v13;
	v39 =	vmul.f32 v49, v19  }
0x113: {  	v33 =	vmul.f32 v51, v18;
	v35 =	vmul.f32 v52, v20;
	v31 =	vmax.f32 v31, $0.0e+00  }
0x114: {  	v38 =	vadd.f32 v54, v53;
	v34 =	vadd.f32 v34, v55;
	[tilespmem:s0+$0xFFFFFFD0] =	vst v31  }
0x115: {  	v36 =	vadd.f32 v39, v36;
	v33 =	vadd.f32 v35, v33;
	v31 =	vld [tilespmem:s14+$0x1A0]  }
0x116: {  	v58 =	vmul.f32 v56, v17;
	v32 =	vld [tilespmem:s14+$0x220]  }
0x117: {  	v60 =	vmul.f32 v57, v14;
	v34 =	vadd.f32 v34, v38;
	v33 =	vadd.f32 v33, v36;
	v59 =	vld [tilespmem:s14+$0xFFFFFDA0]  }
0x118: {  	v61 =	vld [tilespmem:s14+$0xFFFFFE20]  }
0x119: {  	v35 =	vadd.f32 v60, v58;
	v62 =	vld [tilespmem:s14+$0xFFFFFEA0];
	v33 =	vadd.f32 v33, v34  }
0x11a: {  	v63 =	vld [tilespmem:s14+$0xFFFFFF20]  }
0x11b: {  	v36 =	vld [tilespmem:s14+$0xFFFFFFA0];
	v33 =	vadd.f32 v35, v33  }
0x11c: {  	v38 =	vld [tilespmem:s14+$0x20]  }
0x11d: {  	v37 =	vld [tilespmem:s14+$0xA0];
	v33 =	vmax.f32 v33, $0.0e+00  }
0x11e: {  	v39 =	vld [tilespmem:s14+$0x120];
	[tilespmem:s1+$0x10] =	vst v33  }
0x11f: {  	v33 =	vld [tilespmem:s31+$0xFFFFFDE0]  }
0x120: {  	v40 =	vmul.f32 v59, v23;
	v41 =	vmul.f32 v61, v25;
	v34 =	vld [tilespmem:s31+$0xFFFFFE60]  }
0x121: {  	s29 =	smul.u32 $0x3, s28;
	s12 =	simm.s32 $0x10810;
	s15 =	simm.s32 $0x2;
	v42 =	vmul.f32 v62, v26;
	v43 =	vmul.f32 v63, v30;
	v35 =	vld [tilespmem:s31+$0xFFFFFEE0]  }
.LBB2_3:
0x122: {  	p2 =	sne.s32 s15, $0xF;
	v36 =	vmul.f32 v36, v29;
	v38 =	vmul.f32 v38, v28;
	v44 =	vld [tilespmem:s31+$0xFFFFFF60]  }
0x123: {  	v37 =	vmul.f32 v37, v27;
	v39 =	vmul.f32 v39, v24;
	v45 =	vld [tilespmem:s31+$0xFFFFFFE0]  }
0x124: {  	v40 =	vadd.f32 v41, v40;
	v41 =	vadd.f32 v43, v42;
	v42 =	vld [tilespmem:s31+$0x60]  }
0x125: {  	v36 =	vadd.f32 v38, v36;
	v37 =	vadd.f32 v39, v37;
	v38 =	vld [tilespmem:s31+$0xE0]  }
0x126: {  	s14 =	sadd.s32 $0x500, s14;
	v43 =	vmul.f32 v32, v22;
	v39 =	vmul.f32 v31, v21;
	v46 =	vld [tilespmem:s31+$0x160]  }
0x127: {  	v40 =	vadd.f32 v41, v40;
	v31 =	vld [tilespmem:s14+$0x180];
	v36 =	vadd.f32 v37, v36  }
0x128: {  	v41 =	vmul.f32 v34, v12;
	v37 =	vadd.f32 v43, v39;
	v39 =	vmul.f32 v33, v11;
	v32 =	vld [tilespmem:s14+$0x200]  }
0x129: {  	v35 =	vmul.f32 v35, v15;
	v34 =	vadd.f32 v36, v40;
	v36 =	vmul.f32 v44, v16;
	v40 =	vld [tilespmem:s31+$0x1E0]  }
0x12a: {  	v43 =	vmul.f32 v45, v13;
	v42 =	vmul.f32 v42, v19;
	v44 =	vld [tilespmem:s31+$0x260]  }
0x12b: {  	v38 =	vmul.f32 v38, v18;
	v33 =	vld [tilespmem:s14+$0xFFFFFD80];
	v37 =	vadd.f32 v37, v34;
	v45 =	vmul.f32 v46, v20  }
0x12c: {  	v39 =	vadd.f32 v41, v39;
	v41 =	vadd.f32 v36, v35;
	v34 =	vld [tilespmem:s14+$0xFFFFFE00]  }
0x12d: {  	v42 =	vadd.f32 v42, v43;
	v35 =	vld [tilespmem:s14+$0xFFFFFE80];
	v38 =	vadd.f32 v45, v38  }
0x12e: {  	v43 =	vmax.f32 v37, $0.0e+00;
	v36 =	vld [tilespmem:s14+$0xFFFFFF00];
	v40 =	vmul.f32 v40, v17  }
0x12f: {  	v39 =	vadd.f32 v41, v39;
	v37 =	vld [tilespmem:s14+$0xFFFFFF80];
	[tilespmem:s0+$0xFFFFFFE0] =	vst v43;
	v43 =	vmul.f32 v44, v14;
	v38 =	vadd.f32 v38, v42  }
0x130: {  	v41 =	vld [tilespmem:s12+$0xFFFFFDB0]  }
0x131: {  	v42 =	vld [tilespmem:s12+$0xFFFFFE30];
	v40 =	vadd.f32 v43, v40;
	v38 =	vadd.f32 v38, v39  }
0x132: {  	v39 =	vld [tilespmem:s12+$0xFFFFFEB0]  }
0x133: {  	v43 =	vld [tilespmem:s12+$0xFFFFFF30];
	v38 =	vadd.f32 v40, v38  }
0x134: {  	v40 =	vld [tilespmem:s12+$0xFFFFFFB0]  }
0x135: {  	v44 =	vld [tilespmem:s12+$0x30];
	v38 =	vmax.f32 v38, $0.0e+00  }
0x136: {  	v45 =	vld [tilespmem:s12+$0xB0];
	[tilespmem:s1+$0x20] =	vst v38  }
0x137: {  	v38 =	vld [tilespmem:s31+$0xFFFFFDF0]  }
0x138: {  	v46 =	vld [tilespmem:s31+$0xFFFFFE70]  }
0x139: {  	v47 =	vld [tilespmem:s31+$0xFFFFFEF0]  }
0x13a: {  	v48 =	vmov s15;
	v49 =	vld [tilespmem:s31+$0xFFFFFF70]  }
0x13b: {  	v50 =	vand.u32 $0xF, v48;
	v51 =	vld [tilespmem:s31+$0xFFFFFFF0]  }
0x13c: {  	v52 =	vor.u32 $0x10, v50;
	v53 =	vor.u32 $0x20, v50;
	v41 =	vmul.f32 v41, v23;
	v54 =	vld [tilespmem:s31+$0x70]  }
0x13d: {  	v55 =	vor.u32 $0x30, v50;
	v42 =	vmul.f32 v42, v25;
	v39 =	vmul.f32 v39, v26;
	v56 =	vld [tilespmem:s31+$0xF0]  }
0x13e: {  	v57 =	vor.u32 $0x40, v50;
	v43 =	vmul.f32 v43, v30;
	v40 =	vmul.f32 v40, v29;
	v58 =	vld [tilespmem:s31+$0x170]  }
0x13f: {  	v59 =	vor.u32 $0x50, v50;
	v44 =	vmul.f32 v44, v28;
	v45 =	vmul.f32 v45, v27;
	v60 =	vld [tilespmem:s12+$0x130]  }
0x140: {  	v61 =	vor.u32 $0x60, v50;
	v38 =	vmul.f32 v38, v11;
	v11 =	vmovc v23;
	v46 =	vmul.f32 v46, v12;
	v12 =	vmovc v25;
	v62 =	vld [tilespmem:s12+$0x1B0]  }
0x141: {  	v63 =	vor.u32 $0x70, v50;
	v23 =	vmul.f32 v47, v15;
	v15 =	vmovc v26;
	v25 =	vmul.f32 v49, v16;
	v16 =	vmovc v30;
	v47 =	vld [tilespmem:s31+$0x1F0]  }
0x142: {  	v30 =	vadd.f32 v42, v41;
	v26 =	vmul.f32 v51, v13;
	v13 =	vmovc v29;
	v41 =	vmul.f32 v54, v19;
	v42 =	vld [tilespmem:s31+$0x270];
	s31 =	smov.u32 s12;
	s12 =	smov.u32 s14  }
0x143: {  	v39 =	vadd.f32 v43, v39;
	v19 =	vmovc v28;
	v43 =	vmul.f32 v56, v18;
	v29 =	vld [tilespmem:s31+$0x230];
	v54 =	vmul.f32 v58, v20  }
0x144: {  	v38 =	vadd.f32 v46, v38;
	v46 =	vadd.f32 v25, v23;
	v18 =	vmovc v27;
	v49 =	vld [tilespmem:s14+$0x0];
	v28 =	vmul.f32 v60, v24  }
0x145: {  	v26 =	vadd.f32 v41, v26;
	v20 =	vmovc v24;
	v51 =	vld [tilespmem:s14+$0x80];
	v27 =	vmul.f32 v62, v21;
	v41 =	vadd.f32 v54, v43  }
0x146: {  	v24 =	vadd.f32 v44, v40;
	v23 =	vld.idx.msk [tilespmem:v48+s21+$0x0], $0xffff;
	v28 =	vadd.f32 v28, v45;
	v43 =	vmul.f32 v47, v17  }
0x147: {  	v38 =	vadd.f32 v46, v38;
	v25 =	vld.idx.msk [tilespmem:v52+s21+$0x0], $0xffff;
	v44 =	vmul.f32 v42, v14;
	v40 =	vadd.f32 v41, v26  }
0x148: {  	v39 =	vadd.f32 v39, v30;
	v26 =	vld.idx.msk [tilespmem:v53+s21+$0x0], $0xffff;
	v41 =	vmul.f32 v29, v22;
	v24 =	vadd.f32 v28, v24  }
0x149: {  	v17 =	vmovc v21;
	v14 =	vmov v22;
	v30 =	vld.idx.msk [tilespmem:v55+s21+$0x0], $0xffff;
	v42 =	vadd.f32 v44, v43;
	v38 =	vadd.f32 v40, v38  }
0x14a: {  	v21 =	vor.u32 $0x80, v50;
	v29 =	vld.idx.msk [tilespmem:v57+s21+$0x0], $0xffff;
	v22 =	vadd.f32 v41, v27  }
0x14b: {  	v40 =	vor.u32 $0x90, v50;
	v39 =	vadd.f32 v24, v39;
	v28 =	vld.idx.msk [tilespmem:v59+s21+$0x0], $0xffff;
	v38 =	vadd.f32 v42, v38  }
0x14c: {  	v27 =	vld.idx.msk [tilespmem:v61+s21+$0x0], $0xffff  }
0x14d: {  	v22 =	vadd.f32 v22, v39;
	v24 =	vld.idx.msk [tilespmem:v63+s21+$0x0], $0xffff;
	v38 =	vmax.f32 v38, $0.0e+00  }
0x14e: {  	v39 =	vld [tilespmem:s14+$0x100];
	[tilespmem:s1+$0x30] =	vst v38;
	s1 =	smov.u32 s0  }
0x14f: {  	v38 =	vmax.f32 v22, $0.0e+00;
	v21 =	vld.idx.msk [tilespmem:v21+s21+$0x0], $0xffff  }
0x150: {  	v33 =	vmul.f32 v33, v23;
	v34 =	vmul.f32 v34, v25;
	v22 =	vld.idx.msk [tilespmem:v40+s21+$0x0], $0xffff;
	[tilespmem:s0+$0xFFFFFFF0] =	vst v38  }
0x151: {  	v35 =	vmul.f32 v35, v26;
	v36 =	vmul.f32 v36, v30;
	v38 =	vld [tilespmem:s31+$0xFFFFFDC0]  }
0x152: {  	v37 =	vmul.f32 v37, v29;
	v40 =	vmul.f32 v49, v28;
	v41 =	vld [tilespmem:s31+$0xFFFFFE40]  }
0x153: {  	v42 =	vmul.f32 v51, v27;
	v39 =	vmul.f32 v39, v24;
	v43 =	vld [tilespmem:s31+$0xFFFFFEC0]  }
0x154: {  	v33 =	vadd.f32 v34, v33;
	v34 =	vadd.f32 v36, v35;
	v35 =	vld [tilespmem:s31+$0xFFFFFF40]  }
0x155: {  	v36 =	vadd.f32 v40, v37;
	v37 =	vadd.f32 v39, v42;
	v39 =	vld [tilespmem:s31+$0xFFFFFFC0]  }
0x156: {  	v31 =	vmul.f32 v31, v21;
	v40 =	vld [tilespmem:s31+$0x40]  }
0x157: {  	v33 =	vadd.f32 v34, v33;
	v32 =	vmul.f32 v32, v22;
	v34 =	vadd.f32 v37, v36;
	v36 =	vld [tilespmem:s31+$0xC0]  }
0x158: {  	v37 =	vld [tilespmem:s31+$0x140]  }
0x159: {  	v31 =	vadd.f32 v32, v31;
	v32 =	vadd.f32 v34, v33  }
0x15a: {  	v33 =	vmul.f32 v38, v11;
	v34 =	vmul.f32 v41, v12  }
0x15b: {  	v35 =	vmul.f32 v35, v16;
	v31 =	vadd.f32 v31, v32;
	v32 =	vmul.f32 v43, v15;
	v38 =	vld [tilespmem:s31+$0x1C0]  }
0x15c: {  	v39 =	vmul.f32 v39, v13;
	v40 =	vmul.f32 v40, v19;
	v41 =	vld [tilespmem:s31+$0x240]  }
0x15d: {  	s0 =	sadd.s32 $0x80, s0;
	v36 =	vmul.f32 v36, v18;
	v31 =	vmax.f32 v31, $0.0e+00;
	v37 =	vmul.f32 v37, v20  }
0x15e: {  	v32 =	vadd.f32 v35, v32;
	[tilespmem:s0+$0xFFFFFFC0] =	vst v31;
	v31 =	vadd.f32 v34, v33  }
0x15f: {  	v34 =	vadd.f32 v40, v39;
	v33 =	vld [tilespmem:s14+$0xFFFFFD90];
	v35 =	vadd.f32 v37, v36  }
0x160: {  	v36 =	vld [tilespmem:s14+$0xFFFFFE10];
	v37 =	vmul.f32 v38, v17  }
0x161: {  	v31 =	vadd.f32 v32, v31;
	v38 =	vld [tilespmem:s14+$0xFFFFFE90];
	v39 =	vmul.f32 v41, v14;
	v32 =	vadd.f32 v35, v34  }
0x162: {  	v34 =	vld [tilespmem:s14+$0xFFFFFF10]  }
0x163: {  	v35 =	vld [tilespmem:s14+$0xFFFFFF90];
	v37 =	vadd.f32 v39, v37;
	v31 =	vadd.f32 v32, v31  }
0x164: {  	v32 =	vld [tilespmem:s14+$0x10]  }
0x165: {  	v39 =	vld [tilespmem:s14+$0x90];
	v31 =	vadd.f32 v37, v31  }
0x166: {  	v37 =	vld [tilespmem:s14+$0x110]  }
0x167: {  	v40 =	vld [tilespmem:s14+$0x190];
	v31 =	vmax.f32 v31, $0.0e+00  }
0x168: {  	v33 =	vmul.f32 v33, v23;
	v36 =	vmul.f32 v36, v25;
	v41 =	vld [tilespmem:s14+$0x210];
	[tilespmem:s1+$0x0] =	vst v31  }
0x169: {  	v34 =	vmul.f32 v34, v30;
	v31 =	vmul.f32 v38, v26;
	v38 =	vld [tilespmem:s31+$0xFFFFFDD0]  }
0x16a: {  	v35 =	vmul.f32 v35, v29;
	v32 =	vmul.f32 v32, v28;
	v42 =	vld [tilespmem:s31+$0xFFFFFE50]  }
0x16b: {  	v39 =	vmul.f32 v39, v27;
	v37 =	vmul.f32 v37, v24;
	v43 =	vld [tilespmem:s31+$0xFFFFFED0]  }
0x16c: {  	v33 =	vadd.f32 v36, v33;
	v31 =	vadd.f32 v34, v31;
	v34 =	vld [tilespmem:s31+$0xFFFFFF50]  }
0x16d: {  	v32 =	vadd.f32 v32, v35;
	v35 =	vadd.f32 v37, v39;
	v36 =	vld [tilespmem:s31+$0xFFFFFFD0]  }
0x16e: {  	v37 =	vmul.f32 v40, v21;
	v39 =	vld [tilespmem:s31+$0x50]  }
0x16f: {  	v31 =	vadd.f32 v31, v33;
	v40 =	vmul.f32 v41, v22;
	v32 =	vadd.f32 v35, v32;
	v33 =	vld [tilespmem:s31+$0xD0]  }
0x170: {  	v35 =	vld [tilespmem:s31+$0x150]  }
0x171: {  	v37 =	vadd.f32 v40, v37;
	v31 =	vadd.f32 v32, v31  }
0x172: {  	v32 =	vmul.f32 v38, v11;
	v38 =	vmul.f32 v42, v12  }
0x173: {  	v34 =	vmul.f32 v34, v16;
	v31 =	vadd.f32 v37, v31;
	v37 =	vmul.f32 v43, v15;
	v40 =	vld [tilespmem:s31+$0x1D0]  }
0x174: {  	v36 =	vmul.f32 v36, v13;
	v39 =	vmul.f32 v39, v19;
	v41 =	vld [tilespmem:s31+$0x250]  }
0x175: {  	v33 =	vmul.f32 v33, v18;
	v31 =	vmax.f32 v31, $0.0e+00;
	v35 =	vmul.f32 v35, v20  }
0x176: {  	v38 =	vadd.f32 v38, v32;
	v34 =	vadd.f32 v34, v37;
	[tilespmem:s0+$0xFFFFFFD0] =	vst v31  }
0x177: {  	v36 =	vadd.f32 v39, v36;
	v31 =	vld [tilespmem:s14+$0x1A0];
	v33 =	vadd.f32 v35, v33  }
0x178: {  	v32 =	vld [tilespmem:s14+$0x220];
	v35 =	vmul.f32 v40, v17  }
0x179: {  	v34 =	vadd.f32 v34, v38;
	v40 =	vld [tilespmem:s14+$0xFFFFFDA0];
	v37 =	vmul.f32 v41, v14;
	v33 =	vadd.f32 v33, v36  }
0x17a: {  	v41 =	vld [tilespmem:s14+$0xFFFFFE20]  }
0x17b: {  	v42 =	vld [tilespmem:s14+$0xFFFFFEA0];
	v35 =	vadd.f32 v37, v35;
	v33 =	vadd.f32 v33, v34  }
0x17c: {  	v43 =	vld [tilespmem:s14+$0xFFFFFF20]  }
0x17d: {  	v36 =	vld [tilespmem:s14+$0xFFFFFFA0];
	v33 =	vadd.f32 v35, v33  }
0x17e: {  	v38 =	vld [tilespmem:s14+$0x20]  }
.Ltmp2:
0x17f: {  	v37 =	vld [tilespmem:s14+$0xA0];
	v33 =	vmax.f32 v33, $0.0e+00;
	(pc) =	sbr.rel @p2 .LBB2_3-.Ltmp2, $4  }
0x180: {  	v39 =	vld [tilespmem:s14+$0x120];
	[tilespmem:s1+$0x10] =	vst v33  }
0x181: {  	v33 =	vld [tilespmem:s31+$0xFFFFFDE0]  }
0x182: {  	v40 =	vmul.f32 v40, v23;
	v41 =	vmul.f32 v41, v25;
	v34 =	vld [tilespmem:s31+$0xFFFFFE60]  }
0x183: {  	s15 =	sadd.s32 $0x1, s15;
	v42 =	vmul.f32 v42, v26;
	v43 =	vmul.f32 v43, v30;
	v35 =	vld [tilespmem:s31+$0xFFFFFEE0]  }
0x184: {  	v36 =	vmul.f32 v36, v29;
	v38 =	vmul.f32 v38, v28  }
0x185: {  	v37 =	vmul.f32 v37, v27;
	v39 =	vmul.f32 v39, v24  }
0x186: {  	v40 =	vadd.f32 v41, v40;
	v49 =	vadd.f32 v43, v42  }
0x187: {  	v36 =	vadd.f32 v38, v36;
	v37 =	vadd.f32 v39, v37  }
0x188: {  	v31 =	vmul.f32 v31, v21  }
0x189: {  	v32 =	vmul.f32 v32, v22;
	v50 =	vadd.f32 v49, v40;
	v36 =	vadd.f32 v37, v36;
	_ =	sdelay $0x1  }
0x18a: {  	v31 =	vadd.f32 v32, v31;
	v51 =	vadd.f32 v36, v50;
	_ =	sdelay $0x1  }
0x18b: {  	v31 =	vadd.f32 v31, v51;
	_ =	sdelay $0x1  }
0x18c: {  	v31 =	vmax.f32 v31, $0.0e+00  }
0x18d: {  	[tilespmem:s0+$0xFFFFFFE0] =	vst v31  }
0x18e: {  	v31 =	vld [tilespmem:s12+$0xFFFFFDB0]  }
0x18f: {  	v52 =	vld [tilespmem:s12+$0xFFFFFE30]  }
0x190: {  	v53 =	vld [tilespmem:s12+$0xFFFFFEB0]  }
0x191: {  	v54 =	vld [tilespmem:s12+$0xFFFFFF30]  }
0x192: {  	v55 =	vld [tilespmem:s12+$0xFFFFFFB0]  }
0x193: {  	v56 =	vld [tilespmem:s12+$0x30]  }
0x194: {  	v57 =	vld [tilespmem:s12+$0xB0]  }
0x195: {  	v58 =	vld [tilespmem:s12+$0x130];
	_ =	sdelay $0x1  }
0x196: {  	v31 =	vmul.f32 v31, v23;
	v32 =	vmul.f32 v52, v25  }
0x197: {  	v59 =	vld [tilespmem:s12+$0x1B0];
	v36 =	vmul.f32 v53, v26;
	v37 =	vmul.f32 v54, v30  }
0x198: {  	v60 =	vld [tilespmem:s12+$0x230];
	v38 =	vmul.f32 v55, v29;
	v39 =	vmul.f32 v56, v28  }
0x199: {  	v40 =	vmul.f32 v57, v27;
	v41 =	vmul.f32 v58, v24  }
0x19a: {  	v31 =	vadd.f32 v32, v31;
	v61 =	vadd.f32 v37, v36  }
0x19b: {  	v62 =	vadd.f32 v39, v38;
	v63 =	vadd.f32 v41, v40  }
0x19c: {  	v42 =	vmul.f32 v59, v21  }
0x19d: {  	v43 =	vmul.f32 v60, v22;
	v31 =	vadd.f32 v61, v31;
	v44 =	vadd.f32 v63, v62;
	_ =	sdelay $0x1  }
0x19e: {  	v45 =	vadd.f32 v43, v42;
	v31 =	vadd.f32 v44, v31;
	_ =	sdelay $0x1  }
0x19f: {  	v31 =	vadd.f32 v45, v31;
	_ =	sdelay $0x1  }
0x1a0: {  	v31 =	vmax.f32 v31, $0.0e+00  }
0x1a1: {  	[tilespmem:s0+$0xFFFFFFF0] =	vst v31  }
0x1a2: {  	v31 =	vld [tilespmem:s12+$0xFFFFFDC0]  }
0x1a3: {  	v46 =	vld [tilespmem:s12+$0xFFFFFE40]  }
0x1a4: {  	v47 =	vld [tilespmem:s12+$0xFFFFFEC0]  }
0x1a5: {  	v48 =	vld [tilespmem:s12+$0xFFFFFF40]  }
0x1a6: {  	v49 =	vld [tilespmem:s12+$0xFFFFFFC0]  }
0x1a7: {  	v50 =	vld [tilespmem:s12+$0x40]  }
0x1a8: {  	v51 =	vld [tilespmem:s12+$0xC0]  }
0x1a9: {  	v52 =	vld [tilespmem:s12+$0x140];
	_ =	sdelay $0x1  }
0x1aa: {  	v31 =	vmul.f32 v31, v23;
	v32 =	vmul.f32 v46, v25  }
0x1ab: {  	v53 =	vld [tilespmem:s12+$0x1C0];
	v36 =	vmul.f32 v47, v26;
	v37 =	vmul.f32 v48, v30  }
0x1ac: {  	v54 =	vld [tilespmem:s12+$0x240];
	v38 =	vmul.f32 v49, v29;
	v39 =	vmul.f32 v50, v28  }
0x1ad: {  	v40 =	vmul.f32 v51, v27;
	v41 =	vmul.f32 v52, v24  }
0x1ae: {  	v31 =	vadd.f32 v32, v31;
	v55 =	vadd.f32 v37, v36  }
0x1af: {  	v56 =	vadd.f32 v39, v38;
	v57 =	vadd.f32 v41, v40  }
0x1b0: {  	v58 =	vmul.f32 v53, v21  }
0x1b1: {  	v59 =	vmul.f32 v54, v22;
	v31 =	vadd.f32 v55, v31;
	v60 =	vadd.f32 v57, v56;
	_ =	sdelay $0x1  }
0x1b2: {  	v61 =	vadd.f32 v59, v58;
	v31 =	vadd.f32 v60, v31;
	_ =	sdelay $0x1  }
0x1b3: {  	v31 =	vadd.f32 v61, v31;
	_ =	sdelay $0x1  }
0x1b4: {  	v31 =	vmax.f32 v31, $0.0e+00  }
0x1b5: {  	[tilespmem:s0+$0x0] =	vst v31  }
0x1b6: {  	v31 =	vld [tilespmem:s12+$0xFFFFFDD0]  }
0x1b7: {  	v62 =	vld [tilespmem:s12+$0xFFFFFE50]  }
0x1b8: {  	v63 =	vld [tilespmem:s12+$0xFFFFFED0]  }
0x1b9: {  	v44 =	vld [tilespmem:s12+$0xFFFFFF50]  }
0x1ba: {  	v45 =	vld [tilespmem:s12+$0xFFFFFFD0]  }
0x1bb: {  	v46 =	vld [tilespmem:s12+$0x50]  }
0x1bc: {  	v47 =	vld [tilespmem:s12+$0xD0]  }
0x1bd: {  	v48 =	vld [tilespmem:s12+$0x150];
	_ =	sdelay $0x1  }
0x1be: {  	v31 =	vmul.f32 v31, v23;
	v32 =	vmul.f32 v62, v25  }
0x1bf: {  	v49 =	vld [tilespmem:s12+$0x1D0];
	v36 =	vmul.f32 v63, v26;
	v37 =	vmul.f32 v44, v30  }
0x1c0: {  	v50 =	vld [tilespmem:s12+$0x250];
	v38 =	vmul.f32 v45, v29;
	v39 =	vmul.f32 v46, v28  }
0x1c1: {  	v40 =	vmul.f32 v47, v27;
	v41 =	vmul.f32 v48, v24  }
0x1c2: {  	v31 =	vadd.f32 v32, v31;
	v51 =	vadd.f32 v37, v36  }
0x1c3: {  	v52 =	vadd.f32 v39, v38;
	v53 =	vadd.f32 v41, v40  }
0x1c4: {  	v54 =	vmul.f32 v49, v21  }
0x1c5: {  	v55 =	vmul.f32 v50, v22;
	v31 =	vadd.f32 v51, v31;
	v56 =	vadd.f32 v53, v52  }
0x1c6: {  	v58 =	vld [tilespmem:s31+$0xFFFFFFE0]  }
0x1c7: {  	v59 =	vld [tilespmem:s31+$0x60];
	v38 =	vadd.f32 v55, v54;
	v31 =	vadd.f32 v56, v31  }
0x1c8: {  	v57 =	vld [tilespmem:s31+$0xFFFFFF60]  }
0x1c9: {  	v60 =	vld [tilespmem:s31+$0xE0];
	v31 =	vadd.f32 v38, v31  }
0x1ca: {  	v61 =	vld [tilespmem:s31+$0x160]  }
0x1cb: {  	v62 =	vld [tilespmem:s31+$0x1E0];
	v31 =	vmax.f32 v31, $0.0e+00  }
0x1cc: {  	v63 =	vld [tilespmem:s31+$0x260];
	[tilespmem:s0+$0x10] =	vst v31  }
0x1cd: {  	v31 =	vld [tilespmem:s12+$0xFFFFFDE0]  }
0x1ce: {  	v33 =	vmul.f32 v33, v11;
	v34 =	vmul.f32 v34, v12;
	v48 =	vld [tilespmem:s12+$0xFFFFFE60]  }
0x1cf: {  	v35 =	vmul.f32 v35, v15;
	v36 =	vmul.f32 v57, v16;
	v49 =	vld [tilespmem:s12+$0xFFFFFEE0]  }
0x1d0: {  	v37 =	vmul.f32 v58, v13;
	v32 =	vmul.f32 v59, v19;
	v44 =	vld [tilespmem:s12+$0xFFFFFF60]  }
0x1d1: {  	v39 =	vmul.f32 v60, v18;
	v38 =	vmul.f32 v61, v20;
	v45 =	vld [tilespmem:s12+$0xFFFFFFE0]  }
0x1d2: {  	v33 =	vadd.f32 v34, v33;
	v50 =	vadd.f32 v36, v35;
	v51 =	vld [tilespmem:s12+$0x60]  }
0x1d3: {  	v32 =	vadd.f32 v32, v37;
	v52 =	vadd.f32 v38, v39;
	v53 =	vld [tilespmem:s12+$0xE0]  }
0x1d4: {  	v54 =	vmul.f32 v62, v17;
	v55 =	vmul.f32 v63, v14;
	v56 =	vld [tilespmem:s12+$0x160]  }
0x1d5: {  	v33 =	vadd.f32 v50, v33;
	v32 =	vadd.f32 v52, v32  }
0x1d6: {  	v57 =	vadd.f32 v55, v54;
	v31 =	vmul.f32 v31, v23;
	v58 =	vmul.f32 v48, v25  }
0x1d7: {  	v61 =	vld [tilespmem:s12+$0x1E0];
	v32 =	vadd.f32 v32, v33;
	v59 =	vmul.f32 v49, v26;
	v60 =	vmul.f32 v44, v30  }
0x1d8: {  	v63 =	vld [tilespmem:s12+$0x260];
	v62 =	vmul.f32 v45, v29;
	v35 =	vmul.f32 v51, v28  }
0x1d9: {  	v32 =	vadd.f32 v57, v32;
	v45 =	vmul.f32 v53, v27;
	v46 =	vmul.f32 v56, v24  }
0x1da: {  	v31 =	vadd.f32 v58, v31;
	v33 =	vadd.f32 v60, v59  }
0x1db: {  	v32 =	vmax.f32 v32, $0.0e+00;
	v35 =	vadd.f32 v35, v62;
	v34 =	vadd.f32 v46, v45  }
0x1dc: {  	v47 =	vmul.f32 v61, v21;
	[tilespmem:s1+$0x20] =	vst v32  }
0x1dd: {  	v49 =	vmul.f32 v63, v22;
	v48 =	vld [tilespmem:s31+$0xFFFFFDF0];
	v31 =	vadd.f32 v33, v31;
	v50 =	vadd.f32 v34, v35  }
0x1de: {  	v51 =	vld [tilespmem:s31+$0xFFFFFE70]  }
0x1df: {  	v32 =	vadd.f32 v49, v47;
	v52 =	vld [tilespmem:s31+$0xFFFFFEF0];
	v31 =	vadd.f32 v50, v31  }
0x1e0: {  	v53 =	vld [tilespmem:s31+$0xFFFFFF70]  }
0x1e1: {  	v54 =	vld [tilespmem:s31+$0xFFFFFFF0];
	v31 =	vadd.f32 v32, v31  }
0x1e2: {  	v55 =	vld [tilespmem:s31+$0x70]  }
0x1e3: {  	v56 =	vld [tilespmem:s31+$0xF0];
	v31 =	vmax.f32 v31, $0.0e+00  }
0x1e4: {  	v57 =	vld [tilespmem:s31+$0x170];
	[tilespmem:s0+$0x20] =	vst v31  }
0x1e5: {  	v31 =	vld [tilespmem:s12+$0xFFFFFDF0]  }
0x1e6: {  	v58 =	vld [tilespmem:s12+$0xFFFFFE70]  }
0x1e7: {  	v59 =	vld [tilespmem:s12+$0xFFFFFEF0]  }
0x1e8: {  	v60 =	vld [tilespmem:s12+$0xFFFFFF70]  }
0x1e9: {  	v61 =	vld [tilespmem:s12+$0xFFFFFFF0]  }
0x1ea: {  	v11 =	vmul.f32 v48, v11;
	v12 =	vmul.f32 v51, v12;
	v62 =	vld [tilespmem:s12+$0x70]  }
0x1eb: {  	v15 =	vmul.f32 v52, v15;
	v16 =	vmul.f32 v53, v16;
	v63 =	vld [tilespmem:s12+$0xF0]  }
0x1ec: {  	v13 =	vmul.f32 v54, v13;
	v19 =	vmul.f32 v55, v19;
	v44 =	vld [tilespmem:s12+$0x170]  }
0x1ed: {  	v45 =	vld [tilespmem:s31+$0x1F0];
	v18 =	vmul.f32 v56, v18;
	v20 =	vmul.f32 v57, v20;
	v11 =	vadd.f32 v12, v11  }
0x1ee: {  	v46 =	vld [tilespmem:s31+$0x270];
	v15 =	vadd.f32 v16, v15;
	v12 =	vmul.f32 v31, v23;
	v23 =	vmul.f32 v58, v25  }
0x1ef: {  	v13 =	vadd.f32 v19, v13;
	v16 =	vmul.f32 v59, v26;
	v25 =	vmul.f32 v60, v30;
	v26 =	vld [tilespmem:s12+$0x1F0]  }
0x1f0: {  	v18 =	vadd.f32 v20, v18;
	v19 =	vmul.f32 v61, v29;
	v28 =	vmul.f32 v62, v28;
	v29 =	vld [tilespmem:s12+$0x270]  }
0x1f1: {  	v11 =	vadd.f32 v15, v11;
	v20 =	vmul.f32 v63, v27;
	v24 =	vmul.f32 v44, v24  }
0x1f2: {  	v12 =	vadd.f32 v23, v12;
	v16 =	vadd.f32 v25, v16  }
0x1f3: {  	v17 =	vmul.f32 v45, v17;
	v19 =	vadd.f32 v28, v19;
	v20 =	vadd.f32 v24, v20  }
0x1f4: {  	v14 =	vmul.f32 v46, v14;
	v13 =	vadd.f32 v18, v13;
	v12 =	vadd.f32 v16, v12  }
0x1f5: {  	v16 =	vadd.f32 v20, v19;
	v15 =	vmul.f32 v26, v21;
	v18 =	vmul.f32 v29, v22  }
0x1f6: {  	v14 =	vadd.f32 v14, v17;
	v11 =	vadd.f32 v13, v11  }
0x1f7: {  	s31 =	sadd.s32 $0x1, s29;
	v12 =	vadd.f32 v16, v12;
	v13 =	vadd.f32 v18, v15  }
0x1f8: {  	s15 =	sshll.u32 s31, $0x1;
	v11 =	vadd.f32 v14, v11  }
0x1f9: {  	v12 =	vadd.f32 v13, v12;
	v13 =	vmov s15  }
0x1fa: {  	v11 =	vmax.f32 v11, $0.0e+00;
	v13 =	vmul.u32 $0x50, v13  }
0x1fb: {  	s16 =	sadd.s32 s5, s29;
	[tilespmem:s1+$0x30] =	vst v11;
	v11 =	vmax.f32 v12, $0.0e+00  }
0x1fc: {  	s14 =	sshll.u32 s16, $0x8;
	[tilespmem:s0+$0x30] =	vst v11;
	v11 =	vbroadcast v13, $0x0  }
0x1fd: {  	s15 =	sadd.s32 s3, s14  }
0x1fe: {  	[hbm4b:s15+s4] =	stream.linear.scatter [tilespmem:s22], [sflag:$0x4], $0x800, $0x38;
	v12 =	vadd.s32 v0, v11;
	[tilespmem:$0x1F940] =	vst v63  }
0x1ff: {  	s12 =	simm.s32 @!p1 $0x10090;
	s1 =	simm.s32 @!p1 $0x50;
	s0 =	sadd.s32 @!p1 $0x1E0, s30;
	v13 =	vadd.s32 v1, v11  }
0x200: {  	v14 =	vadd.s32 v2, v11;
	[tilespmem:s12], [sflag:$0x1] =	stream.indirect.gather @!p1 [hbm4b:s2+s1], $0x80, s0, s1, $0xb8;
	[tilespmem:$0x1F940] =	vst v63  }
0x201: {  	s16 =	simm.s32 $0x0;
	v15 =	vadd.s32 v3, v11;
	s0 =	sadd.s32 @!p1 $0x230, s30;
	s12 =	simm.s32 @!p1 $0x12890  }
0x202: {  	v16 =	vadd.s32 v4, v11;
	[tilespmem:s12], [sflag:$0x1] =	stream.indirect.gather @!p1 [hbm4b:s2+s1], $0x80, s0, s1, $0xb8;
	[tilespmem:$0x1F940] =	vst v63  }
0x203: {  	v17 =	vadd.s32 v5, v11;
	v12 =	vld.idx.msk [tilespmem:v12+s16+$0x0], $0xffff  }
0x204: {  	v18 =	vadd.s32 v6, v11;
	v13 =	vld.idx.msk [tilespmem:v13+s16+$0x0], $0xffff  }
0x205: {  	v19 =	vadd.s32 v7, v11;
	v14 =	vld.idx.msk [tilespmem:v14+s16+$0x0], $0xffff  }
0x206: {  	v20 =	vadd.s32 v8, v11;
	v15 =	vld.idx.msk [tilespmem:v15+s16+$0x0], $0xffff  }
0x207: {  	v11 =	vadd.s32 v9, v11;
	v16 =	vld.idx.msk [tilespmem:v16+s16+$0x0], $0xffff  }
0x208: {  	v17 =	vld.idx.msk [tilespmem:v17+s16+$0x0], $0xffff  }
0x209: {  	v18 =	vld.idx.msk [tilespmem:v18+s16+$0x0], $0xffff  }
0x20a: {  	v19 =	vld.idx.msk [tilespmem:v19+s16+$0x0], $0xffff  }
0x20b: {  	v20 =	vld.idx.msk [tilespmem:v20+s16+$0x0], $0xffff  }
0x20c: {  	v11 =	vld.idx.msk [tilespmem:v11+s16+$0x0], $0xffff  }
0x20d: {  	v12 =	vld.idx.msk [tilespmem:v12+s10+$0x0], $0xffff  }
0x20e: {  	v13 =	vld.idx.msk [tilespmem:v13+s10+$0x0], $0xffff  }
0x20f: {  	v14 =	vld.idx.msk [tilespmem:v14+s10+$0x0], $0xffff  }
0x210: {  	v15 =	vld.idx.msk [tilespmem:v15+s10+$0x0], $0xffff  }
0x211: {  	v16 =	vld.idx.msk [tilespmem:v16+s10+$0x0], $0xffff  }
0x212: {  	v17 =	vld.idx.msk [tilespmem:v17+s10+$0x0], $0xffff  }
0x213: {  	v18 =	vld.idx.msk [tilespmem:v18+s10+$0x0], $0xffff;
	v21 =	vmax.f32 v12, v13  }
0x214: {  	v19 =	vld.idx.msk [tilespmem:v19+s10+$0x0], $0xffff;
	v21 =	vmax.f32 v21, v14  }
0x215: {  	v20 =	vld.idx.msk [tilespmem:v20+s10+$0x0], $0xffff;
	v21 =	vmax.f32 v21, v15  }
0x216: {  	v11 =	vld.idx.msk [tilespmem:v11+s10+$0x0], $0xffff;
	v21 =	vmax.f32 v21, v16  }
0x217: {  	v21 =	vmax.f32 v21, v17  }
0x218: {  	v21 =	vmax.f32 v21, v18  }
0x219: {  	v21 =	vmax.f32 v21, v19  }
0x21a: {  	v21 =	vmax.f32 v21, v20  }
0x21b: {  	v21 =	vmax.f32 v21, v11  }
0x21c: {  	v12 =	vsub.f32 v12, v21  }
0x21d: {  	v13 =	vsub.f32 v13, v21  }
0x21e: {  	v12 =	vmul.f32 $1.442695020e+00, v12  }
0x21f: {  	v14 =	vsub.f32 v14, v21;
	v13 =	vmul.f32 $1.442695020e+00, v13  }
0x220: {  	(erf) = vpow2.f32 v12  }
0x221: {  	v12 =	vmul.f32 $1.442695020e+00, v14;
	(erf) = vpow2.f32 v13;
	v13 =	vsub.f32 v15, v21;
	_ =	sdelay $0x1  }
0x222: {  	(erf) = vpow2.f32 v12;
	v12 =	vmul.f32 $1.442695020e+00, v13;
	v13 =	vsub.f32 v16, v21;
	_ =	sdelay $0x1  }
0x223: {  	(erf) = vpow2.f32 v12;
	v12 =	vmul.f32 $1.442695020e+00, v13;
	v13 =	vsub.f32 v17, v21;
	_ =	sdelay $0x1  }
0x224: {  	(erf) = vpow2.f32 v12;
	v12 =	vmul.f32 $1.442695020e+00, v13;
	v13 =	vsub.f32 v18, v21;
	_ =	sdelay $0x2  }
0x225: {  	v15 =	vpop (erf)  }
0x226: {  	v14 =	vsub.f32 v19, v21;
	(erf) = vpow2.f32 v12;
	v12 =	vmul.f32 $1.442695020e+00, v13;
	v13 =	vpop (erf)  }
0x227: {  	v16 =	vadd.f32 v13, v15  }
0x228: {  	v14 =	vmul.f32 $1.442695020e+00, v14;
	(erf) = vpow2.f32 v12;
	v12 =	vsub.f32 v20, v21  }
0x229: {  	v17 =	vpop (erf)  }
0x22a: {  	(erf) = vpow2.f32 v14;
	v12 =	vmul.f32 $1.442695020e+00, v12;
	v14 =	vadd.f32 v16, v17  }
0x22b: {  	v11 =	vsub.f32 v11, v21;
	v16 =	vpop (erf)  }
0x22c: {  	(erf) = vpow2.f32 v12;
	v12 =	vadd.f32 v14, v16  }
0x22d: {  	v11 =	vmul.f32 $1.442695020e+00, v11  }
0x22e: {  	v14 =	vpop (erf)  }
0x22f: {  	(erf) = vpow2.f32 v11;
	v11 =	vadd.f32 v12, v14  }
0x230: {  	v12 =	vpop (erf)  }
0x231: {  	v11 =	vadd.f32 v11, v12  }
0x232: {  	v18 =	vpop (erf)  }
0x233: {  	v11 =	vadd.f32 v11, v18  }
0x234: {  	v19 =	vpop (erf)  }
0x235: {  	v11 =	vadd.f32 v11, v19  }
0x236: {  	v20 =	vpop (erf)  }
0x237: {  	v11 =	vadd.f32 v11, v20  }
0x238: {  	v21 =	vpop (erf)  }
0x239: {  	v11 =	vadd.f32 v11, v21;
	_ =	sdelay $0x1  }
0x23a: {  	(erf) = vrcp.f32 v11;
	_ =	sdelay $0x8  }
0x23b: {  	v11 =	vpop (erf)  }
0x23c: {  	v11 =	vmul.f32 v11, v10;
	_ =	sdelay $0x1  }
0x23d: {  	v15 =	vmul.f32 v11, v15  }
0x23e: {  	v13 =	vmul.f32 v11, v13  }
0x23f: {  	v14 =	vmul.f32 v11, v14;
	[tilespmem:$0x1F090] =	vst v15  }
0x240: {  	v12 =	vmul.f32 v11, v12;
	[tilespmem:$0x1F0A0] =	vst v13  }
0x241: {  	v13 =	vmul.f32 v11, v16;
	[tilespmem:$0x1F0D0] =	vst v14  }
0x242: {  	v15 =	vmul.f32 v11, v17;
	[tilespmem:$0x1F0E0] =	vst v12  }
0x243: {  	[tilespmem:$0x1F0C0] =	vst v13;
	v13 =	vmul.f32 v11, v18  }
0x244: {  	v12 =	vmul.f32 v11, v19;
	[tilespmem:$0x1F0B0] =	vst v15  }
0x245: {  	[tilespmem:$0x1F0F0] =	vst v13;
	v13 =	vmul.f32 v11, v20  }
0x246: {  	[tilespmem:$0x1F100] =	vst v12;
	v11 =	vmul.f32 v11, v21  }
0x247: {  	[tilespmem:$0x1F110] =	vst v13  }
0x248: {  	[tilespmem:$0x1F120] =	vst v11  }
0x249: {  	_ =	swait.ge [sflag:s23], $0x800  }
0x24a: {  	[sflag:s23] =	ssyncset.done $0x0  }
0x24b: {  	[sflag:s23] =	ssyncadd.s32 $0xFFFFF800  }
0x24c: {  	_ =	swait.ge [sflag:s24], $0x5000  }
0x24d: {  	[sflag:s24] =	ssyncset.done $0x0  }
0x24e: {  	s30 =	simm.s32 $0x0;
	[sflag:s24] =	ssyncadd.s32 $0xFFFFB000  }
0x24f: {  	v14 =	vld [tilespmem:s30+$0x15090]  }
0x250: {  	v11 =	vmov s16;
	v17 =	vld [tilespmem:s30+$0x15110]  }
0x251: {  	v20 =	vand.u32 $0xF, v11;
	v21 =	vld [tilespmem:s30+$0x15190]  }
0x252: {  	v12 =	vor.u32 $0x10, v20;
	v22 =	vld [tilespmem:s30+$0x15210]  }
0x253: {  	v13 =	vor.u32 $0x20, v20;
	v23 =	vld [tilespmem:s30+$0x15290]  }
0x254: {  	v16 =	vor.u32 $0x30, v20;
	v24 =	vld [tilespmem:s30+$0x15310]  }
0x255: {  	v18 =	vor.u32 $0x40, v20;
	v25 =	vld [tilespmem:s30+$0x15390]  }
0x256: {  	v19 =	vor.u32 $0x50, v20;
	v11 =	vld.idx.msk [tilespmem:v11+s21+$0x0], $0xffff  }
0x257: {  	v26 =	vor.u32 $0x60, v20;
	v12 =	vld.idx.msk [tilespmem:v12+s21+$0x0], $0xffff  }
0x258: {  	v27 =	vor.u32 $0x70, v20;
	v15 =	vld.idx.msk [tilespmem:v13+s21+$0x0], $0xffff  }
0x259: {  	v16 =	vld.idx.msk [tilespmem:v16+s21+$0x0], $0xffff  }
0x25a: {  	v13 =	vld.idx.msk [tilespmem:v18+s21+$0x0], $0xffff  }
0x25b: {  	v19 =	vld.idx.msk [tilespmem:v19+s21+$0x0], $0xffff  }
0x25c: {  	v28 =	vor.u32 $0x80, v20;
	v18 =	vld.idx.msk [tilespmem:v26+s21+$0x0], $0xffff  }
0x25d: {  	v26 =	vor.u32 $0x90, v20;
	v20 =	vld.idx.msk [tilespmem:v27+s21+$0x0], $0xffff  }
0x25e: {  	v27 =	vld [tilespmem:s30+$0x15410]  }
0x25f: {  	v29 =	vld [tilespmem:s30+$0x15490]  }
0x260: {  	v30 =	vld [tilespmem:s30+$0x15510];
	v31 =	vmul.f32 v14, v11;
	v47 =	vmul.f32 v17, v12  }
0x261: {  	v17 =	vld.idx.msk [tilespmem:v28+s21+$0x0], $0xffff;
	v21 =	vmul.f32 v21, v15;
	v22 =	vmul.f32 v22, v16  }
0x262: {  	v14 =	vld.idx.msk [tilespmem:v26+s21+$0x0], $0xffff;
	v23 =	vmul.f32 v23, v13;
	v24 =	vmul.f32 v24, v19  }
0x263: {  	v25 =	vmul.f32 v25, v18;
	v26 =	vmul.f32 v27, v20  }
0x264: {  	v27 =	vadd.f32 v47, v31;
	v21 =	vadd.f32 v22, v21  }
0x265: {  	v22 =	vadd.f32 v24, v23;
	v23 =	vadd.f32 v26, v25  }
0x266: {  	v21 =	vadd.f32 v21, v27  }
0x267: {  	v22 =	vadd.f32 v23, v22;
	v24 =	vmul.f32 v29, v17;
	v25 =	vmul.f32 v30, v14;
	_ =	sdelay $0x1  }
0x268: {  	v21 =	vadd.f32 v22, v21;
	v23 =	vadd.f32 v25, v24;
	_ =	sdelay $0x1  }
0x269: {  	v21 =	vadd.f32 v23, v21;
	_ =	sdelay $0x1  }
0x26a: {  	s1 =	simm.s32 $0x1F170;
	v21 =	vmax.f32 v21, $0.0e+00  }
0x26b: {  	[tilespmem:s1+$0xFFFFFFC0] =	vst v21  }
0x26c: {  	v21 =	vld [tilespmem:s30+$0x150A0]  }
0x26d: {  	v22 =	vld [tilespmem:s30+$0x15120]  }
0x26e: {  	v23 =	vld [tilespmem:s30+$0x151A0]  }
0x26f: {  	v24 =	vld [tilespmem:s30+$0x15220]  }
0x270: {  	v25 =	vld [tilespmem:s30+$0x152A0]  }
0x271: {  	v26 =	vld [tilespmem:s30+$0x15320]  }
0x272: {  	v27 =	vld [tilespmem:s30+$0x153A0]  }
0x273: {  	v28 =	vld [tilespmem:s30+$0x15420];
	_ =	sdelay $0x1  }
0x274: {  	v21 =	vmul.f32 v21, v11;
	v22 =	vmul.f32 v22, v12  }
0x275: {  	v29 =	vld [tilespmem:s30+$0x154A0];
	v23 =	vmul.f32 v23, v15;
	v24 =	vmul.f32 v24, v16  }
0x276: {  	v30 =	vld [tilespmem:s30+$0x15520];
	v25 =	vmul.f32 v25, v13;
	v26 =	vmul.f32 v26, v19  }
0x277: {  	v27 =	vmul.f32 v27, v18;
	v28 =	vmul.f32 v28, v20  }
0x278: {  	v21 =	vadd.f32 v22, v21;
	v22 =	vadd.f32 v24, v23  }
0x279: {  	v23 =	vadd.f32 v26, v25;
	v24 =	vadd.f32 v28, v27  }
0x27a: {  	v25 =	vmul.f32 v29, v17  }
0x27b: {  	v26 =	vmul.f32 v30, v14;
	v21 =	vadd.f32 v22, v21;
	v22 =	vadd.f32 v24, v23;
	_ =	sdelay $0x1  }
0x27c: {  	v23 =	vadd.f32 v26, v25;
	v21 =	vadd.f32 v22, v21;
	_ =	sdelay $0x1  }
0x27d: {  	v21 =	vadd.f32 v23, v21;
	_ =	sdelay $0x1  }
0x27e: {  	v21 =	vmax.f32 v21, $0.0e+00  }
0x27f: {  	[tilespmem:s1+$0xFFFFFFD0] =	vst v21  }
0x280: {  	v21 =	vld [tilespmem:s30+$0x150B0]  }
0x281: {  	v22 =	vld [tilespmem:s30+$0x15130]  }
0x282: {  	v23 =	vld [tilespmem:s30+$0x151B0]  }
0x283: {  	v24 =	vld [tilespmem:s30+$0x15230]  }
0x284: {  	v25 =	vld [tilespmem:s30+$0x152B0]  }
0x285: {  	v26 =	vld [tilespmem:s30+$0x15330]  }
0x286: {  	v27 =	vld [tilespmem:s30+$0x153B0]  }
0x287: {  	v28 =	vld [tilespmem:s30+$0x15430];
	_ =	sdelay $0x1  }
0x288: {  	v21 =	vmul.f32 v21, v11;
	v22 =	vmul.f32 v22, v12  }
0x289: {  	v29 =	vld [tilespmem:s30+$0x154B0];
	v23 =	vmul.f32 v23, v15;
	v24 =	vmul.f32 v24, v16  }
0x28a: {  	v30 =	vld [tilespmem:s30+$0x15530];
	v25 =	vmul.f32 v25, v13;
	v26 =	vmul.f32 v26, v19  }
0x28b: {  	v27 =	vmul.f32 v27, v18;
	v28 =	vmul.f32 v28, v20  }
0x28c: {  	v21 =	vadd.f32 v22, v21;
	v22 =	vadd.f32 v24, v23  }
0x28d: {  	v23 =	vadd.f32 v26, v25;
	v24 =	vadd.f32 v28, v27  }
0x28e: {  	v25 =	vmul.f32 v29, v17  }
0x28f: {  	v26 =	vmul.f32 v30, v14;
	v21 =	vadd.f32 v22, v21;
	v22 =	vadd.f32 v24, v23  }
0x290: {  	s0 =	simm.s32 $0x500  }
0x291: {  	v32 =	vld [tilespmem:s0+$0x15510];
	v23 =	vadd.f32 v26, v25;
	v21 =	vadd.f32 v22, v21  }
0x292: {  	v48 =	vld [tilespmem:s0+$0x15090]  }
0x293: {  	v49 =	vld [tilespmem:s0+$0x15110];
	v21 =	vadd.f32 v23, v21  }
0x294: {  	v50 =	vld [tilespmem:s0+$0x15190]  }
0x295: {  	v51 =	vld [tilespmem:s0+$0x15210];
	v21 =	vmax.f32 v21, $0.0e+00  }
0x296: {  	v52 =	vld [tilespmem:s0+$0x15290];
	[tilespmem:s1+$0xFFFFFFE0] =	vst v21  }
0x297: {  	v21 =	vld [tilespmem:s30+$0x150C0]  }
0x298: {  	v22 =	vld [tilespmem:s30+$0x15140]  }
0x299: {  	v23 =	vld [tilespmem:s30+$0x151C0]  }
0x29a: {  	v24 =	vld [tilespmem:s30+$0x15240]  }
0x29b: {  	v25 =	vld [tilespmem:s30+$0x152C0]  }
0x29c: {  	v26 =	vld [tilespmem:s30+$0x15340]  }
0x29d: {  	v27 =	vld [tilespmem:s30+$0x153C0]  }
0x29e: {  	s14 =	simm.s32 $0x1;
	v29 =	vld [tilespmem:s30+$0x15440]  }
0x29f: {  	v58 =	vld [tilespmem:s0+$0x15310];
	v28 =	vmov s14  }
0x2a0: {  	v60 =	vld [tilespmem:s0+$0x15390];
	v53 =	vand.u32 $0xF, v28;
	v21 =	vmul.f32 v21, v11;
	v22 =	vmul.f32 v22, v12  }
0x2a1: {  	v30 =	vor.u32 $0x10, v53;
	v54 =	vld [tilespmem:s30+$0x154C0];
	v23 =	vmul.f32 v23, v15;
	v24 =	vmul.f32 v24, v16  }
0x2a2: {  	v55 =	vor.u32 $0x20, v53;
	v56 =	vld [tilespmem:s30+$0x15540];
	v25 =	vmul.f32 v25, v13;
	v26 =	vmul.f32 v26, v19  }
0x2a3: {  	v63 =	vld [tilespmem:s0+$0x15410];
	v57 =	vor.u32 $0x30, v53;
	v27 =	vmul.f32 v27, v18;
	v29 =	vmul.f32 v29, v20  }
0x2a4: {  	v31 =	vld [tilespmem:s0+$0x15490];
	v59 =	vor.u32 $0x40, v53;
	v21 =	vadd.f32 v22, v21;
	v22 =	vadd.f32 v24, v23  }
0x2a5: {  	v46 =	vor.u32 $0x50, v53;
	v23 =	vld.idx.msk [tilespmem:v28+s21+$0x0], $0xffff;
	v28 =	vadd.f32 v26, v25;
	v27 =	vadd.f32 v29, v27  }
0x2a6: {  	v47 =	vor.u32 $0x70, v53;
	v39 =	vmul.f32 v54, v17;
	v24 =	vor.u32 $0x60, v53;
	v25 =	vld.idx.msk [tilespmem:v30+s21+$0x0], $0xffff  }
0x2a7: {  	v61 =	vmul.f32 v56, v14;
	v26 =	vld.idx.msk [tilespmem:v55+s21+$0x0], $0xffff;
	v21 =	vadd.f32 v22, v21;
	v22 =	vadd.f32 v27, v28  }
0x2a8: {  	v62 =	vor.u32 $0x80, v53;
	v30 =	vld.idx.msk [tilespmem:v57+s21+$0x0], $0xffff  }
0x2a9: {  	v38 =	vor.u32 $0x90, v53;
	v29 =	vld.idx.msk [tilespmem:v59+s21+$0x0], $0xffff;
	v39 =	vadd.f32 v61, v39;
	v21 =	vadd.f32 v22, v21  }
0x2aa: {  	v28 =	vld.idx.msk [tilespmem:v46+s21+$0x0], $0xffff  }
0x2ab: {  	v27 =	vld.idx.msk [tilespmem:v24+s21+$0x0], $0xffff;
	v22 =	vadd.f32 v39, v21  }
0x2ac: {  	v24 =	vld.idx.msk [tilespmem:v47+s21+$0x0], $0xffff  }
0x2ad: {  	v21 =	vld.idx.msk [tilespmem:v62+s21+$0x0], $0xffff;
	v44 =	vmax.f32 v22, $0.0e+00  }
0x2ae: {  	v33 =	vmul.f32 v48, v23;
	v34 =	vmul.f32 v49, v25;
	v22 =	vld.idx.msk [tilespmem:v38+s21+$0x0], $0xffff;
	[tilespmem:s1+$0xFFFFFFF0] =	vst v44  }
0x2af: {  	v35 =	vmul.f32 v50, v26;
	v36 =	vmul.f32 v51, v30;
	v46 =	vld [tilespmem:s30+$0x150D0]  }
0x2b0: {  	v37 =	vmul.f32 v52, v29;
	v47 =	vmul.f32 v58, v28;
	v48 =	vld [tilespmem:s30+$0x15150]  }
0x2b1: {  	v49 =	vmul.f32 v60, v27;
	v39 =	vmul.f32 v63, v24;
	v50 =	vld [tilespmem:s30+$0x151D0]  }
0x2b2: {  	v33 =	vadd.f32 v34, v33;
	v51 =	vadd.f32 v36, v35;
	v52 =	vld [tilespmem:s30+$0x15250]  }
0x2b3: {  	v53 =	vadd.f32 v47, v37;
	v55 =	vld [tilespmem:s30+$0x152D0];
	v54 =	vadd.f32 v39, v49  }
0x2b4: {  	v33 =	vadd.f32 v51, v33;
	v56 =	vld [tilespmem:s30+$0x15350]  }
0x2b5: {  	v58 =	vld [tilespmem:s30+$0x153D0];
	v31 =	vmul.f32 v31, v21;
	v32 =	vmul.f32 v32, v22;
	v57 =	vadd.f32 v54, v53  }
0x2b6: {  	v59 =	vld [tilespmem:s30+$0x15450]  }
0x2b7: {  	v31 =	vadd.f32 v32, v31;
	v60 =	vadd.f32 v57, v33  }
0x2b8: {  	v61 =	vmul.f32 v46, v11;
	v62 =	vmul.f32 v48, v12  }
0x2b9: {  	v44 =	vld [tilespmem:s30+$0x154D0];
	v63 =	vmul.f32 v50, v15;
	v35 =	vmul.f32 v52, v16;
	v31 =	vadd.f32 v31, v60  }
0x2ba: {  	v45 =	vld [tilespmem:s30+$0x15550];
	v39 =	vmul.f32 v55, v13;
	v40 =	vmul.f32 v56, v19  }
0x2bb: {  	s12 =	simm.s32 $0x1F1F0;
	v36 =	vmul.f32 v58, v18;
	v37 =	vmul.f32 v59, v20;
	v31 =	vmax.f32 v31, $0.0e+00  }
0x2bc: {  	v32 =	vadd.f32 v35, v63;
	v47 =	vadd.f32 v40, v39;
	[tilespmem:s12+$0xFFFFFFC0] =	vst v31  }
0x2bd: {  	v48 =	vadd.f32 v37, v36;
	v31 =	vadd.f32 v62, v61;
	v46 =	vld [tilespmem:s0+$0x150A0]  }
0x2be: {  	v50 =	vmul.f32 v44, v17;
	v49 =	vld [tilespmem:s0+$0x15120]  }
0x2bf: {  	v52 =	vmul.f32 v45, v14;
	v53 =	vadd.f32 v48, v47;
	v51 =	vld [tilespmem:s0+$0x151A0];
	v31 =	vadd.f32 v32, v31  }
0x2c0: {  	v54 =	vld [tilespmem:s0+$0x15220]  }
0x2c1: {  	v37 =	vadd.f32 v52, v50;
	v55 =	vld [tilespmem:s0+$0x152A0];
	v31 =	vadd.f32 v53, v31  }
0x2c2: {  	v56 =	vld [tilespmem:s0+$0x15320]  }
0x2c3: {  	v57 =	vld [tilespmem:s0+$0x153A0];
	v31 =	vadd.f32 v37, v31  }
0x2c4: {  	v58 =	vld [tilespmem:s0+$0x15420]  }
0x2c5: {  	v59 =	vld [tilespmem:s0+$0x154A0];
	v31 =	vmax.f32 v31, $0.0e+00  }
0x2c6: {  	v60 =	vld [tilespmem:s0+$0x15520];
	v33 =	vmul.f32 v46, v23;
	v36 =	vmul.f32 v49, v25;
	[tilespmem:s1+$0x0] =	vst v31  }
0x2c7: {  	v34 =	vmul.f32 v54, v30;
	v35 =	vmul.f32 v55, v29;
	v61 =	vld [tilespmem:s30+$0x150E0]  }
0x2c8: {  	v32 =	vmul.f32 v56, v28;
	v39 =	vmul.f32 v57, v27;
	v62 =	vld [tilespmem:s30+$0x15160]  }
0x2c9: {  	v37 =	vmul.f32 v58, v24;
	v31 =	vmul.f32 v51, v26;
	v63 =	vld [tilespmem:s30+$0x151E0]  }
0x2ca: {  	v33 =	vadd.f32 v36, v33;
	v32 =	vadd.f32 v32, v35;
	v45 =	vld [tilespmem:s30+$0x15260]  }
0x2cb: {  	v46 =	vadd.f32 v37, v39;
	v47 =	vld [tilespmem:s30+$0x152E0];
	v31 =	vadd.f32 v34, v31  }
0x2cc: {  	v48 =	vmul.f32 v59, v21;
	v49 =	vld [tilespmem:s30+$0x15360]  }
0x2cd: {  	v50 =	vmul.f32 v60, v22;
	v32 =	vadd.f32 v46, v32;
	v51 =	vld [tilespmem:s30+$0x153E0];
	v31 =	vadd.f32 v31, v33  }
0x2ce: {  	v52 =	vld [tilespmem:s30+$0x15460]  }
0x2cf: {  	v37 =	vadd.f32 v50, v48;
	v31 =	vadd.f32 v32, v31  }
0x2d0: {  	v53 =	vmul.f32 v61, v11;
	v54 =	vmul.f32 v62, v12  }
0x2d1: {  	v56 =	vld [tilespmem:s30+$0x154E0];
	v55 =	vmul.f32 v63, v15;
	v34 =	vmul.f32 v45, v16;
	v31 =	vadd.f32 v37, v31  }
0x2d2: {  	v57 =	vld [tilespmem:s30+$0x15560];
	v36 =	vmul.f32 v47, v13;
	v39 =	vmul.f32 v49, v19  }
0x2d3: {  	v33 =	vmul.f32 v51, v18;
	v35 =	vmul.f32 v52, v20;
	v31 =	vmax.f32 v31, $0.0e+00  }
0x2d4: {  	v38 =	vadd.f32 v54, v53;
	v34 =	vadd.f32 v34, v55;
	[tilespmem:s12+$0xFFFFFFD0] =	vst v31  }
0x2d5: {  	v36 =	vadd.f32 v39, v36;
	v33 =	vadd.f32 v35, v33;
	v31 =	vld [tilespmem:s0+$0x154B0]  }
0x2d6: {  	v58 =	vmul.f32 v56, v17;
	v32 =	vld [tilespmem:s0+$0x15530]  }
0x2d7: {  	v60 =	vmul.f32 v57, v14;
	v34 =	vadd.f32 v34, v38;
	v33 =	vadd.f32 v33, v36;
	v59 =	vld [tilespmem:s0+$0x150B0]  }
0x2d8: {  	v61 =	vld [tilespmem:s0+$0x15130]  }
0x2d9: {  	v35 =	vadd.f32 v60, v58;
	v62 =	vld [tilespmem:s0+$0x151B0];
	v33 =	vadd.f32 v33, v34  }
0x2da: {  	v63 =	vld [tilespmem:s0+$0x15230]  }
0x2db: {  	v36 =	vld [tilespmem:s0+$0x152B0];
	v33 =	vadd.f32 v35, v33  }
0x2dc: {  	v38 =	vld [tilespmem:s0+$0x15330]  }
0x2dd: {  	v37 =	vld [tilespmem:s0+$0x153B0];
	v33 =	vmax.f32 v33, $0.0e+00  }
0x2de: {  	v39 =	vld [tilespmem:s0+$0x15430];
	[tilespmem:s1+$0x10] =	vst v33  }
0x2df: {  	v33 =	vld [tilespmem:s30+$0x150F0]  }
0x2e0: {  	v40 =	vmul.f32 v59, v23;
	v41 =	vmul.f32 v61, v25;
	v34 =	vld [tilespmem:s30+$0x15170]  }
0x2e1: {  	s15 =	simm.s32 $0x2800;
	v42 =	vmul.f32 v62, v26;
	v43 =	vmul.f32 v63, v30;
	v35 =	vld [tilespmem:s30+$0x151F0]  }
.LBB2_5:
0x2e2: {  	p2 =	sne.s32 s15, $0x12C00;
	v36 =	vmul.f32 v36, v29;
	v38 =	vmul.f32 v38, v28;
	v44 =	vld [tilespmem:s30+$0x15270]  }
0x2e3: {  	v37 =	vmul.f32 v37, v27;
	v39 =	vmul.f32 v39, v24;
	v45 =	vld [tilespmem:s30+$0x152F0]  }
0x2e4: {  	v40 =	vadd.f32 v41, v40;
	v41 =	vadd.f32 v43, v42;
	v42 =	vld [tilespmem:s30+$0x15370]  }
0x2e5: {  	v36 =	vadd.f32 v38, v36;
	v37 =	vadd.f32 v39, v37;
	v38 =	vld [tilespmem:s30+$0x153F0]  }
0x2e6: {  	s16 =	sshra.s32 s15, $0x2;
	v43 =	vmul.f32 v32, v22;
	v39 =	vmul.f32 v31, v21;
	v46 =	vld [tilespmem:s30+$0x15470]  }
0x2e7: {  	v40 =	vadd.f32 v41, v40;
	v31 =	vld [tilespmem:s16+$0x15490];
	v36 =	vadd.f32 v37, v36  }
0x2e8: {  	v41 =	vmul.f32 v34, v12;
	v37 =	vadd.f32 v43, v39;
	v39 =	vmul.f32 v33, v11;
	v32 =	vld [tilespmem:s16+$0x15510]  }
0x2e9: {  	v35 =	vmul.f32 v35, v15;
	v34 =	vadd.f32 v36, v40;
	v36 =	vmul.f32 v44, v16;
	v40 =	vld [tilespmem:s30+$0x154F0]  }
0x2ea: {  	v43 =	vmul.f32 v45, v13;
	v42 =	vmul.f32 v42, v19;
	v44 =	vld [tilespmem:s30+$0x15570]  }
0x2eb: {  	v38 =	vmul.f32 v38, v18;
	v33 =	vld [tilespmem:s16+$0x15090];
	v37 =	vadd.f32 v37, v34;
	v45 =	vmul.f32 v46, v20  }
0x2ec: {  	v39 =	vadd.f32 v41, v39;
	v41 =	vadd.f32 v36, v35;
	v34 =	vld [tilespmem:s16+$0x15110]  }
0x2ed: {  	v42 =	vadd.f32 v42, v43;
	v35 =	vld [tilespmem:s16+$0x15190];
	v38 =	vadd.f32 v45, v38  }
0x2ee: {  	v43 =	vmax.f32 v37, $0.0e+00;
	v36 =	vld [tilespmem:s16+$0x15210];
	v40 =	vmul.f32 v40, v17  }
0x2ef: {  	v39 =	vadd.f32 v41, v39;
	v37 =	vld [tilespmem:s16+$0x15290];
	[tilespmem:s12+$0xFFFFFFE0] =	vst v43;
	v43 =	vmul.f32 v44, v14;
	v38 =	vadd.f32 v38, v42  }
0x2f0: {  	v41 =	vld [tilespmem:s0+$0x150C0]  }
0x2f1: {  	v42 =	vld [tilespmem:s0+$0x15140];
	v40 =	vadd.f32 v43, v40;
	v38 =	vadd.f32 v38, v39  }
0x2f2: {  	v39 =	vld [tilespmem:s0+$0x151C0]  }
0x2f3: {  	v43 =	vld [tilespmem:s0+$0x15240];
	v38 =	vadd.f32 v40, v38  }
0x2f4: {  	v40 =	vld [tilespmem:s0+$0x152C0]  }
0x2f5: {  	v44 =	vld [tilespmem:s0+$0x15340];
	v38 =	vmax.f32 v38, $0.0e+00  }
0x2f6: {  	v45 =	vld [tilespmem:s0+$0x153C0];
	[tilespmem:s1+$0x20] =	vst v38  }
0x2f7: {  	v38 =	vld [tilespmem:s30+$0x15100]  }
0x2f8: {  	v46 =	vld [tilespmem:s30+$0x15180]  }
0x2f9: {  	s14 =	sadd.s32 $0x1, s14;
	v47 =	vld [tilespmem:s30+$0x15200]  }
0x2fa: {  	v48 =	vmov s14;
	v49 =	vld [tilespmem:s30+$0x15280]  }
0x2fb: {  	v50 =	vand.u32 $0xF, v48;
	v51 =	vld [tilespmem:s30+$0x15300]  }
0x2fc: {  	v52 =	vor.u32 $0x10, v50;
	v53 =	vor.u32 $0x20, v50;
	v41 =	vmul.f32 v41, v23;
	v54 =	vld [tilespmem:s30+$0x15380]  }
0x2fd: {  	v55 =	vor.u32 $0x30, v50;
	v42 =	vmul.f32 v42, v25;
	v39 =	vmul.f32 v39, v26;
	v56 =	vld [tilespmem:s30+$0x15400]  }
0x2fe: {  	v57 =	vor.u32 $0x40, v50;
	v43 =	vmul.f32 v43, v30;
	v40 =	vmul.f32 v40, v29;
	v58 =	vld [tilespmem:s30+$0x15480]  }
0x2ff: {  	v59 =	vor.u32 $0x50, v50;
	v44 =	vmul.f32 v44, v28;
	v45 =	vmul.f32 v45, v27;
	v60 =	vld [tilespmem:s0+$0x15440]  }
0x300: {  	v61 =	vor.u32 $0x60, v50;
	v38 =	vmul.f32 v38, v11;
	v11 =	vmovc v23;
	v46 =	vmul.f32 v46, v12;
	v12 =	vmovc v25;
	v62 =	vld [tilespmem:s0+$0x154C0]  }
0x301: {  	v63 =	vor.u32 $0x70, v50;
	v23 =	vmul.f32 v47, v15;
	v15 =	vmovc v26;
	v25 =	vmul.f32 v49, v16;
	v16 =	vmovc v30;
	v47 =	vld [tilespmem:s30+$0x15500]  }
0x302: {  	v30 =	vadd.f32 v42, v41;
	v26 =	vmul.f32 v51, v13;
	v13 =	vmovc v29;
	v41 =	vmul.f32 v54, v19;
	v42 =	vld [tilespmem:s30+$0x15580];
	s30 =	smov.u32 s0;
	s0 =	smov.u32 s16  }
0x303: {  	v39 =	vadd.f32 v43, v39;
	v19 =	vmovc v28;
	v43 =	vmul.f32 v56, v18;
	v29 =	vld [tilespmem:s30+$0x15540];
	v54 =	vmul.f32 v58, v20  }
0x304: {  	v38 =	vadd.f32 v46, v38;
	v46 =	vadd.f32 v25, v23;
	v18 =	vmovc v27;
	v49 =	vld [tilespmem:s0+$0x15310];
	v28 =	vmul.f32 v60, v24  }
0x305: {  	v26 =	vadd.f32 v41, v26;
	v20 =	vmovc v24;
	v51 =	vld [tilespmem:s0+$0x15390];
	v27 =	vmul.f32 v62, v21;
	v41 =	vadd.f32 v54, v43  }
0x306: {  	v24 =	vadd.f32 v44, v40;
	v23 =	vld.idx.msk [tilespmem:v48+s21+$0x0], $0xffff;
	v28 =	vadd.f32 v28, v45;
	v43 =	vmul.f32 v47, v17  }
0x307: {  	v38 =	vadd.f32 v46, v38;
	v25 =	vld.idx.msk [tilespmem:v52+s21+$0x0], $0xffff;
	v44 =	vmul.f32 v42, v14;
	v40 =	vadd.f32 v41, v26  }
0x308: {  	v39 =	vadd.f32 v39, v30;
	v26 =	vld.idx.msk [tilespmem:v53+s21+$0x0], $0xffff;
	v41 =	vmul.f32 v29, v22;
	v24 =	vadd.f32 v28, v24  }
0x309: {  	v17 =	vmovc v21;
	v14 =	vmov v22;
	v30 =	vld.idx.msk [tilespmem:v55+s21+$0x0], $0xffff;
	v42 =	vadd.f32 v44, v43;
	v38 =	vadd.f32 v40, v38  }
0x30a: {  	v21 =	vor.u32 $0x80, v50;
	v29 =	vld.idx.msk [tilespmem:v57+s21+$0x0], $0xffff;
	v22 =	vadd.f32 v41, v27  }
0x30b: {  	v40 =	vor.u32 $0x90, v50;
	v39 =	vadd.f32 v24, v39;
	v28 =	vld.idx.msk [tilespmem:v59+s21+$0x0], $0xffff;
	v38 =	vadd.f32 v42, v38  }
0x30c: {  	v27 =	vld.idx.msk [tilespmem:v61+s21+$0x0], $0xffff  }
0x30d: {  	v22 =	vadd.f32 v22, v39;
	v24 =	vld.idx.msk [tilespmem:v63+s21+$0x0], $0xffff;
	v38 =	vmax.f32 v38, $0.0e+00  }
0x30e: {  	v39 =	vld [tilespmem:s0+$0x15410];
	[tilespmem:s1+$0x30] =	vst v38;
	s1 =	smov.u32 s12  }
0x30f: {  	v38 =	vmax.f32 v22, $0.0e+00;
	v21 =	vld.idx.msk [tilespmem:v21+s21+$0x0], $0xffff  }
0x310: {  	v33 =	vmul.f32 v33, v23;
	v34 =	vmul.f32 v34, v25;
	v22 =	vld.idx.msk [tilespmem:v40+s21+$0x0], $0xffff;
	[tilespmem:s12+$0xFFFFFFF0] =	vst v38  }
0x311: {  	v35 =	vmul.f32 v35, v26;
	v36 =	vmul.f32 v36, v30;
	v38 =	vld [tilespmem:s30+$0x150D0]  }
0x312: {  	v37 =	vmul.f32 v37, v29;
	v40 =	vmul.f32 v49, v28;
	v41 =	vld [tilespmem:s30+$0x15150]  }
0x313: {  	v42 =	vmul.f32 v51, v27;
	v39 =	vmul.f32 v39, v24;
	v43 =	vld [tilespmem:s30+$0x151D0]  }
0x314: {  	v33 =	vadd.f32 v34, v33;
	v34 =	vadd.f32 v36, v35;
	v35 =	vld [tilespmem:s30+$0x15250]  }
0x315: {  	v36 =	vadd.f32 v40, v37;
	v37 =	vadd.f32 v39, v42;
	v39 =	vld [tilespmem:s30+$0x152D0]  }
0x316: {  	v31 =	vmul.f32 v31, v21;
	v40 =	vld [tilespmem:s30+$0x15350]  }
0x317: {  	v33 =	vadd.f32 v34, v33;
	v32 =	vmul.f32 v32, v22;
	v34 =	vadd.f32 v37, v36;
	v36 =	vld [tilespmem:s30+$0x153D0]  }
0x318: {  	v37 =	vld [tilespmem:s30+$0x15450]  }
0x319: {  	v31 =	vadd.f32 v32, v31;
	v32 =	vadd.f32 v34, v33  }
0x31a: {  	v33 =	vmul.f32 v38, v11;
	v34 =	vmul.f32 v41, v12  }
0x31b: {  	v35 =	vmul.f32 v35, v16;
	v31 =	vadd.f32 v31, v32;
	v32 =	vmul.f32 v43, v15;
	v38 =	vld [tilespmem:s30+$0x154D0]  }
0x31c: {  	v39 =	vmul.f32 v39, v13;
	v40 =	vmul.f32 v40, v19;
	v41 =	vld [tilespmem:s30+$0x15550]  }
0x31d: {  	s12 =	sadd.s32 $0x80, s12;
	v36 =	vmul.f32 v36, v18;
	v31 =	vmax.f32 v31, $0.0e+00;
	v37 =	vmul.f32 v37, v20  }
0x31e: {  	v32 =	vadd.f32 v35, v32;
	[tilespmem:s12+$0xFFFFFFC0] =	vst v31;
	v31 =	vadd.f32 v34, v33  }
0x31f: {  	v34 =	vadd.f32 v40, v39;
	v33 =	vld [tilespmem:s0+$0x150A0];
	v35 =	vadd.f32 v37, v36  }
0x320: {  	v36 =	vld [tilespmem:s0+$0x15120];
	v37 =	vmul.f32 v38, v17  }
0x321: {  	v31 =	vadd.f32 v32, v31;
	v38 =	vld [tilespmem:s0+$0x151A0];
	v39 =	vmul.f32 v41, v14;
	v32 =	vadd.f32 v35, v34  }
0x322: {  	v34 =	vld [tilespmem:s0+$0x15220]  }
0x323: {  	v35 =	vld [tilespmem:s0+$0x152A0];
	v37 =	vadd.f32 v39, v37;
	v31 =	vadd.f32 v32, v31  }
0x324: {  	v32 =	vld [tilespmem:s0+$0x15320]  }
0x325: {  	v39 =	vld [tilespmem:s0+$0x153A0];
	v31 =	vadd.f32 v37, v31  }
0x326: {  	v37 =	vld [tilespmem:s0+$0x15420]  }
0x327: {  	v40 =	vld [tilespmem:s0+$0x154A0];
	v31 =	vmax.f32 v31, $0.0e+00  }
0x328: {  	v33 =	vmul.f32 v33, v23;
	v36 =	vmul.f32 v36, v25;
	v41 =	vld [tilespmem:s0+$0x15520];
	[tilespmem:s1+$0x0] =	vst v31  }
0x329: {  	v34 =	vmul.f32 v34, v30;
	v31 =	vmul.f32 v38, v26;
	v38 =	vld [tilespmem:s30+$0x150E0]  }
0x32a: {  	v35 =	vmul.f32 v35, v29;
	v32 =	vmul.f32 v32, v28;
	v42 =	vld [tilespmem:s30+$0x15160]  }
0x32b: {  	v39 =	vmul.f32 v39, v27;
	v37 =	vmul.f32 v37, v24;
	v43 =	vld [tilespmem:s30+$0x151E0]  }
0x32c: {  	v33 =	vadd.f32 v36, v33;
	v31 =	vadd.f32 v34, v31;
	v34 =	vld [tilespmem:s30+$0x15260]  }
0x32d: {  	v32 =	vadd.f32 v32, v35;
	v35 =	vadd.f32 v37, v39;
	v36 =	vld [tilespmem:s30+$0x152E0]  }
0x32e: {  	v37 =	vmul.f32 v40, v21;
	v39 =	vld [tilespmem:s30+$0x15360]  }
0x32f: {  	v31 =	vadd.f32 v31, v33;
	v40 =	vmul.f32 v41, v22;
	v32 =	vadd.f32 v35, v32;
	v33 =	vld [tilespmem:s30+$0x153E0]  }
0x330: {  	v35 =	vld [tilespmem:s30+$0x15460]  }
0x331: {  	v37 =	vadd.f32 v40, v37;
	v31 =	vadd.f32 v32, v31  }
0x332: {  	v32 =	vmul.f32 v38, v11;
	v38 =	vmul.f32 v42, v12  }
0x333: {  	v34 =	vmul.f32 v34, v16;
	v31 =	vadd.f32 v37, v31;
	v37 =	vmul.f32 v43, v15;
	v40 =	vld [tilespmem:s30+$0x154E0]  }
0x334: {  	v36 =	vmul.f32 v36, v13;
	v39 =	vmul.f32 v39, v19;
	v41 =	vld [tilespmem:s30+$0x15560]  }
0x335: {  	v33 =	vmul.f32 v33, v18;
	v31 =	vmax.f32 v31, $0.0e+00;
	v35 =	vmul.f32 v35, v20  }
0x336: {  	v38 =	vadd.f32 v38, v32;
	v34 =	vadd.f32 v34, v37;
	[tilespmem:s12+$0xFFFFFFD0] =	vst v31  }
0x337: {  	v36 =	vadd.f32 v39, v36;
	v31 =	vld [tilespmem:s0+$0x154B0];
	v33 =	vadd.f32 v35, v33  }
0x338: {  	v32 =	vld [tilespmem:s0+$0x15530];
	v35 =	vmul.f32 v40, v17  }
0x339: {  	v34 =	vadd.f32 v34, v38;
	v40 =	vld [tilespmem:s0+$0x150B0];
	v37 =	vmul.f32 v41, v14;
	v33 =	vadd.f32 v33, v36  }
0x33a: {  	v41 =	vld [tilespmem:s0+$0x15130]  }
0x33b: {  	v42 =	vld [tilespmem:s0+$0x151B0];
	v35 =	vadd.f32 v37, v35;
	v33 =	vadd.f32 v33, v34  }
0x33c: {  	v43 =	vld [tilespmem:s0+$0x15230]  }
0x33d: {  	v36 =	vld [tilespmem:s0+$0x152B0];
	v33 =	vadd.f32 v35, v33  }
0x33e: {  	v38 =	vld [tilespmem:s0+$0x15330]  }
.Ltmp3:
0x33f: {  	v37 =	vld [tilespmem:s0+$0x153B0];
	v33 =	vmax.f32 v33, $0.0e+00;
	(pc) =	sbr.rel @p2 .LBB2_5-.Ltmp3, $4  }
0x340: {  	v39 =	vld [tilespmem:s0+$0x15430];
	[tilespmem:s1+$0x10] =	vst v33  }
0x341: {  	v33 =	vld [tilespmem:s30+$0x150F0]  }
0x342: {  	v40 =	vmul.f32 v40, v23;
	v41 =	vmul.f32 v41, v25;
	v34 =	vld [tilespmem:s30+$0x15170]  }
0x343: {  	s15 =	sadd.s32 $0x1400, s15;
	v42 =	vmul.f32 v42, v26;
	v43 =	vmul.f32 v43, v30;
	v35 =	vld [tilespmem:s30+$0x151F0]  }
0x344: {  	v36 =	vmul.f32 v36, v29;
	v38 =	vmul.f32 v38, v28  }
0x345: {  	v37 =	vmul.f32 v37, v27;
	v39 =	vmul.f32 v39, v24  }
0x346: {  	v40 =	vadd.f32 v41, v40;
	v44 =	vadd.f32 v43, v42  }
0x347: {  	v36 =	vadd.f32 v38, v36;
	v37 =	vadd.f32 v39, v37  }
0x348: {  	v31 =	vmul.f32 v31, v21  }
0x349: {  	v32 =	vmul.f32 v32, v22;
	v45 =	vadd.f32 v44, v40;
	v36 =	vadd.f32 v37, v36;
	_ =	sdelay $0x1  }
0x34a: {  	v31 =	vadd.f32 v32, v31;
	v46 =	vadd.f32 v36, v45;
	_ =	sdelay $0x1  }
0x34b: {  	v31 =	vadd.f32 v31, v46;
	_ =	sdelay $0x1  }
0x34c: {  	v31 =	vmax.f32 v31, $0.0e+00  }
0x34d: {  	[tilespmem:s12+$0xFFFFFFE0] =	vst v31  }
0x34e: {  	v31 =	vld [tilespmem:s0+$0x150C0]  }
0x34f: {  	v47 =	vld [tilespmem:s0+$0x15140]  }
0x350: {  	v48 =	vld [tilespmem:s0+$0x151C0]  }
0x351: {  	v49 =	vld [tilespmem:s0+$0x15240]  }
0x352: {  	v50 =	vld [tilespmem:s0+$0x152C0]  }
0x353: {  	v51 =	vld [tilespmem:s0+$0x15340]  }
0x354: {  	v52 =	vld [tilespmem:s0+$0x153C0]  }
0x355: {  	v53 =	vld [tilespmem:s0+$0x15440];
	_ =	sdelay $0x1  }
0x356: {  	v31 =	vmul.f32 v31, v23;
	v32 =	vmul.f32 v47, v25  }
0x357: {  	v54 =	vld [tilespmem:s0+$0x154C0];
	v36 =	vmul.f32 v48, v26;
	v37 =	vmul.f32 v49, v30  }
0x358: {  	v55 =	vld [tilespmem:s0+$0x15540];
	v38 =	vmul.f32 v50, v29;
	v39 =	vmul.f32 v51, v28  }
0x359: {  	v40 =	vmul.f32 v52, v27;
	v41 =	vmul.f32 v53, v24  }
0x35a: {  	v31 =	vadd.f32 v32, v31;
	v56 =	vadd.f32 v37, v36  }
0x35b: {  	v57 =	vadd.f32 v39, v38;
	v58 =	vadd.f32 v41, v40  }
0x35c: {  	v59 =	vmul.f32 v54, v21  }
0x35d: {  	v60 =	vmul.f32 v55, v22;
	v31 =	vadd.f32 v56, v31;
	v61 =	vadd.f32 v58, v57;
	_ =	sdelay $0x1  }
0x35e: {  	v62 =	vadd.f32 v60, v59;
	v31 =	vadd.f32 v61, v31;
	_ =	sdelay $0x1  }
0x35f: {  	v31 =	vadd.f32 v62, v31;
	_ =	sdelay $0x1  }
0x360: {  	v31 =	vmax.f32 v31, $0.0e+00  }
0x361: {  	[tilespmem:s12+$0xFFFFFFF0] =	vst v31  }
0x362: {  	v31 =	vld [tilespmem:s0+$0x150D0]  }
0x363: {  	v63 =	vld [tilespmem:s0+$0x15150]  }
0x364: {  	v44 =	vld [tilespmem:s0+$0x151D0]  }
0x365: {  	v45 =	vld [tilespmem:s0+$0x15250]  }
0x366: {  	v46 =	vld [tilespmem:s0+$0x152D0]  }
0x367: {  	v47 =	vld [tilespmem:s0+$0x15350]  }
0x368: {  	v48 =	vld [tilespmem:s0+$0x153D0]  }
0x369: {  	v49 =	vld [tilespmem:s0+$0x15450];
	_ =	sdelay $0x1  }
0x36a: {  	v31 =	vmul.f32 v31, v23;
	v32 =	vmul.f32 v63, v25  }
0x36b: {  	v50 =	vld [tilespmem:s0+$0x154D0];
	v36 =	vmul.f32 v44, v26;
	v37 =	vmul.f32 v45, v30  }
0x36c: {  	v51 =	vld [tilespmem:s0+$0x15550];
	v38 =	vmul.f32 v46, v29;
	v39 =	vmul.f32 v47, v28  }
0x36d: {  	v40 =	vmul.f32 v48, v27;
	v41 =	vmul.f32 v49, v24  }
0x36e: {  	v31 =	vadd.f32 v32, v31;
	v52 =	vadd.f32 v37, v36  }
0x36f: {  	v53 =	vadd.f32 v39, v38;
	v54 =	vadd.f32 v41, v40  }
0x370: {  	v55 =	vmul.f32 v50, v21  }
0x371: {  	v56 =	vmul.f32 v51, v22;
	v31 =	vadd.f32 v52, v31;
	v57 =	vadd.f32 v54, v53;
	_ =	sdelay $0x1  }
0x372: {  	v58 =	vadd.f32 v56, v55;
	v31 =	vadd.f32 v57, v31;
	_ =	sdelay $0x1  }
0x373: {  	v31 =	vadd.f32 v58, v31;
	_ =	sdelay $0x1  }
0x374: {  	v31 =	vmax.f32 v31, $0.0e+00  }
0x375: {  	[tilespmem:s12+$0x0] =	vst v31  }
0x376: {  	v31 =	vld [tilespmem:s0+$0x150E0]  }
0x377: {  	v59 =	vld [tilespmem:s0+$0x15160]  }
0x378: {  	v60 =	vld [tilespmem:s0+$0x151E0]  }
0x379: {  	v61 =	vld [tilespmem:s0+$0x15260]  }
0x37a: {  	v62 =	vld [tilespmem:s0+$0x152E0]  }
0x37b: {  	v63 =	vld [tilespmem:s0+$0x15360]  }
0x37c: {  	v45 =	vld [tilespmem:s0+$0x153E0]  }
0x37d: {  	v46 =	vld [tilespmem:s0+$0x15460];
	_ =	sdelay $0x1  }
0x37e: {  	v31 =	vmul.f32 v31, v23;
	v32 =	vmul.f32 v59, v25  }
0x37f: {  	v47 =	vld [tilespmem:s0+$0x154E0];
	v36 =	vmul.f32 v60, v26;
	v37 =	vmul.f32 v61, v30  }
0x380: {  	v48 =	vld [tilespmem:s0+$0x15560];
	v38 =	vmul.f32 v62, v29;
	v39 =	vmul.f32 v63, v28  }
0x381: {  	v40 =	vmul.f32 v45, v27;
	v41 =	vmul.f32 v46, v24  }
0x382: {  	v31 =	vadd.f32 v32, v31;
	v49 =	vadd.f32 v37, v36  }
0x383: {  	v50 =	vadd.f32 v39, v38;
	v51 =	vadd.f32 v41, v40  }
0x384: {  	v52 =	vmul.f32 v47, v21  }
0x385: {  	v53 =	vmul.f32 v48, v22;
	v31 =	vadd.f32 v49, v31;
	v54 =	vadd.f32 v51, v50  }
0x386: {  	v55 =	vld [tilespmem:s30+$0x15270]  }
0x387: {  	v56 =	vld [tilespmem:s30+$0x152F0];
	v38 =	vadd.f32 v53, v52;
	v31 =	vadd.f32 v54, v31  }
0x388: {  	v57 =	vld [tilespmem:s30+$0x15370]  }
0x389: {  	v58 =	vld [tilespmem:s30+$0x153F0];
	v31 =	vadd.f32 v38, v31  }
0x38a: {  	v59 =	vld [tilespmem:s30+$0x15470]  }
0x38b: {  	v60 =	vld [tilespmem:s30+$0x154F0];
	v31 =	vmax.f32 v31, $0.0e+00  }
0x38c: {  	v61 =	vld [tilespmem:s30+$0x15570];
	[tilespmem:s12+$0x10] =	vst v31  }
0x38d: {  	v31 =	vld [tilespmem:s0+$0x150F0]  }
0x38e: {  	v33 =	vmul.f32 v33, v11;
	v34 =	vmul.f32 v34, v12;
	v62 =	vld [tilespmem:s0+$0x15170]  }
0x38f: {  	v35 =	vmul.f32 v35, v15;
	v36 =	vmul.f32 v55, v16;
	v63 =	vld [tilespmem:s0+$0x151F0]  }
0x390: {  	v37 =	vmul.f32 v56, v13;
	v32 =	vmul.f32 v57, v19;
	v44 =	vld [tilespmem:s0+$0x15270]  }
0x391: {  	v39 =	vmul.f32 v58, v18;
	v38 =	vmul.f32 v59, v20;
	v45 =	vld [tilespmem:s0+$0x152F0]  }
0x392: {  	v33 =	vadd.f32 v34, v33;
	v46 =	vadd.f32 v36, v35;
	v47 =	vld [tilespmem:s0+$0x15370]  }
0x393: {  	v32 =	vadd.f32 v32, v37;
	v48 =	vadd.f32 v38, v39;
	v49 =	vld [tilespmem:s0+$0x153F0]  }
0x394: {  	v50 =	vmul.f32 v60, v17;
	v51 =	vmul.f32 v61, v14;
	v52 =	vld [tilespmem:s0+$0x15470]  }
0x395: {  	v33 =	vadd.f32 v46, v33;
	v32 =	vadd.f32 v48, v32  }
0x396: {  	v53 =	vadd.f32 v51, v50;
	v31 =	vmul.f32 v31, v23;
	v54 =	vmul.f32 v62, v25  }
0x397: {  	v57 =	vld [tilespmem:s0+$0x154F0];
	v32 =	vadd.f32 v32, v33;
	v55 =	vmul.f32 v63, v26;
	v56 =	vmul.f32 v44, v30  }
0x398: {  	v59 =	vld [tilespmem:s0+$0x15570];
	v58 =	vmul.f32 v45, v29;
	v35 =	vmul.f32 v47, v28  }
0x399: {  	v32 =	vadd.f32 v53, v32;
	v60 =	vmul.f32 v49, v27;
	v61 =	vmul.f32 v52, v24  }
0x39a: {  	v31 =	vadd.f32 v54, v31;
	v33 =	vadd.f32 v56, v55  }
0x39b: {  	v32 =	vmax.f32 v32, $0.0e+00;
	v35 =	vadd.f32 v35, v58;
	v34 =	vadd.f32 v61, v60  }
0x39c: {  	v62 =	vmul.f32 v57, v21;
	[tilespmem:s1+$0x20] =	vst v32  }
0x39d: {  	v43 =	vmul.f32 v59, v22;
	v63 =	vld [tilespmem:s30+$0x15100];
	v31 =	vadd.f32 v33, v31;
	v44 =	vadd.f32 v34, v35  }
0x39e: {  	v45 =	vld [tilespmem:s30+$0x15180]  }
0x39f: {  	v32 =	vadd.f32 v43, v62;
	v46 =	vld [tilespmem:s30+$0x15200];
	v31 =	vadd.f32 v44, v31  }
0x3a0: {  	v47 =	vld [tilespmem:s30+$0x15280]  }
0x3a1: {  	v48 =	vld [tilespmem:s30+$0x15300];
	v31 =	vadd.f32 v32, v31  }
0x3a2: {  	v49 =	vld [tilespmem:s30+$0x15380]  }
0x3a3: {  	v50 =	vld [tilespmem:s30+$0x15400];
	v31 =	vmax.f32 v31, $0.0e+00  }
0x3a4: {  	v51 =	vld [tilespmem:s30+$0x15480];
	[tilespmem:s12+$0x20] =	vst v31  }
0x3a5: {  	v31 =	vld [tilespmem:s0+$0x15100]  }
0x3a6: {  	v52 =	vld [tilespmem:s0+$0x15180]  }
0x3a7: {  	v53 =	vld [tilespmem:s0+$0x15200]  }
0x3a8: {  	v54 =	vld [tilespmem:s0+$0x15280]  }
0x3a9: {  	v55 =	vld [tilespmem:s0+$0x15300]  }
0x3aa: {  	v11 =	vmul.f32 v63, v11;
	v56 =	vmul.f32 v45, v12;
	v57 =	vld [tilespmem:s0+$0x15380]  }
0x3ab: {  	v58 =	vmul.f32 v46, v15;
	v59 =	vmul.f32 v47, v16;
	v60 =	vld [tilespmem:s0+$0x15400]  }
0x3ac: {  	v61 =	vmul.f32 v48, v13;
	v62 =	vmul.f32 v49, v19;
	v63 =	vld [tilespmem:s0+$0x15480]  }
0x3ad: {  	v44 =	vld [tilespmem:s30+$0x15500];
	v45 =	vmul.f32 v50, v18;
	v46 =	vmul.f32 v51, v20;
	v11 =	vadd.f32 v56, v11  }
0x3ae: {  	v47 =	vld [tilespmem:s30+$0x15580];
	v15 =	vadd.f32 v59, v58;
	v48 =	vmul.f32 v31, v23;
	v49 =	vmul.f32 v52, v25  }
0x3af: {  	v13 =	vadd.f32 v62, v61;
	v50 =	vmul.f32 v53, v26;
	v51 =	vmul.f32 v54, v30;
	v52 =	vld [tilespmem:s0+$0x15500]  }
0x3b0: {  	v18 =	vadd.f32 v46, v45;
	v53 =	vmul.f32 v55, v29;
	v54 =	vmul.f32 v57, v28;
	v55 =	vld [tilespmem:s0+$0x15580]  }
0x3b1: {  	v11 =	vadd.f32 v15, v11;
	v56 =	vmul.f32 v60, v27;
	v57 =	vmul.f32 v63, v24  }
0x3b2: {  	v12 =	vadd.f32 v49, v48;
	v16 =	vadd.f32 v51, v50  }
0x3b3: {  	v58 =	vmul.f32 v44, v17;
	v19 =	vadd.f32 v54, v53;
	v20 =	vadd.f32 v57, v56  }
0x3b4: {  	v13 =	vadd.f32 v18, v13;
	v59 =	vmul.f32 v47, v14;
	v12 =	vadd.f32 v16, v12  }
0x3b5: {  	v62 =	vadd.f32 v20, v19;
	v60 =	vmul.f32 v52, v21;
	v61 =	vmul.f32 v55, v22  }
0x3b6: {  	v11 =	vadd.f32 v13, v11;
	v14 =	vadd.f32 v59, v58  }
0x3b7: {  	v12 =	vadd.f32 v62, v12;
	v63 =	vadd.f32 v61, v60  }
0x3b8: {  	v11 =	vadd.f32 v14, v11  }
.Ltmp4:
0x3b9: {  	s0 =	sadd.s32 s5, s31;
	v12 =	vadd.f32 v63, v12;
	(pc) =	sbr.rel @p1 .LBB2_10-.Ltmp4, $4  }
0x3ba: {  	p2 =	sgt.u32 s0, $0xC34;
	v11 =	vmax.f32 v11, $0.0e+00  }
0x3bb: {  	s0 =	sshll.u32 @!p2 s0, $0x8;
	[tilespmem:s1+$0x30] =	vst v11;
	v11 =	vmax.f32 v12, $0.0e+00  }
0x3bc: {  	s0 =	sadd.s32 @!p2 s3, s0;
	s1 =	simm.s32 @!p2 $0x0;
	[tilespmem:s12+$0x30] =	vst v11;
	s12 =	simm.s32 @!p2 $0x1F130  }
0x3bd: {  	[hbm4b:s0+s1] =	stream.linear.scatter @!p2 [tilespmem:s12], [sflag:$0x4], $0x800, $0x38;
	[tilespmem:$0x1F940] =	vst v63  }
0x3be: {  	s29 =	sadd.s32 $0x2, s29  }
0x3bf: {  	s0 =	sshll.u32 s29, $0x1  }
0x3c0: {  	v11 =	vmov s0  }
0x3c1: {  	v11 =	vmul.u32 $0x50, v11;
	_ =	sdelay $0x1  }
0x3c2: {  	s16 =	smul.u32 $0x780, s28;
	v11 =	vbroadcast v11, $0x0;
	_ =	sdelay $0x1  }
0x3c3: {  	s0 =	sshra.s32 s16, $0x2;
	v12 =	vadd.s32 v0, v11  }
0x3c4: {  	s1 =	sadd.s32 $0x280, s0;
	v13 =	vadd.s32 v1, v11  }
0x3c5: {  	[tilespmem:s17], [sflag:$0x2] =	stream.indirect.gather [hbm4b:s2+s13], $0x80, s1, s13, $0xb8;
	v14 =	vadd.s32 v2, v11;
	[tilespmem:$0x1F940] =	vst v63  }
0x3c6: {  	s31 =	simm.s32 $0x0;
	s0 =	sadd.s32 $0x2D0, s0;
	v15 =	vadd.s32 v3, v11  }
0x3c7: {  	[tilespmem:s19], [sflag:$0x2] =	stream.indirect.gather [hbm4b:s2+s13], $0x80, s0, s13, $0xb8;
	v16 =	vadd.s32 v4, v11;
	[tilespmem:$0x1F940] =	vst v63  }
0x3c8: {  	v17 =	vadd.s32 v5, v11;
	v12 =	vld.idx.msk [tilespmem:v12+s31+$0x0], $0xffff  }
0x3c9: {  	v18 =	vadd.s32 v6, v11;
	v13 =	vld.idx.msk [tilespmem:v13+s31+$0x0], $0xffff  }
0x3ca: {  	v19 =	vadd.s32 v7, v11;
	v14 =	vld.idx.msk [tilespmem:v14+s31+$0x0], $0xffff  }
0x3cb: {  	v20 =	vadd.s32 v8, v11;
	v15 =	vld.idx.msk [tilespmem:v15+s31+$0x0], $0xffff  }
0x3cc: {  	v11 =	vadd.s32 v9, v11;
	v16 =	vld.idx.msk [tilespmem:v16+s31+$0x0], $0xffff  }
0x3cd: {  	v17 =	vld.idx.msk [tilespmem:v17+s31+$0x0], $0xffff  }
0x3ce: {  	v18 =	vld.idx.msk [tilespmem:v18+s31+$0x0], $0xffff  }
0x3cf: {  	v19 =	vld.idx.msk [tilespmem:v19+s31+$0x0], $0xffff  }
0x3d0: {  	v20 =	vld.idx.msk [tilespmem:v20+s31+$0x0], $0xffff  }
0x3d1: {  	v11 =	vld.idx.msk [tilespmem:v11+s31+$0x0], $0xffff  }
0x3d2: {  	v12 =	vld.idx.msk [tilespmem:v12+s10+$0x0], $0xffff  }
0x3d3: {  	v13 =	vld.idx.msk [tilespmem:v13+s10+$0x0], $0xffff  }
0x3d4: {  	v14 =	vld.idx.msk [tilespmem:v14+s10+$0x0], $0xffff  }
0x3d5: {  	v15 =	vld.idx.msk [tilespmem:v15+s10+$0x0], $0xffff  }
0x3d6: {  	v16 =	vld.idx.msk [tilespmem:v16+s10+$0x0], $0xffff  }
0x3d7: {  	v17 =	vld.idx.msk [tilespmem:v17+s10+$0x0], $0xffff  }
0x3d8: {  	v18 =	vld.idx.msk [tilespmem:v18+s10+$0x0], $0xffff;
	v21 =	vmax.f32 v12, v13  }
0x3d9: {  	v19 =	vld.idx.msk [tilespmem:v19+s10+$0x0], $0xffff;
	v21 =	vmax.f32 v21, v14  }
0x3da: {  	v20 =	vld.idx.msk [tilespmem:v20+s10+$0x0], $0xffff;
	v21 =	vmax.f32 v21, v15  }
0x3db: {  	v11 =	vld.idx.msk [tilespmem:v11+s10+$0x0], $0xffff;
	v21 =	vmax.f32 v21, v16  }
0x3dc: {  	v21 =	vmax.f32 v21, v17  }
0x3dd: {  	v21 =	vmax.f32 v21, v18  }
0x3de: {  	v21 =	vmax.f32 v21, v19  }
0x3df: {  	v21 =	vmax.f32 v21, v20  }
0x3e0: {  	v21 =	vmax.f32 v21, v11  }
0x3e1: {  	v12 =	vsub.f32 v12, v21  }
0x3e2: {  	v13 =	vsub.f32 v13, v21  }
0x3e3: {  	v12 =	vmul.f32 $1.442695020e+00, v12  }
0x3e4: {  	v14 =	vsub.f32 v14, v21;
	v13 =	vmul.f32 $1.442695020e+00, v13  }
0x3e5: {  	(erf) = vpow2.f32 v12  }
0x3e6: {  	v12 =	vmul.f32 $1.442695020e+00, v14;
	(erf) = vpow2.f32 v13;
	v13 =	vsub.f32 v15, v21;
	_ =	sdelay $0x1  }
0x3e7: {  	(erf) = vpow2.f32 v12;
	v12 =	vmul.f32 $1.442695020e+00, v13;
	v13 =	vsub.f32 v16, v21;
	_ =	sdelay $0x1  }
0x3e8: {  	(erf) = vpow2.f32 v12;
	v12 =	vmul.f32 $1.442695020e+00, v13;
	v13 =	vsub.f32 v17, v21;
	_ =	sdelay $0x1  }
0x3e9: {  	(erf) = vpow2.f32 v12;
	v12 =	vmul.f32 $1.442695020e+00, v13;
	v13 =	vsub.f32 v18, v21;
	_ =	sdelay $0x2  }
0x3ea: {  	v15 =	vpop (erf)  }
0x3eb: {  	v14 =	vsub.f32 v19, v21;
	(erf) = vpow2.f32 v12;
	v12 =	vmul.f32 $1.442695020e+00, v13;
	v13 =	vpop (erf)  }
0x3ec: {  	v16 =	vadd.f32 v13, v15  }
0x3ed: {  	v14 =	vmul.f32 $1.442695020e+00, v14;
	(erf) = vpow2.f32 v12;
	v12 =	vsub.f32 v20, v21  }
0x3ee: {  	v17 =	vpop (erf)  }
0x3ef: {  	(erf) = vpow2.f32 v14;
	v12 =	vmul.f32 $1.442695020e+00, v12;
	v14 =	vadd.f32 v16, v17  }
0x3f0: {  	v11 =	vsub.f32 v11, v21;
	v16 =	vpop (erf)  }
0x3f1: {  	(erf) = vpow2.f32 v12;
	v12 =	vadd.f32 v14, v16  }
0x3f2: {  	v11 =	vmul.f32 $1.442695020e+00, v11  }
0x3f3: {  	v14 =	vpop (erf)  }
0x3f4: {  	(erf) = vpow2.f32 v11;
	v11 =	vadd.f32 v12, v14  }
0x3f5: {  	v12 =	vpop (erf)  }
0x3f6: {  	v11 =	vadd.f32 v11, v12  }
0x3f7: {  	v18 =	vpop (erf)  }
0x3f8: {  	v11 =	vadd.f32 v11, v18  }
0x3f9: {  	v19 =	vpop (erf)  }
0x3fa: {  	v11 =	vadd.f32 v11, v19  }
0x3fb: {  	v20 =	vpop (erf)  }
0x3fc: {  	v11 =	vadd.f32 v11, v20  }
0x3fd: {  	v21 =	vpop (erf)  }
0x3fe: {  	v11 =	vadd.f32 v11, v21;
	_ =	sdelay $0x1  }
0x3ff: {  	(erf) = vrcp.f32 v11;
	_ =	sdelay $0x8  }
0x400: {  	v11 =	vpop (erf)  }
0x401: {  	v11 =	vmul.f32 v11, v10;
	_ =	sdelay $0x1  }
0x402: {  	v15 =	vmul.f32 v11, v15  }
0x403: {  	v13 =	vmul.f32 v11, v13  }
0x404: {  	v14 =	vmul.f32 v11, v14;
	[tilespmem:$0x1F090] =	vst v15  }
0x405: {  	v12 =	vmul.f32 v11, v12;
	[tilespmem:$0x1F0A0] =	vst v13  }
0x406: {  	v13 =	vmul.f32 v11, v16;
	[tilespmem:$0x1F0D0] =	vst v14  }
0x407: {  	v15 =	vmul.f32 v11, v17;
	[tilespmem:$0x1F0E0] =	vst v12  }
0x408: {  	[tilespmem:$0x1F0C0] =	vst v13;
	v13 =	vmul.f32 v11, v18  }
0x409: {  	v12 =	vmul.f32 v11, v19;
	[tilespmem:$0x1F0B0] =	vst v15  }
0x40a: {  	[tilespmem:$0x1F0F0] =	vst v13;
	v13 =	vmul.f32 v11, v20  }
0x40b: {  	[tilespmem:$0x1F100] =	vst v12;
	v11 =	vmul.f32 v11, v21  }
0x40c: {  	[tilespmem:$0x1F110] =	vst v13  }
0x40d: {  	[tilespmem:$0x1F120] =	vst v11  }
0x40e: {  	_ =	swait.ge [sflag:s23], $0x800  }
0x40f: {  	[sflag:s23] =	ssyncset.done $0x0  }
0x410: {  	[sflag:s23] =	ssyncadd.s32 $0xFFFFF800  }
0x411: {  	_ =	swait.ge [sflag:s25], $0x5000  }
0x412: {  	[sflag:s25] =	ssyncset.done $0x0  }
0x413: {  	s30 =	simm.s32 $0x0;
	[sflag:s25] =	ssyncadd.s32 $0xFFFFB000  }
0x414: {  	v14 =	vld [tilespmem:s30+$0x1A090]  }
0x415: {  	v11 =	vmov s31;
	v17 =	vld [tilespmem:s30+$0x1A110]  }
0x416: {  	v20 =	vand.u32 $0xF, v11;
	v21 =	vld [tilespmem:s30+$0x1A190]  }
0x417: {  	v12 =	vor.u32 $0x10, v20;
	v22 =	vld [tilespmem:s30+$0x1A210]  }
0x418: {  	v13 =	vor.u32 $0x20, v20;
	v23 =	vld [tilespmem:s30+$0x1A290]  }
0x419: {  	v16 =	vor.u32 $0x30, v20;
	v24 =	vld [tilespmem:s30+$0x1A310]  }
0x41a: {  	v18 =	vor.u32 $0x40, v20;
	v25 =	vld [tilespmem:s30+$0x1A390]  }
0x41b: {  	v19 =	vor.u32 $0x50, v20;
	v11 =	vld.idx.msk [tilespmem:v11+s21+$0x0], $0xffff  }
0x41c: {  	v26 =	vor.u32 $0x60, v20;
	v12 =	vld.idx.msk [tilespmem:v12+s21+$0x0], $0xffff  }
0x41d: {  	v27 =	vor.u32 $0x70, v20;
	v15 =	vld.idx.msk [tilespmem:v13+s21+$0x0], $0xffff  }
0x41e: {  	v16 =	vld.idx.msk [tilespmem:v16+s21+$0x0], $0xffff  }
0x41f: {  	v13 =	vld.idx.msk [tilespmem:v18+s21+$0x0], $0xffff  }
0x420: {  	v19 =	vld.idx.msk [tilespmem:v19+s21+$0x0], $0xffff  }
0x421: {  	v28 =	vor.u32 $0x80, v20;
	v18 =	vld.idx.msk [tilespmem:v26+s21+$0x0], $0xffff  }
0x422: {  	v26 =	vor.u32 $0x90, v20;
	v20 =	vld.idx.msk [tilespmem:v27+s21+$0x0], $0xffff  }
0x423: {  	v27 =	vld [tilespmem:s30+$0x1A410]  }
0x424: {  	v29 =	vld [tilespmem:s30+$0x1A490]  }
0x425: {  	v30 =	vld [tilespmem:s30+$0x1A510];
	v31 =	vmul.f32 v14, v11;
	v32 =	vmul.f32 v17, v12  }
0x426: {  	v17 =	vld.idx.msk [tilespmem:v28+s21+$0x0], $0xffff;
	v21 =	vmul.f32 v21, v15;
	v22 =	vmul.f32 v22, v16  }
0x427: {  	v14 =	vld.idx.msk [tilespmem:v26+s21+$0x0], $0xffff;
	v23 =	vmul.f32 v23, v13;
	v24 =	vmul.f32 v24, v19  }
0x428: {  	v25 =	vmul.f32 v25, v18;
	v26 =	vmul.f32 v27, v20  }
0x429: {  	v27 =	vadd.f32 v32, v31;
	v21 =	vadd.f32 v22, v21  }
0x42a: {  	v22 =	vadd.f32 v24, v23;
	v23 =	vadd.f32 v26, v25  }
0x42b: {  	v21 =	vadd.f32 v21, v27  }
0x42c: {  	v22 =	vadd.f32 v23, v22;
	v24 =	vmul.f32 v29, v17;
	v25 =	vmul.f32 v30, v14;
	_ =	sdelay $0x1  }
0x42d: {  	v21 =	vadd.f32 v22, v21;
	v23 =	vadd.f32 v25, v24;
	_ =	sdelay $0x1  }
0x42e: {  	v21 =	vadd.f32 v23, v21;
	_ =	sdelay $0x1  }
0x42f: {  	s1 =	simm.s32 $0x1F170;
	v21 =	vmax.f32 v21, $0.0e+00  }
0x430: {  	[tilespmem:s1+$0xFFFFFFC0] =	vst v21  }
0x431: {  	v21 =	vld [tilespmem:s30+$0x1A0A0]  }
0x432: {  	v22 =	vld [tilespmem:s30+$0x1A120]  }
0x433: {  	v23 =	vld [tilespmem:s30+$0x1A1A0]  }
0x434: {  	v24 =	vld [tilespmem:s30+$0x1A220]  }
0x435: {  	v25 =	vld [tilespmem:s30+$0x1A2A0]  }
0x436: {  	v26 =	vld [tilespmem:s30+$0x1A320]  }
0x437: {  	v27 =	vld [tilespmem:s30+$0x1A3A0]  }
0x438: {  	v28 =	vld [tilespmem:s30+$0x1A420];
	_ =	sdelay $0x1  }
0x439: {  	v21 =	vmul.f32 v21, v11;
	v22 =	vmul.f32 v22, v12  }
0x43a: {  	v29 =	vld [tilespmem:s30+$0x1A4A0];
	v23 =	vmul.f32 v23, v15;
	v24 =	vmul.f32 v24, v16  }
0x43b: {  	v30 =	vld [tilespmem:s30+$0x1A520];
	v25 =	vmul.f32 v25, v13;
	v26 =	vmul.f32 v26, v19  }
0x43c: {  	v27 =	vmul.f32 v27, v18;
	v28 =	vmul.f32 v28, v20  }
0x43d: {  	v21 =	vadd.f32 v22, v21;
	v22 =	vadd.f32 v24, v23  }
0x43e: {  	v23 =	vadd.f32 v26, v25;
	v24 =	vadd.f32 v28, v27  }
0x43f: {  	v25 =	vmul.f32 v29, v17  }
0x440: {  	v26 =	vmul.f32 v30, v14;
	v21 =	vadd.f32 v22, v21;
	v22 =	vadd.f32 v24, v23;
	_ =	sdelay $0x1  }
0x441: {  	v23 =	vadd.f32 v26, v25;
	v21 =	vadd.f32 v22, v21;
	_ =	sdelay $0x1  }
0x442: {  	v21 =	vadd.f32 v23, v21;
	_ =	sdelay $0x1  }
0x443: {  	v21 =	vmax.f32 v21, $0.0e+00  }
0x444: {  	[tilespmem:s1+$0xFFFFFFD0] =	vst v21  }
0x445: {  	v21 =	vld [tilespmem:s30+$0x1A0B0]  }
0x446: {  	v22 =	vld [tilespmem:s30+$0x1A130]  }
0x447: {  	v23 =	vld [tilespmem:s30+$0x1A1B0]  }
0x448: {  	v24 =	vld [tilespmem:s30+$0x1A230]  }
0x449: {  	v25 =	vld [tilespmem:s30+$0x1A2B0]  }
0x44a: {  	v26 =	vld [tilespmem:s30+$0x1A330]  }
0x44b: {  	v27 =	vld [tilespmem:s30+$0x1A3B0]  }
0x44c: {  	v28 =	vld [tilespmem:s30+$0x1A430];
	_ =	sdelay $0x1  }
0x44d: {  	v21 =	vmul.f32 v21, v11;
	v22 =	vmul.f32 v22, v12  }
0x44e: {  	v29 =	vld [tilespmem:s30+$0x1A4B0];
	v23 =	vmul.f32 v23, v15;
	v24 =	vmul.f32 v24, v16  }
0x44f: {  	v30 =	vld [tilespmem:s30+$0x1A530];
	v25 =	vmul.f32 v25, v13;
	v26 =	vmul.f32 v26, v19  }
0x450: {  	v27 =	vmul.f32 v27, v18;
	v28 =	vmul.f32 v28, v20  }
0x451: {  	v21 =	vadd.f32 v22, v21;
	v22 =	vadd.f32 v24, v23  }
0x452: {  	v23 =	vadd.f32 v26, v25;
	v24 =	vadd.f32 v28, v27  }
0x453: {  	v25 =	vmul.f32 v29, v17  }
0x454: {  	v26 =	vmul.f32 v30, v14;
	v21 =	vadd.f32 v22, v21;
	v22 =	vadd.f32 v24, v23  }
0x455: {  	s0 =	simm.s32 $0x500  }
0x456: {  	v60 =	vld [tilespmem:s0+$0x1A510];
	v23 =	vadd.f32 v26, v25;
	v21 =	vadd.f32 v22, v21  }
0x457: {  	v33 =	vld [tilespmem:s0+$0x1A090]  }
0x458: {  	v34 =	vld [tilespmem:s0+$0x1A110];
	v21 =	vadd.f32 v23, v21  }
0x459: {  	v35 =	vld [tilespmem:s0+$0x1A190]  }
0x45a: {  	v36 =	vld [tilespmem:s0+$0x1A210];
	v21 =	vmax.f32 v21, $0.0e+00  }
0x45b: {  	v37 =	vld [tilespmem:s0+$0x1A290];
	[tilespmem:s1+$0xFFFFFFE0] =	vst v21  }
0x45c: {  	v21 =	vld [tilespmem:s30+$0x1A0C0]  }
0x45d: {  	v22 =	vld [tilespmem:s30+$0x1A140]  }
0x45e: {  	v23 =	vld [tilespmem:s30+$0x1A1C0]  }
0x45f: {  	v24 =	vld [tilespmem:s30+$0x1A240]  }
0x460: {  	v25 =	vld [tilespmem:s30+$0x1A2C0]  }
0x461: {  	v26 =	vld [tilespmem:s30+$0x1A340]  }
0x462: {  	v27 =	vld [tilespmem:s30+$0x1A3C0]  }
0x463: {  	s14 =	simm.s32 $0x1;
	v29 =	vld [tilespmem:s30+$0x1A440]  }
0x464: {  	v43 =	vld [tilespmem:s0+$0x1A310];
	v28 =	vmov s14  }
0x465: {  	v45 =	vld [tilespmem:s0+$0x1A390];
	v38 =	vand.u32 $0xF, v28;
	v21 =	vmul.f32 v21, v11;
	v22 =	vmul.f32 v22, v12  }
0x466: {  	v30 =	vor.u32 $0x10, v38;
	v39 =	vld [tilespmem:s30+$0x1A4C0];
	v23 =	vmul.f32 v23, v15;
	v24 =	vmul.f32 v24, v16  }
0x467: {  	v40 =	vor.u32 $0x20, v38;
	v41 =	vld [tilespmem:s30+$0x1A540];
	v25 =	vmul.f32 v25, v13;
	v26 =	vmul.f32 v26, v19  }
0x468: {  	v63 =	vld [tilespmem:s0+$0x1A410];
	v42 =	vor.u32 $0x30, v38;
	v27 =	vmul.f32 v27, v18;
	v29 =	vmul.f32 v29, v20  }
0x469: {  	v31 =	vld [tilespmem:s0+$0x1A490];
	v44 =	vor.u32 $0x40, v38;
	v21 =	vadd.f32 v22, v21;
	v22 =	vadd.f32 v24, v23  }
0x46a: {  	v46 =	vor.u32 $0x50, v38;
	v23 =	vld.idx.msk [tilespmem:v28+s21+$0x0], $0xffff;
	v28 =	vadd.f32 v26, v25;
	v27 =	vadd.f32 v29, v27  }
0x46b: {  	v47 =	vor.u32 $0x70, v38;
	v39 =	vmul.f32 v39, v17;
	v24 =	vor.u32 $0x60, v38;
	v25 =	vld.idx.msk [tilespmem:v30+s21+$0x0], $0xffff  }
0x46c: {  	v61 =	vmul.f32 v41, v14;
	v26 =	vld.idx.msk [tilespmem:v40+s21+$0x0], $0xffff;
	v21 =	vadd.f32 v22, v21;
	v22 =	vadd.f32 v27, v28  }
0x46d: {  	v62 =	vor.u32 $0x80, v38;
	v30 =	vld.idx.msk [tilespmem:v42+s21+$0x0], $0xffff  }
0x46e: {  	v29 =	vld.idx.msk [tilespmem:v44+s21+$0x0], $0xffff;
	v39 =	vadd.f32 v61, v39;
	v38 =	vor.u32 $0x90, v38;
	v21 =	vadd.f32 v22, v21  }
0x46f: {  	v28 =	vld.idx.msk [tilespmem:v46+s21+$0x0], $0xffff  }
0x470: {  	v27 =	vld.idx.msk [tilespmem:v24+s21+$0x0], $0xffff;
	v22 =	vadd.f32 v39, v21  }
0x471: {  	v24 =	vld.idx.msk [tilespmem:v47+s21+$0x0], $0xffff  }
0x472: {  	v21 =	vld.idx.msk [tilespmem:v62+s21+$0x0], $0xffff;
	v44 =	vmax.f32 v22, $0.0e+00  }
0x473: {  	v33 =	vmul.f32 v33, v23;
	v34 =	vmul.f32 v34, v25;
	v22 =	vld.idx.msk [tilespmem:v38+s21+$0x0], $0xffff;
	[tilespmem:s1+$0xFFFFFFF0] =	vst v44  }
0x474: {  	v35 =	vmul.f32 v35, v26;
	v36 =	vmul.f32 v36, v30;
	v46 =	vld [tilespmem:s30+$0x1A0D0]  }
0x475: {  	v37 =	vmul.f32 v37, v29;
	v47 =	vmul.f32 v43, v28;
	v48 =	vld [tilespmem:s30+$0x1A150]  }
0x476: {  	v49 =	vmul.f32 v45, v27;
	v39 =	vmul.f32 v63, v24;
	v50 =	vld [tilespmem:s30+$0x1A1D0]  }
0x477: {  	v33 =	vadd.f32 v34, v33;
	v51 =	vadd.f32 v36, v35;
	v52 =	vld [tilespmem:s30+$0x1A250]  }
0x478: {  	v53 =	vadd.f32 v47, v37;
	v55 =	vld [tilespmem:s30+$0x1A2D0];
	v54 =	vadd.f32 v39, v49  }
0x479: {  	v33 =	vadd.f32 v51, v33;
	v56 =	vld [tilespmem:s30+$0x1A350]  }
0x47a: {  	v58 =	vld [tilespmem:s30+$0x1A3D0];
	v31 =	vmul.f32 v31, v21;
	v32 =	vmul.f32 v60, v22;
	v57 =	vadd.f32 v54, v53  }
0x47b: {  	v59 =	vld [tilespmem:s30+$0x1A450]  }
0x47c: {  	v31 =	vadd.f32 v32, v31;
	v60 =	vadd.f32 v57, v33  }
0x47d: {  	v61 =	vmul.f32 v46, v11;
	v62 =	vmul.f32 v48, v12  }
0x47e: {  	v44 =	vld [tilespmem:s30+$0x1A4D0];
	v63 =	vmul.f32 v50, v15;
	v35 =	vmul.f32 v52, v16;
	v31 =	vadd.f32 v31, v60  }
0x47f: {  	v45 =	vld [tilespmem:s30+$0x1A550];
	v39 =	vmul.f32 v55, v13;
	v40 =	vmul.f32 v56, v19  }
0x480: {  	s12 =	simm.s32 $0x1F1F0;
	v36 =	vmul.f32 v58, v18;
	v37 =	vmul.f32 v59, v20;
	v31 =	vmax.f32 v31, $0.0e+00  }
0x481: {  	v32 =	vadd.f32 v35, v63;
	v47 =	vadd.f32 v40, v39;
	[tilespmem:s12+$0xFFFFFFC0] =	vst v31  }
0x482: {  	v48 =	vadd.f32 v37, v36;
	v31 =	vadd.f32 v62, v61;
	v46 =	vld [tilespmem:s0+$0x1A0A0]  }
0x483: {  	v50 =	vmul.f32 v44, v17;
	v49 =	vld [tilespmem:s0+$0x1A120]  }
0x484: {  	v52 =	vmul.f32 v45, v14;
	v53 =	vadd.f32 v48, v47;
	v51 =	vld [tilespmem:s0+$0x1A1A0];
	v31 =	vadd.f32 v32, v31  }
0x485: {  	v54 =	vld [tilespmem:s0+$0x1A220]  }
0x486: {  	v37 =	vadd.f32 v52, v50;
	v55 =	vld [tilespmem:s0+$0x1A2A0];
	v31 =	vadd.f32 v53, v31  }
0x487: {  	v56 =	vld [tilespmem:s0+$0x1A320]  }
0x488: {  	v57 =	vld [tilespmem:s0+$0x1A3A0];
	v31 =	vadd.f32 v37, v31  }
0x489: {  	v58 =	vld [tilespmem:s0+$0x1A420]  }
0x48a: {  	v59 =	vld [tilespmem:s0+$0x1A4A0];
	v31 =	vmax.f32 v31, $0.0e+00  }
0x48b: {  	v60 =	vld [tilespmem:s0+$0x1A520];
	v33 =	vmul.f32 v46, v23;
	v36 =	vmul.f32 v49, v25;
	[tilespmem:s1+$0x0] =	vst v31  }
0x48c: {  	v34 =	vmul.f32 v54, v30;
	v35 =	vmul.f32 v55, v29;
	v61 =	vld [tilespmem:s30+$0x1A0E0]  }
0x48d: {  	v32 =	vmul.f32 v56, v28;
	v39 =	vmul.f32 v57, v27;
	v62 =	vld [tilespmem:s30+$0x1A160]  }
0x48e: {  	v37 =	vmul.f32 v58, v24;
	v31 =	vmul.f32 v51, v26;
	v63 =	vld [tilespmem:s30+$0x1A1E0]  }
0x48f: {  	v33 =	vadd.f32 v36, v33;
	v32 =	vadd.f32 v32, v35;
	v45 =	vld [tilespmem:s30+$0x1A260]  }
0x490: {  	v46 =	vadd.f32 v37, v39;
	v47 =	vld [tilespmem:s30+$0x1A2E0];
	v31 =	vadd.f32 v34, v31  }
0x491: {  	v48 =	vmul.f32 v59, v21;
	v49 =	vld [tilespmem:s30+$0x1A360]  }
0x492: {  	v50 =	vmul.f32 v60, v22;
	v32 =	vadd.f32 v46, v32;
	v51 =	vld [tilespmem:s30+$0x1A3E0];
	v31 =	vadd.f32 v31, v33  }
0x493: {  	v52 =	vld [tilespmem:s30+$0x1A460]  }
0x494: {  	v37 =	vadd.f32 v50, v48;
	v31 =	vadd.f32 v32, v31  }
0x495: {  	v53 =	vmul.f32 v61, v11;
	v54 =	vmul.f32 v62, v12  }
0x496: {  	v56 =	vld [tilespmem:s30+$0x1A4E0];
	v55 =	vmul.f32 v63, v15;
	v34 =	vmul.f32 v45, v16;
	v31 =	vadd.f32 v37, v31  }
0x497: {  	v57 =	vld [tilespmem:s30+$0x1A560];
	v36 =	vmul.f32 v47, v13;
	v39 =	vmul.f32 v49, v19  }
0x498: {  	v33 =	vmul.f32 v51, v18;
	v35 =	vmul.f32 v52, v20;
	v31 =	vmax.f32 v31, $0.0e+00  }
0x499: {  	v38 =	vadd.f32 v54, v53;
	v34 =	vadd.f32 v34, v55;
	[tilespmem:s12+$0xFFFFFFD0] =	vst v31  }
0x49a: {  	v36 =	vadd.f32 v39, v36;
	v33 =	vadd.f32 v35, v33;
	v31 =	vld [tilespmem:s0+$0x1A4B0]  }
0x49b: {  	v58 =	vmul.f32 v56, v17;
	v32 =	vld [tilespmem:s0+$0x1A530]  }
0x49c: {  	v60 =	vmul.f32 v57, v14;
	v34 =	vadd.f32 v34, v38;
	v33 =	vadd.f32 v33, v36;
	v59 =	vld [tilespmem:s0+$0x1A0B0]  }
0x49d: {  	v61 =	vld [tilespmem:s0+$0x1A130]  }
0x49e: {  	v35 =	vadd.f32 v60, v58;
	v62 =	vld [tilespmem:s0+$0x1A1B0];
	v33 =	vadd.f32 v33, v34  }
0x49f: {  	v63 =	vld [tilespmem:s0+$0x1A230]  }
0x4a0: {  	v36 =	vld [tilespmem:s0+$0x1A2B0];
	v33 =	vadd.f32 v35, v33  }
0x4a1: {  	v38 =	vld [tilespmem:s0+$0x1A330]  }
0x4a2: {  	v37 =	vld [tilespmem:s0+$0x1A3B0];
	v33 =	vmax.f32 v33, $0.0e+00  }
0x4a3: {  	v39 =	vld [tilespmem:s0+$0x1A430];
	[tilespmem:s1+$0x10] =	vst v33  }
0x4a4: {  	v33 =	vld [tilespmem:s30+$0x1A0F0]  }
0x4a5: {  	v40 =	vmul.f32 v59, v23;
	v41 =	vmul.f32 v61, v25;
	v34 =	vld [tilespmem:s30+$0x1A170]  }
0x4a6: {  	s15 =	simm.s32 $0x2800;
	v42 =	vmul.f32 v62, v26;
	v43 =	vmul.f32 v63, v30;
	v35 =	vld [tilespmem:s30+$0x1A1F0]  }
.LBB2_8:
0x4a7: {  	p1 =	sne.s32 s15, $0x12C00;
	v36 =	vmul.f32 v36, v29;
	v38 =	vmul.f32 v38, v28;
	v44 =	vld [tilespmem:s30+$0x1A270]  }
0x4a8: {  	v37 =	vmul.f32 v37, v27;
	v39 =	vmul.f32 v39, v24;
	v45 =	vld [tilespmem:s30+$0x1A2F0]  }
0x4a9: {  	v40 =	vadd.f32 v41, v40;
	v41 =	vadd.f32 v43, v42;
	v42 =	vld [tilespmem:s30+$0x1A370]  }
0x4aa: {  	v36 =	vadd.f32 v38, v36;
	v37 =	vadd.f32 v39, v37;
	v38 =	vld [tilespmem:s30+$0x1A3F0]  }
0x4ab: {  	s16 =	sshra.s32 s15, $0x2;
	v43 =	vmul.f32 v32, v22;
	v39 =	vmul.f32 v31, v21;
	v46 =	vld [tilespmem:s30+$0x1A470]  }
0x4ac: {  	v40 =	vadd.f32 v41, v40;
	v31 =	vld [tilespmem:s16+$0x1A490];
	v36 =	vadd.f32 v37, v36  }
0x4ad: {  	v41 =	vmul.f32 v34, v12;
	v37 =	vadd.f32 v43, v39;
	v39 =	vmul.f32 v33, v11;
	v32 =	vld [tilespmem:s16+$0x1A510]  }
0x4ae: {  	v35 =	vmul.f32 v35, v15;
	v34 =	vadd.f32 v36, v40;
	v36 =	vmul.f32 v44, v16;
	v40 =	vld [tilespmem:s30+$0x1A4F0]  }
0x4af: {  	v43 =	vmul.f32 v45, v13;
	v42 =	vmul.f32 v42, v19;
	v44 =	vld [tilespmem:s30+$0x1A570]  }
0x4b0: {  	v38 =	vmul.f32 v38, v18;
	v33 =	vld [tilespmem:s16+$0x1A090];
	v37 =	vadd.f32 v37, v34;
	v45 =	vmul.f32 v46, v20  }
0x4b1: {  	v39 =	vadd.f32 v41, v39;
	v41 =	vadd.f32 v36, v35;
	v34 =	vld [tilespmem:s16+$0x1A110]  }
0x4b2: {  	v42 =	vadd.f32 v42, v43;
	v35 =	vld [tilespmem:s16+$0x1A190];
	v38 =	vadd.f32 v45, v38  }
0x4b3: {  	v43 =	vmax.f32 v37, $0.0e+00;
	v36 =	vld [tilespmem:s16+$0x1A210];
	v40 =	vmul.f32 v40, v17  }
0x4b4: {  	v39 =	vadd.f32 v41, v39;
	v37 =	vld [tilespmem:s16+$0x1A290];
	[tilespmem:s12+$0xFFFFFFE0] =	vst v43;
	v43 =	vmul.f32 v44, v14;
	v38 =	vadd.f32 v38, v42  }
0x4b5: {  	v41 =	vld [tilespmem:s0+$0x1A0C0]  }
0x4b6: {  	v42 =	vld [tilespmem:s0+$0x1A140];
	v40 =	vadd.f32 v43, v40;
	v38 =	vadd.f32 v38, v39  }
0x4b7: {  	v39 =	vld [tilespmem:s0+$0x1A1C0]  }
0x4b8: {  	v43 =	vld [tilespmem:s0+$0x1A240];
	v38 =	vadd.f32 v40, v38  }
0x4b9: {  	v40 =	vld [tilespmem:s0+$0x1A2C0]  }
0x4ba: {  	v44 =	vld [tilespmem:s0+$0x1A340];
	v38 =	vmax.f32 v38, $0.0e+00  }
0x4bb: {  	v45 =	vld [tilespmem:s0+$0x1A3C0];
	[tilespmem:s1+$0x20] =	vst v38  }
0x4bc: {  	v38 =	vld [tilespmem:s30+$0x1A100]  }
0x4bd: {  	v46 =	vld [tilespmem:s30+$0x1A180]  }
0x4be: {  	s14 =	sadd.s32 $0x1, s14;
	v47 =	vld [tilespmem:s30+$0x1A200]  }
0x4bf: {  	v48 =	vmov s14;
	v49 =	vld [tilespmem:s30+$0x1A280]  }
0x4c0: {  	v50 =	vand.u32 $0xF, v48;
	v51 =	vld [tilespmem:s30+$0x1A300]  }
0x4c1: {  	v52 =	vor.u32 $0x10, v50;
	v53 =	vor.u32 $0x20, v50;
	v41 =	vmul.f32 v41, v23;
	v54 =	vld [tilespmem:s30+$0x1A380]  }
0x4c2: {  	v55 =	vor.u32 $0x30, v50;
	v42 =	vmul.f32 v42, v25;
	v39 =	vmul.f32 v39, v26;
	v56 =	vld [tilespmem:s30+$0x1A400]  }
0x4c3: {  	v57 =	vor.u32 $0x40, v50;
	v43 =	vmul.f32 v43, v30;
	v40 =	vmul.f32 v40, v29;
	v58 =	vld [tilespmem:s30+$0x1A480]  }
0x4c4: {  	v59 =	vor.u32 $0x50, v50;
	v44 =	vmul.f32 v44, v28;
	v45 =	vmul.f32 v45, v27;
	v60 =	vld [tilespmem:s0+$0x1A440]  }
0x4c5: {  	v61 =	vor.u32 $0x60, v50;
	v38 =	vmul.f32 v38, v11;
	v11 =	vmovc v23;
	v46 =	vmul.f32 v46, v12;
	v12 =	vmovc v25;
	v62 =	vld [tilespmem:s0+$0x1A4C0]  }
0x4c6: {  	v63 =	vor.u32 $0x70, v50;
	v23 =	vmul.f32 v47, v15;
	v15 =	vmovc v26;
	v25 =	vmul.f32 v49, v16;
	v16 =	vmovc v30;
	v47 =	vld [tilespmem:s30+$0x1A500]  }
0x4c7: {  	v30 =	vadd.f32 v42, v41;
	v26 =	vmul.f32 v51, v13;
	v13 =	vmovc v29;
	v41 =	vmul.f32 v54, v19;
	v42 =	vld [tilespmem:s30+$0x1A580];
	s30 =	smov.u32 s0;
	s0 =	smov.u32 s16  }
0x4c8: {  	v39 =	vadd.f32 v43, v39;
	v19 =	vmovc v28;
	v43 =	vmul.f32 v56, v18;
	v29 =	vld [tilespmem:s30+$0x1A540];
	v54 =	vmul.f32 v58, v20  }
0x4c9: {  	v38 =	vadd.f32 v46, v38;
	v46 =	vadd.f32 v25, v23;
	v18 =	vmovc v27;
	v49 =	vld [tilespmem:s0+$0x1A310];
	v28 =	vmul.f32 v60, v24  }
0x4ca: {  	v26 =	vadd.f32 v41, v26;
	v20 =	vmovc v24;
	v51 =	vld [tilespmem:s0+$0x1A390];
	v27 =	vmul.f32 v62, v21;
	v41 =	vadd.f32 v54, v43  }
0x4cb: {  	v24 =	vadd.f32 v44, v40;
	v23 =	vld.idx.msk [tilespmem:v48+s21+$0x0], $0xffff;
	v28 =	vadd.f32 v28, v45;
	v43 =	vmul.f32 v47, v17  }
0x4cc: {  	v38 =	vadd.f32 v46, v38;
	v25 =	vld.idx.msk [tilespmem:v52+s21+$0x0], $0xffff;
	v44 =	vmul.f32 v42, v14;
	v40 =	vadd.f32 v41, v26  }
0x4cd: {  	v39 =	vadd.f32 v39, v30;
	v26 =	vld.idx.msk [tilespmem:v53+s21+$0x0], $0xffff;
	v41 =	vmul.f32 v29, v22;
	v24 =	vadd.f32 v28, v24  }
0x4ce: {  	v17 =	vmovc v21;
	v14 =	vmov v22;
	v30 =	vld.idx.msk [tilespmem:v55+s21+$0x0], $0xffff;
	v42 =	vadd.f32 v44, v43;
	v38 =	vadd.f32 v40, v38  }
0x4cf: {  	v21 =	vor.u32 $0x80, v50;
	v29 =	vld.idx.msk [tilespmem:v57+s21+$0x0], $0xffff;
	v22 =	vadd.f32 v41, v27  }
0x4d0: {  	v40 =	vor.u32 $0x90, v50;
	v39 =	vadd.f32 v24, v39;
	v28 =	vld.idx.msk [tilespmem:v59+s21+$0x0], $0xffff;
	v38 =	vadd.f32 v42, v38  }
0x4d1: {  	v27 =	vld.idx.msk [tilespmem:v61+s21+$0x0], $0xffff  }
0x4d2: {  	v22 =	vadd.f32 v22, v39;
	v24 =	vld.idx.msk [tilespmem:v63+s21+$0x0], $0xffff;
	v38 =	vmax.f32 v38, $0.0e+00  }
0x4d3: {  	v39 =	vld [tilespmem:s0+$0x1A410];
	[tilespmem:s1+$0x30] =	vst v38;
	s1 =	smov.u32 s12  }
0x4d4: {  	v38 =	vmax.f32 v22, $0.0e+00;
	v21 =	vld.idx.msk [tilespmem:v21+s21+$0x0], $0xffff  }
0x4d5: {  	v33 =	vmul.f32 v33, v23;
	v34 =	vmul.f32 v34, v25;
	v22 =	vld.idx.msk [tilespmem:v40+s21+$0x0], $0xffff;
	[tilespmem:s12+$0xFFFFFFF0] =	vst v38  }
0x4d6: {  	v35 =	vmul.f32 v35, v26;
	v36 =	vmul.f32 v36, v30;
	v38 =	vld [tilespmem:s30+$0x1A0D0]  }
0x4d7: {  	v37 =	vmul.f32 v37, v29;
	v40 =	vmul.f32 v49, v28;
	v41 =	vld [tilespmem:s30+$0x1A150]  }
0x4d8: {  	v42 =	vmul.f32 v51, v27;
	v39 =	vmul.f32 v39, v24;
	v43 =	vld [tilespmem:s30+$0x1A1D0]  }
0x4d9: {  	v33 =	vadd.f32 v34, v33;
	v34 =	vadd.f32 v36, v35;
	v35 =	vld [tilespmem:s30+$0x1A250]  }
0x4da: {  	v36 =	vadd.f32 v40, v37;
	v37 =	vadd.f32 v39, v42;
	v39 =	vld [tilespmem:s30+$0x1A2D0]  }
0x4db: {  	v31 =	vmul.f32 v31, v21;
	v40 =	vld [tilespmem:s30+$0x1A350]  }
0x4dc: {  	v33 =	vadd.f32 v34, v33;
	v32 =	vmul.f32 v32, v22;
	v34 =	vadd.f32 v37, v36;
	v36 =	vld [tilespmem:s30+$0x1A3D0]  }
0x4dd: {  	v37 =	vld [tilespmem:s30+$0x1A450]  }
0x4de: {  	v31 =	vadd.f32 v32, v31;
	v32 =	vadd.f32 v34, v33  }
0x4df: {  	v33 =	vmul.f32 v38, v11;
	v34 =	vmul.f32 v41, v12  }
0x4e0: {  	v35 =	vmul.f32 v35, v16;
	v31 =	vadd.f32 v31, v32;
	v32 =	vmul.f32 v43, v15;
	v38 =	vld [tilespmem:s30+$0x1A4D0]  }
0x4e1: {  	v39 =	vmul.f32 v39, v13;
	v40 =	vmul.f32 v40, v19;
	v41 =	vld [tilespmem:s30+$0x1A550]  }
0x4e2: {  	s12 =	sadd.s32 $0x80, s12;
	v36 =	vmul.f32 v36, v18;
	v31 =	vmax.f32 v31, $0.0e+00;
	v37 =	vmul.f32 v37, v20  }
0x4e3: {  	v32 =	vadd.f32 v35, v32;
	[tilespmem:s12+$0xFFFFFFC0] =	vst v31;
	v31 =	vadd.f32 v34, v33  }
0x4e4: {  	v34 =	vadd.f32 v40, v39;
	v33 =	vld [tilespmem:s0+$0x1A0A0];
	v35 =	vadd.f32 v37, v36  }
0x4e5: {  	v36 =	vld [tilespmem:s0+$0x1A120];
	v37 =	vmul.f32 v38, v17  }
0x4e6: {  	v31 =	vadd.f32 v32, v31;
	v38 =	vld [tilespmem:s0+$0x1A1A0];
	v39 =	vmul.f32 v41, v14;
	v32 =	vadd.f32 v35, v34  }
0x4e7: {  	v34 =	vld [tilespmem:s0+$0x1A220]  }
0x4e8: {  	v35 =	vld [tilespmem:s0+$0x1A2A0];
	v37 =	vadd.f32 v39, v37;
	v31 =	vadd.f32 v32, v31  }
0x4e9: {  	v32 =	vld [tilespmem:s0+$0x1A320]  }
0x4ea: {  	v39 =	vld [tilespmem:s0+$0x1A3A0];
	v31 =	vadd.f32 v37, v31  }
0x4eb: {  	v37 =	vld [tilespmem:s0+$0x1A420]  }
0x4ec: {  	v40 =	vld [tilespmem:s0+$0x1A4A0];
	v31 =	vmax.f32 v31, $0.0e+00  }
0x4ed: {  	v33 =	vmul.f32 v33, v23;
	v36 =	vmul.f32 v36, v25;
	v41 =	vld [tilespmem:s0+$0x1A520];
	[tilespmem:s1+$0x0] =	vst v31  }
0x4ee: {  	v34 =	vmul.f32 v34, v30;
	v31 =	vmul.f32 v38, v26;
	v38 =	vld [tilespmem:s30+$0x1A0E0]  }
0x4ef: {  	v35 =	vmul.f32 v35, v29;
	v32 =	vmul.f32 v32, v28;
	v42 =	vld [tilespmem:s30+$0x1A160]  }
0x4f0: {  	v39 =	vmul.f32 v39, v27;
	v37 =	vmul.f32 v37, v24;
	v43 =	vld [tilespmem:s30+$0x1A1E0]  }
0x4f1: {  	v33 =	vadd.f32 v36, v33;
	v31 =	vadd.f32 v34, v31;
	v34 =	vld [tilespmem:s30+$0x1A260]  }
0x4f2: {  	v32 =	vadd.f32 v32, v35;
	v35 =	vadd.f32 v37, v39;
	v36 =	vld [tilespmem:s30+$0x1A2E0]  }
0x4f3: {  	v37 =	vmul.f32 v40, v21;
	v39 =	vld [tilespmem:s30+$0x1A360]  }
0x4f4: {  	v31 =	vadd.f32 v31, v33;
	v40 =	vmul.f32 v41, v22;
	v32 =	vadd.f32 v35, v32;
	v33 =	vld [tilespmem:s30+$0x1A3E0]  }
0x4f5: {  	v35 =	vld [tilespmem:s30+$0x1A460]  }
0x4f6: {  	v37 =	vadd.f32 v40, v37;
	v31 =	vadd.f32 v32, v31  }
0x4f7: {  	v32 =	vmul.f32 v38, v11;
	v38 =	vmul.f32 v42, v12  }
0x4f8: {  	v34 =	vmul.f32 v34, v16;
	v31 =	vadd.f32 v37, v31;
	v37 =	vmul.f32 v43, v15;
	v40 =	vld [tilespmem:s30+$0x1A4E0]  }
0x4f9: {  	v36 =	vmul.f32 v36, v13;
	v39 =	vmul.f32 v39, v19;
	v41 =	vld [tilespmem:s30+$0x1A560]  }
0x4fa: {  	v33 =	vmul.f32 v33, v18;
	v31 =	vmax.f32 v31, $0.0e+00;
	v35 =	vmul.f32 v35, v20  }
0x4fb: {  	v38 =	vadd.f32 v38, v32;
	v34 =	vadd.f32 v34, v37;
	[tilespmem:s12+$0xFFFFFFD0] =	vst v31  }
0x4fc: {  	v36 =	vadd.f32 v39, v36;
	v31 =	vld [tilespmem:s0+$0x1A4B0];
	v33 =	vadd.f32 v35, v33  }
0x4fd: {  	v32 =	vld [tilespmem:s0+$0x1A530];
	v35 =	vmul.f32 v40, v17  }
0x4fe: {  	v34 =	vadd.f32 v34, v38;
	v40 =	vld [tilespmem:s0+$0x1A0B0];
	v37 =	vmul.f32 v41, v14;
	v33 =	vadd.f32 v33, v36  }
0x4ff: {  	v41 =	vld [tilespmem:s0+$0x1A130]  }
0x500: {  	v42 =	vld [tilespmem:s0+$0x1A1B0];
	v35 =	vadd.f32 v37, v35;
	v33 =	vadd.f32 v33, v34  }
0x501: {  	v43 =	vld [tilespmem:s0+$0x1A230]  }
0x502: {  	v36 =	vld [tilespmem:s0+$0x1A2B0];
	v33 =	vadd.f32 v35, v33  }
0x503: {  	v38 =	vld [tilespmem:s0+$0x1A330]  }
.Ltmp5:
0x504: {  	v37 =	vld [tilespmem:s0+$0x1A3B0];
	v33 =	vmax.f32 v33, $0.0e+00;
	(pc) =	sbr.rel @p1 .LBB2_8-.Ltmp5, $4  }
0x505: {  	v39 =	vld [tilespmem:s0+$0x1A430];
	[tilespmem:s1+$0x10] =	vst v33  }
0x506: {  	v33 =	vld [tilespmem:s30+$0x1A0F0]  }
0x507: {  	v40 =	vmul.f32 v40, v23;
	v41 =	vmul.f32 v41, v25;
	v34 =	vld [tilespmem:s30+$0x1A170]  }
0x508: {  	s15 =	sadd.s32 $0x1400, s15;
	v42 =	vmul.f32 v42, v26;
	v43 =	vmul.f32 v43, v30;
	v35 =	vld [tilespmem:s30+$0x1A1F0]  }
0x509: {  	v36 =	vmul.f32 v36, v29;
	v38 =	vmul.f32 v38, v28  }
0x50a: {  	v37 =	vmul.f32 v37, v27;
	v39 =	vmul.f32 v39, v24  }
0x50b: {  	v40 =	vadd.f32 v41, v40;
	v44 =	vadd.f32 v43, v42  }
0x50c: {  	v36 =	vadd.f32 v38, v36;
	v37 =	vadd.f32 v39, v37  }
0x50d: {  	v31 =	vmul.f32 v31, v21  }
0x50e: {  	v32 =	vmul.f32 v32, v22;
	v45 =	vadd.f32 v44, v40;
	v36 =	vadd.f32 v37, v36;
	_ =	sdelay $0x1  }
0x50f: {  	v31 =	vadd.f32 v32, v31;
	v46 =	vadd.f32 v36, v45;
	_ =	sdelay $0x1  }
0x510: {  	v31 =	vadd.f32 v31, v46;
	_ =	sdelay $0x1  }
0x511: {  	v31 =	vmax.f32 v31, $0.0e+00  }
0x512: {  	[tilespmem:s12+$0xFFFFFFE0] =	vst v31  }
0x513: {  	v31 =	vld [tilespmem:s0+$0x1A0C0]  }
0x514: {  	v47 =	vld [tilespmem:s0+$0x1A140]  }
0x515: {  	v48 =	vld [tilespmem:s0+$0x1A1C0]  }
0x516: {  	v49 =	vld [tilespmem:s0+$0x1A240]  }
0x517: {  	v50 =	vld [tilespmem:s0+$0x1A2C0]  }
0x518: {  	v51 =	vld [tilespmem:s0+$0x1A340]  }
0x519: {  	v52 =	vld [tilespmem:s0+$0x1A3C0]  }
0x51a: {  	v53 =	vld [tilespmem:s0+$0x1A440];
	_ =	sdelay $0x1  }
0x51b: {  	v31 =	vmul.f32 v31, v23;
	v32 =	vmul.f32 v47, v25  }
0x51c: {  	v54 =	vld [tilespmem:s0+$0x1A4C0];
	v36 =	vmul.f32 v48, v26;
	v37 =	vmul.f32 v49, v30  }
0x51d: {  	v55 =	vld [tilespmem:s0+$0x1A540];
	v38 =	vmul.f32 v50, v29;
	v39 =	vmul.f32 v51, v28  }
0x51e: {  	v40 =	vmul.f32 v52, v27;
	v41 =	vmul.f32 v53, v24  }
0x51f: {  	v31 =	vadd.f32 v32, v31;
	v56 =	vadd.f32 v37, v36  }
0x520: {  	v57 =	vadd.f32 v39, v38;
	v58 =	vadd.f32 v41, v40  }
0x521: {  	v59 =	vmul.f32 v54, v21  }
0x522: {  	v60 =	vmul.f32 v55, v22;
	v31 =	vadd.f32 v56, v31;
	v61 =	vadd.f32 v58, v57;
	_ =	sdelay $0x1  }
0x523: {  	v62 =	vadd.f32 v60, v59;
	v31 =	vadd.f32 v61, v31;
	_ =	sdelay $0x1  }
0x524: {  	v31 =	vadd.f32 v62, v31;
	_ =	sdelay $0x1  }
0x525: {  	v31 =	vmax.f32 v31, $0.0e+00  }
0x526: {  	[tilespmem:s12+$0xFFFFFFF0] =	vst v31  }
0x527: {  	v31 =	vld [tilespmem:s0+$0x1A0D0]  }
0x528: {  	v63 =	vld [tilespmem:s0+$0x1A150]  }
0x529: {  	v44 =	vld [tilespmem:s0+$0x1A1D0]  }
0x52a: {  	v45 =	vld [tilespmem:s0+$0x1A250]  }
0x52b: {  	v46 =	vld [tilespmem:s0+$0x1A2D0]  }
0x52c: {  	v47 =	vld [tilespmem:s0+$0x1A350]  }
0x52d: {  	v48 =	vld [tilespmem:s0+$0x1A3D0]  }
0x52e: {  	v49 =	vld [tilespmem:s0+$0x1A450];
	_ =	sdelay $0x1  }
0x52f: {  	v31 =	vmul.f32 v31, v23;
	v32 =	vmul.f32 v63, v25  }
0x530: {  	v50 =	vld [tilespmem:s0+$0x1A4D0];
	v36 =	vmul.f32 v44, v26;
	v37 =	vmul.f32 v45, v30  }
0x531: {  	v51 =	vld [tilespmem:s0+$0x1A550];
	v38 =	vmul.f32 v46, v29;
	v39 =	vmul.f32 v47, v28  }
0x532: {  	v40 =	vmul.f32 v48, v27;
	v41 =	vmul.f32 v49, v24  }
0x533: {  	v31 =	vadd.f32 v32, v31;
	v52 =	vadd.f32 v37, v36  }
0x534: {  	v53 =	vadd.f32 v39, v38;
	v54 =	vadd.f32 v41, v40  }
0x535: {  	v55 =	vmul.f32 v50, v21  }
0x536: {  	v56 =	vmul.f32 v51, v22;
	v31 =	vadd.f32 v52, v31;
	v57 =	vadd.f32 v54, v53;
	_ =	sdelay $0x1  }
0x537: {  	v58 =	vadd.f32 v56, v55;
	v31 =	vadd.f32 v57, v31;
	_ =	sdelay $0x1  }
0x538: {  	v31 =	vadd.f32 v58, v31;
	_ =	sdelay $0x1  }
0x539: {  	v31 =	vmax.f32 v31, $0.0e+00  }
0x53a: {  	[tilespmem:s12+$0x0] =	vst v31  }
0x53b: {  	v31 =	vld [tilespmem:s0+$0x1A0E0]  }
0x53c: {  	v59 =	vld [tilespmem:s0+$0x1A160]  }
0x53d: {  	v60 =	vld [tilespmem:s0+$0x1A1E0]  }
0x53e: {  	v61 =	vld [tilespmem:s0+$0x1A260]  }
0x53f: {  	v62 =	vld [tilespmem:s0+$0x1A2E0]  }
0x540: {  	v63 =	vld [tilespmem:s0+$0x1A360]  }
0x541: {  	v45 =	vld [tilespmem:s0+$0x1A3E0]  }
0x542: {  	v46 =	vld [tilespmem:s0+$0x1A460];
	_ =	sdelay $0x1  }
0x543: {  	v31 =	vmul.f32 v31, v23;
	v32 =	vmul.f32 v59, v25  }
0x544: {  	v47 =	vld [tilespmem:s0+$0x1A4E0];
	v36 =	vmul.f32 v60, v26;
	v37 =	vmul.f32 v61, v30  }
0x545: {  	v48 =	vld [tilespmem:s0+$0x1A560];
	v38 =	vmul.f32 v62, v29;
	v39 =	vmul.f32 v63, v28  }
0x546: {  	v40 =	vmul.f32 v45, v27;
	v41 =	vmul.f32 v46, v24  }
0x547: {  	v31 =	vadd.f32 v32, v31;
	v49 =	vadd.f32 v37, v36  }
0x548: {  	v50 =	vadd.f32 v39, v38;
	v51 =	vadd.f32 v41, v40  }
0x549: {  	v52 =	vmul.f32 v47, v21  }
0x54a: {  	v53 =	vmul.f32 v48, v22;
	v31 =	vadd.f32 v49, v31;
	v54 =	vadd.f32 v51, v50  }
0x54b: {  	v55 =	vld [tilespmem:s30+$0x1A270]  }
0x54c: {  	v56 =	vld [tilespmem:s30+$0x1A2F0];
	v38 =	vadd.f32 v53, v52;
	v31 =	vadd.f32 v54, v31  }
0x54d: {  	v57 =	vld [tilespmem:s30+$0x1A370]  }
0x54e: {  	v58 =	vld [tilespmem:s30+$0x1A3F0];
	v31 =	vadd.f32 v38, v31  }
0x54f: {  	v59 =	vld [tilespmem:s30+$0x1A470]  }
0x550: {  	v60 =	vld [tilespmem:s30+$0x1A4F0];
	v31 =	vmax.f32 v31, $0.0e+00  }
0x551: {  	v61 =	vld [tilespmem:s30+$0x1A570];
	[tilespmem:s12+$0x10] =	vst v31  }
0x552: {  	v31 =	vld [tilespmem:s0+$0x1A0F0]  }
0x553: {  	v33 =	vmul.f32 v33, v11;
	v34 =	vmul.f32 v34, v12;
	v62 =	vld [tilespmem:s0+$0x1A170]  }
0x554: {  	v35 =	vmul.f32 v35, v15;
	v36 =	vmul.f32 v55, v16;
	v63 =	vld [tilespmem:s0+$0x1A1F0]  }
0x555: {  	v37 =	vmul.f32 v56, v13;
	v32 =	vmul.f32 v57, v19;
	v44 =	vld [tilespmem:s0+$0x1A270]  }
0x556: {  	v39 =	vmul.f32 v58, v18;
	v38 =	vmul.f32 v59, v20;
	v45 =	vld [tilespmem:s0+$0x1A2F0]  }
0x557: {  	v33 =	vadd.f32 v34, v33;
	v46 =	vadd.f32 v36, v35;
	v47 =	vld [tilespmem:s0+$0x1A370]  }
0x558: {  	v32 =	vadd.f32 v32, v37;
	v48 =	vadd.f32 v38, v39;
	v49 =	vld [tilespmem:s0+$0x1A3F0]  }
0x559: {  	v50 =	vmul.f32 v60, v17;
	v51 =	vmul.f32 v61, v14;
	v52 =	vld [tilespmem:s0+$0x1A470]  }
0x55a: {  	v33 =	vadd.f32 v46, v33;
	v32 =	vadd.f32 v48, v32  }
0x55b: {  	v53 =	vadd.f32 v51, v50;
	v31 =	vmul.f32 v31, v23;
	v54 =	vmul.f32 v62, v25  }
0x55c: {  	v57 =	vld [tilespmem:s0+$0x1A4F0];
	v32 =	vadd.f32 v32, v33;
	v55 =	vmul.f32 v63, v26;
	v56 =	vmul.f32 v44, v30  }
0x55d: {  	v59 =	vld [tilespmem:s0+$0x1A570];
	v58 =	vmul.f32 v45, v29;
	v35 =	vmul.f32 v47, v28  }
0x55e: {  	v32 =	vadd.f32 v53, v32;
	v60 =	vmul.f32 v49, v27;
	v61 =	vmul.f32 v52, v24  }
0x55f: {  	v31 =	vadd.f32 v54, v31;
	v33 =	vadd.f32 v56, v55  }
0x560: {  	v32 =	vmax.f32 v32, $0.0e+00;
	v35 =	vadd.f32 v35, v58;
	v34 =	vadd.f32 v61, v60  }
0x561: {  	v62 =	vmul.f32 v57, v21;
	[tilespmem:s1+$0x20] =	vst v32  }
0x562: {  	v43 =	vmul.f32 v59, v22;
	v63 =	vld [tilespmem:s30+$0x1A100];
	v31 =	vadd.f32 v33, v31;
	v44 =	vadd.f32 v34, v35  }
0x563: {  	v45 =	vld [tilespmem:s30+$0x1A180]  }
0x564: {  	v32 =	vadd.f32 v43, v62;
	v46 =	vld [tilespmem:s30+$0x1A200];
	v31 =	vadd.f32 v44, v31  }
0x565: {  	v47 =	vld [tilespmem:s30+$0x1A280]  }
0x566: {  	v48 =	vld [tilespmem:s30+$0x1A300];
	v31 =	vadd.f32 v32, v31  }
0x567: {  	v49 =	vld [tilespmem:s30+$0x1A380]  }
0x568: {  	v50 =	vld [tilespmem:s30+$0x1A400];
	v31 =	vmax.f32 v31, $0.0e+00  }
0x569: {  	v51 =	vld [tilespmem:s30+$0x1A480];
	[tilespmem:s12+$0x20] =	vst v31  }
0x56a: {  	v31 =	vld [tilespmem:s0+$0x1A100]  }
0x56b: {  	v52 =	vld [tilespmem:s0+$0x1A180]  }
0x56c: {  	v53 =	vld [tilespmem:s0+$0x1A200]  }
0x56d: {  	v54 =	vld [tilespmem:s0+$0x1A280]  }
0x56e: {  	v55 =	vld [tilespmem:s0+$0x1A300]  }
0x56f: {  	v11 =	vmul.f32 v63, v11;
	v56 =	vmul.f32 v45, v12;
	v57 =	vld [tilespmem:s0+$0x1A380]  }
0x570: {  	v58 =	vmul.f32 v46, v15;
	v59 =	vmul.f32 v47, v16;
	v60 =	vld [tilespmem:s0+$0x1A400]  }
0x571: {  	v61 =	vmul.f32 v48, v13;
	v62 =	vmul.f32 v49, v19;
	v63 =	vld [tilespmem:s0+$0x1A480]  }
0x572: {  	v44 =	vld [tilespmem:s30+$0x1A500];
	v45 =	vmul.f32 v50, v18;
	v46 =	vmul.f32 v51, v20;
	v11 =	vadd.f32 v56, v11  }
0x573: {  	v47 =	vld [tilespmem:s30+$0x1A580];
	v15 =	vadd.f32 v59, v58;
	v48 =	vmul.f32 v31, v23;
	v49 =	vmul.f32 v52, v25  }
0x574: {  	v13 =	vadd.f32 v62, v61;
	v50 =	vmul.f32 v53, v26;
	v51 =	vmul.f32 v54, v30;
	v52 =	vld [tilespmem:s0+$0x1A500]  }
0x575: {  	v18 =	vadd.f32 v46, v45;
	v53 =	vmul.f32 v55, v29;
	v54 =	vmul.f32 v57, v28;
	v55 =	vld [tilespmem:s0+$0x1A580]  }
0x576: {  	v11 =	vadd.f32 v15, v11;
	v56 =	vmul.f32 v60, v27;
	v57 =	vmul.f32 v63, v24  }
0x577: {  	v12 =	vadd.f32 v49, v48;
	v16 =	vadd.f32 v51, v50  }
0x578: {  	v58 =	vmul.f32 v44, v17;
	v19 =	vadd.f32 v54, v53;
	v20 =	vadd.f32 v57, v56  }
0x579: {  	v13 =	vadd.f32 v18, v13;
	v59 =	vmul.f32 v47, v14;
	v12 =	vadd.f32 v16, v12  }
0x57a: {  	v62 =	vadd.f32 v20, v19;
	v60 =	vmul.f32 v52, v21;
	v61 =	vmul.f32 v55, v22  }
0x57b: {  	v11 =	vadd.f32 v13, v11;
	v14 =	vadd.f32 v59, v58  }
0x57c: {  	v12 =	vadd.f32 v62, v12;
	v63 =	vadd.f32 v61, v60  }
0x57d: {  	v11 =	vadd.f32 v14, v11  }
.Ltmp6:
0x57e: {  	s0 =	sadd.s32 s5, s29;
	v12 =	vadd.f32 v63, v12;
	(pc) =	sbr.rel .LBB2_2-.Ltmp6, $4  }
0x57f: {  	p1 =	sgt.u32 s0, $0xC34;
	v11 =	vmax.f32 v11, $0.0e+00  }
0x580: {  	s28 =	sadd.s32 $0x1, s28;
	s0 =	sshll.u32 @!p1 s0, $0x8;
	[tilespmem:s1+$0x30] =	vst v11;
	v11 =	vmax.f32 v12, $0.0e+00  }
0x581: {  	s0 =	sadd.s32 @!p1 s3, s0;
	s1 =	simm.s32 @!p1 $0x0;
	[tilespmem:s12+$0x30] =	vst v11;
	s12 =	simm.s32 @!p1 $0x1F130  }
0x582: {  	[hbm4b:s0+s1] =	stream.linear.scatter @!p1 [tilespmem:s12], [sflag:$0x4], $0x800, $0x38;
	[tilespmem:$0x1F940] =	vst v63  }
.LBB2_11:
0x583: {  	_ =	sfence.sel $0x180000  }
0x584: {  	[bflag:$0x0] =	sbarrier.arrive $0xFFFF  }
0x585: {  	_ =	strace $0x90000047  }
0x586: {  	s0 =	stileid.u32;
	[bflag:$0x2] =	sbarrier.arrive $0xFFFF  }
0x587: {  	p0 =	sne.s32 s0, $0x0;
	s0 =	rddreg [dreg:$0x3]  }
0x588: {  	s0 =	sadd.s32 @!p0 $0x100000, s0  }
0x589: {  	[sflag:s0] =	ssyncadd.tile.s32 @!p0 $0x1;
	_ =	shalt  }
.Lfunc_end2:
_tile_overlayer_lowered:
.L_overlay_start_2:
0x58a: {  	(tag) =	ssettag $0x2  }
0x58b: {  	s0 =	rddreg [dreg:$0x0];
	s2 =	stileid.u32  }
0x58c: {  	s1 =	rddreg [dreg:$0x1];
	p0 =	sne.s32 s2, $0x0  }
0x58d: {  	s3 =	rddreg [dreg:$0x2];
	[bflag:$0x3] =	sbarrier.arrive $0xFFFF;
	s2 =	simm.s32 @!p0 $0x1C05  }
0x58e: {  	[timem:s3], [sflag:s2] =	dma.local @!p0 [hbm:s0], s1  }
0x58f: {  	s0 =	simm.s32 @!p0 $0x5  }
0x590: {  	_ =	swait.ge @!p0 [sflag:s0], s1  }
0x591: {  	s1 =	ssub.s32 @!p0 $0x0, s1;
	[sflag:s0] =	ssyncset.done @!p0 $0x0  }
0x592: {  	[sflag:s0] =	ssyncadd.s32 @!p0 s1  }
0x593: {  	[bflag:$0x3] =	sbarrier.arrive $0xFFFF  }
0x594: {  	_ =	shalt  }

</sc_bundles>
